<compile_context>
chip_gen: v7x
topology: tpu7x:2x2x1
jax: 0.10.2.dev20260603
libtpu: 0.0.44.dev20260713+nightly
codegen_flags: <defaults>
</compile_context>

<pallas_src>
import functools

import jax
import jax.numpy as jnp
from jax import lax
from jax.experimental import pallas as pl
from jax.experimental.pallas import tpu as pltpu
from jax.experimental.pallas import tpu_sc as plsc

N = 100000
E = 3200000
NG = 512

NC, NS = 2, 16
NW = NC * NS
CHUNK = 128
CPW = 784
EPAD = NW * CPW * CHUNK
RBD = 16
RBE = 4
CPW0 = 784
CPW1 = 784
NPAD = 100352
SL = NPAD // NS
BR = 3584
NBR = NPAD // BR

_mesh = plsc.VectorSubcoreMesh(
    core_axis_name="c", subcore_axis_name="s", num_cores=NC, num_subcores=NS)
_sc_params = pltpu.CompilerParams(use_tc_tiling_on_sc=False)


def _deg_body(dst_hbm, ones_hbm, zeros_hbm, out_hbm, idx_v, ones_v, acc, *, rb):
  cid = lax.axis_index("c")
  sid = lax.axis_index("s")
  wid = cid * NS + sid
  tlo = sid * SL
  pltpu.sync_copy(ones_hbm, ones_v)
  pltpu.sync_copy(zeros_hbm.at[pl.ds(tlo, SL)], acc.at[pl.ds(tlo, SL)])
  plsc.subcore_barrier()

  base = wid * CPW

  def blk(b, carry):
    r0 = base + b * rb
    pltpu.sync_copy(dst_hbm.at[pl.ds(r0, rb)], idx_v)
    for j in range(rb):
      pltpu.sync_copy(ones_v, acc.at[idx_v.at[j]], add=True)
    return carry

  lax.fori_loop(0, CPW // rb, blk, 0)
  plsc.subcore_barrier()
  pltpu.sync_copy(acc.at[pl.ds(tlo, SL)], out_hbm.at[cid, pl.ds(tlo, SL)])


_deg_call = pl.kernel(
    functools.partial(_deg_body, rb=RBD),
    out_type=jax.ShapeDtypeStruct((NC, NPAD, 8), jnp.float32),
    mesh=_mesh,
    compiler_params=_sc_params,
    scratch_types=[
        pltpu.VMEM((RBD, CHUNK), jnp.int32),
        pltpu.VMEM((CHUNK, 8), jnp.float32),
        pltpu.VMEM_SHARED((NPAD, 8), jnp.float32),
    ],
)


def _edge_body(ei_hbm, feat_hbm, zeros_hbm, out_hbm,
               idxv, rows, acc, gsem0, gsem1, ssem, *, f, rb):
  cid = lax.axis_index("c")
  sid = lax.axis_index("s")
  tlo = sid * SL
  pltpu.sync_copy(zeros_hbm.at[pl.ds(tlo, SL)], acc.at[pl.ds(tlo, SL)])
  plsc.subcore_barrier()

  base = jnp.where(cid == 0, sid * CPW0, NS * CPW0 + sid * CPW1)
  niter = jnp.where(cid == 0, CPW0 // (2 * rb), CPW1 // (2 * rb))
  gsems = (gsem0, gsem1)

  def blk(it, carry):
    r0 = base + it * (2 * rb)
    gs = []
    for b in range(2):
      pltpu.sync_copy(ei_hbm.at[pl.ds(r0 + b * rb, rb)], idxv.at[b])
      gs.append([pltpu.async_copy(feat_hbm.at[idxv.at[b, j, 0]],
                                  rows.at[b, j], gsems[b])
                 for j in range(rb)])
    ss = []
    for b in range(2):
      for cp in gs[b]:
        cp.wait()
      ss += [pltpu.async_copy(rows.at[b, j], acc.at[idxv.at[b, j, 1]],
                              ssem, add=True) for j in range(rb)]
    for cp in ss:
      cp.wait()
    return carry

  lax.fori_loop(0, niter, blk, 0)
  plsc.subcore_barrier()
  pltpu.sync_copy(acc.at[pl.ds(tlo, SL)], out_hbm.at[cid, pl.ds(tlo, SL)])


def _make_edge_call(f):
  return pl.kernel(
      functools.partial(_edge_body, f=f, rb=RBE),
      out_type=jax.ShapeDtypeStruct((NC, NPAD, f), jnp.float32),
      mesh=_mesh,
      compiler_params=_sc_params,
      scratch_types=[
          pltpu.VMEM((2, RBE, 2, CHUNK), jnp.int32),
          pltpu.VMEM((2, RBE, CHUNK, f), jnp.float32),
          pltpu.VMEM_SHARED((NPAD, f), jnp.float32),
          pltpu.SemaphoreType.DMA,
          pltpu.SemaphoreType.DMA,
          pltpu.SemaphoreType.DMA,
      ],
  )


_edge_call8 = _make_edge_call(8)
_edge_call16 = _make_edge_call(16)


def _b_body(d2, xp, dis_o, xs_o):
  d = d2[...]
  dis = lax.rsqrt(d[0, :, :1] + d[1, :, :1] + 1.0)
  dis_o[...] = dis
  xs_o[...] = xp[...] * dis


def _b_call(d2, xp):
  return pl.pallas_call(
      _b_body,
      grid=(NBR,),
      in_specs=[
          pl.BlockSpec((2, BR, 8), lambda i: (0, i, 0)),
          pl.BlockSpec((BR, 8), lambda i: (i, 0)),
      ],
      out_specs=[
          pl.BlockSpec((BR, 1), lambda i: (i, 0)),
          pl.BlockSpec((BR, 8), lambda i: (i, 0)),
      ],
      out_shape=[
          jax.ShapeDtypeStruct((NPAD, 1), jnp.float32),
          jax.ShapeDtypeStruct((NPAD, 8), jnp.float32),
      ],
  )(d2, xp)


def _d_body(s2, xs, dis, w1, b1, w2, g2_o):
  sv = s2[...]
  t = (sv[0] + sv[1] + xs[...]) * dis[...]
  h1 = jnp.dot(t, w1[...], preferred_element_type=jnp.float32) + b1[...]
  h1 = jnp.maximum(h1, 0.0)
  g2_o[...] = jnp.dot(h1, w2[...], preferred_element_type=jnp.float32) * dis[...]


def _d_call(s2, xs, dis, w1, b1, w2):
  return pl.pallas_call(
      _d_body,
      grid=(NBR,),
      in_specs=[
          pl.BlockSpec((2, BR, 8), lambda i: (0, i, 0)),
          pl.BlockSpec((BR, 8), lambda i: (i, 0)),
          pl.BlockSpec((BR, 1), lambda i: (i, 0)),
          pl.BlockSpec((8, 16), lambda i: (0, 0)),
          pl.BlockSpec((1, 16), lambda i: (0, 0)),
          pl.BlockSpec((16, 16), lambda i: (0, 0)),
      ],
      out_specs=pl.BlockSpec((BR, 16), lambda i: (i, 0)),
      out_shape=jax.ShapeDtypeStruct((NPAD, 16), jnp.float32),
  )(s2, xs, dis, w1, b1, w2)


def _f_body(a2, g2, dis, b2, bt, wfc, bfc, out, pooled, counts):
  i = pl.program_id(0)

  @pl.when(i == 0)
  def _init():
    pooled[...] = jnp.zeros_like(pooled)
    counts[...] = jnp.zeros_like(counts)

  av = a2[...]
  h2 = (av[0] + av[1] + g2[...]) * dis[...] + b2[...]
  h2 = jnp.maximum(h2, 0.0)
  ids = lax.broadcasted_iota(jnp.int32, (NG, BR), 0)
  oh = (ids == bt[...]).astype(jnp.float32)
  pooled[...] += jnp.dot(oh, h2, preferred_element_type=jnp.float32)
  counts[...] += jnp.sum(oh, axis=1, keepdims=True)

  @pl.when(i == NBR - 1)
  def _fin():
    gmean = pooled[...] / jnp.maximum(counts[...], 1.0)
    out[...] = jnp.dot(gmean, wfc[...], preferred_element_type=jnp.float32) + bfc[...]


def _f_call(a2, g2, dis, b2, bt, wfc, bfc):
  return pl.pallas_call(
      _f_body,
      grid=(NBR,),
      in_specs=[
          pl.BlockSpec((2, BR, 16), lambda i: (0, i, 0)),
          pl.BlockSpec((BR, 16), lambda i: (i, 0)),
          pl.BlockSpec((BR, 1), lambda i: (i, 0)),
          pl.BlockSpec((1, 16), lambda i: (0, 0)),
          pl.BlockSpec((1, BR), lambda i: (0, i)),
          pl.BlockSpec((16, 1), lambda i: (0, 0)),
          pl.BlockSpec((1, 1), lambda i: (0, 0)),
      ],
      out_specs=pl.BlockSpec((NG, 1), lambda i: (0, 0)),
      out_shape=jax.ShapeDtypeStruct((NG, 1), jnp.float32),
      scratch_shapes=[
          pltpu.VMEM((NG, 16), jnp.float32),
          pltpu.VMEM((NG, 1), jnp.float32),
      ],
  )(a2, g2, dis, b2, bt, wfc, bfc)


def kernel(x, edge_index, batch, W1, b1, W2, b2, Wfc, bfc):
  src = edge_index[0].astype(jnp.int32)
  dst = edge_index[1].astype(jnp.int32)
  src2d = jnp.concatenate(
      [src, jnp.zeros((EPAD - E,), jnp.int32)]).reshape(-1, CHUNK)
  dst2d = jnp.concatenate(
      [dst, jnp.full((EPAD - E,), N, jnp.int32)]).reshape(-1, CHUNK)
  xpad = jnp.zeros((NPAD, 8), jnp.float32).at[:N, :2].set(x)
  w1pad = jnp.zeros((8, 16), jnp.float32).at[:2].set(W1)
  ones8 = jnp.ones((CHUNK, 8), jnp.float32)
  bt2d = jnp.concatenate(
      [batch.astype(jnp.int32),
       jnp.full((NPAD - N,), NG, jnp.int32)]).reshape(1, NPAD)
  z8 = jnp.zeros((NPAD, 8), jnp.float32)
  z16 = jnp.zeros((NPAD, 16), jnp.float32)

  ei3d = jnp.stack([src2d, dst2d], axis=1)
  deg2 = _deg_call(dst2d, ones8, z8)
  dis, xs = _b_call(deg2, xpad)
  s = _edge_call8(ei3d, xs, z8)
  g2 = _d_call(s, xs, dis, w1pad, b1.reshape(1, 16), W2)
  a = _edge_call16(ei3d, g2, z16)
  return _f_call(a, g2, dis, b2.reshape(1, 16), bt2d, Wfc,
                 bfc.reshape(1, 1))

# --- scband reference (transcript-rebuilt; emitter-appended) ---
"""Pipeline reference for scband-gcn-53214644797942 (READ-ONLY COPY).

The authoritative reference and input builder live on the scoring server;
editing this copy changes nothing except your own understanding.
"""

import jax, jax.numpy as jnp
import numpy as np

NUM_NODES = 100000
NUM_EDGES = 3200000
NUM_GRAPHS = 512


def setup_inputs(seed: int = 0) -> dict:
    key = jax.random.key(seed)
    ks = jax.random.split(key, 10)
    x = jax.random.normal(ks[0], (NUM_NODES, 2), dtype=jnp.float32)
    edge_index = jax.random.randint(ks[1], (2, NUM_EDGES), 0, NUM_NODES, dtype=jnp.int64)
    batch = jnp.sort(jax.random.randint(ks[2], (NUM_NODES,), 0, NUM_GRAPHS, dtype=jnp.int64))
    # GCNConv(2, 16)
    W1 = jax.random.normal(ks[3], (2, 16), dtype=jnp.float32) * (1.0 / np.sqrt(2))
    b1 = jnp.zeros((16,), dtype=jnp.float32)
    # GCNConv(16, 16)
    W2 = jax.random.normal(ks[4], (16, 16), dtype=jnp.float32) * (1.0 / np.sqrt(16))
    b2 = jnp.zeros((16,), dtype=jnp.float32)
    # Linear(16, 1)
    Wfc = jax.random.normal(ks[5], (16, 1), dtype=jnp.float32) * (1.0 / np.sqrt(16))
    bfc = jnp.zeros((1,), dtype=jnp.float32)
    return {"x": x, "edge_index": edge_index, "batch": batch,
            "W1": W1, "b1": b1, "W2": W2, "b2": b2, "Wfc": Wfc, "bfc": bfc}


def _gcn_conv(x, src, dst, W, b, num_nodes):
    # PyG GCNConv: add self-loops, symmetric normalization, scatter-add aggregation
    loop = jnp.arange(num_nodes, dtype=src.dtype)
    src_f = jnp.concatenate([src, loop])
    dst_f = jnp.concatenate([dst, loop])
    deg = jnp.zeros((num_nodes,), dtype=jnp.float32).at[dst_f].add(1.0)
    deg_inv_sqrt = jnp.where(deg > 0, jax.lax.rsqrt(jnp.maximum(deg, 1e-12)), 0.0)
    norm = deg_inv_sqrt[src_f] * deg_inv_sqrt[dst_f]
    h = x @ W
    msg = h[src_f] * norm[:, None]
    out = jnp.zeros((num_nodes, W.shape[1]), dtype=x.dtype).at[dst_f].add(msg)
    return out + b


def _global_mean_pool(x, batch, num_graphs):
    sums = jax.ops.segment_sum(x, batch, num_segments=num_graphs)
    counts = jax.ops.segment_sum(jnp.ones((x.shape[0],), dtype=x.dtype), batch, num_segments=num_graphs)
    return sums / jnp.maximum(counts, 1.0)[:, None]


def reference(x, edge_index, batch, W1, b1, W2, b2, Wfc, bfc):
    src, dst = edge_index[0], edge_index[1]
    h = _gcn_conv(x, src, dst, W1, b1, NUM_NODES)
    h = jax.nn.relu(h)
    h = _gcn_conv(h, src, dst, W2, b2, NUM_NODES)
    h = jax.nn.relu(h)
    g = _global_mean_pool(h, batch, NUM_GRAPHS)
    return g @ Wfc + bfc

if __name__ == "__main__":
    import jax
    _d = setup_inputs()
    print(jax.jit(kernel)(*tuple(_d.values())))

</pallas_src>

<mosaic_0001>
#map = affine_map<(d0, d1) -> (0, 0, 0)>
#map1 = affine_map<(d0, d1) -> (0, 0)>
module attributes {stable_mosaic.version = 14 : i64} {
  func.func @_edge_body(%arg0: i32, %arg1: i32, %arg2: memref<25088x2x128xi32, #tpu.memory_space<hbm>>, %arg3: memref<100352x8xf32, #tpu.memory_space<hbm>>, %arg4: memref<100352x8xf32, #tpu.memory_space<hbm>>, %arg5: memref<2x100352x8xf32, #tpu.memory_space<hbm>>, %arg6: memref<2x4x2x128xi32, #tpu.memory_space<vmem>>, %arg7: memref<2x4x128x8xf32, #tpu.memory_space<vmem>>, %arg8: memref<100352x8xf32, #tpu.memory_space<vmem_shared>>, %arg9: memref<!tpu.dma_semaphore, #tpu.memory_space<semaphore_mem>>, %arg10: memref<!tpu.dma_semaphore, #tpu.memory_space<semaphore_mem>>, %arg11: memref<!tpu.dma_semaphore, #tpu.memory_space<semaphore_mem>>) attributes {dimension_semantics = [#tpu.dimension_semantics<core_parallel>, #tpu.dimension_semantics<subcore_parallel>], iteration_bounds = array<i64: 2, 16>, scalar_prefetch = 0 : i64, scratch_operands = 6 : i64, tpu.core_type = #tpu.core_type<sc_vector_subcore>, window_params = [{transform_indices = #map}, {transform_indices = #map1}, {transform_indices = #map1}, {transform_indices = #map}]} {
    %mul3A = arith.constant 6272 : i32
    %mul3A_0 = arith.muli %arg1, %mul3A : i32
    "tpu.region"() ({
      %run_scoped3A = tpu.sem_alloc : memref<!tpu.dma_semaphore, #tpu.memory_space<semaphore_mem>>
      %dma_start3A = arith.constant 0 : i32
      %dma_start3A_21 = tpu.memref_slice %arg8[%mul3A_0, %dma_start3A] : memref<100352x8xf32, #tpu.memory_space<vmem_shared>> -> memref<6272x8xf32, #tpu.memory_space<vmem_shared>>
      %dma_start3A_22 = arith.constant 0 : i32
      %dma_start3A_23 = tpu.memref_slice %arg4[%mul3A_0, %dma_start3A_22] : memref<100352x8xf32, #tpu.memory_space<hbm>> -> memref<6272x8xf32, #tpu.memory_space<hbm>>
      tpu.enqueue_dma source(%dma_start3A_23 : memref<6272x8xf32, #tpu.memory_space<hbm>>) target(%dma_start3A_21 : memref<6272x8xf32, #tpu.memory_space<vmem_shared>>) target_semaphore(%run_scoped3A : memref<!tpu.dma_semaphore, #tpu.memory_space<semaphore_mem>>)
      %dma_wait3A = arith.constant 0 : i32
      %dma_wait3A_24 = tpu.memref_slice %arg8[%mul3A_0, %dma_wait3A] : memref<100352x8xf32, #tpu.memory_space<vmem_shared>> -> memref<6272x8xf32, #tpu.memory_space<vmem_shared>>
      %dma_wait3A_25 = arith.constant 0 : i32
      %dma_wait3A_26 = tpu.memref_slice %arg4[%mul3A_0, %dma_wait3A_25] : memref<100352x8xf32, #tpu.memory_space<hbm>> -> memref<6272x8xf32, #tpu.memory_space<hbm>>
      tpu.wait_dma2 semaphore(%run_scoped3A : memref<!tpu.dma_semaphore, #tpu.memory_space<semaphore_mem>>) src(%dma_wait3A_26 : memref<6272x8xf32, #tpu.memory_space<hbm>>) dst(%dma_wait3A_24 : memref<6272x8xf32, #tpu.memory_space<vmem_shared>>)
      tpu.yield
    }) : () -> ()
    %barrier3A = arith.constant 0 : index
    tpu.barrier barrier_id(%barrier3A)
    %eq3A = arith.constant 0 : i32
    %eq3A_1 = arith.cmpi eq, %arg0, %eq3A : i32
    %mul3A_2 = arith.constant 784 : i32
    %mul3A_3 = arith.muli %arg1, %mul3A_2 : i32
    %mul3A_4 = arith.constant 784 : i32
    %mul3A_5 = arith.muli %arg1, %mul3A_4 : i32
    %add3A = arith.constant 12544 : i32
    %add3A_6 = arith.addi %add3A, %mul3A_5 : i32
    %select_n3A = arith.select %eq3A_1, %mul3A_3, %add3A_6 : i32
    %eq3A_7 = arith.constant 0 : i32
    %eq3A_8 = arith.cmpi eq, %arg0, %eq3A_7 : i32
    %jit3A = arith.constant 98 : i32
    %jit3A_9 = arith.constant 98 : i32
    %select_n3A_10 = arith.select %eq3A_8, %jit3A, %jit3A_9 : i32
    %while3A = arith.constant 0 : i32
    %while3A_11 = arith.constant 0 : i32
    %while3A_12 = arith.subi %select_n3A_10, %while3A_11 : i32
    %while3A_13 = arith.addi %while3A_11, %while3A_12 : i32
    %while3A_14 = arith.constant 1 : i32
    %while3A_15 = arith.divsi %while3A_12, %while3A_14 : i32
    %while3A_16 = arith.muli %while3A_15, %while3A_14 : i32
    %while3A_17 = arith.addi %while3A_11, %while3A_16 : i32
    %while3A_18 = arith.constant 1 : i32
    scf.for %while3A_21 = %while3A_11 to %while3A_17 step %while3A_18  : i32 {
      %mul3A_22 = arith.constant 8 : i32
      %mul3A_23 = arith.muli %while3A_21, %mul3A_22 : i32
      %add3A_24 = arith.addi %select_n3A, %mul3A_23 : i32
      %add3A_25 = arith.constant 0 : i32
      %add3A_26 = arith.addi %add3A_24, %add3A_25 : i32
      %run_scoped3A = arith.constant 0 : i32
      "tpu.region"() ({
        %run_scoped3A_508 = tpu.sem_alloc : memref<!tpu.dma_semaphore, #tpu.memory_space<semaphore_mem>>
        %dma_start3A_509 = arith.constant 0 : i32
        %dma_start3A_510 = arith.constant 0 : i32
        %dma_start3A_511 = arith.constant 0 : i32
        %dma_start3A_512 = tpu.memref_slice %arg6[%run_scoped3A, %dma_start3A_509, %dma_start3A_510, %dma_start3A_511] : memref<2x4x2x128xi32, #tpu.memory_space<vmem>> -> memref<1x4x2x128xi32, #tpu.memory_space<vmem>>
        %dma_start3A_513 = tpu.memref_squeeze %dma_start3A_512 : memref<1x4x2x128xi32, #tpu.memory_space<vmem>> -> memref<4x2x128xi32, #tpu.memory_space<vmem>>
        %dma_start3A_514 = arith.constant 0 : i32
        %dma_start3A_515 = arith.constant 0 : i32
        %dma_start3A_516 = tpu.memref_slice %arg2[%add3A_26, %dma_start3A_514, %dma_start3A_515] : memref<25088x2x128xi32, #tpu.memory_space<hbm>> -> memref<4x2x128xi32, #tpu.memory_space<hbm>>
        %dma_start3A_517 = arith.constant 0 : i32
        %dma_start3A_518 = arith.constant 0 : i32
        %dma_start3A_519 = arith.constant 0 : i32
        %dma_start3A_520 = tpu.memref_slice %arg6[%run_scoped3A, %dma_start3A_517, %dma_start3A_518, %dma_start3A_519] : memref<2x4x2x128xi32, #tpu.memory_space<vmem>> -> memref<1x4x2x128xi32, #tpu.memory_space<vmem>>
        %dma_start3A_521 = tpu.memref_squeeze %dma_start3A_520 : memref<1x4x2x128xi32, #tpu.memory_space<vmem>> -> memref<4x2x128xi32, #tpu.memory_space<vmem>>
        %dma_start3A_522 = arith.constant 0 : i32
        %dma_start3A_523 = arith.constant 0 : i32
        %dma_start3A_524 = tpu.memref_slice %arg2[%add3A_26, %dma_start3A_522, %dma_start3A_523] : memref<25088x2x128xi32, #tpu.memory_space<hbm>> -> memref<4x2x128xi32, #tpu.memory_space<hbm>>
        tpu.enqueue_dma source(%dma_start3A_524 : memref<4x2x128xi32, #tpu.memory_space<hbm>>) target(%dma_start3A_521 : memref<4x2x128xi32, #tpu.memory_space<vmem>>) target_semaphore(%run_scoped3A_508 : memref<!tpu.dma_semaphore, #tpu.memory_space<semaphore_mem>>)
        %dma_wait3A_525 = arith.constant 0 : i32
        %dma_wait3A_526 = arith.constant 0 : i32
        %dma_wait3A_527 = arith.constant 0 : i32
        %dma_wait3A_528 = tpu.memref_slice %arg6[%run_scoped3A, %dma_wait3A_525, %dma_wait3A_526, %dma_wait3A_527] : memref<2x4x2x128xi32, #tpu.memory_space<vmem>> -> memref<1x4x2x128xi32, #tpu.memory_space<vmem>>
        %dma_wait3A_529 = tpu.memref_squeeze %dma_wait3A_528 : memref<1x4x2x128xi32, #tpu.memory_space<vmem>> -> memref<4x2x128xi32, #tpu.memory_space<vmem>>
        %dma_wait3A_530 = arith.constant 0 : i32
        %dma_wait3A_531 = arith.constant 0 : i32
        %dma_wait3A_532 = tpu.memref_slice %arg2[%add3A_26, %dma_wait3A_530, %dma_wait3A_531] : memref<25088x2x128xi32, #tpu.memory_space<hbm>> -> memref<4x2x128xi32, #tpu.memory_space<hbm>>
        %dma_wait3A_533 = arith.constant 0 : i32
        %dma_wait3A_534 = arith.constant 0 : i32
        %dma_wait3A_535 = arith.constant 0 : i32
        %dma_wait3A_536 = tpu.memref_slice %arg6[%run_scoped3A, %dma_wait3A_533, %dma_wait3A_534, %dma_wait3A_535] : memref<2x4x2x128xi32, #tpu.memory_space<vmem>> -> memref<1x4x2x128xi32, #tpu.memory_space<vmem>>
        %dma_wait3A_537 = tpu.memref_squeeze %dma_wait3A_536 : memref<1x4x2x128xi32, #tpu.memory_space<vmem>> -> memref<4x2x128xi32, #tpu.memory_space<vmem>>
        %dma_wait3A_538 = arith.constant 0 : i32
        %dma_wait3A_539 = arith.constant 0 : i32
        %dma_wait3A_540 = tpu.memref_slice %arg2[%add3A_26, %dma_wait3A_538, %dma_wait3A_539] : memref<25088x2x128xi32, #tpu.memory_space<hbm>> -> memref<4x2x128xi32, #tpu.memory_space<hbm>>
        tpu.wait_dma2 semaphore(%run_scoped3A_508 : memref<!tpu.dma_semaphore, #tpu.memory_space<semaphore_mem>>) src(%dma_wait3A_540 : memref<4x2x128xi32, #tpu.memory_space<hbm>>) dst(%dma_wait3A_537 : memref<4x2x128xi32, #tpu.memory_space<vmem>>)
        tpu.yield
      }) : () -> ()
      %dma_start3A = arith.constant 0 : i32
      %dma_start3A_27 = arith.constant 0 : i32
      %dma_start3A_28 = arith.constant 0 : i32
      %dma_start3A_29 = arith.constant 0 : i32
      %dma_start3A_30 = arith.constant 0 : i32
      %dma_start3A_31 = arith.constant 0 : i32
      %dma_start3A_32 = arith.constant 0 : i32
      %dma_start3A_33 = tpu.memref_slice %arg7[%dma_start3A_29, %dma_start3A_30, %dma_start3A_31, %dma_start3A_32] : memref<2x4x128x8xf32, #tpu.memory_space<vmem>> -> memref<1x1x128x8xf32, #tpu.memory_space<vmem>>
      %dma_start3A_34 = tpu.memref_squeeze %dma_start3A_33 : memref<1x1x128x8xf32, #tpu.memory_space<vmem>> -> memref<128x8xf32, #tpu.memory_space<vmem>>
      %dma_start3A_35 = arith.constant 0 : i32
      %dma_start3A_36 = tpu.memref_slice %arg6[%dma_start3A, %dma_start3A_27, %dma_start3A_28, %dma_start3A_35] : memref<2x4x2x128xi32, #tpu.memory_space<vmem>> -> memref<1x1x1x128xi32, #tpu.memory_space<vmem>>
      %dma_start3A_37 = tpu.memref_squeeze %dma_start3A_36 : memref<1x1x1x128xi32, #tpu.memory_space<vmem>> -> memref<128xi32, #tpu.memory_space<vmem>>
      %dma_start3A_38 = arith.constant 0 : i32
      %dma_start3A_39 = arith.constant 0 : i32
      %dma_start3A_40 = tpu.memref_slice %arg3[%dma_start3A_38, %dma_start3A_39] : memref<100352x8xf32, #tpu.memory_space<hbm>> -> memref<100352x8xf32, #tpu.memory_space<hbm>>
      tpu.enqueue_indirect_dma source(%dma_start3A_40 : memref<100352x8xf32, #tpu.memory_space<hbm>>) target(%dma_start3A_34 : memref<128x8xf32, #tpu.memory_space<vmem>>) offsets(%dma_start3A_37 : memref<128xi32, #tpu.memory_space<vmem>>) semaphore(%arg9 : memref<!tpu.dma_semaphore, #tpu.memory_space<semaphore_mem>>)
      %dma_start3A_41 = arith.constant 0 : i32
      %dma_start3A_42 = arith.constant 1 : i32
      %dma_start3A_43 = arith.constant 0 : i32
      %dma_start3A_44 = arith.constant 0 : i32
      %dma_start3A_45 = arith.constant 1 : i32
      %dma_start3A_46 = arith.constant 0 : i32
      %dma_start3A_47 = arith.constant 0 : i32
      %dma_start3A_48 = tpu.memref_slice %arg7[%dma_start3A_44, %dma_start3A_45, %dma_start3A_46, %dma_start3A_47] : memref<2x4x128x8xf32, #tpu.memory_space<vmem>> -> memref<1x1x128x8xf32, #tpu.memory_space<vmem>>
      %dma_start3A_49 = tpu.memref_squeeze %dma_start3A_48 : memref<1x1x128x8xf32, #tpu.memory_space<vmem>> -> memref<128x8xf32, #tpu.memory_space<vmem>>
      %dma_start3A_50 = arith.constant 0 : i32
      %dma_start3A_51 = tpu.memref_slice %arg6[%dma_start3A_41, %dma_start3A_42, %dma_start3A_43, %dma_start3A_50] : memref<2x4x2x128xi32, #tpu.memory_space<vmem>> -> memref<1x1x1x128xi32, #tpu.memory_space<vmem>>
      %dma_start3A_52 = tpu.memref_squeeze %dma_start3A_51 : memref<1x1x1x128xi32, #tpu.memory_space<vmem>> -> memref<128xi32, #tpu.memory_space<vmem>>
      %dma_start3A_53 = arith.constant 0 : i32
      %dma_start3A_54 = arith.constant 0 : i32
      %dma_start3A_55 = tpu.memref_slice %arg3[%dma_start3A_53, %dma_start3A_54] : memref<100352x8xf32, #tpu.memory_space<hbm>> -> memref<100352x8xf32, #tpu.memory_space<hbm>>
      tpu.enqueue_indirect_dma source(%dma_start3A_55 : memref<100352x8xf32, #tpu.memory_space<hbm>>) target(%dma_start3A_49 : memref<128x8xf32, #tpu.memory_space<vmem>>) offsets(%dma_start3A_52 : memref<128xi32, #tpu.memory_space<vmem>>) semaphore(%arg9 : memref<!tpu.dma_semaphore, #tpu.memory_space<semaphore_mem>>)
      %dma_start3A_56 = arith.constant 0 : i32
      %dma_start3A_57 = arith.constant 2 : i32
      %dma_start3A_58 = arith.constant 0 : i32
      %dma_start3A_59 = arith.constant 0 : i32
      %dma_start3A_60 = arith.constant 2 : i32
      %dma_start3A_61 = arith.constant 0 : i32
      %dma_start3A_62 = arith.constant 0 : i32
      %dma_start3A_63 = tpu.memref_slice %arg7[%dma_start3A_59, %dma_start3A_60, %dma_start3A_61, %dma_start3A_62] : memref<2x4x128x8xf32, #tpu.memory_space<vmem>> -> memref<1x1x128x8xf32, #tpu.memory_space<vmem>>
      %dma_start3A_64 = tpu.memref_squeeze %dma_start3A_63 : memref<1x1x128x8xf32, #tpu.memory_space<vmem>> -> memref<128x8xf32, #tpu.memory_space<vmem>>
      %dma_start3A_65 = arith.constant 0 : i32
      %dma_start3A_66 = tpu.memref_slice %arg6[%dma_start3A_56, %dma_start3A_57, %dma_start3A_58, %dma_start3A_65] : memref<2x4x2x128xi32, #tpu.memory_space<vmem>> -> memref<1x1x1x128xi32, #tpu.memory_space<vmem>>
      %dma_start3A_67 = tpu.memref_squeeze %dma_start3A_66 : memref<1x1x1x128xi32, #tpu.memory_space<vmem>> -> memref<128xi32, #tpu.memory_space<vmem>>
      %dma_start3A_68 = arith.constant 0 : i32
      %dma_start3A_69 = arith.constant 0 : i32
      %dma_start3A_70 = tpu.memref_slice %arg3[%dma_start3A_68, %dma_start3A_69] : memref<100352x8xf32, #tpu.memory_space<hbm>> -> memref<100352x8xf32, #tpu.memory_space<hbm>>
      tpu.enqueue_indirect_dma source(%dma_start3A_70 : memref<100352x8xf32, #tpu.memory_space<hbm>>) target(%dma_start3A_64 : memref<128x8xf32, #tpu.memory_space<vmem>>) offsets(%dma_start3A_67 : memref<128xi32, #tpu.memory_space<vmem>>) semaphore(%arg9 : memref<!tpu.dma_semaphore, #tpu.memory_space<semaphore_mem>>)
      %dma_start3A_71 = arith.constant 0 : i32
      %dma_start3A_72 = arith.constant 3 : i32
      %dma_start3A_73 = arith.constant 0 : i32
      %dma_start3A_74 = arith.constant 0 : i32
      %dma_start3A_75 = arith.constant 3 : i32
      %dma_start3A_76 = arith.constant 0 : i32
      %dma_start3A_77 = arith.constant 0 : i32
      %dma_start3A_78 = tpu.memref_slice %arg7[%dma_start3A_74, %dma_start3A_75, %dma_start3A_76, %dma_start3A_77] : memref<2x4x128x8xf32, #tpu.memory_space<vmem>> -> memref<1x1x128x8xf32, #tpu.memory_space<vmem>>
      %dma_start3A_79 = tpu.memref_squeeze %dma_start3A_78 : memref<1x1x128x8xf32, #tpu.memory_space<vmem>> -> memref<128x8xf32, #tpu.memory_space<vmem>>
      %dma_start3A_80 = arith.constant 0 : i32
      %dma_start3A_81 = tpu.memref_slice %arg6[%dma_start3A_71, %dma_start3A_72, %dma_start3A_73, %dma_start3A_80] : memref<2x4x2x128xi32, #tpu.memory_space<vmem>> -> memref<1x1x1x128xi32, #tpu.memory_space<vmem>>
      %dma_start3A_82 = tpu.memref_squeeze %dma_start3A_81 : memref<1x1x1x128xi32, #tpu.memory_space<vmem>> -> memref<128xi32, #tpu.memory_space<vmem>>
      %dma_start3A_83 = arith.constant 0 : i32
      %dma_start3A_84 = arith.constant 0 : i32
      %dma_start3A_85 = tpu.memref_slice %arg3[%dma_start3A_83, %dma_start3A_84] : memref<100352x8xf32, #tpu.memory_space<hbm>> -> memref<100352x8xf32, #tpu.memory_space<hbm>>
      tpu.enqueue_indirect_dma source(%dma_start3A_85 : memref<100352x8xf32, #tpu.memory_space<hbm>>) target(%dma_start3A_79 : memref<128x8xf32, #tpu.memory_space<vmem>>) offsets(%dma_start3A_82 : memref<128xi32, #tpu.memory_space<vmem>>) semaphore(%arg9 : memref<!tpu.dma_semaphore, #tpu.memory_space<semaphore_mem>>)
      %add3A_86 = arith.constant 4 : i32
      %add3A_87 = arith.addi %add3A_24, %add3A_86 : i32
      %run_scoped3A_88 = arith.constant 1 : i32
      "tpu.region"() ({
        %run_scoped3A_508 = tpu.sem_alloc : memref<!tpu.dma_semaphore, #tpu.memory_space<semaphore_mem>>
        %dma_start3A_509 = arith.constant 0 : i32
        %dma_start3A_510 = arith.constant 0 : i32
        %dma_start3A_511 = arith.constant 0 : i32
        %dma_start3A_512 = tpu.memref_slice %arg6[%run_scoped3A_88, %dma_start3A_509, %dma_start3A_510, %dma_start3A_511] : memref<2x4x2x128xi32, #tpu.memory_space<vmem>> -> memref<1x4x2x128xi32, #tpu.memory_space<vmem>>
        %dma_start3A_513 = tpu.memref_squeeze %dma_start3A_512 : memref<1x4x2x128xi32, #tpu.memory_space<vmem>> -> memref<4x2x128xi32, #tpu.memory_space<vmem>>
        %dma_start3A_514 = arith.constant 0 : i32
        %dma_start3A_515 = arith.constant 0 : i32
        %dma_start3A_516 = tpu.memref_slice %arg2[%add3A_87, %dma_start3A_514, %dma_start3A_515] : memref<25088x2x128xi32, #tpu.memory_space<hbm>> -> memref<4x2x128xi32, #tpu.memory_space<hbm>>
        %dma_start3A_517 = arith.constant 0 : i32
        %dma_start3A_518 = arith.constant 0 : i32
        %dma_start3A_519 = arith.constant 0 : i32
        %dma_start3A_520 = tpu.memref_slice %arg6[%run_scoped3A_88, %dma_start3A_517, %dma_start3A_518, %dma_start3A_519] : memref<2x4x2x128xi32, #tpu.memory_space<vmem>> -> memref<1x4x2x128xi32, #tpu.memory_space<vmem>>
        %dma_start3A_521 = tpu.memref_squeeze %dma_start3A_520 : memref<1x4x2x128xi32, #tpu.memory_space<vmem>> -> memref<4x2x128xi32, #tpu.memory_space<vmem>>
        %dma_start3A_522 = arith.constant 0 : i32
        %dma_start3A_523 = arith.constant 0 : i32
        %dma_start3A_524 = tpu.memref_slice %arg2[%add3A_87, %dma_start3A_522, %dma_start3A_523] : memref<25088x2x128xi32, #tpu.memory_space<hbm>> -> memref<4x2x128xi32, #tpu.memory_space<hbm>>
        tpu.enqueue_dma source(%dma_start3A_524 : memref<4x2x128xi32, #tpu.memory_space<hbm>>) target(%dma_start3A_521 : memref<4x2x128xi32, #tpu.memory_space<vmem>>) target_semaphore(%run_scoped3A_508 : memref<!tpu.dma_semaphore, #tpu.memory_space<semaphore_mem>>)
        %dma_wait3A_525 = arith.constant 0 : i32
        %dma_wait3A_526 = arith.constant 0 : i32
        %dma_wait3A_527 = arith.constant 0 : i32
        %dma_wait3A_528 = tpu.memref_slice %arg6[%run_scoped3A_88, %dma_wait3A_525, %dma_wait3A_526, %dma_wait3A_527] : memref<2x4x2x128xi32, #tpu.memory_space<vmem>> -> memref<1x4x2x128xi32, #tpu.memory_space<vmem>>
        %dma_wait3A_529 = tpu.memref_squeeze %dma_wait3A_528 : memref<1x4x2x128xi32, #tpu.memory_space<vmem>> -> memref<4x2x128xi32, #tpu.memory_space<vmem>>
        %dma_wait3A_530 = arith.constant 0 : i32
        %dma_wait3A_531 = arith.constant 0 : i32
        %dma_wait3A_532 = tpu.memref_slice %arg2[%add3A_87, %dma_wait3A_530, %dma_wait3A_531] : memref<25088x2x128xi32, #tpu.memory_space<hbm>> -> memref<4x2x128xi32, #tpu.memory_space<hbm>>
        %dma_wait3A_533 = arith.constant 0 : i32
        %dma_wait3A_534 = arith.constant 0 : i32
        %dma_wait3A_535 = arith.constant 0 : i32
        %dma_wait3A_536 = tpu.memref_slice %arg6[%run_scoped3A_88, %dma_wait3A_533, %dma_wait3A_534, %dma_wait3A_535] : memref<2x4x2x128xi32, #tpu.memory_space<vmem>> -> memref<1x4x2x128xi32, #tpu.memory_space<vmem>>
        %dma_wait3A_537 = tpu.memref_squeeze %dma_wait3A_536 : memref<1x4x2x128xi32, #tpu.memory_space<vmem>> -> memref<4x2x128xi32, #tpu.memory_space<vmem>>
        %dma_wait3A_538 = arith.constant 0 : i32
        %dma_wait3A_539 = arith.constant 0 : i32
        %dma_wait3A_540 = tpu.memref_slice %arg2[%add3A_87, %dma_wait3A_538, %dma_wait3A_539] : memref<25088x2x128xi32, #tpu.memory_space<hbm>> -> memref<4x2x128xi32, #tpu.memory_space<hbm>>
        tpu.wait_dma2 semaphore(%run_scoped3A_508 : memref<!tpu.dma_semaphore, #tpu.memory_space<semaphore_mem>>) src(%dma_wait3A_540 : memref<4x2x128xi32, #tpu.memory_space<hbm>>) dst(%dma_wait3A_537 : memref<4x2x128xi32, #tpu.memory_space<vmem>>)
        tpu.yield
      }) : () -> ()
      %dma_start3A_89 = arith.constant 1 : i32
      %dma_start3A_90 = arith.constant 0 : i32
      %dma_start3A_91 = arith.constant 0 : i32
      %dma_start3A_92 = arith.constant 1 : i32
      %dma_start3A_93 = arith.constant 0 : i32
      %dma_start3A_94 = arith.constant 0 : i32
      %dma_start3A_95 = arith.constant 0 : i32
      %dma_start3A_96 = tpu.memref_slice %arg7[%dma_start3A_92, %dma_start3A_93, %dma_start3A_94, %dma_start3A_95] : memref<2x4x128x8xf32, #tpu.memory_space<vmem>> -> memref<1x1x128x8xf32, #tpu.memory_space<vmem>>
      %dma_start3A_97 = tpu.memref_squeeze %dma_start3A_96 : memref<1x1x128x8xf32, #tpu.memory_space<vmem>> -> memref<128x8xf32, #tpu.memory_space<vmem>>
      %dma_start3A_98 = arith.constant 0 : i32
      %dma_start3A_99 = tpu.memref_slice %arg6[%dma_start3A_89, %dma_start3A_90, %dma_start3A_91, %dma_start3A_98] : memref<2x4x2x128xi32, #tpu.memory_space<vmem>> -> memref<1x1x1x128xi32, #tpu.memory_space<vmem>>
      %dma_start3A_100 = tpu.memref_squeeze %dma_start3A_99 : memref<1x1x1x128xi32, #tpu.memory_space<vmem>> -> memref<128xi32, #tpu.memory_space<vmem>>
      %dma_start3A_101 = arith.constant 0 : i32
      %dma_start3A_102 = arith.constant 0 : i32
      %dma_start3A_103 = tpu.memref_slice %arg3[%dma_start3A_101, %dma_start3A_102] : memref<100352x8xf32, #tpu.memory_space<hbm>> -> memref<100352x8xf32, #tpu.memory_space<hbm>>
      tpu.enqueue_indirect_dma source(%dma_start3A_103 : memref<100352x8xf32, #tpu.memory_space<hbm>>) target(%dma_start3A_97 : memref<128x8xf32, #tpu.memory_space<vmem>>) offsets(%dma_start3A_100 : memref<128xi32, #tpu.memory_space<vmem>>) semaphore(%arg10 : memref<!tpu.dma_semaphore, #tpu.memory_space<semaphore_mem>>)
      %dma_start3A_104 = arith.constant 1 : i32
      %dma_start3A_105 = arith.constant 1 : i32
      %dma_start3A_106 = arith.constant 0 : i32
      %dma_start3A_107 = arith.constant 1 : i32
      %dma_start3A_108 = arith.constant 1 : i32
      %dma_start3A_109 = arith.constant 0 : i32
      %dma_start3A_110 = arith.constant 0 : i32
      %dma_start3A_111 = tpu.memref_slice %arg7[%dma_start3A_107, %dma_start3A_108, %dma_start3A_109, %dma_start3A_110] : memref<2x4x128x8xf32, #tpu.memory_space<vmem>> -> memref<1x1x128x8xf32, #tpu.memory_space<vmem>>
      %dma_start3A_112 = tpu.memref_squeeze %dma_start3A_111 : memref<1x1x128x8xf32, #tpu.memory_space<vmem>> -> memref<128x8xf32, #tpu.memory_space<vmem>>
      %dma_start3A_113 = arith.constant 0 : i32
      %dma_start3A_114 = tpu.memref_slice %arg6[%dma_start3A_104, %dma_start3A_105, %dma_start3A_106, %dma_start3A_113] : memref<2x4x2x128xi32, #tpu.memory_space<vmem>> -> memref<1x1x1x128xi32, #tpu.memory_space<vmem>>
      %dma_start3A_115 = tpu.memref_squeeze %dma_start3A_114 : memref<1x1x1x128xi32, #tpu.memory_space<vmem>> -> memref<128xi32, #tpu.memory_space<vmem>>
      %dma_start3A_116 = arith.constant 0 : i32
      %dma_start3A_117 = arith.constant 0 : i32
      %dma_start3A_118 = tpu.memref_slice %arg3[%dma_start3A_116, %dma_start3A_117] : memref<100352x8xf32, #tpu.memory_space<hbm>> -> memref<100352x8xf32, #tpu.memory_space<hbm>>
      tpu.enqueue_indirect_dma source(%dma_start3A_118 : memref<100352x8xf32, #tpu.memory_space<hbm>>) target(%dma_start3A_112 : memref<128x8xf32, #tpu.memory_space<vmem>>) offsets(%dma_start3A_115 : memref<128xi32, #tpu.memory_space<vmem>>) semaphore(%arg10 : memref<!tpu.dma_semaphore, #tpu.memory_space<semaphore_mem>>)
      %dma_start3A_119 = arith.constant 1 : i32
      %dma_start3A_120 = arith.constant 2 : i32
      %dma_start3A_121 = arith.constant 0 : i32
      %dma_start3A_122 = arith.constant 1 : i32
      %dma_start3A_123 = arith.constant 2 : i32
      %dma_start3A_124 = arith.constant 0 : i32
      %dma_start3A_125 = arith.constant 0 : i32
      %dma_start3A_126 = tpu.memref_slice %arg7[%dma_start3A_122, %dma_start3A_123, %dma_start3A_124, %dma_start3A_125] : memref<2x4x128x8xf32, #tpu.memory_space<vmem>> -> memref<1x1x128x8xf32, #tpu.memory_space<vmem>>
      %dma_start3A_127 = tpu.memref_squeeze %dma_start3A_126 : memref<1x1x128x8xf32, #tpu.memory_space<vmem>> -> memref<128x8xf32, #tpu.memory_space<vmem>>
      %dma_start3A_128 = arith.constant 0 : i32
      %dma_start3A_129 = tpu.memref_slice %arg6[%dma_start3A_119, %dma_start3A_120, %dma_start3A_121, %dma_start3A_128] : memref<2x4x2x128xi32, #tpu.memory_space<vmem>> -> memref<1x1x1x128xi32, #tpu.memory_space<vmem>>
      %dma_start3A_130 = tpu.memref_squeeze %dma_start3A_129 : memref<1x1x1x128xi32, #tpu.memory_space<vmem>> -> memref<128xi32, #tpu.memory_space<vmem>>
      %dma_start3A_131 = arith.constant 0 : i32
      %dma_start3A_132 = arith.constant 0 : i32
      %dma_start3A_133 = tpu.memref_slice %arg3[%dma_start3A_131, %dma_start3A_132] : memref<100352x8xf32, #tpu.memory_space<hbm>> -> memref<100352x8xf32, #tpu.memory_space<hbm>>
      tpu.enqueue_indirect_dma source(%dma_start3A_133 : memref<100352x8xf32, #tpu.memory_space<hbm>>) target(%dma_start3A_127 : memref<128x8xf32, #tpu.memory_space<vmem>>) offsets(%dma_start3A_130 : memref<128xi32, #tpu.memory_space<vmem>>) semaphore(%arg10 : memref<!tpu.dma_semaphore, #tpu.memory_space<semaphore_mem>>)
      %dma_start3A_134 = arith.constant 1 : i32
      %dma_start3A_135 = arith.constant 3 : i32
      %dma_start3A_136 = arith.constant 0 : i32
      %dma_start3A_137 = arith.constant 1 : i32
      %dma_start3A_138 = arith.constant 3 : i32
      %dma_start3A_139 = arith.constant 0 : i32
      %dma_start3A_140 = arith.constant 0 : i32
      %dma_start3A_141 = tpu.memref_slice %arg7[%dma_start3A_137, %dma_start3A_138, %dma_start3A_139, %dma_start3A_140] : memref<2x4x128x8xf32, #tpu.memory_space<vmem>> -> memref<1x1x128x8xf32, #tpu.memory_space<vmem>>
      %dma_start3A_142 = tpu.memref_squeeze %dma_start3A_141 : memref<1x1x128x8xf32, #tpu.memory_space<vmem>> -> memref<128x8xf32, #tpu.memory_space<vmem>>
      %dma_start3A_143 = arith.constant 0 : i32
      %dma_start3A_144 = tpu.memref_slice %arg6[%dma_start3A_134, %dma_start3A_135, %dma_start3A_136, %dma_start3A_143] : memref<2x4x2x128xi32, #tpu.memory_space<vmem>> -> memref<1x1x1x128xi32, #tpu.memory_space<vmem>>
      %dma_start3A_145 = tpu.memref_squeeze %dma_start3A_144 : memref<1x1x1x128xi32, #tpu.memory_space<vmem>> -> memref<128xi32, #tpu.memory_space<vmem>>
      %dma_start3A_146 = arith.constant 0 : i32
      %dma_start3A_147 = arith.constant 0 : i32
      %dma_start3A_148 = tpu.memref_slice %arg3[%dma_start3A_146, %dma_start3A_147] : memref<100352x8xf32, #tpu.memory_space<hbm>> -> memref<100352x8xf32, #tpu.memory_space<hbm>>
      tpu.enqueue_indirect_dma source(%dma_start3A_148 : memref<100352x8xf32, #tpu.memory_space<hbm>>) target(%dma_start3A_142 : memref<128x8xf32, #tpu.memory_space<vmem>>) offsets(%dma_start3A_145 : memref<128xi32, #tpu.memory_space<vmem>>) semaphore(%arg10 : memref<!tpu.dma_semaphore, #tpu.memory_space<semaphore_mem>>)
      %dma_wait3A = arith.constant 0 : i32
      %dma_wait3A_149 = arith.constant 0 : i32
      %dma_wait3A_150 = arith.constant 0 : i32
      %dma_wait3A_151 = arith.constant 0 : i32
      %dma_wait3A_152 = arith.constant 0 : i32
      %dma_wait3A_153 = arith.constant 0 : i32
      %dma_wait3A_154 = arith.constant 0 : i32
      %dma_wait3A_155 = tpu.memref_slice %arg7[%dma_wait3A_151, %dma_wait3A_152, %dma_wait3A_153, %dma_wait3A_154] : memref<2x4x128x8xf32, #tpu.memory_space<vmem>> -> memref<1x1x128x8xf32, #tpu.memory_space<vmem>>
      %dma_wait3A_156 = tpu.memref_squeeze %dma_wait3A_155 : memref<1x1x128x8xf32, #tpu.memory_space<vmem>> -> memref<128x8xf32, #tpu.memory_space<vmem>>
      %dma_wait3A_157 = arith.constant 0 : i32
      %dma_wait3A_158 = tpu.memref_slice %arg6[%dma_wait3A, %dma_wait3A_149, %dma_wait3A_150, %dma_wait3A_157] : memref<2x4x2x128xi32, #tpu.memory_space<vmem>> -> memref<1x1x1x128xi32, #tpu.memory_space<vmem>>
      %dma_wait3A_159 = tpu.memref_squeeze %dma_wait3A_158 : memref<1x1x1x128xi32, #tpu.memory_space<vmem>> -> memref<128xi32, #tpu.memory_space<vmem>>
      %dma_wait3A_160 = arith.constant 0 : i32
      %dma_wait3A_161 = arith.constant 0 : i32
      %dma_wait3A_162 = tpu.memref_slice %arg3[%dma_wait3A_160, %dma_wait3A_161] : memref<100352x8xf32, #tpu.memory_space<hbm>> -> memref<100352x8xf32, #tpu.memory_space<hbm>>
      tpu.wait_indirect_dma semaphore(%arg9 : memref<!tpu.dma_semaphore, #tpu.memory_space<semaphore_mem>>) src(%dma_wait3A_162 : memref<100352x8xf32, #tpu.memory_space<hbm>>) dst(%dma_wait3A_156 : memref<128x8xf32, #tpu.memory_space<vmem>>)
      %dma_wait3A_163 = arith.constant 0 : i32
      %dma_wait3A_164 = arith.constant 1 : i32
      %dma_wait3A_165 = arith.constant 0 : i32
      %dma_wait3A_166 = arith.constant 0 : i32
      %dma_wait3A_167 = arith.constant 1 : i32
      %dma_wait3A_168 = arith.constant 0 : i32
      %dma_wait3A_169 = arith.constant 0 : i32
      %dma_wait3A_170 = tpu.memref_slice %arg7[%dma_wait3A_166, %dma_wait3A_167, %dma_wait3A_168, %dma_wait3A_169] : memref<2x4x128x8xf32, #tpu.memory_space<vmem>> -> memref<1x1x128x8xf32, #tpu.memory_space<vmem>>
      %dma_wait3A_171 = tpu.memref_squeeze %dma_wait3A_170 : memref<1x1x128x8xf32, #tpu.memory_space<vmem>> -> memref<128x8xf32, #tpu.memory_space<vmem>>
      %dma_wait3A_172 = arith.constant 0 : i32
      %dma_wait3A_173 = tpu.memref_slice %arg6[%dma_wait3A_163, %dma_wait3A_164, %dma_wait3A_165, %dma_wait3A_172] : memref<2x4x2x128xi32, #tpu.memory_space<vmem>> -> memref<1x1x1x128xi32, #tpu.memory_space<vmem>>
      %dma_wait3A_174 = tpu.memref_squeeze %dma_wait3A_173 : memref<1x1x1x128xi32, #tpu.memory_space<vmem>> -> memref<128xi32, #tpu.memory_space<vmem>>
      %dma_wait3A_175 = arith.constant 0 : i32
      %dma_wait3A_176 = arith.constant 0 : i32
      %dma_wait3A_177 = tpu.memref_slice %arg3[%dma_wait3A_175, %dma_wait3A_176] : memref<100352x8xf32, #tpu.memory_space<hbm>> -> memref<100352x8xf32, #tpu.memory_space<hbm>>
      tpu.wait_indirect_dma semaphore(%arg9 : memref<!tpu.dma_semaphore, #tpu.memory_space<semaphore_mem>>) src(%dma_wait3A_177 : memref<100352x8xf32, #tpu.memory_space<hbm>>) dst(%dma_wait3A_171 : memref<128x8xf32, #tpu.memory_space<vmem>>)
      %dma_wait3A_178 = arith.constant 0 : i32
      %dma_wait3A_179 = arith.constant 2 : i32
      %dma_wait3A_180 = arith.constant 0 : i32
      %dma_wait3A_181 = arith.constant 0 : i32
      %dma_wait3A_182 = arith.constant 2 : i32
      %dma_wait3A_183 = arith.constant 0 : i32
      %dma_wait3A_184 = arith.constant 0 : i32
      %dma_wait3A_185 = tpu.memref_slice %arg7[%dma_wait3A_181, %dma_wait3A_182, %dma_wait3A_183, %dma_wait3A_184] : memref<2x4x128x8xf32, #tpu.memory_space<vmem>> -> memref<1x1x128x8xf32, #tpu.memory_space<vmem>>
      %dma_wait3A_186 = tpu.memref_squeeze %dma_wait3A_185 : memref<1x1x128x8xf32, #tpu.memory_space<vmem>> -> memref<128x8xf32, #tpu.memory_space<vmem>>
      %dma_wait3A_187 = arith.constant 0 : i32
      %dma_wait3A_188 = tpu.memref_slice %arg6[%dma_wait3A_178, %dma_wait3A_179, %dma_wait3A_180, %dma_wait3A_187] : memref<2x4x2x128xi32, #tpu.memory_space<vmem>> -> memref<1x1x1x128xi32, #tpu.memory_space<vmem>>
      %dma_wait3A_189 = tpu.memref_squeeze %dma_wait3A_188 : memref<1x1x1x128xi32, #tpu.memory_space<vmem>> -> memref<128xi32, #tpu.memory_space<vmem>>
      %dma_wait3A_190 = arith.constant 0 : i32
      %dma_wait3A_191 = arith.constant 0 : i32
      %dma_wait3A_192 = tpu.memref_slice %arg3[%dma_wait3A_190, %dma_wait3A_191] : memref<100352x8xf32, #tpu.memory_space<hbm>> -> memref<100352x8xf32, #tpu.memory_space<hbm>>
      tpu.wait_indirect_dma semaphore(%arg9 : memref<!tpu.dma_semaphore, #tpu.memory_space<semaphore_mem>>) src(%dma_wait3A_192 : memref<100352x8xf32, #tpu.memory_space<hbm>>) dst(%dma_wait3A_186 : memref<128x8xf32, #tpu.memory_space<vmem>>)
      %dma_wait3A_193 = arith.constant 0 : i32
      %dma_wait3A_194 = arith.constant 3 : i32
      %dma_wait3A_195 = arith.constant 0 : i32
      %dma_wait3A_196 = arith.constant 0 : i32
      %dma_wait3A_197 = arith.constant 3 : i32
      %dma_wait3A_198 = arith.constant 0 : i32
      %dma_wait3A_199 = arith.constant 0 : i32
      %dma_wait3A_200 = tpu.memref_slice %arg7[%dma_wait3A_196, %dma_wait3A_197, %dma_wait3A_198, %dma_wait3A_199] : memref<2x4x128x8xf32, #tpu.memory_space<vmem>> -> memref<1x1x128x8xf32, #tpu.memory_space<vmem>>
      %dma_wait3A_201 = tpu.memref_squeeze %dma_wait3A_200 : memref<1x1x128x8xf32, #tpu.memory_space<vmem>> -> memref<128x8xf32, #tpu.memory_space<vmem>>
      %dma_wait3A_202 = arith.constant 0 : i32
      %dma_wait3A_203 = tpu.memref_slice %arg6[%dma_wait3A_193, %dma_wait3A_194, %dma_wait3A_195, %dma_wait3A_202] : memref<2x4x2x128xi32, #tpu.memory_space<vmem>> -> memref<1x1x1x128xi32, #tpu.memory_space<vmem>>
      %dma_wait3A_204 = tpu.memref_squeeze %dma_wait3A_203 : memref<1x1x1x128xi32, #tpu.memory_space<vmem>> -> memref<128xi32, #tpu.memory_space<vmem>>
      %dma_wait3A_205 = arith.constant 0 : i32
      %dma_wait3A_206 = arith.constant 0 : i32
      %dma_wait3A_207 = tpu.memref_slice %arg3[%dma_wait3A_205, %dma_wait3A_206] : memref<100352x8xf32, #tpu.memory_space<hbm>> -> memref<100352x8xf32, #tpu.memory_space<hbm>>
      tpu.wait_indirect_dma semaphore(%arg9 : memref<!tpu.dma_semaphore, #tpu.memory_space<semaphore_mem>>) src(%dma_wait3A_207 : memref<100352x8xf32, #tpu.memory_space<hbm>>) dst(%dma_wait3A_201 : memref<128x8xf32, #tpu.memory_space<vmem>>)
      %dma_start3A_208 = arith.constant 0 : i32
      %dma_start3A_209 = arith.constant 0 : i32
      %dma_start3A_210 = arith.constant 0 : i32
      %dma_start3A_211 = arith.constant 0 : i32
      %dma_start3A_212 = arith.constant 1 : i32
      %dma_start3A_213 = arith.constant 0 : i32
      %dma_start3A_214 = arith.constant 0 : i32
      %dma_start3A_215 = tpu.memref_slice %arg7[%dma_start3A_208, %dma_start3A_209, %dma_start3A_213, %dma_start3A_214] : memref<2x4x128x8xf32, #tpu.memory_space<vmem>> -> memref<1x1x128x8xf32, #tpu.memory_space<vmem>>
      %dma_start3A_216 = tpu.memref_squeeze %dma_start3A_215 : memref<1x1x128x8xf32, #tpu.memory_space<vmem>> -> memref<128x8xf32, #tpu.memory_space<vmem>>
      %dma_start3A_217 = arith.constant 0 : i32
      %dma_start3A_218 = tpu.memref_slice %arg6[%dma_start3A_210, %dma_start3A_211, %dma_start3A_212, %dma_start3A_217] : memref<2x4x2x128xi32, #tpu.memory_space<vmem>> -> memref<1x1x1x128xi32, #tpu.memory_space<vmem>>
      %dma_start3A_219 = tpu.memref_squeeze %dma_start3A_218 : memref<1x1x1x128xi32, #tpu.memory_space<vmem>> -> memref<128xi32, #tpu.memory_space<vmem>>
      %dma_start3A_220 = arith.constant 0 : i32
      %dma_start3A_221 = arith.constant 0 : i32
      %dma_start3A_222 = tpu.memref_slice %arg8[%dma_start3A_220, %dma_start3A_221] : memref<100352x8xf32, #tpu.memory_space<vmem_shared>> -> memref<100352x8xf32, #tpu.memory_space<vmem_shared>>
      tpu.enqueue_indirect_dma source(%dma_start3A_216 : memref<128x8xf32, #tpu.memory_space<vmem>>) target(%dma_start3A_222 : memref<100352x8xf32, #tpu.memory_space<vmem_shared>>) offsets(%dma_start3A_219 : memref<128xi32, #tpu.memory_space<vmem>>) semaphore(%arg11 : memref<!tpu.dma_semaphore, #tpu.memory_space<semaphore_mem>>) {add = true}
      %dma_start3A_223 = arith.constant 0 : i32
      %dma_start3A_224 = arith.constant 1 : i32
      %dma_start3A_225 = arith.constant 0 : i32
      %dma_start3A_226 = arith.constant 1 : i32
      %dma_start3A_227 = arith.constant 1 : i32
      %dma_start3A_228 = arith.constant 0 : i32
      %dma_start3A_229 = arith.constant 0 : i32
      %dma_start3A_230 = tpu.memref_slice %arg7[%dma_start3A_223, %dma_start3A_224, %dma_start3A_228, %dma_start3A_229] : memref<2x4x128x8xf32, #tpu.memory_space<vmem>> -> memref<1x1x128x8xf32, #tpu.memory_space<vmem>>
      %dma_start3A_231 = tpu.memref_squeeze %dma_start3A_230 : memref<1x1x128x8xf32, #tpu.memory_space<vmem>> -> memref<128x8xf32, #tpu.memory_space<vmem>>
      %dma_start3A_232 = arith.constant 0 : i32
      %dma_start3A_233 = tpu.memref_slice %arg6[%dma_start3A_225, %dma_start3A_226, %dma_start3A_227, %dma_start3A_232] : memref<2x4x2x128xi32, #tpu.memory_space<vmem>> -> memref<1x1x1x128xi32, #tpu.memory_space<vmem>>
      %dma_start3A_234 = tpu.memref_squeeze %dma_start3A_233 : memref<1x1x1x128xi32, #tpu.memory_space<vmem>> -> memref<128xi32, #tpu.memory_space<vmem>>
      %dma_start3A_235 = arith.constant 0 : i32
      %dma_start3A_236 = arith.constant 0 : i32
      %dma_start3A_237 = tpu.memref_slice %arg8[%dma_start3A_235, %dma_start3A_236] : memref<100352x8xf32, #tpu.memory_space<vmem_shared>> -> memref<100352x8xf32, #tpu.memory_space<vmem_shared>>
      tpu.enqueue_indirect_dma source(%dma_start3A_231 : memref<128x8xf32, #tpu.memory_space<vmem>>) target(%dma_start3A_237 : memref<100352x8xf32, #tpu.memory_space<vmem_shared>>) offsets(%dma_start3A_234 : memref<128xi32, #tpu.memory_space<vmem>>) semaphore(%arg11 : memref<!tpu.dma_semaphore, #tpu.memory_space<semaphore_mem>>) {add = true}
      %dma_start3A_238 = arith.constant 0 : i32
      %dma_start3A_239 = arith.constant 2 : i32
      %dma_start3A_240 = arith.constant 0 : i32
      %dma_start3A_241 = arith.constant 2 : i32
      %dma_start3A_242 = arith.constant 1 : i32
      %dma_start3A_243 = arith.constant 0 : i32
      %dma_start3A_244 = arith.constant 0 : i32
      %dma_start3A_245 = tpu.memref_slice %arg7[%dma_start3A_238, %dma_start3A_239, %dma_start3A_243, %dma_start3A_244] : memref<2x4x128x8xf32, #tpu.memory_space<vmem>> -> memref<1x1x128x8xf32, #tpu.memory_space<vmem>>
      %dma_start3A_246 = tpu.memref_squeeze %dma_start3A_245 : memref<1x1x128x8xf32, #tpu.memory_space<vmem>> -> memref<128x8xf32, #tpu.memory_space<vmem>>
      %dma_start3A_247 = arith.constant 0 : i32
      %dma_start3A_248 = tpu.memref_slice %arg6[%dma_start3A_240, %dma_start3A_241, %dma_start3A_242, %dma_start3A_247] : memref<2x4x2x128xi32, #tpu.memory_space<vmem>> -> memref<1x1x1x128xi32, #tpu.memory_space<vmem>>
      %dma_start3A_249 = tpu.memref_squeeze %dma_start3A_248 : memref<1x1x1x128xi32, #tpu.memory_space<vmem>> -> memref<128xi32, #tpu.memory_space<vmem>>
      %dma_start3A_250 = arith.constant 0 : i32
      %dma_start3A_251 = arith.constant 0 : i32
      %dma_start3A_252 = tpu.memref_slice %arg8[%dma_start3A_250, %dma_start3A_251] : memref<100352x8xf32, #tpu.memory_space<vmem_shared>> -> memref<100352x8xf32, #tpu.memory_space<vmem_shared>>
      tpu.enqueue_indirect_dma source(%dma_start3A_246 : memref<128x8xf32, #tpu.memory_space<vmem>>) target(%dma_start3A_252 : memref<100352x8xf32, #tpu.memory_space<vmem_shared>>) offsets(%dma_start3A_249 : memref<128xi32, #tpu.memory_space<vmem>>) semaphore(%arg11 : memref<!tpu.dma_semaphore, #tpu.memory_space<semaphore_mem>>) {add = true}
      %dma_start3A_253 = arith.constant 0 : i32
      %dma_start3A_254 = arith.constant 3 : i32
      %dma_start3A_255 = arith.constant 0 : i32
      %dma_start3A_256 = arith.constant 3 : i32
      %dma_start3A_257 = arith.constant 1 : i32
      %dma_start3A_258 = arith.constant 0 : i32
      %dma_start3A_259 = arith.constant 0 : i32
      %dma_start3A_260 = tpu.memref_slice %arg7[%dma_start3A_253, %dma_start3A_254, %dma_start3A_258, %dma_start3A_259] : memref<2x4x128x8xf32, #tpu.memory_space<vmem>> -> memref<1x1x128x8xf32, #tpu.memory_space<vmem>>
      %dma_start3A_261 = tpu.memref_squeeze %dma_start3A_260 : memref<1x1x128x8xf32, #tpu.memory_space<vmem>> -> memref<128x8xf32, #tpu.memory_space<vmem>>
      %dma_start3A_262 = arith.constant 0 : i32
      %dma_start3A_263 = tpu.memref_slice %arg6[%dma_start3A_255, %dma_start3A_256, %dma_start3A_257, %dma_start3A_262] : memref<2x4x2x128xi32, #tpu.memory_space<vmem>> -> memref<1x1x1x128xi32, #tpu.memory_space<vmem>>
      %dma_start3A_264 = tpu.memref_squeeze %dma_start3A_263 : memref<1x1x1x128xi32, #tpu.memory_space<vmem>> -> memref<128xi32, #tpu.memory_space<vmem>>
      %dma_start3A_265 = arith.constant 0 : i32
      %dma_start3A_266 = arith.constant 0 : i32
      %dma_start3A_267 = tpu.memref_slice %arg8[%dma_start3A_265, %dma_start3A_266] : memref<100352x8xf32, #tpu.memory_space<vmem_shared>> -> memref<100352x8xf32, #tpu.memory_space<vmem_shared>>
      tpu.enqueue_indirect_dma source(%dma_start3A_261 : memref<128x8xf32, #tpu.memory_space<vmem>>) target(%dma_start3A_267 : memref<100352x8xf32, #tpu.memory_space<vmem_shared>>) offsets(%dma_start3A_264 : memref<128xi32, #tpu.memory_space<vmem>>) semaphore(%arg11 : memref<!tpu.dma_semaphore, #tpu.memory_space<semaphore_mem>>) {add = true}
      %dma_wait3A_268 = arith.constant 1 : i32
      %dma_wait3A_269 = arith.constant 0 : i32
      %dma_wait3A_270 = arith.constant 0 : i32
      %dma_wait3A_271 = arith.constant 1 : i32
      %dma_wait3A_272 = arith.constant 0 : i32
      %dma_wait3A_273 = arith.constant 0 : i32
      %dma_wait3A_274 = arith.constant 0 : i32
      %dma_wait3A_275 = tpu.memref_slice %arg7[%dma_wait3A_271, %dma_wait3A_272, %dma_wait3A_273, %dma_wait3A_274] : memref<2x4x128x8xf32, #tpu.memory_space<vmem>> -> memref<1x1x128x8xf32, #tpu.memory_space<vmem>>
      %dma_wait3A_276 = tpu.memref_squeeze %dma_wait3A_275 : memref<1x1x128x8xf32, #tpu.memory_space<vmem>> -> memref<128x8xf32, #tpu.memory_space<vmem>>
      %dma_wait3A_277 = arith.constant 0 : i32
      %dma_wait3A_278 = tpu.memref_slice %arg6[%dma_wait3A_268, %dma_wait3A_269, %dma_wait3A_270, %dma_wait3A_277] : memref<2x4x2x128xi32, #tpu.memory_space<vmem>> -> memref<1x1x1x128xi32, #tpu.memory_space<vmem>>
      %dma_wait3A_279 = tpu.memref_squeeze %dma_wait3A_278 : memref<1x1x1x128xi32, #tpu.memory_space<vmem>> -> memref<128xi32, #tpu.memory_space<vmem>>
      %dma_wait3A_280 = arith.constant 0 : i32
      %dma_wait3A_281 = arith.constant 0 : i32
      %dma_wait3A_282 = tpu.memref_slice %arg3[%dma_wait3A_280, %dma_wait3A_281] : memref<100352x8xf32, #tpu.memory_space<hbm>> -> memref<100352x8xf32, #tpu.memory_space<hbm>>
      tpu.wait_indirect_dma semaphore(%arg10 : memref<!tpu.dma_semaphore, #tpu.memory_space<semaphore_mem>>) src(%dma_wait3A_282 : memref<100352x8xf32, #tpu.memory_space<hbm>>) dst(%dma_wait3A_276 : memref<128x8xf32, #tpu.memory_space<vmem>>)
      %dma_wait3A_283 = arith.constant 1 : i32
      %dma_wait3A_284 = arith.constant 1 : i32
      %dma_wait3A_285 = arith.constant 0 : i32
      %dma_wait3A_286 = arith.constant 1 : i32
      %dma_wait3A_287 = arith.constant 1 : i32
      %dma_wait3A_288 = arith.constant 0 : i32
      %dma_wait3A_289 = arith.constant 0 : i32
      %dma_wait3A_290 = tpu.memref_slice %arg7[%dma_wait3A_286, %dma_wait3A_287, %dma_wait3A_288, %dma_wait3A_289] : memref<2x4x128x8xf32, #tpu.memory_space<vmem>> -> memref<1x1x128x8xf32, #tpu.memory_space<vmem>>
      %dma_wait3A_291 = tpu.memref_squeeze %dma_wait3A_290 : memref<1x1x128x8xf32, #tpu.memory_space<vmem>> -> memref<128x8xf32, #tpu.memory_space<vmem>>
      %dma_wait3A_292 = arith.constant 0 : i32
      %dma_wait3A_293 = tpu.memref_slice %arg6[%dma_wait3A_283, %dma_wait3A_284, %dma_wait3A_285, %dma_wait3A_292] : memref<2x4x2x128xi32, #tpu.memory_space<vmem>> -> memref<1x1x1x128xi32, #tpu.memory_space<vmem>>
      %dma_wait3A_294 = tpu.memref_squeeze %dma_wait3A_293 : memref<1x1x1x128xi32, #tpu.memory_space<vmem>> -> memref<128xi32, #tpu.memory_space<vmem>>
      %dma_wait3A_295 = arith.constant 0 : i32
      %dma_wait3A_296 = arith.constant 0 : i32
      %dma_wait3A_297 = tpu.memref_slice %arg3[%dma_wait3A_295, %dma_wait3A_296] : memref<100352x8xf32, #tpu.memory_space<hbm>> -> memref<100352x8xf32, #tpu.memory_space<hbm>>
      tpu.wait_indirect_dma semaphore(%arg10 : memref<!tpu.dma_semaphore, #tpu.memory_space<semaphore_mem>>) src(%dma_wait3A_297 : memref<100352x8xf32, #tpu.memory_space<hbm>>) dst(%dma_wait3A_291 : memref<128x8xf32, #tpu.memory_space<vmem>>)
      %dma_wait3A_298 = arith.constant 1 : i32
      %dma_wait3A_299 = arith.constant 2 : i32
      %dma_wait3A_300 = arith.constant 0 : i32
      %dma_wait3A_301 = arith.constant 1 : i32
      %dma_wait3A_302 = arith.constant 2 : i32
      %dma_wait3A_303 = arith.constant 0 : i32
      %dma_wait3A_304 = arith.constant 0 : i32
      %dma_wait3A_305 = tpu.memref_slice %arg7[%dma_wait3A_301, %dma_wait3A_302, %dma_wait3A_303, %dma_wait3A_304] : memref<2x4x128x8xf32, #tpu.memory_space<vmem>> -> memref<1x1x128x8xf32, #tpu.memory_space<vmem>>
      %dma_wait3A_306 = tpu.memref_squeeze %dma_wait3A_305 : memref<1x1x128x8xf32, #tpu.memory_space<vmem>> -> memref<128x8xf32, #tpu.memory_space<vmem>>
      %dma_wait3A_307 = arith.constant 0 : i32
      %dma_wait3A_308 = tpu.memref_slice %arg6[%dma_wait3A_298, %dma_wait3A_299, %dma_wait3A_300, %dma_wait3A_307] : memref<2x4x2x128xi32, #tpu.memory_space<vmem>> -> memref<1x1x1x128xi32, #tpu.memory_space<vmem>>
      %dma_wait3A_309 = tpu.memref_squeeze %dma_wait3A_308 : memref<1x1x1x128xi32, #tpu.memory_space<vmem>> -> memref<128xi32, #tpu.memory_space<vmem>>
      %dma_wait3A_310 = arith.constant 0 : i32
      %dma_wait3A_311 = arith.constant 0 : i32
      %dma_wait3A_312 = tpu.memref_slice %arg3[%dma_wait3A_310, %dma_wait3A_311] : memref<100352x8xf32, #tpu.memory_space<hbm>> -> memref<100352x8xf32, #tpu.memory_space<hbm>>
      tpu.wait_indirect_dma semaphore(%arg10 : memref<!tpu.dma_semaphore, #tpu.memory_space<semaphore_mem>>) src(%dma_wait3A_312 : memref<100352x8xf32, #tpu.memory_space<hbm>>) dst(%dma_wait3A_306 : memref<128x8xf32, #tpu.memory_space<vmem>>)
      %dma_wait3A_313 = arith.constant 1 : i32
      %dma_wait3A_314 = arith.constant 3 : i32
      %dma_wait3A_315 = arith.constant 0 : i32
      %dma_wait3A_316 = arith.constant 1 : i32
      %dma_wait3A_317 = arith.constant 3 : i32
      %dma_wait3A_318 = arith.constant 0 : i32
      %dma_wait3A_319 = arith.constant 0 : i32
      %dma_wait3A_320 = tpu.memref_slice %arg7[%dma_wait3A_316, %dma_wait3A_317, %dma_wait3A_318, %dma_wait3A_319] : memref<2x4x128x8xf32, #tpu.memory_space<vmem>> -> memref<1x1x128x8xf32, #tpu.memory_space<vmem>>
      %dma_wait3A_321 = tpu.memref_squeeze %dma_wait3A_320 : memref<1x1x128x8xf32, #tpu.memory_space<vmem>> -> memref<128x8xf32, #tpu.memory_space<vmem>>
      %dma_wait3A_322 = arith.constant 0 : i32
      %dma_wait3A_323 = tpu.memref_slice %arg6[%dma_wait3A_313, %dma_wait3A_314, %dma_wait3A_315, %dma_wait3A_322] : memref<2x4x2x128xi32, #tpu.memory_space<vmem>> -> memref<1x1x1x128xi32, #tpu.memory_space<vmem>>
      %dma_wait3A_324 = tpu.memref_squeeze %dma_wait3A_323 : memref<1x1x1x128xi32, #tpu.memory_space<vmem>> -> memref<128xi32, #tpu.memory_space<vmem>>
      %dma_wait3A_325 = arith.constant 0 : i32
      %dma_wait3A_326 = arith.constant 0 : i32
      %dma_wait3A_327 = tpu.memref_slice %arg3[%dma_wait3A_325, %dma_wait3A_326] : memref<100352x8xf32, #tpu.memory_space<hbm>> -> memref<100352x8xf32, #tpu.memory_space<hbm>>
      tpu.wait_indirect_dma semaphore(%arg10 : memref<!tpu.dma_semaphore, #tpu.memory_space<semaphore_mem>>) src(%dma_wait3A_327 : memref<100352x8xf32, #tpu.memory_space<hbm>>) dst(%dma_wait3A_321 : memref<128x8xf32, #tpu.memory_space<vmem>>)
      %dma_start3A_328 = arith.constant 1 : i32
      %dma_start3A_329 = arith.constant 0 : i32
      %dma_start3A_330 = arith.constant 1 : i32
      %dma_start3A_331 = arith.constant 0 : i32
      %dma_start3A_332 = arith.constant 1 : i32
      %dma_start3A_333 = arith.constant 0 : i32
      %dma_start3A_334 = arith.constant 0 : i32
      %dma_start3A_335 = tpu.memref_slice %arg7[%dma_start3A_328, %dma_start3A_329, %dma_start3A_333, %dma_start3A_334] : memref<2x4x128x8xf32, #tpu.memory_space<vmem>> -> memref<1x1x128x8xf32, #tpu.memory_space<vmem>>
      %dma_start3A_336 = tpu.memref_squeeze %dma_start3A_335 : memref<1x1x128x8xf32, #tpu.memory_space<vmem>> -> memref<128x8xf32, #tpu.memory_space<vmem>>
      %dma_start3A_337 = arith.constant 0 : i32
      %dma_start3A_338 = tpu.memref_slice %arg6[%dma_start3A_330, %dma_start3A_331, %dma_start3A_332, %dma_start3A_337] : memref<2x4x2x128xi32, #tpu.memory_space<vmem>> -> memref<1x1x1x128xi32, #tpu.memory_space<vmem>>
      %dma_start3A_339 = tpu.memref_squeeze %dma_start3A_338 : memref<1x1x1x128xi32, #tpu.memory_space<vmem>> -> memref<128xi32, #tpu.memory_space<vmem>>
      %dma_start3A_340 = arith.constant 0 : i32
      %dma_start3A_341 = arith.constant 0 : i32
      %dma_start3A_342 = tpu.memref_slice %arg8[%dma_start3A_340, %dma_start3A_341] : memref<100352x8xf32, #tpu.memory_space<vmem_shared>> -> memref<100352x8xf32, #tpu.memory_space<vmem_shared>>
      tpu.enqueue_indirect_dma source(%dma_start3A_336 : memref<128x8xf32, #tpu.memory_space<vmem>>) target(%dma_start3A_342 : memref<100352x8xf32, #tpu.memory_space<vmem_shared>>) offsets(%dma_start3A_339 : memref<128xi32, #tpu.memory_space<vmem>>) semaphore(%arg11 : memref<!tpu.dma_semaphore, #tpu.memory_space<semaphore_mem>>) {add = true}
      %dma_start3A_343 = arith.constant 1 : i32
      %dma_start3A_344 = arith.constant 1 : i32
      %dma_start3A_345 = arith.constant 1 : i32
      %dma_start3A_346 = arith.constant 1 : i32
      %dma_start3A_347 = arith.constant 1 : i32
      %dma_start3A_348 = arith.constant 0 : i32
      %dma_start3A_349 = arith.constant 0 : i32
      %dma_start3A_350 = tpu.memref_slice %arg7[%dma_start3A_343, %dma_start3A_344, %dma_start3A_348, %dma_start3A_349] : memref<2x4x128x8xf32, #tpu.memory_space<vmem>> -> memref<1x1x128x8xf32, #tpu.memory_space<vmem>>
      %dma_start3A_351 = tpu.memref_squeeze %dma_start3A_350 : memref<1x1x128x8xf32, #tpu.memory_space<vmem>> -> memref<128x8xf32, #tpu.memory_space<vmem>>
      %dma_start3A_352 = arith.constant 0 : i32
      %dma_start3A_353 = tpu.memref_slice %arg6[%dma_start3A_345, %dma_start3A_346, %dma_start3A_347, %dma_start3A_352] : memref<2x4x2x128xi32, #tpu.memory_space<vmem>> -> memref<1x1x1x128xi32, #tpu.memory_space<vmem>>
      %dma_start3A_354 = tpu.memref_squeeze %dma_start3A_353 : memref<1x1x1x128xi32, #tpu.memory_space<vmem>> -> memref<128xi32, #tpu.memory_space<vmem>>
      %dma_start3A_355 = arith.constant 0 : i32
      %dma_start3A_356 = arith.constant 0 : i32
      %dma_start3A_357 = tpu.memref_slice %arg8[%dma_start3A_355, %dma_start3A_356] : memref<100352x8xf32, #tpu.memory_space<vmem_shared>> -> memref<100352x8xf32, #tpu.memory_space<vmem_shared>>
      tpu.enqueue_indirect_dma source(%dma_start3A_351 : memref<128x8xf32, #tpu.memory_space<vmem>>) target(%dma_start3A_357 : memref<100352x8xf32, #tpu.memory_space<vmem_shared>>) offsets(%dma_start3A_354 : memref<128xi32, #tpu.memory_space<vmem>>) semaphore(%arg11 : memref<!tpu.dma_semaphore, #tpu.memory_space<semaphore_mem>>) {add = true}
      %dma_start3A_358 = arith.constant 1 : i32
      %dma_start3A_359 = arith.constant 2 : i32
      %dma_start3A_360 = arith.constant 1 : i32
      %dma_start3A_361 = arith.constant 2 : i32
      %dma_start3A_362 = arith.constant 1 : i32
      %dma_start3A_363 = arith.constant 0 : i32
      %dma_start3A_364 = arith.constant 0 : i32
      %dma_start3A_365 = tpu.memref_slice %arg7[%dma_start3A_358, %dma_start3A_359, %dma_start3A_363, %dma_start3A_364] : memref<2x4x128x8xf32, #tpu.memory_space<vmem>> -> memref<1x1x128x8xf32, #tpu.memory_space<vmem>>
      %dma_start3A_366 = tpu.memref_squeeze %dma_start3A_365 : memref<1x1x128x8xf32, #tpu.memory_space<vmem>> -> memref<128x8xf32, #tpu.memory_space<vmem>>
      %dma_start3A_367 = arith.constant 0 : i32
      %dma_start3A_368 = tpu.memref_slice %arg6[%dma_start3A_360, %dma_start3A_361, %dma_start3A_362, %dma_start3A_367] : memref<2x4x2x128xi32, #tpu.memory_space<vmem>> -> memref<1x1x1x128xi32, #tpu.memory_space<vmem>>
      %dma_start3A_369 = tpu.memref_squeeze %dma_start3A_368 : memref<1x1x1x128xi32, #tpu.memory_space<vmem>> -> memref<128xi32, #tpu.memory_space<vmem>>
      %dma_start3A_370 = arith.constant 0 : i32
      %dma_start3A_371 = arith.constant 0 : i32
      %dma_start3A_372 = tpu.memref_slice %arg8[%dma_start3A_370, %dma_start3A_371] : memref<100352x8xf32, #tpu.memory_space<vmem_shared>> -> memref<100352x8xf32, #tpu.memory_space<vmem_shared>>
      tpu.enqueue_indirect_dma source(%dma_start3A_366 : memref<128x8xf32, #tpu.memory_space<vmem>>) target(%dma_start3A_372 : memref<100352x8xf32, #tpu.memory_space<vmem_shared>>) offsets(%dma_start3A_369 : memref<128xi32, #tpu.memory_space<vmem>>) semaphore(%arg11 : memref<!tpu.dma_semaphore, #tpu.memory_space<semaphore_mem>>) {add = true}
      %dma_start3A_373 = arith.constant 1 : i32
      %dma_start3A_374 = arith.constant 3 : i32
      %dma_start3A_375 = arith.constant 1 : i32
      %dma_start3A_376 = arith.constant 3 : i32
      %dma_start3A_377 = arith.constant 1 : i32
      %dma_start3A_378 = arith.constant 0 : i32
      %dma_start3A_379 = arith.constant 0 : i32
      %dma_start3A_380 = tpu.memref_slice %arg7[%dma_start3A_373, %dma_start3A_374, %dma_start3A_378, %dma_start3A_379] : memref<2x4x128x8xf32, #tpu.memory_space<vmem>> -> memref<1x1x128x8xf32, #tpu.memory_space<vmem>>
      %dma_start3A_381 = tpu.memref_squeeze %dma_start3A_380 : memref<1x1x128x8xf32, #tpu.memory_space<vmem>> -> memref<128x8xf32, #tpu.memory_space<vmem>>
      %dma_start3A_382 = arith.constant 0 : i32
      %dma_start3A_383 = tpu.memref_slice %arg6[%dma_start3A_375, %dma_start3A_376, %dma_start3A_377, %dma_start3A_382] : memref<2x4x2x128xi32, #tpu.memory_space<vmem>> -> memref<1x1x1x128xi32, #tpu.memory_space<vmem>>
      %dma_start3A_384 = tpu.memref_squeeze %dma_start3A_383 : memref<1x1x1x128xi32, #tpu.memory_space<vmem>> -> memref<128xi32, #tpu.memory_space<vmem>>
      %dma_start3A_385 = arith.constant 0 : i32
      %dma_start3A_386 = arith.constant 0 : i32
      %dma_start3A_387 = tpu.memref_slice %arg8[%dma_start3A_385, %dma_start3A_386] : memref<100352x8xf32, #tpu.memory_space<vmem_shared>> -> memref<100352x8xf32, #tpu.memory_space<vmem_shared>>
      tpu.enqueue_indirect_dma source(%dma_start3A_381 : memref<128x8xf32, #tpu.memory_space<vmem>>) target(%dma_start3A_387 : memref<100352x8xf32, #tpu.memory_space<vmem_shared>>) offsets(%dma_start3A_384 : memref<128xi32, #tpu.memory_space<vmem>>) semaphore(%arg11 : memref<!tpu.dma_semaphore, #tpu.memory_space<semaphore_mem>>) {add = true}
      %dma_wait3A_388 = arith.constant 0 : i32
      %dma_wait3A_389 = arith.constant 0 : i32
      %dma_wait3A_390 = arith.constant 0 : i32
      %dma_wait3A_391 = arith.constant 0 : i32
      %dma_wait3A_392 = arith.constant 1 : i32
      %dma_wait3A_393 = arith.constant 0 : i32
      %dma_wait3A_394 = arith.constant 0 : i32
      %dma_wait3A_395 = tpu.memref_slice %arg7[%dma_wait3A_388, %dma_wait3A_389, %dma_wait3A_393, %dma_wait3A_394] : memref<2x4x128x8xf32, #tpu.memory_space<vmem>> -> memref<1x1x128x8xf32, #tpu.memory_space<vmem>>
      %dma_wait3A_396 = tpu.memref_squeeze %dma_wait3A_395 : memref<1x1x128x8xf32, #tpu.memory_space<vmem>> -> memref<128x8xf32, #tpu.memory_space<vmem>>
      %dma_wait3A_397 = arith.constant 0 : i32
      %dma_wait3A_398 = tpu.memref_slice %arg6[%dma_wait3A_390, %dma_wait3A_391, %dma_wait3A_392, %dma_wait3A_397] : memref<2x4x2x128xi32, #tpu.memory_space<vmem>> -> memref<1x1x1x128xi32, #tpu.memory_space<vmem>>
      %dma_wait3A_399 = tpu.memref_squeeze %dma_wait3A_398 : memref<1x1x1x128xi32, #tpu.memory_space<vmem>> -> memref<128xi32, #tpu.memory_space<vmem>>
      %dma_wait3A_400 = arith.constant 0 : i32
      %dma_wait3A_401 = arith.constant 0 : i32
      %dma_wait3A_402 = tpu.memref_slice %arg8[%dma_wait3A_400, %dma_wait3A_401] : memref<100352x8xf32, #tpu.memory_space<vmem_shared>> -> memref<100352x8xf32, #tpu.memory_space<vmem_shared>>
      tpu.wait_indirect_dma semaphore(%arg11 : memref<!tpu.dma_semaphore, #tpu.memory_space<semaphore_mem>>) src(%dma_wait3A_396 : memref<128x8xf32, #tpu.memory_space<vmem>>) dst(%dma_wait3A_402 : memref<100352x8xf32, #tpu.memory_space<vmem_shared>>)
      %dma_wait3A_403 = arith.constant 0 : i32
      %dma_wait3A_404 = arith.constant 1 : i32
      %dma_wait3A_405 = arith.constant 0 : i32
      %dma_wait3A_406 = arith.constant 1 : i32
      %dma_wait3A_407 = arith.constant 1 : i32
      %dma_wait3A_408 = arith.constant 0 : i32
      %dma_wait3A_409 = arith.constant 0 : i32
      %dma_wait3A_410 = tpu.memref_slice %arg7[%dma_wait3A_403, %dma_wait3A_404, %dma_wait3A_408, %dma_wait3A_409] : memref<2x4x128x8xf32, #tpu.memory_space<vmem>> -> memref<1x1x128x8xf32, #tpu.memory_space<vmem>>
      %dma_wait3A_411 = tpu.memref_squeeze %dma_wait3A_410 : memref<1x1x128x8xf32, #tpu.memory_space<vmem>> -> memref<128x8xf32, #tpu.memory_space<vmem>>
      %dma_wait3A_412 = arith.constant 0 : i32
      %dma_wait3A_413 = tpu.memref_slice %arg6[%dma_wait3A_405, %dma_wait3A_406, %dma_wait3A_407, %dma_wait3A_412] : memref<2x4x2x128xi32, #tpu.memory_space<vmem>> -> memref<1x1x1x128xi32, #tpu.memory_space<vmem>>
      %dma_wait3A_414 = tpu.memref_squeeze %dma_wait3A_413 : memref<1x1x1x128xi32, #tpu.memory_space<vmem>> -> memref<128xi32, #tpu.memory_space<vmem>>
      %dma_wait3A_415 = arith.constant 0 : i32
      %dma_wait3A_416 = arith.constant 0 : i32
      %dma_wait3A_417 = tpu.memref_slice %arg8[%dma_wait3A_415, %dma_wait3A_416] : memref<100352x8xf32, #tpu.memory_space<vmem_shared>> -> memref<100352x8xf32, #tpu.memory_space<vmem_shared>>
      tpu.wait_indirect_dma semaphore(%arg11 : memref<!tpu.dma_semaphore, #tpu.memory_space<semaphore_mem>>) src(%dma_wait3A_411 : memref<128x8xf32, #tpu.memory_space<vmem>>) dst(%dma_wait3A_417 : memref<100352x8xf32, #tpu.memory_space<vmem_shared>>)
      %dma_wait3A_418 = arith.constant 0 : i32
      %dma_wait3A_419 = arith.constant 2 : i32
      %dma_wait3A_420 = arith.constant 0 : i32
      %dma_wait3A_421 = arith.constant 2 : i32
      %dma_wait3A_422 = arith.constant 1 : i32
      %dma_wait3A_423 = arith.constant 0 : i32
      %dma_wait3A_424 = arith.constant 0 : i32
      %dma_wait3A_425 = tpu.memref_slice %arg7[%dma_wait3A_418, %dma_wait3A_419, %dma_wait3A_423, %dma_wait3A_424] : memref<2x4x128x8xf32, #tpu.memory_space<vmem>> -> memref<1x1x128x8xf32, #tpu.memory_space<vmem>>
      %dma_wait3A_426 = tpu.memref_squeeze %dma_wait3A_425 : memref<1x1x128x8xf32, #tpu.memory_space<vmem>> -> memref<128x8xf32, #tpu.memory_space<vmem>>
      %dma_wait3A_427 = arith.constant 0 : i32
      %dma_wait3A_428 = tpu.memref_slice %arg6[%dma_wait3A_420, %dma_wait3A_421, %dma_wait3A_422, %dma_wait3A_427] : memref<2x4x2x128xi32, #tpu.memory_space<vmem>> -> memref<1x1x1x128xi32, #tpu.memory_space<vmem>>
      %dma_wait3A_429 = tpu.memref_squeeze %dma_wait3A_428 : memref<1x1x1x128xi32, #tpu.memory_space<vmem>> -> memref<128xi32, #tpu.memory_space<vmem>>
      %dma_wait3A_430 = arith.constant 0 : i32
      %dma_wait3A_431 = arith.constant 0 : i32
      %dma_wait3A_432 = tpu.memref_slice %arg8[%dma_wait3A_430, %dma_wait3A_431] : memref<100352x8xf32, #tpu.memory_space<vmem_shared>> -> memref<100352x8xf32, #tpu.memory_space<vmem_shared>>
      tpu.wait_indirect_dma semaphore(%arg11 : memref<!tpu.dma_semaphore, #tpu.memory_space<semaphore_mem>>) src(%dma_wait3A_426 : memref<128x8xf32, #tpu.memory_space<vmem>>) dst(%dma_wait3A_432 : memref<100352x8xf32, #tpu.memory_space<vmem_shared>>)
      %dma_wait3A_433 = arith.constant 0 : i32
      %dma_wait3A_434 = arith.constant 3 : i32
      %dma_wait3A_435 = arith.constant 0 : i32
      %dma_wait3A_436 = arith.constant 3 : i32
      %dma_wait3A_437 = arith.constant 1 : i32
      %dma_wait3A_438 = arith.constant 0 : i32
      %dma_wait3A_439 = arith.constant 0 : i32
      %dma_wait3A_440 = tpu.memref_slice %arg7[%dma_wait3A_433, %dma_wait3A_434, %dma_wait3A_438, %dma_wait3A_439] : memref<2x4x128x8xf32, #tpu.memory_space<vmem>> -> memref<1x1x128x8xf32, #tpu.memory_space<vmem>>
      %dma_wait3A_441 = tpu.memref_squeeze %dma_wait3A_440 : memref<1x1x128x8xf32, #tpu.memory_space<vmem>> -> memref<128x8xf32, #tpu.memory_space<vmem>>
      %dma_wait3A_442 = arith.constant 0 : i32
      %dma_wait3A_443 = tpu.memref_slice %arg6[%dma_wait3A_435, %dma_wait3A_436, %dma_wait3A_437, %dma_wait3A_442] : memref<2x4x2x128xi32, #tpu.memory_space<vmem>> -> memref<1x1x1x128xi32, #tpu.memory_space<vmem>>
      %dma_wait3A_444 = tpu.memref_squeeze %dma_wait3A_443 : memref<1x1x1x128xi32, #tpu.memory_space<vmem>> -> memref<128xi32, #tpu.memory_space<vmem>>
      %dma_wait3A_445 = arith.constant 0 : i32
      %dma_wait3A_446 = arith.constant 0 : i32
      %dma_wait3A_447 = tpu.memref_slice %arg8[%dma_wait3A_445, %dma_wait3A_446] : memref<100352x8xf32, #tpu.memory_space<vmem_shared>> -> memref<100352x8xf32, #tpu.memory_space<vmem_shared>>
      tpu.wait_indirect_dma semaphore(%arg11 : memref<!tpu.dma_semaphore, #tpu.memory_space<semaphore_mem>>) src(%dma_wait3A_441 : memref<128x8xf32, #tpu.memory_space<vmem>>) dst(%dma_wait3A_447 : memref<100352x8xf32, #tpu.memory_space<vmem_shared>>)
      %dma_wait3A_448 = arith.constant 1 : i32
      %dma_wait3A_449 = arith.constant 0 : i32
      %dma_wait3A_450 = arith.constant 1 : i32
      %dma_wait3A_451 = arith.constant 0 : i32
      %dma_wait3A_452 = arith.constant 1 : i32
      %dma_wait3A_453 = arith.constant 0 : i32
      %dma_wait3A_454 = arith.constant 0 : i32
      %dma_wait3A_455 = tpu.memref_slice %arg7[%dma_wait3A_448, %dma_wait3A_449, %dma_wait3A_453, %dma_wait3A_454] : memref<2x4x128x8xf32, #tpu.memory_space<vmem>> -> memref<1x1x128x8xf32, #tpu.memory_space<vmem>>
      %dma_wait3A_456 = tpu.memref_squeeze %dma_wait3A_455 : memref<1x1x128x8xf32, #tpu.memory_space<vmem>> -> memref<128x8xf32, #tpu.memory_space<vmem>>
      %dma_wait3A_457 = arith.constant 0 : i32
      %dma_wait3A_458 = tpu.memref_slice %arg6[%dma_wait3A_450, %dma_wait3A_451, %dma_wait3A_452, %dma_wait3A_457] : memref<2x4x2x128xi32, #tpu.memory_space<vmem>> -> memref<1x1x1x128xi32, #tpu.memory_space<vmem>>
      %dma_wait3A_459 = tpu.memref_squeeze %dma_wait3A_458 : memref<1x1x1x128xi32, #tpu.memory_space<vmem>> -> memref<128xi32, #tpu.memory_space<vmem>>
      %dma_wait3A_460 = arith.constant 0 : i32
      %dma_wait3A_461 = arith.constant 0 : i32
      %dma_wait3A_462 = tpu.memref_slice %arg8[%dma_wait3A_460, %dma_wait3A_461] : memref<100352x8xf32, #tpu.memory_space<vmem_shared>> -> memref<100352x8xf32, #tpu.memory_space<vmem_shared>>
      tpu.wait_indirect_dma semaphore(%arg11 : memref<!tpu.dma_semaphore, #tpu.memory_space<semaphore_mem>>) src(%dma_wait3A_456 : memref<128x8xf32, #tpu.memory_space<vmem>>) dst(%dma_wait3A_462 : memref<100352x8xf32, #tpu.memory_space<vmem_shared>>)
      %dma_wait3A_463 = arith.constant 1 : i32
      %dma_wait3A_464 = arith.constant 1 : i32
      %dma_wait3A_465 = arith.constant 1 : i32
      %dma_wait3A_466 = arith.constant 1 : i32
      %dma_wait3A_467 = arith.constant 1 : i32
      %dma_wait3A_468 = arith.constant 0 : i32
      %dma_wait3A_469 = arith.constant 0 : i32
      %dma_wait3A_470 = tpu.memref_slice %arg7[%dma_wait3A_463, %dma_wait3A_464, %dma_wait3A_468, %dma_wait3A_469] : memref<2x4x128x8xf32, #tpu.memory_space<vmem>> -> memref<1x1x128x8xf32, #tpu.memory_space<vmem>>
      %dma_wait3A_471 = tpu.memref_squeeze %dma_wait3A_470 : memref<1x1x128x8xf32, #tpu.memory_space<vmem>> -> memref<128x8xf32, #tpu.memory_space<vmem>>
      %dma_wait3A_472 = arith.constant 0 : i32
      %dma_wait3A_473 = tpu.memref_slice %arg6[%dma_wait3A_465, %dma_wait3A_466, %dma_wait3A_467, %dma_wait3A_472] : memref<2x4x2x128xi32, #tpu.memory_space<vmem>> -> memref<1x1x1x128xi32, #tpu.memory_space<vmem>>
      %dma_wait3A_474 = tpu.memref_squeeze %dma_wait3A_473 : memref<1x1x1x128xi32, #tpu.memory_space<vmem>> -> memref<128xi32, #tpu.memory_space<vmem>>
      %dma_wait3A_475 = arith.constant 0 : i32
      %dma_wait3A_476 = arith.constant 0 : i32
      %dma_wait3A_477 = tpu.memref_slice %arg8[%dma_wait3A_475, %dma_wait3A_476] : memref<100352x8xf32, #tpu.memory_space<vmem_shared>> -> memref<100352x8xf32, #tpu.memory_space<vmem_shared>>
      tpu.wait_indirect_dma semaphore(%arg11 : memref<!tpu.dma_semaphore, #tpu.memory_space<semaphore_mem>>) src(%dma_wait3A_471 : memref<128x8xf32, #tpu.memory_space<vmem>>) dst(%dma_wait3A_477 : memref<100352x8xf32, #tpu.memory_space<vmem_shared>>)
      %dma_wait3A_478 = arith.constant 1 : i32
      %dma_wait3A_479 = arith.constant 2 : i32
      %dma_wait3A_480 = arith.constant 1 : i32
      %dma_wait3A_481 = arith.constant 2 : i32
      %dma_wait3A_482 = arith.constant 1 : i32
      %dma_wait3A_483 = arith.constant 0 : i32
      %dma_wait3A_484 = arith.constant 0 : i32
      %dma_wait3A_485 = tpu.memref_slice %arg7[%dma_wait3A_478, %dma_wait3A_479, %dma_wait3A_483, %dma_wait3A_484] : memref<2x4x128x8xf32, #tpu.memory_space<vmem>> -> memref<1x1x128x8xf32, #tpu.memory_space<vmem>>
      %dma_wait3A_486 = tpu.memref_squeeze %dma_wait3A_485 : memref<1x1x128x8xf32, #tpu.memory_space<vmem>> -> memref<128x8xf32, #tpu.memory_space<vmem>>
      %dma_wait3A_487 = arith.constant 0 : i32
      %dma_wait3A_488 = tpu.memref_slice %arg6[%dma_wait3A_480, %dma_wait3A_481, %dma_wait3A_482, %dma_wait3A_487] : memref<2x4x2x128xi32, #tpu.memory_space<vmem>> -> memref<1x1x1x128xi32, #tpu.memory_space<vmem>>
      %dma_wait3A_489 = tpu.memref_squeeze %dma_wait3A_488 : memref<1x1x1x128xi32, #tpu.memory_space<vmem>> -> memref<128xi32, #tpu.memory_space<vmem>>
      %dma_wait3A_490 = arith.constant 0 : i32
      %dma_wait3A_491 = arith.constant 0 : i32
      %dma_wait3A_492 = tpu.memref_slice %arg8[%dma_wait3A_490, %dma_wait3A_491] : memref<100352x8xf32, #tpu.memory_space<vmem_shared>> -> memref<100352x8xf32, #tpu.memory_space<vmem_shared>>
      tpu.wait_indirect_dma semaphore(%arg11 : memref<!tpu.dma_semaphore, #tpu.memory_space<semaphore_mem>>) src(%dma_wait3A_486 : memref<128x8xf32, #tpu.memory_space<vmem>>) dst(%dma_wait3A_492 : memref<100352x8xf32, #tpu.memory_space<vmem_shared>>)
      %dma_wait3A_493 = arith.constant 1 : i32
      %dma_wait3A_494 = arith.constant 3 : i32
      %dma_wait3A_495 = arith.constant 1 : i32
      %dma_wait3A_496 = arith.constant 3 : i32
      %dma_wait3A_497 = arith.constant 1 : i32
      %dma_wait3A_498 = arith.constant 0 : i32
      %dma_wait3A_499 = arith.constant 0 : i32
      %dma_wait3A_500 = tpu.memref_slice %arg7[%dma_wait3A_493, %dma_wait3A_494, %dma_wait3A_498, %dma_wait3A_499] : memref<2x4x128x8xf32, #tpu.memory_space<vmem>> -> memref<1x1x128x8xf32, #tpu.memory_space<vmem>>
      %dma_wait3A_501 = tpu.memref_squeeze %dma_wait3A_500 : memref<1x1x128x8xf32, #tpu.memory_space<vmem>> -> memref<128x8xf32, #tpu.memory_space<vmem>>
      %dma_wait3A_502 = arith.constant 0 : i32
      %dma_wait3A_503 = tpu.memref_slice %arg6[%dma_wait3A_495, %dma_wait3A_496, %dma_wait3A_497, %dma_wait3A_502] : memref<2x4x2x128xi32, #tpu.memory_space<vmem>> -> memref<1x1x1x128xi32, #tpu.memory_space<vmem>>
      %dma_wait3A_504 = tpu.memref_squeeze %dma_wait3A_503 : memref<1x1x1x128xi32, #tpu.memory_space<vmem>> -> memref<128xi32, #tpu.memory_space<vmem>>
      %dma_wait3A_505 = arith.constant 0 : i32
      %dma_wait3A_506 = arith.constant 0 : i32
      %dma_wait3A_507 = tpu.memref_slice %arg8[%dma_wait3A_505, %dma_wait3A_506] : memref<100352x8xf32, #tpu.memory_space<vmem_shared>> -> memref<100352x8xf32, #tpu.memory_space<vmem_shared>>
      tpu.wait_indirect_dma semaphore(%arg11 : memref<!tpu.dma_semaphore, #tpu.memory_space<semaphore_mem>>) src(%dma_wait3A_501 : memref<128x8xf32, #tpu.memory_space<vmem>>) dst(%dma_wait3A_507 : memref<100352x8xf32, #tpu.memory_space<vmem_shared>>)
    }
    %while3A_19 = arith.constant 1 : i32
    scf.for %while3A_21 = %while3A_17 to %while3A_13 step %while3A_19  : i32 {
      %mul3A_22 = arith.constant 8 : i32
      %mul3A_23 = arith.muli %while3A_21, %mul3A_22 : i32
      %add3A_24 = arith.addi %select_n3A, %mul3A_23 : i32
      %add3A_25 = arith.constant 0 : i32
      %add3A_26 = arith.addi %add3A_24, %add3A_25 : i32
      %run_scoped3A = arith.constant 0 : i32
      "tpu.region"() ({
        %run_scoped3A_508 = tpu.sem_alloc : memref<!tpu.dma_semaphore, #tpu.memory_space<semaphore_mem>>
        %dma_start3A_509 = arith.constant 0 : i32
        %dma_start3A_510 = arith.constant 0 : i32
        %dma_start3A_511 = arith.constant 0 : i32
        %dma_start3A_512 = tpu.memref_slice %arg6[%run_scoped3A, %dma_start3A_509, %dma_start3A_510, %dma_start3A_511] : memref<2x4x2x128xi32, #tpu.memory_space<vmem>> -> memref<1x4x2x128xi32, #tpu.memory_space<vmem>>
        %dma_start3A_513 = tpu.memref_squeeze %dma_start3A_512 : memref<1x4x2x128xi32, #tpu.memory_space<vmem>> -> memref<4x2x128xi32, #tpu.memory_space<vmem>>
        %dma_start3A_514 = arith.constant 0 : i32
        %dma_start3A_515 = arith.constant 0 : i32
        %dma_start3A_516 = tpu.memref_slice %arg2[%add3A_26, %dma_start3A_514, %dma_start3A_515] : memref<25088x2x128xi32, #tpu.memory_space<hbm>> -> memref<4x2x128xi32, #tpu.memory_space<hbm>>
        %dma_start3A_517 = arith.constant 0 : i32
        %dma_start3A_518 = arith.constant 0 : i32
        %dma_start3A_519 = arith.constant 0 : i32
        %dma_start3A_520 = tpu.memref_slice %arg6[%run_scoped3A, %dma_start3A_517, %dma_start3A_518, %dma_start3A_519] : memref<2x4x2x128xi32, #tpu.memory_space<vmem>> -> memref<1x4x2x128xi32, #tpu.memory_space<vmem>>
        %dma_start3A_521 = tpu.memref_squeeze %dma_start3A_520 : memref<1x4x2x128xi32, #tpu.memory_space<vmem>> -> memref<4x2x128xi32, #tpu.memory_space<vmem>>
        %dma_start3A_522 = arith.constant 0 : i32
        %dma_start3A_523 = arith.constant 0 : i32
        %dma_start3A_524 = tpu.memref_slice %arg2[%add3A_26, %dma_start3A_522, %dma_start3A_523] : memref<25088x2x128xi32, #tpu.memory_space<hbm>> -> memref<4x2x128xi32, #tpu.memory_space<hbm>>
        tpu.enqueue_dma source(%dma_start3A_524 : memref<4x2x128xi32, #tpu.memory_space<hbm>>) target(%dma_start3A_521 : memref<4x2x128xi32, #tpu.memory_space<vmem>>) target_semaphore(%run_scoped3A_508 : memref<!tpu.dma_semaphore, #tpu.memory_space<semaphore_mem>>)
        %dma_wait3A_525 = arith.constant 0 : i32
        %dma_wait3A_526 = arith.constant 0 : i32
        %dma_wait3A_527 = arith.constant 0 : i32
        %dma_wait3A_528 = tpu.memref_slice %arg6[%run_scoped3A, %dma_wait3A_525, %dma_wait3A_526, %dma_wait3A_527] : memref<2x4x2x128xi32, #tpu.memory_space<vmem>> -> memref<1x4x2x128xi32, #tpu.memory_space<vmem>>
        %dma_wait3A_529 = tpu.memref_squeeze %dma_wait3A_528 : memref<1x4x2x128xi32, #tpu.memory_space<vmem>> -> memref<4x2x128xi32, #tpu.memory_space<vmem>>
        %dma_wait3A_530 = arith.constant 0 : i32
        %dma_wait3A_531 = arith.constant 0 : i32
        %dma_wait3A_532 = tpu.memref_slice %arg2[%add3A_26, %dma_wait3A_530, %dma_wait3A_531] : memref<25088x2x128xi32, #tpu.memory_space<hbm>> -> memref<4x2x128xi32, #tpu.memory_space<hbm>>
        %dma_wait3A_533 = arith.constant 0 : i32
        %dma_wait3A_534 = arith.constant 0 : i32
        %dma_wait3A_535 = arith.constant 0 : i32
        %dma_wait3A_536 = tpu.memref_slice %arg6[%run_scoped3A, %dma_wait3A_533, %dma_wait3A_534, %dma_wait3A_535] : memref<2x4x2x128xi32, #tpu.memory_space<vmem>> -> memref<1x4x2x128xi32, #tpu.memory_space<vmem>>
        %dma_wait3A_537 = tpu.memref_squeeze %dma_wait3A_536 : memref<1x4x2x128xi32, #tpu.memory_space<vmem>> -> memref<4x2x128xi32, #tpu.memory_space<vmem>>
        %dma_wait3A_538 = arith.constant 0 : i32
        %dma_wait3A_539 = arith.constant 0 : i32
        %dma_wait3A_540 = tpu.memref_slice %arg2[%add3A_26, %dma_wait3A_538, %dma_wait3A_539] : memref<25088x2x128xi32, #tpu.memory_space<hbm>> -> memref<4x2x128xi32, #tpu.memory_space<hbm>>
        tpu.wait_dma2 semaphore(%run_scoped3A_508 : memref<!tpu.dma_semaphore, #tpu.memory_space<semaphore_mem>>) src(%dma_wait3A_540 : memref<4x2x128xi32, #tpu.memory_space<hbm>>) dst(%dma_wait3A_537 : memref<4x2x128xi32, #tpu.memory_space<vmem>>)
        tpu.yield
      }) : () -> ()
      %dma_start3A = arith.constant 0 : i32
      %dma_start3A_27 = arith.constant 0 : i32
      %dma_start3A_28 = arith.constant 0 : i32
      %dma_start3A_29 = arith.constant 0 : i32
      %dma_start3A_30 = arith.constant 0 : i32
      %dma_start3A_31 = arith.constant 0 : i32
      %dma_start3A_32 = arith.constant 0 : i32
      %dma_start3A_33 = tpu.memref_slice %arg7[%dma_start3A_29, %dma_start3A_30, %dma_start3A_31, %dma_start3A_32] : memref<2x4x128x8xf32, #tpu.memory_space<vmem>> -> memref<1x1x128x8xf32, #tpu.memory_space<vmem>>
      %dma_start3A_34 = tpu.memref_squeeze %dma_start3A_33 : memref<1x1x128x8xf32, #tpu.memory_space<vmem>> -> memref<128x8xf32, #tpu.memory_space<vmem>>
      %dma_start3A_35 = arith.constant 0 : i32
      %dma_start3A_36 = tpu.memref_slice %arg6[%dma_start3A, %dma_start3A_27, %dma_start3A_28, %dma_start3A_35] : memref<2x4x2x128xi32, #tpu.memory_space<vmem>> -> memref<1x1x1x128xi32, #tpu.memory_space<vmem>>
      %dma_start3A_37 = tpu.memref_squeeze %dma_start3A_36 : memref<1x1x1x128xi32, #tpu.memory_space<vmem>> -> memref<128xi32, #tpu.memory_space<vmem>>
      %dma_start3A_38 = arith.constant 0 : i32
      %dma_start3A_39 = arith.constant 0 : i32
      %dma_start3A_40 = tpu.memref_slice %arg3[%dma_start3A_38, %dma_start3A_39] : memref<100352x8xf32, #tpu.memory_space<hbm>> -> memref<100352x8xf32, #tpu.memory_space<hbm>>
      tpu.enqueue_indirect_dma source(%dma_start3A_40 : memref<100352x8xf32, #tpu.memory_space<hbm>>) target(%dma_start3A_34 : memref<128x8xf32, #tpu.memory_space<vmem>>) offsets(%dma_start3A_37 : memref<128xi32, #tpu.memory_space<vmem>>) semaphore(%arg9 : memref<!tpu.dma_semaphore, #tpu.memory_space<semaphore_mem>>)
      %dma_start3A_41 = arith.constant 0 : i32
      %dma_start3A_42 = arith.constant 1 : i32
      %dma_start3A_43 = arith.constant 0 : i32
      %dma_start3A_44 = arith.constant 0 : i32
      %dma_start3A_45 = arith.constant 1 : i32
      %dma_start3A_46 = arith.constant 0 : i32
      %dma_start3A_47 = arith.constant 0 : i32
      %dma_start3A_48 = tpu.memref_slice %arg7[%dma_start3A_44, %dma_start3A_45, %dma_start3A_46, %dma_start3A_47] : memref<2x4x128x8xf32, #tpu.memory_space<vmem>> -> memref<1x1x128x8xf32, #tpu.memory_space<vmem>>
      %dma_start3A_49 = tpu.memref_squeeze %dma_start3A_48 : memref<1x1x128x8xf32, #tpu.memory_space<vmem>> -> memref<128x8xf32, #tpu.memory_space<vmem>>
      %dma_start3A_50 = arith.constant 0 : i32
      %dma_start3A_51 = tpu.memref_slice %arg6[%dma_start3A_41, %dma_start3A_42, %dma_start3A_43, %dma_start3A_50] : memref<2x4x2x128xi32, #tpu.memory_space<vmem>> -> memref<1x1x1x128xi32, #tpu.memory_space<vmem>>
      %dma_start3A_52 = tpu.memref_squeeze %dma_start3A_51 : memref<1x1x1x128xi32, #tpu.memory_space<vmem>> -> memref<128xi32, #tpu.memory_space<vmem>>
      %dma_start3A_53 = arith.constant 0 : i32
      %dma_start3A_54 = arith.constant 0 : i32
      %dma_start3A_55 = tpu.memref_slice %arg3[%dma_start3A_53, %dma_start3A_54] : memref<100352x8xf32, #tpu.memory_space<hbm>> -> memref<100352x8xf32, #tpu.memory_space<hbm>>
      tpu.enqueue_indirect_dma source(%dma_start3A_55 : memref<100352x8xf32, #tpu.memory_space<hbm>>) target(%dma_start3A_49 : memref<128x8xf32, #tpu.memory_space<vmem>>) offsets(%dma_start3A_52 : memref<128xi32, #tpu.memory_space<vmem>>) semaphore(%arg9 : memref<!tpu.dma_semaphore, #tpu.memory_space<semaphore_mem>>)
      %dma_start3A_56 = arith.constant 0 : i32
      %dma_start3A_57 = arith.constant 2 : i32
      %dma_start3A_58 = arith.constant 0 : i32
      %dma_start3A_59 = arith.constant 0 : i32
      %dma_start3A_60 = arith.constant 2 : i32
      %dma_start3A_61 = arith.constant 0 : i32
      %dma_start3A_62 = arith.constant 0 : i32
      %dma_start3A_63 = tpu.memref_slice %arg7[%dma_start3A_59, %dma_start3A_60, %dma_start3A_61, %dma_start3A_62] : memref<2x4x128x8xf32, #tpu.memory_space<vmem>> -> memref<1x1x128x8xf32, #tpu.memory_space<vmem>>
      %dma_start3A_64 = tpu.memref_squeeze %dma_start3A_63 : memref<1x1x128x8xf32, #tpu.memory_space<vmem>> -> memref<128x8xf32, #tpu.memory_space<vmem>>
      %dma_start3A_65 = arith.constant 0 : i32
      %dma_start3A_66 = tpu.memref_slice %arg6[%dma_start3A_56, %dma_start3A_57, %dma_start3A_58, %dma_start3A_65] : memref<2x4x2x128xi32, #tpu.memory_space<vmem>> -> memref<1x1x1x128xi32, #tpu.memory_space<vmem>>
      %dma_start3A_67 = tpu.memref_squeeze %dma_start3A_66 : memref<1x1x1x128xi32, #tpu.memory_space<vmem>> -> memref<128xi32, #tpu.memory_space<vmem>>
      %dma_start3A_68 = arith.constant 0 : i32
      %dma_start3A_69 = arith.constant 0 : i32
      %dma_start3A_70 = tpu.memref_slice %arg3[%dma_start3A_68, %dma_start3A_69] : memref<100352x8xf32, #tpu.memory_space<hbm>> -> memref<100352x8xf32, #tpu.memory_space<hbm>>
      tpu.enqueue_indirect_dma source(%dma_start3A_70 : memref<100352x8xf32, #tpu.memory_space<hbm>>) target(%dma_start3A_64 : memref<128x8xf32, #tpu.memory_space<vmem>>) offsets(%dma_start3A_67 : memref<128xi32, #tpu.memory_space<vmem>>) semaphore(%arg9 : memref<!tpu.dma_semaphore, #tpu.memory_space<semaphore_mem>>)
      %dma_start3A_71 = arith.constant 0 : i32
      %dma_start3A_72 = arith.constant 3 : i32
      %dma_start3A_73 = arith.constant 0 : i32
      %dma_start3A_74 = arith.constant 0 : i32
      %dma_start3A_75 = arith.constant 3 : i32
      %dma_start3A_76 = arith.constant 0 : i32
      %dma_start3A_77 = arith.constant 0 : i32
      %dma_start3A_78 = tpu.memref_slice %arg7[%dma_start3A_74, %dma_start3A_75, %dma_start3A_76, %dma_start3A_77] : memref<2x4x128x8xf32, #tpu.memory_space<vmem>> -> memref<1x1x128x8xf32, #tpu.memory_space<vmem>>
      %dma_start3A_79 = tpu.memref_squeeze %dma_start3A_78 : memref<1x1x128x8xf32, #tpu.memory_space<vmem>> -> memref<128x8xf32, #tpu.memory_space<vmem>>
      %dma_start3A_80 = arith.constant 0 : i32
      %dma_start3A_81 = tpu.memref_slice %arg6[%dma_start3A_71, %dma_start3A_72, %dma_start3A_73, %dma_start3A_80] : memref<2x4x2x128xi32, #tpu.memory_space<vmem>> -> memref<1x1x1x128xi32, #tpu.memory_space<vmem>>
      %dma_start3A_82 = tpu.memref_squeeze %dma_start3A_81 : memref<1x1x1x128xi32, #tpu.memory_space<vmem>> -> memref<128xi32, #tpu.memory_space<vmem>>
      %dma_start3A_83 = arith.constant 0 : i32
      %dma_start3A_84 = arith.constant 0 : i32
      %dma_start3A_85 = tpu.memref_slice %arg3[%dma_start3A_83, %dma_start3A_84] : memref<100352x8xf32, #tpu.memory_space<hbm>> -> memref<100352x8xf32, #tpu.memory_space<hbm>>
      tpu.enqueue_indirect_dma source(%dma_start3A_85 : memref<100352x8xf32, #tpu.memory_space<hbm>>) target(%dma_start3A_79 : memref<128x8xf32, #tpu.memory_space<vmem>>) offsets(%dma_start3A_82 : memref<128xi32, #tpu.memory_space<vmem>>) semaphore(%arg9 : memref<!tpu.dma_semaphore, #tpu.memory_space<semaphore_mem>>)
      %add3A_86 = arith.constant 4 : i32
      %add3A_87 = arith.addi %add3A_24, %add3A_86 : i32
      %run_scoped3A_88 = arith.constant 1 : i32
      "tpu.region"() ({
        %run_scoped3A_508 = tpu.sem_alloc : memref<!tpu.dma_semaphore, #tpu.memory_space<semaphore_mem>>
        %dma_start3A_509 = arith.constant 0 : i32
        %dma_start3A_510 = arith.constant 0 : i32
        %dma_start3A_511 = arith.constant 0 : i32
        %dma_start3A_512 = tpu.memref_slice %arg6[%run_scoped3A_88, %dma_start3A_509, %dma_start3A_510, %dma_start3A_511] : memref<2x4x2x128xi32, #tpu.memory_space<vmem>> -> memref<1x4x2x128xi32, #tpu.memory_space<vmem>>
        %dma_start3A_513 = tpu.memref_squeeze %dma_start3A_512 : memref<1x4x2x128xi32, #tpu.memory_space<vmem>> -> memref<4x2x128xi32, #tpu.memory_space<vmem>>
        %dma_start3A_514 = arith.constant 0 : i32
        %dma_start3A_515 = arith.constant 0 : i32
        %dma_start3A_516 = tpu.memref_slice %arg2[%add3A_87, %dma_start3A_514, %dma_start3A_515] : memref<25088x2x128xi32, #tpu.memory_space<hbm>> -> memref<4x2x128xi32, #tpu.memory_space<hbm>>
        %dma_start3A_517 = arith.constant 0 : i32
        %dma_start3A_518 = arith.constant 0 : i32
        %dma_start3A_519 = arith.constant 0 : i32
        %dma_start3A_520 = tpu.memref_slice %arg6[%run_scoped3A_88, %dma_start3A_517, %dma_start3A_518, %dma_start3A_519] : memref<2x4x2x128xi32, #tpu.memory_space<vmem>> -> memref<1x4x2x128xi32, #tpu.memory_space<vmem>>
        %dma_start3A_521 = tpu.memref_squeeze %dma_start3A_520 : memref<1x4x2x128xi32, #tpu.memory_space<vmem>> -> memref<4x2x128xi32, #tpu.memory_space<vmem>>
        %dma_start3A_522 = arith.constant 0 : i32
        %dma_start3A_523 = arith.constant 0 : i32
        %dma_start3A_524 = tpu.memref_slice %arg2[%add3A_87, %dma_start3A_522, %dma_start3A_523] : memref<25088x2x128xi32, #tpu.memory_space<hbm>> -> memref<4x2x128xi32, #tpu.memory_space<hbm>>
        tpu.enqueue_dma source(%dma_start3A_524 : memref<4x2x128xi32, #tpu.memory_space<hbm>>) target(%dma_start3A_521 : memref<4x2x128xi32, #tpu.memory_space<vmem>>) target_semaphore(%run_scoped3A_508 : memref<!tpu.dma_semaphore, #tpu.memory_space<semaphore_mem>>)
        %dma_wait3A_525 = arith.constant 0 : i32
        %dma_wait3A_526 = arith.constant 0 : i32
        %dma_wait3A_527 = arith.constant 0 : i32
        %dma_wait3A_528 = tpu.memref_slice %arg6[%run_scoped3A_88, %dma_wait3A_525, %dma_wait3A_526, %dma_wait3A_527] : memref<2x4x2x128xi32, #tpu.memory_space<vmem>> -> memref<1x4x2x128xi32, #tpu.memory_space<vmem>>
        %dma_wait3A_529 = tpu.memref_squeeze %dma_wait3A_528 : memref<1x4x2x128xi32, #tpu.memory_space<vmem>> -> memref<4x2x128xi32, #tpu.memory_space<vmem>>
        %dma_wait3A_530 = arith.constant 0 : i32
        %dma_wait3A_531 = arith.constant 0 : i32
        %dma_wait3A_532 = tpu.memref_slice %arg2[%add3A_87, %dma_wait3A_530, %dma_wait3A_531] : memref<25088x2x128xi32, #tpu.memory_space<hbm>> -> memref<4x2x128xi32, #tpu.memory_space<hbm>>
        %dma_wait3A_533 = arith.constant 0 : i32
        %dma_wait3A_534 = arith.constant 0 : i32
        %dma_wait3A_535 = arith.constant 0 : i32
        %dma_wait3A_536 = tpu.memref_slice %arg6[%run_scoped3A_88, %dma_wait3A_533, %dma_wait3A_534, %dma_wait3A_535] : memref<2x4x2x128xi32, #tpu.memory_space<vmem>> -> memref<1x4x2x128xi32, #tpu.memory_space<vmem>>
        %dma_wait3A_537 = tpu.memref_squeeze %dma_wait3A_536 : memref<1x4x2x128xi32, #tpu.memory_space<vmem>> -> memref<4x2x128xi32, #tpu.memory_space<vmem>>
        %dma_wait3A_538 = arith.constant 0 : i32
        %dma_wait3A_539 = arith.constant 0 : i32
        %dma_wait3A_540 = tpu.memref_slice %arg2[%add3A_87, %dma_wait3A_538, %dma_wait3A_539] : memref<25088x2x128xi32, #tpu.memory_space<hbm>> -> memref<4x2x128xi32, #tpu.memory_space<hbm>>
        tpu.wait_dma2 semaphore(%run_scoped3A_508 : memref<!tpu.dma_semaphore, #tpu.memory_space<semaphore_mem>>) src(%dma_wait3A_540 : memref<4x2x128xi32, #tpu.memory_space<hbm>>) dst(%dma_wait3A_537 : memref<4x2x128xi32, #tpu.memory_space<vmem>>)
        tpu.yield
      }) : () -> ()
      %dma_start3A_89 = arith.constant 1 : i32
      %dma_start3A_90 = arith.constant 0 : i32
      %dma_start3A_91 = arith.constant 0 : i32
      %dma_start3A_92 = arith.constant 1 : i32
      %dma_start3A_93 = arith.constant 0 : i32
      %dma_start3A_94 = arith.constant 0 : i32
      %dma_start3A_95 = arith.constant 0 : i32
      %dma_start3A_96 = tpu.memref_slice %arg7[%dma_start3A_92, %dma_start3A_93, %dma_start3A_94, %dma_start3A_95] : memref<2x4x128x8xf32, #tpu.memory_space<vmem>> -> memref<1x1x128x8xf32, #tpu.memory_space<vmem>>
      %dma_start3A_97 = tpu.memref_squeeze %dma_start3A_96 : memref<1x1x128x8xf32, #tpu.memory_space<vmem>> -> memref<128x8xf32, #tpu.memory_space<vmem>>
      %dma_start3A_98 = arith.constant 0 : i32
      %dma_start3A_99 = tpu.memref_slice %arg6[%dma_start3A_89, %dma_start3A_90, %dma_start3A_91, %dma_start3A_98] : memref<2x4x2x128xi32, #tpu.memory_space<vmem>> -> memref<1x1x1x128xi32, #tpu.memory_space<vmem>>
      %dma_start3A_100 = tpu.memref_squeeze %dma_start3A_99 : memref<1x1x1x128xi32, #tpu.memory_space<vmem>> -> memref<128xi32, #tpu.memory_space<vmem>>
      %dma_start3A_101 = arith.constant 0 : i32
      %dma_start3A_102 = arith.constant 0 : i32
      %dma_start3A_103 = tpu.memref_slice %arg3[%dma_start3A_101, %dma_start3A_102] : memref<100352x8xf32, #tpu.memory_space<hbm>> -> memref<100352x8xf32, #tpu.memory_space<hbm>>
      tpu.enqueue_indirect_dma source(%dma_start3A_103 : memref<100352x8xf32, #tpu.memory_space<hbm>>) target(%dma_start3A_97 : memref<128x8xf32, #tpu.memory_space<vmem>>) offsets(%dma_start3A_100 : memref<128xi32, #tpu.memory_space<vmem>>) semaphore(%arg10 : memref<!tpu.dma_semaphore, #tpu.memory_space<semaphore_mem>>)
      %dma_start3A_104 = arith.constant 1 : i32
      %dma_start3A_105 = arith.constant 1 : i32
      %dma_start3A_106 = arith.constant 0 : i32
      %dma_start3A_107 = arith.constant 1 : i32
      %dma_start3A_108 = arith.constant 1 : i32
      %dma_start3A_109 = arith.constant 0 : i32
      %dma_start3A_110 = arith.constant 0 : i32
      %dma_start3A_111 = tpu.memref_slice %arg7[%dma_start3A_107, %dma_start3A_108, %dma_start3A_109, %dma_start3A_110] : memref<2x4x128x8xf32, #tpu.memory_space<vmem>> -> memref<1x1x128x8xf32, #tpu.memory_space<vmem>>
      %dma_start3A_112 = tpu.memref_squeeze %dma_start3A_111 : memref<1x1x128x8xf32, #tpu.memory_space<vmem>> -> memref<128x8xf32, #tpu.memory_space<vmem>>
      %dma_start3A_113 = arith.constant 0 : i32
      %dma_start3A_114 = tpu.memref_slice %arg6[%dma_start3A_104, %dma_start3A_105, %dma_start3A_106, %dma_start3A_113] : memref<2x4x2x128xi32, #tpu.memory_space<vmem>> -> memref<1x1x1x128xi32, #tpu.memory_space<vmem>>
      %dma_start3A_115 = tpu.memref_squeeze %dma_start3A_114 : memref<1x1x1x128xi32, #tpu.memory_space<vmem>> -> memref<128xi32, #tpu.memory_space<vmem>>
      %dma_start3A_116 = arith.constant 0 : i32
      %dma_start3A_117 = arith.constant 0 : i32
      %dma_start3A_118 = tpu.memref_slice %arg3[%dma_start3A_116, %dma_start3A_117] : memref<100352x8xf32, #tpu.memory_space<hbm>> -> memref<100352x8xf32, #tpu.memory_space<hbm>>
      tpu.enqueue_indirect_dma source(%dma_start3A_118 : memref<100352x8xf32, #tpu.memory_space<hbm>>) target(%dma_start3A_112 : memref<128x8xf32, #tpu.memory_space<vmem>>) offsets(%dma_start3A_115 : memref<128xi32, #tpu.memory_space<vmem>>) semaphore(%arg10 : memref<!tpu.dma_semaphore, #tpu.memory_space<semaphore_mem>>)
      %dma_start3A_119 = arith.constant 1 : i32
      %dma_start3A_120 = arith.constant 2 : i32
      %dma_start3A_121 = arith.constant 0 : i32
      %dma_start3A_122 = arith.constant 1 : i32
      %dma_start3A_123 = arith.constant 2 : i32
      %dma_start3A_124 = arith.constant 0 : i32
      %dma_start3A_125 = arith.constant 0 : i32
      %dma_start3A_126 = tpu.memref_slice %arg7[%dma_start3A_122, %dma_start3A_123, %dma_start3A_124, %dma_start3A_125] : memref<2x4x128x8xf32, #tpu.memory_space<vmem>> -> memref<1x1x128x8xf32, #tpu.memory_space<vmem>>
      %dma_start3A_127 = tpu.memref_squeeze %dma_start3A_126 : memref<1x1x128x8xf32, #tpu.memory_space<vmem>> -> memref<128x8xf32, #tpu.memory_space<vmem>>
      %dma_start3A_128 = arith.constant 0 : i32
      %dma_start3A_129 = tpu.memref_slice %arg6[%dma_start3A_119, %dma_start3A_120, %dma_start3A_121, %dma_start3A_128] : memref<2x4x2x128xi32, #tpu.memory_space<vmem>> -> memref<1x1x1x128xi32, #tpu.memory_space<vmem>>
      %dma_start3A_130 = tpu.memref_squeeze %dma_start3A_129 : memref<1x1x1x128xi32, #tpu.memory_space<vmem>> -> memref<128xi32, #tpu.memory_space<vmem>>
      %dma_start3A_131 = arith.constant 0 : i32
      %dma_start3A_132 = arith.constant 0 : i32
      %dma_start3A_133 = tpu.memref_slice %arg3[%dma_start3A_131, %dma_start3A_132] : memref<100352x8xf32, #tpu.memory_space<hbm>> -> memref<100352x8xf32, #tpu.memory_space<hbm>>
      tpu.enqueue_indirect_dma source(%dma_start3A_133 : memref<100352x8xf32, #tpu.memory_space<hbm>>) target(%dma_start3A_127 : memref<128x8xf32, #tpu.memory_space<vmem>>) offsets(%dma_start3A_130 : memref<128xi32, #tpu.memory_space<vmem>>) semaphore(%arg10 : memref<!tpu.dma_semaphore, #tpu.memory_space<semaphore_mem>>)
      %dma_start3A_134 = arith.constant 1 : i32
      %dma_start3A_135 = arith.constant 3 : i32
      %dma_start3A_136 = arith.constant 0 : i32
      %dma_start3A_137 = arith.constant 1 : i32
      %dma_start3A_138 = arith.constant 3 : i32
      %dma_start3A_139 = arith.constant 0 : i32
      %dma_start3A_140 = arith.constant 0 : i32
      %dma_start3A_141 = tpu.memref_slice %arg7[%dma_start3A_137, %dma_start3A_138, %dma_start3A_139, %dma_start3A_140] : memref<2x4x128x8xf32, #tpu.memory_space<vmem>> -> memref<1x1x128x8xf32, #tpu.memory_space<vmem>>
      %dma_start3A_142 = tpu.memref_squeeze %dma_start3A_141 : memref<1x1x128x8xf32, #tpu.memory_space<vmem>> -> memref<128x8xf32, #tpu.memory_space<vmem>>
      %dma_start3A_143 = arith.constant 0 : i32
      %dma_start3A_144 = tpu.memref_slice %arg6[%dma_start3A_134, %dma_start3A_135, %dma_start3A_136, %dma_start3A_143] : memref<2x4x2x128xi32, #tpu.memory_space<vmem>> -> memref<1x1x1x128xi32, #tpu.memory_space<vmem>>
      %dma_start3A_145 = tpu.memref_squeeze %dma_start3A_144 : memref<1x1x1x128xi32, #tpu.memory_space<vmem>> -> memref<128xi32, #tpu.memory_space<vmem>>
      %dma_start3A_146 = arith.constant 0 : i32
      %dma_start3A_147 = arith.constant 0 : i32
      %dma_start3A_148 = tpu.memref_slice %arg3[%dma_start3A_146, %dma_start3A_147] : memref<100352x8xf32, #tpu.memory_space<hbm>> -> memref<100352x8xf32, #tpu.memory_space<hbm>>
      tpu.enqueue_indirect_dma source(%dma_start3A_148 : memref<100352x8xf32, #tpu.memory_space<hbm>>) target(%dma_start3A_142 : memref<128x8xf32, #tpu.memory_space<vmem>>) offsets(%dma_start3A_145 : memref<128xi32, #tpu.memory_space<vmem>>) semaphore(%arg10 : memref<!tpu.dma_semaphore, #tpu.memory_space<semaphore_mem>>)
      %dma_wait3A = arith.constant 0 : i32
      %dma_wait3A_149 = arith.constant 0 : i32
      %dma_wait3A_150 = arith.constant 0 : i32
      %dma_wait3A_151 = arith.constant 0 : i32
      %dma_wait3A_152 = arith.constant 0 : i32
      %dma_wait3A_153 = arith.constant 0 : i32
      %dma_wait3A_154 = arith.constant 0 : i32
      %dma_wait3A_155 = tpu.memref_slice %arg7[%dma_wait3A_151, %dma_wait3A_152, %dma_wait3A_153, %dma_wait3A_154] : memref<2x4x128x8xf32, #tpu.memory_space<vmem>> -> memref<1x1x128x8xf32, #tpu.memory_space<vmem>>
      %dma_wait3A_156 = tpu.memref_squeeze %dma_wait3A_155 : memref<1x1x128x8xf32, #tpu.memory_space<vmem>> -> memref<128x8xf32, #tpu.memory_space<vmem>>
      %dma_wait3A_157 = arith.constant 0 : i32
      %dma_wait3A_158 = tpu.memref_slice %arg6[%dma_wait3A, %dma_wait3A_149, %dma_wait3A_150, %dma_wait3A_157] : memref<2x4x2x128xi32, #tpu.memory_space<vmem>> -> memref<1x1x1x128xi32, #tpu.memory_space<vmem>>
      %dma_wait3A_159 = tpu.memref_squeeze %dma_wait3A_158 : memref<1x1x1x128xi32, #tpu.memory_space<vmem>> -> memref<128xi32, #tpu.memory_space<vmem>>
      %dma_wait3A_160 = arith.constant 0 : i32
      %dma_wait3A_161 = arith.constant 0 : i32
      %dma_wait3A_162 = tpu.memref_slice %arg3[%dma_wait3A_160, %dma_wait3A_161] : memref<100352x8xf32, #tpu.memory_space<hbm>> -> memref<100352x8xf32, #tpu.memory_space<hbm>>
      tpu.wait_indirect_dma semaphore(%arg9 : memref<!tpu.dma_semaphore, #tpu.memory_space<semaphore_mem>>) src(%dma_wait3A_162 : memref<100352x8xf32, #tpu.memory_space<hbm>>) dst(%dma_wait3A_156 : memref<128x8xf32, #tpu.memory_space<vmem>>)
      %dma_wait3A_163 = arith.constant 0 : i32
      %dma_wait3A_164 = arith.constant 1 : i32
      %dma_wait3A_165 = arith.constant 0 : i32
      %dma_wait3A_166 = arith.constant 0 : i32
      %dma_wait3A_167 = arith.constant 1 : i32
      %dma_wait3A_168 = arith.constant 0 : i32
      %dma_wait3A_169 = arith.constant 0 : i32
      %dma_wait3A_170 = tpu.memref_slice %arg7[%dma_wait3A_166, %dma_wait3A_167, %dma_wait3A_168, %dma_wait3A_169] : memref<2x4x128x8xf32, #tpu.memory_space<vmem>> -> memref<1x1x128x8xf32, #tpu.memory_space<vmem>>
      %dma_wait3A_171 = tpu.memref_squeeze %dma_wait3A_170 : memref<1x1x128x8xf32, #tpu.memory_space<vmem>> -> memref<128x8xf32, #tpu.memory_space<vmem>>
      %dma_wait3A_172 = arith.constant 0 : i32
      %dma_wait3A_173 = tpu.memref_slice %arg6[%dma_wait3A_163, %dma_wait3A_164, %dma_wait3A_165, %dma_wait3A_172] : memref<2x4x2x128xi32, #tpu.memory_space<vmem>> -> memref<1x1x1x128xi32, #tpu.memory_space<vmem>>
      %dma_wait3A_174 = tpu.memref_squeeze %dma_wait3A_173 : memref<1x1x1x128xi32, #tpu.memory_space<vmem>> -> memref<128xi32, #tpu.memory_space<vmem>>
      %dma_wait3A_175 = arith.constant 0 : i32
      %dma_wait3A_176 = arith.constant 0 : i32
      %dma_wait3A_177 = tpu.memref_slice %arg3[%dma_wait3A_175, %dma_wait3A_176] : memref<100352x8xf32, #tpu.memory_space<hbm>> -> memref<100352x8xf32, #tpu.memory_space<hbm>>
      tpu.wait_indirect_dma semaphore(%arg9 : memref<!tpu.dma_semaphore, #tpu.memory_space<semaphore_mem>>) src(%dma_wait3A_177 : memref<100352x8xf32, #tpu.memory_space<hbm>>) dst(%dma_wait3A_171 : memref<128x8xf32, #tpu.memory_space<vmem>>)
      %dma_wait3A_178 = arith.constant 0 : i32
      %dma_wait3A_179 = arith.constant 2 : i32
      %dma_wait3A_180 = arith.constant 0 : i32
      %dma_wait3A_181 = arith.constant 0 : i32
      %dma_wait3A_182 = arith.constant 2 : i32
      %dma_wait3A_183 = arith.constant 0 : i32
      %dma_wait3A_184 = arith.constant 0 : i32
      %dma_wait3A_185 = tpu.memref_slice %arg7[%dma_wait3A_181, %dma_wait3A_182, %dma_wait3A_183, %dma_wait3A_184] : memref<2x4x128x8xf32, #tpu.memory_space<vmem>> -> memref<1x1x128x8xf32, #tpu.memory_space<vmem>>
      %dma_wait3A_186 = tpu.memref_squeeze %dma_wait3A_185 : memref<1x1x128x8xf32, #tpu.memory_space<vmem>> -> memref<128x8xf32, #tpu.memory_space<vmem>>
      %dma_wait3A_187 = arith.constant 0 : i32
      %dma_wait3A_188 = tpu.memref_slice %arg6[%dma_wait3A_178, %dma_wait3A_179, %dma_wait3A_180, %dma_wait3A_187] : memref<2x4x2x128xi32, #tpu.memory_space<vmem>> -> memref<1x1x1x128xi32, #tpu.memory_space<vmem>>
      %dma_wait3A_189 = tpu.memref_squeeze %dma_wait3A_188 : memref<1x1x1x128xi32, #tpu.memory_space<vmem>> -> memref<128xi32, #tpu.memory_space<vmem>>
      %dma_wait3A_190 = arith.constant 0 : i32
      %dma_wait3A_191 = arith.constant 0 : i32
      %dma_wait3A_192 = tpu.memref_slice %arg3[%dma_wait3A_190, %dma_wait3A_191] : memref<100352x8xf32, #tpu.memory_space<hbm>> -> memref<100352x8xf32, #tpu.memory_space<hbm>>
      tpu.wait_indirect_dma semaphore(%arg9 : memref<!tpu.dma_semaphore, #tpu.memory_space<semaphore_mem>>) src(%dma_wait3A_192 : memref<100352x8xf32, #tpu.memory_space<hbm>>) dst(%dma_wait3A_186 : memref<128x8xf32, #tpu.memory_space<vmem>>)
      %dma_wait3A_193 = arith.constant 0 : i32
      %dma_wait3A_194 = arith.constant 3 : i32
      %dma_wait3A_195 = arith.constant 0 : i32
      %dma_wait3A_196 = arith.constant 0 : i32
      %dma_wait3A_197 = arith.constant 3 : i32
      %dma_wait3A_198 = arith.constant 0 : i32
      %dma_wait3A_199 = arith.constant 0 : i32
      %dma_wait3A_200 = tpu.memref_slice %arg7[%dma_wait3A_196, %dma_wait3A_197, %dma_wait3A_198, %dma_wait3A_199] : memref<2x4x128x8xf32, #tpu.memory_space<vmem>> -> memref<1x1x128x8xf32, #tpu.memory_space<vmem>>
      %dma_wait3A_201 = tpu.memref_squeeze %dma_wait3A_200 : memref<1x1x128x8xf32, #tpu.memory_space<vmem>> -> memref<128x8xf32, #tpu.memory_space<vmem>>
      %dma_wait3A_202 = arith.constant 0 : i32
      %dma_wait3A_203 = tpu.memref_slice %arg6[%dma_wait3A_193, %dma_wait3A_194, %dma_wait3A_195, %dma_wait3A_202] : memref<2x4x2x128xi32, #tpu.memory_space<vmem>> -> memref<1x1x1x128xi32, #tpu.memory_space<vmem>>
      %dma_wait3A_204 = tpu.memref_squeeze %dma_wait3A_203 : memref<1x1x1x128xi32, #tpu.memory_space<vmem>> -> memref<128xi32, #tpu.memory_space<vmem>>
      %dma_wait3A_205 = arith.constant 0 : i32
      %dma_wait3A_206 = arith.constant 0 : i32
      %dma_wait3A_207 = tpu.memref_slice %arg3[%dma_wait3A_205, %dma_wait3A_206] : memref<100352x8xf32, #tpu.memory_space<hbm>> -> memref<100352x8xf32, #tpu.memory_space<hbm>>
      tpu.wait_indirect_dma semaphore(%arg9 : memref<!tpu.dma_semaphore, #tpu.memory_space<semaphore_mem>>) src(%dma_wait3A_207 : memref<100352x8xf32, #tpu.memory_space<hbm>>) dst(%dma_wait3A_201 : memref<128x8xf32, #tpu.memory_space<vmem>>)
      %dma_start3A_208 = arith.constant 0 : i32
      %dma_start3A_209 = arith.constant 0 : i32
      %dma_start3A_210 = arith.constant 0 : i32
      %dma_start3A_211 = arith.constant 0 : i32
      %dma_start3A_212 = arith.constant 1 : i32
      %dma_start3A_213 = arith.constant 0 : i32
      %dma_start3A_214 = arith.constant 0 : i32
      %dma_start3A_215 = tpu.memref_slice %arg7[%dma_start3A_208, %dma_start3A_209, %dma_start3A_213, %dma_start3A_214] : memref<2x4x128x8xf32, #tpu.memory_space<vmem>> -> memref<1x1x128x8xf32, #tpu.memory_space<vmem>>
      %dma_start3A_216 = tpu.memref_squeeze %dma_start3A_215 : memref<1x1x128x8xf32, #tpu.memory_space<vmem>> -> memref<128x8xf32, #tpu.memory_space<vmem>>
      %dma_start3A_217 = arith.constant 0 : i32
      %dma_start3A_218 = tpu.memref_slice %arg6[%dma_start3A_210, %dma_start3A_211, %dma_start3A_212, %dma_start3A_217] : memref<2x4x2x128xi32, #tpu.memory_space<vmem>> -> memref<1x1x1x128xi32, #tpu.memory_space<vmem>>
      %dma_start3A_219 = tpu.memref_squeeze %dma_start3A_218 : memref<1x1x1x128xi32, #tpu.memory_space<vmem>> -> memref<128xi32, #tpu.memory_space<vmem>>
      %dma_start3A_220 = arith.constant 0 : i32
      %dma_start3A_221 = arith.constant 0 : i32
      %dma_start3A_222 = tpu.memref_slice %arg8[%dma_start3A_220, %dma_start3A_221] : memref<100352x8xf32, #tpu.memory_space<vmem_shared>> -> memref<100352x8xf32, #tpu.memory_space<vmem_shared>>
      tpu.enqueue_indirect_dma source(%dma_start3A_216 : memref<128x8xf32, #tpu.memory_space<vmem>>) target(%dma_start3A_222 : memref<100352x8xf32, #tpu.memory_space<vmem_shared>>) offsets(%dma_start3A_219 : memref<128xi32, #tpu.memory_space<vmem>>) semaphore(%arg11 : memref<!tpu.dma_semaphore, #tpu.memory_space<semaphore_mem>>) {add = true}
      %dma_start3A_223 = arith.constant 0 : i32
      %dma_start3A_224 = arith.constant 1 : i32
      %dma_start3A_225 = arith.constant 0 : i32
      %dma_start3A_226 = arith.constant 1 : i32
      %dma_start3A_227 = arith.constant 1 : i32
      %dma_start3A_228 = arith.constant 0 : i32
      %dma_start3A_229 = arith.constant 0 : i32
      %dma_start3A_230 = tpu.memref_slice %arg7[%dma_start3A_223, %dma_start3A_224, %dma_start3A_228, %dma_start3A_229] : memref<2x4x128x8xf32, #tpu.memory_space<vmem>> -> memref<1x1x128x8xf32, #tpu.memory_space<vmem>>
      %dma_start3A_231 = tpu.memref_squeeze %dma_start3A_230 : memref<1x1x128x8xf32, #tpu.memory_space<vmem>> -> memref<128x8xf32, #tpu.memory_space<vmem>>
      %dma_start3A_232 = arith.constant 0 : i32
      %dma_start3A_233 = tpu.memref_slice %arg6[%dma_start3A_225, %dma_start3A_226, %dma_start3A_227, %dma_start3A_232] : memref<2x4x2x128xi32, #tpu.memory_space<vmem>> -> memref<1x1x1x128xi32, #tpu.memory_space<vmem>>
      %dma_start3A_234 = tpu.memref_squeeze %dma_start3A_233 : memref<1x1x1x128xi32, #tpu.memory_space<vmem>> -> memref<128xi32, #tpu.memory_space<vmem>>
      %dma_start3A_235 = arith.constant 0 : i32
      %dma_start3A_236 = arith.constant 0 : i32
      %dma_start3A_237 = tpu.memref_slice %arg8[%dma_start3A_235, %dma_start3A_236] : memref<100352x8xf32, #tpu.memory_space<vmem_shared>> -> memref<100352x8xf32, #tpu.memory_space<vmem_shared>>
      tpu.enqueue_indirect_dma source(%dma_start3A_231 : memref<128x8xf32, #tpu.memory_space<vmem>>) target(%dma_start3A_237 : memref<100352x8xf32, #tpu.memory_space<vmem_shared>>) offsets(%dma_start3A_234 : memref<128xi32, #tpu.memory_space<vmem>>) semaphore(%arg11 : memref<!tpu.dma_semaphore, #tpu.memory_space<semaphore_mem>>) {add = true}
      %dma_start3A_238 = arith.constant 0 : i32
      %dma_start3A_239 = arith.constant 2 : i32
      %dma_start3A_240 = arith.constant 0 : i32
      %dma_start3A_241 = arith.constant 2 : i32
      %dma_start3A_242 = arith.constant 1 : i32
      %dma_start3A_243 = arith.constant 0 : i32
      %dma_start3A_244 = arith.constant 0 : i32
      %dma_start3A_245 = tpu.memref_slice %arg7[%dma_start3A_238, %dma_start3A_239, %dma_start3A_243, %dma_start3A_244] : memref<2x4x128x8xf32, #tpu.memory_space<vmem>> -> memref<1x1x128x8xf32, #tpu.memory_space<vmem>>
      %dma_start3A_246 = tpu.memref_squeeze %dma_start3A_245 : memref<1x1x128x8xf32, #tpu.memory_space<vmem>> -> memref<128x8xf32, #tpu.memory_space<vmem>>
      %dma_start3A_247 = arith.constant 0 : i32
      %dma_start3A_248 = tpu.memref_slice %arg6[%dma_start3A_240, %dma_start3A_241, %dma_start3A_242, %dma_start3A_247] : memref<2x4x2x128xi32, #tpu.memory_space<vmem>> -> memref<1x1x1x128xi32, #tpu.memory_space<vmem>>
      %dma_start3A_249 = tpu.memref_squeeze %dma_start3A_248 : memref<1x1x1x128xi32, #tpu.memory_space<vmem>> -> memref<128xi32, #tpu.memory_space<vmem>>
      %dma_start3A_250 = arith.constant 0 : i32
      %dma_start3A_251 = arith.constant 0 : i32
      %dma_start3A_252 = tpu.memref_slice %arg8[%dma_start3A_250, %dma_start3A_251] : memref<100352x8xf32, #tpu.memory_space<vmem_shared>> -> memref<100352x8xf32, #tpu.memory_space<vmem_shared>>
      tpu.enqueue_indirect_dma source(%dma_start3A_246 : memref<128x8xf32, #tpu.memory_space<vmem>>) target(%dma_start3A_252 : memref<100352x8xf32, #tpu.memory_space<vmem_shared>>) offsets(%dma_start3A_249 : memref<128xi32, #tpu.memory_space<vmem>>) semaphore(%arg11 : memref<!tpu.dma_semaphore, #tpu.memory_space<semaphore_mem>>) {add = true}
      %dma_start3A_253 = arith.constant 0 : i32
      %dma_start3A_254 = arith.constant 3 : i32
      %dma_start3A_255 = arith.constant 0 : i32
      %dma_start3A_256 = arith.constant 3 : i32
      %dma_start3A_257 = arith.constant 1 : i32
      %dma_start3A_258 = arith.constant 0 : i32
      %dma_start3A_259 = arith.constant 0 : i32
      %dma_start3A_260 = tpu.memref_slice %arg7[%dma_start3A_253, %dma_start3A_254, %dma_start3A_258, %dma_start3A_259] : memref<2x4x128x8xf32, #tpu.memory_space<vmem>> -> memref<1x1x128x8xf32, #tpu.memory_space<vmem>>
      %dma_start3A_261 = tpu.memref_squeeze %dma_start3A_260 : memref<1x1x128x8xf32, #tpu.memory_space<vmem>> -> memref<128x8xf32, #tpu.memory_space<vmem>>
      %dma_start3A_262 = arith.constant 0 : i32
      %dma_start3A_263 = tpu.memref_slice %arg6[%dma_start3A_255, %dma_start3A_256, %dma_start3A_257, %dma_start3A_262] : memref<2x4x2x128xi32, #tpu.memory_space<vmem>> -> memref<1x1x1x128xi32, #tpu.memory_space<vmem>>
      %dma_start3A_264 = tpu.memref_squeeze %dma_start3A_263 : memref<1x1x1x128xi32, #tpu.memory_space<vmem>> -> memref<128xi32, #tpu.memory_space<vmem>>
      %dma_start3A_265 = arith.constant 0 : i32
      %dma_start3A_266 = arith.constant 0 : i32
      %dma_start3A_267 = tpu.memref_slice %arg8[%dma_start3A_265, %dma_start3A_266] : memref<100352x8xf32, #tpu.memory_space<vmem_shared>> -> memref<100352x8xf32, #tpu.memory_space<vmem_shared>>
      tpu.enqueue_indirect_dma source(%dma_start3A_261 : memref<128x8xf32, #tpu.memory_space<vmem>>) target(%dma_start3A_267 : memref<100352x8xf32, #tpu.memory_space<vmem_shared>>) offsets(%dma_start3A_264 : memref<128xi32, #tpu.memory_space<vmem>>) semaphore(%arg11 : memref<!tpu.dma_semaphore, #tpu.memory_space<semaphore_mem>>) {add = true}
      %dma_wait3A_268 = arith.constant 1 : i32
      %dma_wait3A_269 = arith.constant 0 : i32
      %dma_wait3A_270 = arith.constant 0 : i32
      %dma_wait3A_271 = arith.constant 1 : i32
      %dma_wait3A_272 = arith.constant 0 : i32
      %dma_wait3A_273 = arith.constant 0 : i32
      %dma_wait3A_274 = arith.constant 0 : i32
      %dma_wait3A_275 = tpu.memref_slice %arg7[%dma_wait3A_271, %dma_wait3A_272, %dma_wait3A_273, %dma_wait3A_274] : memref<2x4x128x8xf32, #tpu.memory_space<vmem>> -> memref<1x1x128x8xf32, #tpu.memory_space<vmem>>
      %dma_wait3A_276 = tpu.memref_squeeze %dma_wait3A_275 : memref<1x1x128x8xf32, #tpu.memory_space<vmem>> -> memref<128x8xf32, #tpu.memory_space<vmem>>
      %dma_wait3A_277 = arith.constant 0 : i32
      %dma_wait3A_278 = tpu.memref_slice %arg6[%dma_wait3A_268, %dma_wait3A_269, %dma_wait3A_270, %dma_wait3A_277] : memref<2x4x2x128xi32, #tpu.memory_space<vmem>> -> memref<1x1x1x128xi32, #tpu.memory_space<vmem>>
      %dma_wait3A_279 = tpu.memref_squeeze %dma_wait3A_278 : memref<1x1x1x128xi32, #tpu.memory_space<vmem>> -> memref<128xi32, #tpu.memory_space<vmem>>
      %dma_wait3A_280 = arith.constant 0 : i32
      %dma_wait3A_281 = arith.constant 0 : i32
      %dma_wait3A_282 = tpu.memref_slice %arg3[%dma_wait3A_280, %dma_wait3A_281] : memref<100352x8xf32, #tpu.memory_space<hbm>> -> memref<100352x8xf32, #tpu.memory_space<hbm>>
      tpu.wait_indirect_dma semaphore(%arg10 : memref<!tpu.dma_semaphore, #tpu.memory_space<semaphore_mem>>) src(%dma_wait3A_282 : memref<100352x8xf32, #tpu.memory_space<hbm>>) dst(%dma_wait3A_276 : memref<128x8xf32, #tpu.memory_space<vmem>>)
      %dma_wait3A_283 = arith.constant 1 : i32
      %dma_wait3A_284 = arith.constant 1 : i32
      %dma_wait3A_285 = arith.constant 0 : i32
      %dma_wait3A_286 = arith.constant 1 : i32
      %dma_wait3A_287 = arith.constant 1 : i32
      %dma_wait3A_288 = arith.constant 0 : i32
      %dma_wait3A_289 = arith.constant 0 : i32
      %dma_wait3A_290 = tpu.memref_slice %arg7[%dma_wait3A_286, %dma_wait3A_287, %dma_wait3A_288, %dma_wait3A_289] : memref<2x4x128x8xf32, #tpu.memory_space<vmem>> -> memref<1x1x128x8xf32, #tpu.memory_space<vmem>>
      %dma_wait3A_291 = tpu.memref_squeeze %dma_wait3A_290 : memref<1x1x128x8xf32, #tpu.memory_space<vmem>> -> memref<128x8xf32, #tpu.memory_space<vmem>>
      %dma_wait3A_292 = arith.constant 0 : i32
      %dma_wait3A_293 = tpu.memref_slice %arg6[%dma_wait3A_283, %dma_wait3A_284, %dma_wait3A_285, %dma_wait3A_292] : memref<2x4x2x128xi32, #tpu.memory_space<vmem>> -> memref<1x1x1x128xi32, #tpu.memory_space<vmem>>
      %dma_wait3A_294 = tpu.memref_squeeze %dma_wait3A_293 : memref<1x1x1x128xi32, #tpu.memory_space<vmem>> -> memref<128xi32, #tpu.memory_space<vmem>>
      %dma_wait3A_295 = arith.constant 0 : i32
      %dma_wait3A_296 = arith.constant 0 : i32
      %dma_wait3A_297 = tpu.memref_slice %arg3[%dma_wait3A_295, %dma_wait3A_296] : memref<100352x8xf32, #tpu.memory_space<hbm>> -> memref<100352x8xf32, #tpu.memory_space<hbm>>
      tpu.wait_indirect_dma semaphore(%arg10 : memref<!tpu.dma_semaphore, #tpu.memory_space<semaphore_mem>>) src(%dma_wait3A_297 : memref<100352x8xf32, #tpu.memory_space<hbm>>) dst(%dma_wait3A_291 : memref<128x8xf32, #tpu.memory_space<vmem>>)
      %dma_wait3A_298 = arith.constant 1 : i32
      %dma_wait3A_299 = arith.constant 2 : i32
      %dma_wait3A_300 = arith.constant 0 : i32
      %dma_wait3A_301 = arith.constant 1 : i32
      %dma_wait3A_302 = arith.constant 2 : i32
      %dma_wait3A_303 = arith.constant 0 : i32
      %dma_wait3A_304 = arith.constant 0 : i32
      %dma_wait3A_305 = tpu.memref_slice %arg7[%dma_wait3A_301, %dma_wait3A_302, %dma_wait3A_303, %dma_wait3A_304] : memref<2x4x128x8xf32, #tpu.memory_space<vmem>> -> memref<1x1x128x8xf32, #tpu.memory_space<vmem>>
      %dma_wait3A_306 = tpu.memref_squeeze %dma_wait3A_305 : memref<1x1x128x8xf32, #tpu.memory_space<vmem>> -> memref<128x8xf32, #tpu.memory_space<vmem>>
      %dma_wait3A_307 = arith.constant 0 : i32
      %dma_wait3A_308 = tpu.memref_slice %arg6[%dma_wait3A_298, %dma_wait3A_299, %dma_wait3A_300, %dma_wait3A_307] : memref<2x4x2x128xi32, #tpu.memory_space<vmem>> -> memref<1x1x1x128xi32, #tpu.memory_space<vmem>>
      %dma_wait3A_309 = tpu.memref_squeeze %dma_wait3A_308 : memref<1x1x1x128xi32, #tpu.memory_space<vmem>> -> memref<128xi32, #tpu.memory_space<vmem>>
      %dma_wait3A_310 = arith.constant 0 : i32
      %dma_wait3A_311 = arith.constant 0 : i32
      %dma_wait3A_312 = tpu.memref_slice %arg3[%dma_wait3A_310, %dma_wait3A_311] : memref<100352x8xf32, #tpu.memory_space<hbm>> -> memref<100352x8xf32, #tpu.memory_space<hbm>>
      tpu.wait_indirect_dma semaphore(%arg10 : memref<!tpu.dma_semaphore, #tpu.memory_space<semaphore_mem>>) src(%dma_wait3A_312 : memref<100352x8xf32, #tpu.memory_space<hbm>>) dst(%dma_wait3A_306 : memref<128x8xf32, #tpu.memory_space<vmem>>)
      %dma_wait3A_313 = arith.constant 1 : i32
      %dma_wait3A_314 = arith.constant 3 : i32
      %dma_wait3A_315 = arith.constant 0 : i32
      %dma_wait3A_316 = arith.constant 1 : i32
      %dma_wait3A_317 = arith.constant 3 : i32
      %dma_wait3A_318 = arith.constant 0 : i32
      %dma_wait3A_319 = arith.constant 0 : i32
      %dma_wait3A_320 = tpu.memref_slice %arg7[%dma_wait3A_316, %dma_wait3A_317, %dma_wait3A_318, %dma_wait3A_319] : memref<2x4x128x8xf32, #tpu.memory_space<vmem>> -> memref<1x1x128x8xf32, #tpu.memory_space<vmem>>
      %dma_wait3A_321 = tpu.memref_squeeze %dma_wait3A_320 : memref<1x1x128x8xf32, #tpu.memory_space<vmem>> -> memref<128x8xf32, #tpu.memory_space<vmem>>
      %dma_wait3A_322 = arith.constant 0 : i32
      %dma_wait3A_323 = tpu.memref_slice %arg6[%dma_wait3A_313, %dma_wait3A_314, %dma_wait3A_315, %dma_wait3A_322] : memref<2x4x2x128xi32, #tpu.memory_space<vmem>> -> memref<1x1x1x128xi32, #tpu.memory_space<vmem>>
      %dma_wait3A_324 = tpu.memref_squeeze %dma_wait3A_323 : memref<1x1x1x128xi32, #tpu.memory_space<vmem>> -> memref<128xi32, #tpu.memory_space<vmem>>
      %dma_wait3A_325 = arith.constant 0 : i32
      %dma_wait3A_326 = arith.constant 0 : i32
      %dma_wait3A_327 = tpu.memref_slice %arg3[%dma_wait3A_325, %dma_wait3A_326] : memref<100352x8xf32, #tpu.memory_space<hbm>> -> memref<100352x8xf32, #tpu.memory_space<hbm>>
      tpu.wait_indirect_dma semaphore(%arg10 : memref<!tpu.dma_semaphore, #tpu.memory_space<semaphore_mem>>) src(%dma_wait3A_327 : memref<100352x8xf32, #tpu.memory_space<hbm>>) dst(%dma_wait3A_321 : memref<128x8xf32, #tpu.memory_space<vmem>>)
      %dma_start3A_328 = arith.constant 1 : i32
      %dma_start3A_329 = arith.constant 0 : i32
      %dma_start3A_330 = arith.constant 1 : i32
      %dma_start3A_331 = arith.constant 0 : i32
      %dma_start3A_332 = arith.constant 1 : i32
      %dma_start3A_333 = arith.constant 0 : i32
      %dma_start3A_334 = arith.constant 0 : i32
      %dma_start3A_335 = tpu.memref_slice %arg7[%dma_start3A_328, %dma_start3A_329, %dma_start3A_333, %dma_start3A_334] : memref<2x4x128x8xf32, #tpu.memory_space<vmem>> -> memref<1x1x128x8xf32, #tpu.memory_space<vmem>>
      %dma_start3A_336 = tpu.memref_squeeze %dma_start3A_335 : memref<1x1x128x8xf32, #tpu.memory_space<vmem>> -> memref<128x8xf32, #tpu.memory_space<vmem>>
      %dma_start3A_337 = arith.constant 0 : i32
      %dma_start3A_338 = tpu.memref_slice %arg6[%dma_start3A_330, %dma_start3A_331, %dma_start3A_332, %dma_start3A_337] : memref<2x4x2x128xi32, #tpu.memory_space<vmem>> -> memref<1x1x1x128xi32, #tpu.memory_space<vmem>>
      %dma_start3A_339 = tpu.memref_squeeze %dma_start3A_338 : memref<1x1x1x128xi32, #tpu.memory_space<vmem>> -> memref<128xi32, #tpu.memory_space<vmem>>
      %dma_start3A_340 = arith.constant 0 : i32
      %dma_start3A_341 = arith.constant 0 : i32
      %dma_start3A_342 = tpu.memref_slice %arg8[%dma_start3A_340, %dma_start3A_341] : memref<100352x8xf32, #tpu.memory_space<vmem_shared>> -> memref<100352x8xf32, #tpu.memory_space<vmem_shared>>
      tpu.enqueue_indirect_dma source(%dma_start3A_336 : memref<128x8xf32, #tpu.memory_space<vmem>>) target(%dma_start3A_342 : memref<100352x8xf32, #tpu.memory_space<vmem_shared>>) offsets(%dma_start3A_339 : memref<128xi32, #tpu.memory_space<vmem>>) semaphore(%arg11 : memref<!tpu.dma_semaphore, #tpu.memory_space<semaphore_mem>>) {add = true}
      %dma_start3A_343 = arith.constant 1 : i32
      %dma_start3A_344 = arith.constant 1 : i32
      %dma_start3A_345 = arith.constant 1 : i32
      %dma_start3A_346 = arith.constant 1 : i32
      %dma_start3A_347 = arith.constant 1 : i32
      %dma_start3A_348 = arith.constant 0 : i32
      %dma_start3A_349 = arith.constant 0 : i32
      %dma_start3A_350 = tpu.memref_slice %arg7[%dma_start3A_343, %dma_start3A_344, %dma_start3A_348, %dma_start3A_349] : memref<2x4x128x8xf32, #tpu.memory_space<vmem>> -> memref<1x1x128x8xf32, #tpu.memory_space<vmem>>
      %dma_start3A_351 = tpu.memref_squeeze %dma_start3A_350 : memref<1x1x128x8xf32, #tpu.memory_space<vmem>> -> memref<128x8xf32, #tpu.memory_space<vmem>>
      %dma_start3A_352 = arith.constant 0 : i32
      %dma_start3A_353 = tpu.memref_slice %arg6[%dma_start3A_345, %dma_start3A_346, %dma_start3A_347, %dma_start3A_352] : memref<2x4x2x128xi32, #tpu.memory_space<vmem>> -> memref<1x1x1x128xi32, #tpu.memory_space<vmem>>
      %dma_start3A_354 = tpu.memref_squeeze %dma_start3A_353 : memref<1x1x1x128xi32, #tpu.memory_space<vmem>> -> memref<128xi32, #tpu.memory_space<vmem>>
      %dma_start3A_355 = arith.constant 0 : i32
      %dma_start3A_356 = arith.constant 0 : i32
      %dma_start3A_357 = tpu.memref_slice %arg8[%dma_start3A_355, %dma_start3A_356] : memref<100352x8xf32, #tpu.memory_space<vmem_shared>> -> memref<100352x8xf32, #tpu.memory_space<vmem_shared>>
      tpu.enqueue_indirect_dma source(%dma_start3A_351 : memref<128x8xf32, #tpu.memory_space<vmem>>) target(%dma_start3A_357 : memref<100352x8xf32, #tpu.memory_space<vmem_shared>>) offsets(%dma_start3A_354 : memref<128xi32, #tpu.memory_space<vmem>>) semaphore(%arg11 : memref<!tpu.dma_semaphore, #tpu.memory_space<semaphore_mem>>) {add = true}
      %dma_start3A_358 = arith.constant 1 : i32
      %dma_start3A_359 = arith.constant 2 : i32
      %dma_start3A_360 = arith.constant 1 : i32
      %dma_start3A_361 = arith.constant 2 : i32
      %dma_start3A_362 = arith.constant 1 : i32
      %dma_start3A_363 = arith.constant 0 : i32
      %dma_start3A_364 = arith.constant 0 : i32
      %dma_start3A_365 = tpu.memref_slice %arg7[%dma_start3A_358, %dma_start3A_359, %dma_start3A_363, %dma_start3A_364] : memref<2x4x128x8xf32, #tpu.memory_space<vmem>> -> memref<1x1x128x8xf32, #tpu.memory_space<vmem>>
      %dma_start3A_366 = tpu.memref_squeeze %dma_start3A_365 : memref<1x1x128x8xf32, #tpu.memory_space<vmem>> -> memref<128x8xf32, #tpu.memory_space<vmem>>
      %dma_start3A_367 = arith.constant 0 : i32
      %dma_start3A_368 = tpu.memref_slice %arg6[%dma_start3A_360, %dma_start3A_361, %dma_start3A_362, %dma_start3A_367] : memref<2x4x2x128xi32, #tpu.memory_space<vmem>> -> memref<1x1x1x128xi32, #tpu.memory_space<vmem>>
      %dma_start3A_369 = tpu.memref_squeeze %dma_start3A_368 : memref<1x1x1x128xi32, #tpu.memory_space<vmem>> -> memref<128xi32, #tpu.memory_space<vmem>>
      %dma_start3A_370 = arith.constant 0 : i32
      %dma_start3A_371 = arith.constant 0 : i32
      %dma_start3A_372 = tpu.memref_slice %arg8[%dma_start3A_370, %dma_start3A_371] : memref<100352x8xf32, #tpu.memory_space<vmem_shared>> -> memref<100352x8xf32, #tpu.memory_space<vmem_shared>>
      tpu.enqueue_indirect_dma source(%dma_start3A_366 : memref<128x8xf32, #tpu.memory_space<vmem>>) target(%dma_start3A_372 : memref<100352x8xf32, #tpu.memory_space<vmem_shared>>) offsets(%dma_start3A_369 : memref<128xi32, #tpu.memory_space<vmem>>) semaphore(%arg11 : memref<!tpu.dma_semaphore, #tpu.memory_space<semaphore_mem>>) {add = true}
      %dma_start3A_373 = arith.constant 1 : i32
      %dma_start3A_374 = arith.constant 3 : i32
      %dma_start3A_375 = arith.constant 1 : i32
      %dma_start3A_376 = arith.constant 3 : i32
      %dma_start3A_377 = arith.constant 1 : i32
      %dma_start3A_378 = arith.constant 0 : i32
      %dma_start3A_379 = arith.constant 0 : i32
      %dma_start3A_380 = tpu.memref_slice %arg7[%dma_start3A_373, %dma_start3A_374, %dma_start3A_378, %dma_start3A_379] : memref<2x4x128x8xf32, #tpu.memory_space<vmem>> -> memref<1x1x128x8xf32, #tpu.memory_space<vmem>>
      %dma_start3A_381 = tpu.memref_squeeze %dma_start3A_380 : memref<1x1x128x8xf32, #tpu.memory_space<vmem>> -> memref<128x8xf32, #tpu.memory_space<vmem>>
      %dma_start3A_382 = arith.constant 0 : i32
      %dma_start3A_383 = tpu.memref_slice %arg6[%dma_start3A_375, %dma_start3A_376, %dma_start3A_377, %dma_start3A_382] : memref<2x4x2x128xi32, #tpu.memory_space<vmem>> -> memref<1x1x1x128xi32, #tpu.memory_space<vmem>>
      %dma_start3A_384 = tpu.memref_squeeze %dma_start3A_383 : memref<1x1x1x128xi32, #tpu.memory_space<vmem>> -> memref<128xi32, #tpu.memory_space<vmem>>
      %dma_start3A_385 = arith.constant 0 : i32
      %dma_start3A_386 = arith.constant 0 : i32
      %dma_start3A_387 = tpu.memref_slice %arg8[%dma_start3A_385, %dma_start3A_386] : memref<100352x8xf32, #tpu.memory_space<vmem_shared>> -> memref<100352x8xf32, #tpu.memory_space<vmem_shared>>
      tpu.enqueue_indirect_dma source(%dma_start3A_381 : memref<128x8xf32, #tpu.memory_space<vmem>>) target(%dma_start3A_387 : memref<100352x8xf32, #tpu.memory_space<vmem_shared>>) offsets(%dma_start3A_384 : memref<128xi32, #tpu.memory_space<vmem>>) semaphore(%arg11 : memref<!tpu.dma_semaphore, #tpu.memory_space<semaphore_mem>>) {add = true}
      %dma_wait3A_388 = arith.constant 0 : i32
      %dma_wait3A_389 = arith.constant 0 : i32
      %dma_wait3A_390 = arith.constant 0 : i32
      %dma_wait3A_391 = arith.constant 0 : i32
      %dma_wait3A_392 = arith.constant 1 : i32
      %dma_wait3A_393 = arith.constant 0 : i32
      %dma_wait3A_394 = arith.constant 0 : i32
      %dma_wait3A_395 = tpu.memref_slice %arg7[%dma_wait3A_388, %dma_wait3A_389, %dma_wait3A_393, %dma_wait3A_394] : memref<2x4x128x8xf32, #tpu.memory_space<vmem>> -> memref<1x1x128x8xf32, #tpu.memory_space<vmem>>
      %dma_wait3A_396 = tpu.memref_squeeze %dma_wait3A_395 : memref<1x1x128x8xf32, #tpu.memory_space<vmem>> -> memref<128x8xf32, #tpu.memory_space<vmem>>
      %dma_wait3A_397 = arith.constant 0 : i32
      %dma_wait3A_398 = tpu.memref_slice %arg6[%dma_wait3A_390, %dma_wait3A_391, %dma_wait3A_392, %dma_wait3A_397] : memref<2x4x2x128xi32, #tpu.memory_space<vmem>> -> memref<1x1x1x128xi32, #tpu.memory_space<vmem>>
      %dma_wait3A_399 = tpu.memref_squeeze %dma_wait3A_398 : memref<1x1x1x128xi32, #tpu.memory_space<vmem>> -> memref<128xi32, #tpu.memory_space<vmem>>
      %dma_wait3A_400 = arith.constant 0 : i32
      %dma_wait3A_401 = arith.constant 0 : i32
      %dma_wait3A_402 = tpu.memref_slice %arg8[%dma_wait3A_400, %dma_wait3A_401] : memref<100352x8xf32, #tpu.memory_space<vmem_shared>> -> memref<100352x8xf32, #tpu.memory_space<vmem_shared>>
      tpu.wait_indirect_dma semaphore(%arg11 : memref<!tpu.dma_semaphore, #tpu.memory_space<semaphore_mem>>) src(%dma_wait3A_396 : memref<128x8xf32, #tpu.memory_space<vmem>>) dst(%dma_wait3A_402 : memref<100352x8xf32, #tpu.memory_space<vmem_shared>>)
      %dma_wait3A_403 = arith.constant 0 : i32
      %dma_wait3A_404 = arith.constant 1 : i32
      %dma_wait3A_405 = arith.constant 0 : i32
      %dma_wait3A_406 = arith.constant 1 : i32
      %dma_wait3A_407 = arith.constant 1 : i32
      %dma_wait3A_408 = arith.constant 0 : i32
      %dma_wait3A_409 = arith.constant 0 : i32
      %dma_wait3A_410 = tpu.memref_slice %arg7[%dma_wait3A_403, %dma_wait3A_404, %dma_wait3A_408, %dma_wait3A_409] : memref<2x4x128x8xf32, #tpu.memory_space<vmem>> -> memref<1x1x128x8xf32, #tpu.memory_space<vmem>>
      %dma_wait3A_411 = tpu.memref_squeeze %dma_wait3A_410 : memref<1x1x128x8xf32, #tpu.memory_space<vmem>> -> memref<128x8xf32, #tpu.memory_space<vmem>>
      %dma_wait3A_412 = arith.constant 0 : i32
      %dma_wait3A_413 = tpu.memref_slice %arg6[%dma_wait3A_405, %dma_wait3A_406, %dma_wait3A_407, %dma_wait3A_412] : memref<2x4x2x128xi32, #tpu.memory_space<vmem>> -> memref<1x1x1x128xi32, #tpu.memory_space<vmem>>
      %dma_wait3A_414 = tpu.memref_squeeze %dma_wait3A_413 : memref<1x1x1x128xi32, #tpu.memory_space<vmem>> -> memref<128xi32, #tpu.memory_space<vmem>>
      %dma_wait3A_415 = arith.constant 0 : i32
      %dma_wait3A_416 = arith.constant 0 : i32
      %dma_wait3A_417 = tpu.memref_slice %arg8[%dma_wait3A_415, %dma_wait3A_416] : memref<100352x8xf32, #tpu.memory_space<vmem_shared>> -> memref<100352x8xf32, #tpu.memory_space<vmem_shared>>
      tpu.wait_indirect_dma semaphore(%arg11 : memref<!tpu.dma_semaphore, #tpu.memory_space<semaphore_mem>>) src(%dma_wait3A_411 : memref<128x8xf32, #tpu.memory_space<vmem>>) dst(%dma_wait3A_417 : memref<100352x8xf32, #tpu.memory_space<vmem_shared>>)
      %dma_wait3A_418 = arith.constant 0 : i32
      %dma_wait3A_419 = arith.constant 2 : i32
      %dma_wait3A_420 = arith.constant 0 : i32
      %dma_wait3A_421 = arith.constant 2 : i32
      %dma_wait3A_422 = arith.constant 1 : i32
      %dma_wait3A_423 = arith.constant 0 : i32
      %dma_wait3A_424 = arith.constant 0 : i32
      %dma_wait3A_425 = tpu.memref_slice %arg7[%dma_wait3A_418, %dma_wait3A_419, %dma_wait3A_423, %dma_wait3A_424] : memref<2x4x128x8xf32, #tpu.memory_space<vmem>> -> memref<1x1x128x8xf32, #tpu.memory_space<vmem>>
      %dma_wait3A_426 = tpu.memref_squeeze %dma_wait3A_425 : memref<1x1x128x8xf32, #tpu.memory_space<vmem>> -> memref<128x8xf32, #tpu.memory_space<vmem>>
      %dma_wait3A_427 = arith.constant 0 : i32
      %dma_wait3A_428 = tpu.memref_slice %arg6[%dma_wait3A_420, %dma_wait3A_421, %dma_wait3A_422, %dma_wait3A_427] : memref<2x4x2x128xi32, #tpu.memory_space<vmem>> -> memref<1x1x1x128xi32, #tpu.memory_space<vmem>>
      %dma_wait3A_429 = tpu.memref_squeeze %dma_wait3A_428 : memref<1x1x1x128xi32, #tpu.memory_space<vmem>> -> memref<128xi32, #tpu.memory_space<vmem>>
      %dma_wait3A_430 = arith.constant 0 : i32
      %dma_wait3A_431 = arith.constant 0 : i32
      %dma_wait3A_432 = tpu.memref_slice %arg8[%dma_wait3A_430, %dma_wait3A_431] : memref<100352x8xf32, #tpu.memory_space<vmem_shared>> -> memref<100352x8xf32, #tpu.memory_space<vmem_shared>>
      tpu.wait_indirect_dma semaphore(%arg11 : memref<!tpu.dma_semaphore, #tpu.memory_space<semaphore_mem>>) src(%dma_wait3A_426 : memref<128x8xf32, #tpu.memory_space<vmem>>) dst(%dma_wait3A_432 : memref<100352x8xf32, #tpu.memory_space<vmem_shared>>)
      %dma_wait3A_433 = arith.constant 0 : i32
      %dma_wait3A_434 = arith.constant 3 : i32
      %dma_wait3A_435 = arith.constant 0 : i32
      %dma_wait3A_436 = arith.constant 3 : i32
      %dma_wait3A_437 = arith.constant 1 : i32
      %dma_wait3A_438 = arith.constant 0 : i32
      %dma_wait3A_439 = arith.constant 0 : i32
      %dma_wait3A_440 = tpu.memref_slice %arg7[%dma_wait3A_433, %dma_wait3A_434, %dma_wait3A_438, %dma_wait3A_439] : memref<2x4x128x8xf32, #tpu.memory_space<vmem>> -> memref<1x1x128x8xf32, #tpu.memory_space<vmem>>
      %dma_wait3A_441 = tpu.memref_squeeze %dma_wait3A_440 : memref<1x1x128x8xf32, #tpu.memory_space<vmem>> -> memref<128x8xf32, #tpu.memory_space<vmem>>
      %dma_wait3A_442 = arith.constant 0 : i32
      %dma_wait3A_443 = tpu.memref_slice %arg6[%dma_wait3A_435, %dma_wait3A_436, %dma_wait3A_437, %dma_wait3A_442] : memref<2x4x2x128xi32, #tpu.memory_space<vmem>> -> memref<1x1x1x128xi32, #tpu.memory_space<vmem>>
      %dma_wait3A_444 = tpu.memref_squeeze %dma_wait3A_443 : memref<1x1x1x128xi32, #tpu.memory_space<vmem>> -> memref<128xi32, #tpu.memory_space<vmem>>
      %dma_wait3A_445 = arith.constant 0 : i32
      %dma_wait3A_446 = arith.constant 0 : i32
      %dma_wait3A_447 = tpu.memref_slice %arg8[%dma_wait3A_445, %dma_wait3A_446] : memref<100352x8xf32, #tpu.memory_space<vmem_shared>> -> memref<100352x8xf32, #tpu.memory_space<vmem_shared>>
      tpu.wait_indirect_dma semaphore(%arg11 : memref<!tpu.dma_semaphore, #tpu.memory_space<semaphore_mem>>) src(%dma_wait3A_441 : memref<128x8xf32, #tpu.memory_space<vmem>>) dst(%dma_wait3A_447 : memref<100352x8xf32, #tpu.memory_space<vmem_shared>>)
      %dma_wait3A_448 = arith.constant 1 : i32
      %dma_wait3A_449 = arith.constant 0 : i32
      %dma_wait3A_450 = arith.constant 1 : i32
      %dma_wait3A_451 = arith.constant 0 : i32
      %dma_wait3A_452 = arith.constant 1 : i32
      %dma_wait3A_453 = arith.constant 0 : i32
      %dma_wait3A_454 = arith.constant 0 : i32
      %dma_wait3A_455 = tpu.memref_slice %arg7[%dma_wait3A_448, %dma_wait3A_449, %dma_wait3A_453, %dma_wait3A_454] : memref<2x4x128x8xf32, #tpu.memory_space<vmem>> -> memref<1x1x128x8xf32, #tpu.memory_space<vmem>>
      %dma_wait3A_456 = tpu.memref_squeeze %dma_wait3A_455 : memref<1x1x128x8xf32, #tpu.memory_space<vmem>> -> memref<128x8xf32, #tpu.memory_space<vmem>>
      %dma_wait3A_457 = arith.constant 0 : i32
      %dma_wait3A_458 = tpu.memref_slice %arg6[%dma_wait3A_450, %dma_wait3A_451, %dma_wait3A_452, %dma_wait3A_457] : memref<2x4x2x128xi32, #tpu.memory_space<vmem>> -> memref<1x1x1x128xi32, #tpu.memory_space<vmem>>
      %dma_wait3A_459 = tpu.memref_squeeze %dma_wait3A_458 : memref<1x1x1x128xi32, #tpu.memory_space<vmem>> -> memref<128xi32, #tpu.memory_space<vmem>>
      %dma_wait3A_460 = arith.constant 0 : i32
      %dma_wait3A_461 = arith.constant 0 : i32
      %dma_wait3A_462 = tpu.memref_slice %arg8[%dma_wait3A_460, %dma_wait3A_461] : memref<100352x8xf32, #tpu.memory_space<vmem_shared>> -> memref<100352x8xf32, #tpu.memory_space<vmem_shared>>
      tpu.wait_indirect_dma semaphore(%arg11 : memref<!tpu.dma_semaphore, #tpu.memory_space<semaphore_mem>>) src(%dma_wait3A_456 : memref<128x8xf32, #tpu.memory_space<vmem>>) dst(%dma_wait3A_462 : memref<100352x8xf32, #tpu.memory_space<vmem_shared>>)
      %dma_wait3A_463 = arith.constant 1 : i32
      %dma_wait3A_464 = arith.constant 1 : i32
      %dma_wait3A_465 = arith.constant 1 : i32
      %dma_wait3A_466 = arith.constant 1 : i32
      %dma_wait3A_467 = arith.constant 1 : i32
      %dma_wait3A_468 = arith.constant 0 : i32
      %dma_wait3A_469 = arith.constant 0 : i32
      %dma_wait3A_470 = tpu.memref_slice %arg7[%dma_wait3A_463, %dma_wait3A_464, %dma_wait3A_468, %dma_wait3A_469] : memref<2x4x128x8xf32, #tpu.memory_space<vmem>> -> memref<1x1x128x8xf32, #tpu.memory_space<vmem>>
      %dma_wait3A_471 = tpu.memref_squeeze %dma_wait3A_470 : memref<1x1x128x8xf32, #tpu.memory_space<vmem>> -> memref<128x8xf32, #tpu.memory_space<vmem>>
      %dma_wait3A_472 = arith.constant 0 : i32
      %dma_wait3A_473 = tpu.memref_slice %arg6[%dma_wait3A_465, %dma_wait3A_466, %dma_wait3A_467, %dma_wait3A_472] : memref<2x4x2x128xi32, #tpu.memory_space<vmem>> -> memref<1x1x1x128xi32, #tpu.memory_space<vmem>>
      %dma_wait3A_474 = tpu.memref_squeeze %dma_wait3A_473 : memref<1x1x1x128xi32, #tpu.memory_space<vmem>> -> memref<128xi32, #tpu.memory_space<vmem>>
      %dma_wait3A_475 = arith.constant 0 : i32
      %dma_wait3A_476 = arith.constant 0 : i32
      %dma_wait3A_477 = tpu.memref_slice %arg8[%dma_wait3A_475, %dma_wait3A_476] : memref<100352x8xf32, #tpu.memory_space<vmem_shared>> -> memref<100352x8xf32, #tpu.memory_space<vmem_shared>>
      tpu.wait_indirect_dma semaphore(%arg11 : memref<!tpu.dma_semaphore, #tpu.memory_space<semaphore_mem>>) src(%dma_wait3A_471 : memref<128x8xf32, #tpu.memory_space<vmem>>) dst(%dma_wait3A_477 : memref<100352x8xf32, #tpu.memory_space<vmem_shared>>)
      %dma_wait3A_478 = arith.constant 1 : i32
      %dma_wait3A_479 = arith.constant 2 : i32
      %dma_wait3A_480 = arith.constant 1 : i32
      %dma_wait3A_481 = arith.constant 2 : i32
      %dma_wait3A_482 = arith.constant 1 : i32
      %dma_wait3A_483 = arith.constant 0 : i32
      %dma_wait3A_484 = arith.constant 0 : i32
      %dma_wait3A_485 = tpu.memref_slice %arg7[%dma_wait3A_478, %dma_wait3A_479, %dma_wait3A_483, %dma_wait3A_484] : memref<2x4x128x8xf32, #tpu.memory_space<vmem>> -> memref<1x1x128x8xf32, #tpu.memory_space<vmem>>
      %dma_wait3A_486 = tpu.memref_squeeze %dma_wait3A_485 : memref<1x1x128x8xf32, #tpu.memory_space<vmem>> -> memref<128x8xf32, #tpu.memory_space<vmem>>
      %dma_wait3A_487 = arith.constant 0 : i32
      %dma_wait3A_488 = tpu.memref_slice %arg6[%dma_wait3A_480, %dma_wait3A_481, %dma_wait3A_482, %dma_wait3A_487] : memref<2x4x2x128xi32, #tpu.memory_space<vmem>> -> memref<1x1x1x128xi32, #tpu.memory_space<vmem>>
      %dma_wait3A_489 = tpu.memref_squeeze %dma_wait3A_488 : memref<1x1x1x128xi32, #tpu.memory_space<vmem>> -> memref<128xi32, #tpu.memory_space<vmem>>
      %dma_wait3A_490 = arith.constant 0 : i32
      %dma_wait3A_491 = arith.constant 0 : i32
      %dma_wait3A_492 = tpu.memref_slice %arg8[%dma_wait3A_490, %dma_wait3A_491] : memref<100352x8xf32, #tpu.memory_space<vmem_shared>> -> memref<100352x8xf32, #tpu.memory_space<vmem_shared>>
      tpu.wait_indirect_dma semaphore(%arg11 : memref<!tpu.dma_semaphore, #tpu.memory_space<semaphore_mem>>) src(%dma_wait3A_486 : memref<128x8xf32, #tpu.memory_space<vmem>>) dst(%dma_wait3A_492 : memref<100352x8xf32, #tpu.memory_space<vmem_shared>>)
      %dma_wait3A_493 = arith.constant 1 : i32
      %dma_wait3A_494 = arith.constant 3 : i32
      %dma_wait3A_495 = arith.constant 1 : i32
      %dma_wait3A_496 = arith.constant 3 : i32
      %dma_wait3A_497 = arith.constant 1 : i32
      %dma_wait3A_498 = arith.constant 0 : i32
      %dma_wait3A_499 = arith.constant 0 : i32
      %dma_wait3A_500 = tpu.memref_slice %arg7[%dma_wait3A_493, %dma_wait3A_494, %dma_wait3A_498, %dma_wait3A_499] : memref<2x4x128x8xf32, #tpu.memory_space<vmem>> -> memref<1x1x128x8xf32, #tpu.memory_space<vmem>>
      %dma_wait3A_501 = tpu.memref_squeeze %dma_wait3A_500 : memref<1x1x128x8xf32, #tpu.memory_space<vmem>> -> memref<128x8xf32, #tpu.memory_space<vmem>>
      %dma_wait3A_502 = arith.constant 0 : i32
      %dma_wait3A_503 = tpu.memref_slice %arg6[%dma_wait3A_495, %dma_wait3A_496, %dma_wait3A_497, %dma_wait3A_502] : memref<2x4x2x128xi32, #tpu.memory_space<vmem>> -> memref<1x1x1x128xi32, #tpu.memory_space<vmem>>
      %dma_wait3A_504 = tpu.memref_squeeze %dma_wait3A_503 : memref<1x1x1x128xi32, #tpu.memory_space<vmem>> -> memref<128xi32, #tpu.memory_space<vmem>>
      %dma_wait3A_505 = arith.constant 0 : i32
      %dma_wait3A_506 = arith.constant 0 : i32
      %dma_wait3A_507 = tpu.memref_slice %arg8[%dma_wait3A_505, %dma_wait3A_506] : memref<100352x8xf32, #tpu.memory_space<vmem_shared>> -> memref<100352x8xf32, #tpu.memory_space<vmem_shared>>
      tpu.wait_indirect_dma semaphore(%arg11 : memref<!tpu.dma_semaphore, #tpu.memory_space<semaphore_mem>>) src(%dma_wait3A_501 : memref<128x8xf32, #tpu.memory_space<vmem>>) dst(%dma_wait3A_507 : memref<100352x8xf32, #tpu.memory_space<vmem_shared>>)
    }
    %barrier3A_20 = arith.constant 0 : index
    tpu.barrier barrier_id(%barrier3A_20)
    "tpu.region"() ({
      %run_scoped3A = tpu.sem_alloc : memref<!tpu.dma_semaphore, #tpu.memory_space<semaphore_mem>>
      %dma_start3A = arith.constant 0 : i32
      %dma_start3A_21 = tpu.memref_slice %arg5[%arg0, %mul3A_0, %dma_start3A] : memref<2x100352x8xf32, #tpu.memory_space<hbm>> -> memref<1x6272x8xf32, #tpu.memory_space<hbm>>
      %dma_start3A_22 = tpu.memref_squeeze %dma_start3A_21 : memref<1x6272x8xf32, #tpu.memory_space<hbm>> -> memref<6272x8xf32, #tpu.memory_space<hbm>>
      %dma_start3A_23 = arith.constant 0 : i32
      %dma_start3A_24 = tpu.memref_slice %arg8[%mul3A_0, %dma_start3A_23] : memref<100352x8xf32, #tpu.memory_space<vmem_shared>> -> memref<6272x8xf32, #tpu.memory_space<vmem_shared>>
      tpu.enqueue_dma source(%dma_start3A_24 : memref<6272x8xf32, #tpu.memory_space<vmem_shared>>) target(%dma_start3A_22 : memref<6272x8xf32, #tpu.memory_space<hbm>>) target_semaphore(%run_scoped3A : memref<!tpu.dma_semaphore, #tpu.memory_space<semaphore_mem>>)
      %dma_wait3A = arith.constant 0 : i32
      %dma_wait3A_25 = tpu.memref_slice %arg5[%arg0, %mul3A_0, %dma_wait3A] : memref<2x100352x8xf32, #tpu.memory_space<hbm>> -> memref<1x6272x8xf32, #tpu.memory_space<hbm>>
      %dma_wait3A_26 = tpu.memref_squeeze %dma_wait3A_25 : memref<1x6272x8xf32, #tpu.memory_space<hbm>> -> memref<6272x8xf32, #tpu.memory_space<hbm>>
      %dma_wait3A_27 = arith.constant 0 : i32
      %dma_wait3A_28 = tpu.memref_slice %arg8[%mul3A_0, %dma_wait3A_27] : memref<100352x8xf32, #tpu.memory_space<vmem_shared>> -> memref<6272x8xf32, #tpu.memory_space<vmem_shared>>
      tpu.wait_dma2 semaphore(%run_scoped3A : memref<!tpu.dma_semaphore, #tpu.memory_space<semaphore_mem>>) src(%dma_wait3A_28 : memref<6272x8xf32, #tpu.memory_space<vmem_shared>>) dst(%dma_wait3A_26 : memref<6272x8xf32, #tpu.memory_space<hbm>>)
      tpu.yield
    }) : () -> ()
    return
  }
}

#map = affine_map<(d0, d1) -> (0, 0, 0)>
#map1 = affine_map<(d0, d1) -> (0, 0)>
module attributes {stable_mosaic.version = 14 : i64} {
  func.func @_edge_body(%arg0: i32, %arg1: i32, %arg2: memref<25088x2x128xi32, #tpu.memory_space<hbm>>, %arg3: memref<100352x16xf32, #tpu.memory_space<hbm>>, %arg4: memref<100352x16xf32, #tpu.memory_space<hbm>>, %arg5: memref<2x100352x16xf32, #tpu.memory_space<hbm>>, %arg6: memref<2x4x2x128xi32, #tpu.memory_space<vmem>>, %arg7: memref<2x4x128x16xf32, #tpu.memory_space<vmem>>, %arg8: memref<100352x16xf32, #tpu.memory_space<vmem_shared>>, %arg9: memref<!tpu.dma_semaphore, #tpu.memory_space<semaphore_mem>>, %arg10: memref<!tpu.dma_semaphore, #tpu.memory_space<semaphore_mem>>, %arg11: memref<!tpu.dma_semaphore, #tpu.memory_space<semaphore_mem>>) attributes {dimension_semantics = [#tpu.dimension_semantics<core_parallel>, #tpu.dimension_semantics<subcore_parallel>], iteration_bounds = array<i64: 2, 16>, scalar_prefetch = 0 : i64, scratch_operands = 6 : i64, tpu.core_type = #tpu.core_type<sc_vector_subcore>, window_params = [{transform_indices = #map}, {transform_indices = #map1}, {transform_indices = #map1}, {transform_indices = #map}]} {
    %mul3A = arith.constant 6272 : i32
    %mul3A_0 = arith.muli %arg1, %mul3A : i32
    "tpu.region"() ({
      %run_scoped3A = tpu.sem_alloc : memref<!tpu.dma_semaphore, #tpu.memory_space<semaphore_mem>>
      %dma_start3A = arith.constant 0 : i32
      %dma_start3A_21 = tpu.memref_slice %arg8[%mul3A_0, %dma_start3A] : memref<100352x16xf32, #tpu.memory_space<vmem_shared>> -> memref<6272x16xf32, #tpu.memory_space<vmem_shared>>
      %dma_start3A_22 = arith.constant 0 : i32
      %dma_start3A_23 = tpu.memref_slice %arg4[%mul3A_0, %dma_start3A_22] : memref<100352x16xf32, #tpu.memory_space<hbm>> -> memref<6272x16xf32, #tpu.memory_space<hbm>>
      tpu.enqueue_dma source(%dma_start3A_23 : memref<6272x16xf32, #tpu.memory_space<hbm>>) target(%dma_start3A_21 : memref<6272x16xf32, #tpu.memory_space<vmem_shared>>) target_semaphore(%run_scoped3A : memref<!tpu.dma_semaphore, #tpu.memory_space<semaphore_mem>>)
      %dma_wait3A = arith.constant 0 : i32
      %dma_wait3A_24 = tpu.memref_slice %arg8[%mul3A_0, %dma_wait3A] : memref<100352x16xf32, #tpu.memory_space<vmem_shared>> -> memref<6272x16xf32, #tpu.memory_space<vmem_shared>>
      %dma_wait3A_25 = arith.constant 0 : i32
      %dma_wait3A_26 = tpu.memref_slice %arg4[%mul3A_0, %dma_wait3A_25] : memref<100352x16xf32, #tpu.memory_space<hbm>> -> memref<6272x16xf32, #tpu.memory_space<hbm>>
      tpu.wait_dma2 semaphore(%run_scoped3A : memref<!tpu.dma_semaphore, #tpu.memory_space<semaphore_mem>>) src(%dma_wait3A_26 : memref<6272x16xf32, #tpu.memory_space<hbm>>) dst(%dma_wait3A_24 : memref<6272x16xf32, #tpu.memory_space<vmem_shared>>)
      tpu.yield
    }) : () -> ()
    %barrier3A = arith.constant 0 : index
    tpu.barrier barrier_id(%barrier3A)
    %eq3A = arith.constant 0 : i32
    %eq3A_1 = arith.cmpi eq, %arg0, %eq3A : i32
    %mul3A_2 = arith.constant 784 : i32
    %mul3A_3 = arith.muli %arg1, %mul3A_2 : i32
    %mul3A_4 = arith.constant 784 : i32
    %mul3A_5 = arith.muli %arg1, %mul3A_4 : i32
    %add3A = arith.constant 12544 : i32
    %add3A_6 = arith.addi %add3A, %mul3A_5 : i32
    %select_n3A = arith.select %eq3A_1, %mul3A_3, %add3A_6 : i32
    %eq3A_7 = arith.constant 0 : i32
    %eq3A_8 = arith.cmpi eq, %arg0, %eq3A_7 : i32
    %jit3A = arith.constant 98 : i32
    %jit3A_9 = arith.constant 98 : i32
    %select_n3A_10 = arith.select %eq3A_8, %jit3A, %jit3A_9 : i32
    %while3A = arith.constant 0 : i32
    %while3A_11 = arith.constant 0 : i32
    %while3A_12 = arith.subi %select_n3A_10, %while3A_11 : i32
    %while3A_13 = arith.addi %while3A_11, %while3A_12 : i32
    %while3A_14 = arith.constant 1 : i32
    %while3A_15 = arith.divsi %while3A_12, %while3A_14 : i32
    %while3A_16 = arith.muli %while3A_15, %while3A_14 : i32
    %while3A_17 = arith.addi %while3A_11, %while3A_16 : i32
    %while3A_18 = arith.constant 1 : i32
    scf.for %while3A_21 = %while3A_11 to %while3A_17 step %while3A_18  : i32 {
      %mul3A_22 = arith.constant 8 : i32
      %mul3A_23 = arith.muli %while3A_21, %mul3A_22 : i32
      %add3A_24 = arith.addi %select_n3A, %mul3A_23 : i32
      %add3A_25 = arith.constant 0 : i32
      %add3A_26 = arith.addi %add3A_24, %add3A_25 : i32
      %run_scoped3A = arith.constant 0 : i32
      "tpu.region"() ({
        %run_scoped3A_508 = tpu.sem_alloc : memref<!tpu.dma_semaphore, #tpu.memory_space<semaphore_mem>>
        %dma_start3A_509 = arith.constant 0 : i32
        %dma_start3A_510 = arith.constant 0 : i32
        %dma_start3A_511 = arith.constant 0 : i32
        %dma_start3A_512 = tpu.memref_slice %arg6[%run_scoped3A, %dma_start3A_509, %dma_start3A_510, %dma_start3A_511] : memref<2x4x2x128xi32, #tpu.memory_space<vmem>> -> memref<1x4x2x128xi32, #tpu.memory_space<vmem>>
        %dma_start3A_513 = tpu.memref_squeeze %dma_start3A_512 : memref<1x4x2x128xi32, #tpu.memory_space<vmem>> -> memref<4x2x128xi32, #tpu.memory_space<vmem>>
        %dma_start3A_514 = arith.constant 0 : i32
        %dma_start3A_515 = arith.constant 0 : i32
        %dma_start3A_516 = tpu.memref_slice %arg2[%add3A_26, %dma_start3A_514, %dma_start3A_515] : memref<25088x2x128xi32, #tpu.memory_space<hbm>> -> memref<4x2x128xi32, #tpu.memory_space<hbm>>
        %dma_start3A_517 = arith.constant 0 : i32
        %dma_start3A_518 = arith.constant 0 : i32
        %dma_start3A_519 = arith.constant 0 : i32
        %dma_start3A_520 = tpu.memref_slice %arg6[%run_scoped3A, %dma_start3A_517, %dma_start3A_518, %dma_start3A_519] : memref<2x4x2x128xi32, #tpu.memory_space<vmem>> -> memref<1x4x2x128xi32, #tpu.memory_space<vmem>>
        %dma_start3A_521 = tpu.memref_squeeze %dma_start3A_520 : memref<1x4x2x128xi32, #tpu.memory_space<vmem>> -> memref<4x2x128xi32, #tpu.memory_space<vmem>>
        %dma_start3A_522 = arith.constant 0 : i32
        %dma_start3A_523 = arith.constant 0 : i32
        %dma_start3A_524 = tpu.memref_slice %arg2[%add3A_26, %dma_start3A_522, %dma_start3A_523] : memref<25088x2x128xi32, #tpu.memory_space<hbm>> -> memref<4x2x128xi32, #tpu.memory_space<hbm>>
        tpu.enqueue_dma source(%dma_start3A_524 : memref<4x2x128xi32, #tpu.memory_space<hbm>>) target(%dma_start3A_521 : memref<4x2x128xi32, #tpu.memory_space<vmem>>) target_semaphore(%run_scoped3A_508 : memref<!tpu.dma_semaphore, #tpu.memory_space<semaphore_mem>>)
        %dma_wait3A_525 = arith.constant 0 : i32
        %dma_wait3A_526 = arith.constant 0 : i32
        %dma_wait3A_527 = arith.constant 0 : i32
        %dma_wait3A_528 = tpu.memref_slice %arg6[%run_scoped3A, %dma_wait3A_525, %dma_wait3A_526, %dma_wait3A_527] : memref<2x4x2x128xi32, #tpu.memory_space<vmem>> -> memref<1x4x2x128xi32, #tpu.memory_space<vmem>>
        %dma_wait3A_529 = tpu.memref_squeeze %dma_wait3A_528 : memref<1x4x2x128xi32, #tpu.memory_space<vmem>> -> memref<4x2x128xi32, #tpu.memory_space<vmem>>
        %dma_wait3A_530 = arith.constant 0 : i32
        %dma_wait3A_531 = arith.constant 0 : i32
        %dma_wait3A_532 = tpu.memref_slice %arg2[%add3A_26, %dma_wait3A_530, %dma_wait3A_531] : memref<25088x2x128xi32, #tpu.memory_space<hbm>> -> memref<4x2x128xi32, #tpu.memory_space<hbm>>
        %dma_wait3A_533 = arith.constant 0 : i32
        %dma_wait3A_534 = arith.constant 0 : i32
        %dma_wait3A_535 = arith.constant 0 : i32
        %dma_wait3A_536 = tpu.memref_slice %arg6[%run_scoped3A, %dma_wait3A_533, %dma_wait3A_534, %dma_wait3A_535] : memref<2x4x2x128xi32, #tpu.memory_space<vmem>> -> memref<1x4x2x128xi32, #tpu.memory_space<vmem>>
        %dma_wait3A_537 = tpu.memref_squeeze %dma_wait3A_536 : memref<1x4x2x128xi32, #tpu.memory_space<vmem>> -> memref<4x2x128xi32, #tpu.memory_space<vmem>>
        %dma_wait3A_538 = arith.constant 0 : i32
        %dma_wait3A_539 = arith.constant 0 : i32
        %dma_wait3A_540 = tpu.memref_slice %arg2[%add3A_26, %dma_wait3A_538, %dma_wait3A_539] : memref<25088x2x128xi32, #tpu.memory_space<hbm>> -> memref<4x2x128xi32, #tpu.memory_space<hbm>>
        tpu.wait_dma2 semaphore(%run_scoped3A_508 : memref<!tpu.dma_semaphore, #tpu.memory_space<semaphore_mem>>) src(%dma_wait3A_540 : memref<4x2x128xi32, #tpu.memory_space<hbm>>) dst(%dma_wait3A_537 : memref<4x2x128xi32, #tpu.memory_space<vmem>>)
        tpu.yield
      }) : () -> ()
      %dma_start3A = arith.constant 0 : i32
      %dma_start3A_27 = arith.constant 0 : i32
      %dma_start3A_28 = arith.constant 0 : i32
      %dma_start3A_29 = arith.constant 0 : i32
      %dma_start3A_30 = arith.constant 0 : i32
      %dma_start3A_31 = arith.constant 0 : i32
      %dma_start3A_32 = arith.constant 0 : i32
      %dma_start3A_33 = tpu.memref_slice %arg7[%dma_start3A_29, %dma_start3A_30, %dma_start3A_31, %dma_start3A_32] : memref<2x4x128x16xf32, #tpu.memory_space<vmem>> -> memref<1x1x128x16xf32, #tpu.memory_space<vmem>>
      %dma_start3A_34 = tpu.memref_squeeze %dma_start3A_33 : memref<1x1x128x16xf32, #tpu.memory_space<vmem>> -> memref<128x16xf32, #tpu.memory_space<vmem>>
      %dma_start3A_35 = arith.constant 0 : i32
      %dma_start3A_36 = tpu.memref_slice %arg6[%dma_start3A, %dma_start3A_27, %dma_start3A_28, %dma_start3A_35] : memref<2x4x2x128xi32, #tpu.memory_space<vmem>> -> memref<1x1x1x128xi32, #tpu.memory_space<vmem>>
      %dma_start3A_37 = tpu.memref_squeeze %dma_start3A_36 : memref<1x1x1x128xi32, #tpu.memory_space<vmem>> -> memref<128xi32, #tpu.memory_space<vmem>>
      %dma_start3A_38 = arith.constant 0 : i32
      %dma_start3A_39 = arith.constant 0 : i32
      %dma_start3A_40 = tpu.memref_slice %arg3[%dma_start3A_38, %dma_start3A_39] : memref<100352x16xf32, #tpu.memory_space<hbm>> -> memref<100352x16xf32, #tpu.memory_space<hbm>>
      tpu.enqueue_indirect_dma source(%dma_start3A_40 : memref<100352x16xf32, #tpu.memory_space<hbm>>) target(%dma_start3A_34 : memref<128x16xf32, #tpu.memory_space<vmem>>) offsets(%dma_start3A_37 : memref<128xi32, #tpu.memory_space<vmem>>) semaphore(%arg9 : memref<!tpu.dma_semaphore, #tpu.memory_space<semaphore_mem>>)
      %dma_start3A_41 = arith.constant 0 : i32
      %dma_start3A_42 = arith.constant 1 : i32
      %dma_start3A_43 = arith.constant 0 : i32
      %dma_start3A_44 = arith.constant 0 : i32
      %dma_start3A_45 = arith.constant 1 : i32
      %dma_start3A_46 = arith.constant 0 : i32
      %dma_start3A_47 = arith.constant 0 : i32
      %dma_start3A_48 = tpu.memref_slice %arg7[%dma_start3A_44, %dma_start3A_45, %dma_start3A_46, %dma_start3A_47] : memref<2x4x128x16xf32, #tpu.memory_space<vmem>> -> memref<1x1x128x16xf32, #tpu.memory_space<vmem>>
      %dma_start3A_49 = tpu.memref_squeeze %dma_start3A_48 : memref<1x1x128x16xf32, #tpu.memory_space<vmem>> -> memref<128x16xf32, #tpu.memory_space<vmem>>
      %dma_start3A_50 = arith.constant 0 : i32
      %dma_start3A_51 = tpu.memref_slice %arg6[%dma_start3A_41, %dma_start3A_42, %dma_start3A_43, %dma_start3A_50] : memref<2x4x2x128xi32, #tpu.memory_space<vmem>> -> memref<1x1x1x128xi32, #tpu.memory_space<vmem>>
      %dma_start3A_52 = tpu.memref_squeeze %dma_start3A_51 : memref<1x1x1x128xi32, #tpu.memory_space<vmem>> -> memref<128xi32, #tpu.memory_space<vmem>>
      %dma_start3A_53 = arith.constant 0 : i32
      %dma_start3A_54 = arith.constant 0 : i32
      %dma_start3A_55 = tpu.memref_slice %arg3[%dma_start3A_53, %dma_start3A_54] : memref<100352x16xf32, #tpu.memory_space<hbm>> -> memref<100352x16xf32, #tpu.memory_space<hbm>>
      tpu.enqueue_indirect_dma source(%dma_start3A_55 : memref<100352x16xf32, #tpu.memory_space<hbm>>) target(%dma_start3A_49 : memref<128x16xf32, #tpu.memory_space<vmem>>) offsets(%dma_start3A_52 : memref<128xi32, #tpu.memory_space<vmem>>) semaphore(%arg9 : memref<!tpu.dma_semaphore, #tpu.memory_space<semaphore_mem>>)
      %dma_start3A_56 = arith.constant 0 : i32
      %dma_start3A_57 = arith.constant 2 : i32
      %dma_start3A_58 = arith.constant 0 : i32
      %dma_start3A_59 = arith.constant 0 : i32
      %dma_start3A_60 = arith.constant 2 : i32
      %dma_start3A_61 = arith.constant 0 : i32
      %dma_start3A_62 = arith.constant 0 : i32
      %dma_start3A_63 = tpu.memref_slice %arg7[%dma_start3A_59, %dma_start3A_60, %dma_start3A_61, %dma_start3A_62] : memref<2x4x128x16xf32, #tpu.memory_space<vmem>> -> memref<1x1x128x16xf32, #tpu.memory_space<vmem>>
      %dma_start3A_64 = tpu.memref_squeeze %dma_start3A_63 : memref<1x1x128x16xf32, #tpu.memory_space<vmem>> -> memref<128x16xf32, #tpu.memory_space<vmem>>
      %dma_start3A_65 = arith.constant 0 : i32
      %dma_start3A_66 = tpu.memref_slice %arg6[%dma_start3A_56, %dma_start3A_57, %dma_start3A_58, %dma_start3A_65] : memref<2x4x2x128xi32, #tpu.memory_space<vmem>> -> memref<1x1x1x128xi32, #tpu.memory_space<vmem>>
      %dma_start3A_67 = tpu.memref_squeeze %dma_start3A_66 : memref<1x1x1x128xi32, #tpu.memory_space<vmem>> -> memref<128xi32, #tpu.memory_space<vmem>>
      %dma_start3A_68 = arith.constant 0 : i32
      %dma_start3A_69 = arith.constant 0 : i32
      %dma_start3A_70 = tpu.memref_slice %arg3[%dma_start3A_68, %dma_start3A_69] : memref<100352x16xf32, #tpu.memory_space<hbm>> -> memref<100352x16xf32, #tpu.memory_space<hbm>>
      tpu.enqueue_indirect_dma source(%dma_start3A_70 : memref<100352x16xf32, #tpu.memory_space<hbm>>) target(%dma_start3A_64 : memref<128x16xf32, #tpu.memory_space<vmem>>) offsets(%dma_start3A_67 : memref<128xi32, #tpu.memory_space<vmem>>) semaphore(%arg9 : memref<!tpu.dma_semaphore, #tpu.memory_space<semaphore_mem>>)
      %dma_start3A_71 = arith.constant 0 : i32
      %dma_start3A_72 = arith.constant 3 : i32
      %dma_start3A_73 = arith.constant 0 : i32
      %dma_start3A_74 = arith.constant 0 : i32
      %dma_start3A_75 = arith.constant 3 : i32
      %dma_start3A_76 = arith.constant 0 : i32
      %dma_start3A_77 = arith.constant 0 : i32
      %dma_start3A_78 = tpu.memref_slice %arg7[%dma_start3A_74, %dma_start3A_75, %dma_start3A_76, %dma_start3A_77] : memref<2x4x128x16xf32, #tpu.memory_space<vmem>> -> memref<1x1x128x16xf32, #tpu.memory_space<vmem>>
      %dma_start3A_79 = tpu.memref_squeeze %dma_start3A_78 : memref<1x1x128x16xf32, #tpu.memory_space<vmem>> -> memref<128x16xf32, #tpu.memory_space<vmem>>
      %dma_start3A_80 = arith.constant 0 : i32
      %dma_start3A_81 = tpu.memref_slice %arg6[%dma_start3A_71, %dma_start3A_72, %dma_start3A_73, %dma_start3A_80] : memref<2x4x2x128xi32, #tpu.memory_space<vmem>> -> memref<1x1x1x128xi32, #tpu.memory_space<vmem>>
      %dma_start3A_82 = tpu.memref_squeeze %dma_start3A_81 : memref<1x1x1x128xi32, #tpu.memory_space<vmem>> -> memref<128xi32, #tpu.memory_space<vmem>>
      %dma_start3A_83 = arith.constant 0 : i32
      %dma_start3A_84 = arith.constant 0 : i32
      %dma_start3A_85 = tpu.memref_slice %arg3[%dma_start3A_83, %dma_start3A_84] : memref<100352x16xf32, #tpu.memory_space<hbm>> -> memref<100352x16xf32, #tpu.memory_space<hbm>>
      tpu.enqueue_indirect_dma source(%dma_start3A_85 : memref<100352x16xf32, #tpu.memory_space<hbm>>) target(%dma_start3A_79 : memref<128x16xf32, #tpu.memory_space<vmem>>) offsets(%dma_start3A_82 : memref<128xi32, #tpu.memory_space<vmem>>) semaphore(%arg9 : memref<!tpu.dma_semaphore, #tpu.memory_space<semaphore_mem>>)
      %add3A_86 = arith.constant 4 : i32
      %add3A_87 = arith.addi %add3A_24, %add3A_86 : i32
      %run_scoped3A_88 = arith.constant 1 : i32
      "tpu.region"() ({
        %run_scoped3A_508 = tpu.sem_alloc : memref<!tpu.dma_semaphore, #tpu.memory_space<semaphore_mem>>
        %dma_start3A_509 = arith.constant 0 : i32
        %dma_start3A_510 = arith.constant 0 : i32
        %dma_start3A_511 = arith.constant 0 : i32
        %dma_start3A_512 = tpu.memref_slice %arg6[%run_scoped3A_88, %dma_start3A_509, %dma_start3A_510, %dma_start3A_511] : memref<2x4x2x128xi32, #tpu.memory_space<vmem>> -> memref<1x4x2x128xi32, #tpu.memory_space<vmem>>
        %dma_start3A_513 = tpu.memref_squeeze %dma_start3A_512 : memref<1x4x2x128xi32, #tpu.memory_space<vmem>> -> memref<4x2x128xi32, #tpu.memory_space<vmem>>
        %dma_start3A_514 = arith.constant 0 : i32
        %dma_start3A_515 = arith.constant 0 : i32
        %dma_start3A_516 = tpu.memref_slice %arg2[%add3A_87, %dma_start3A_514, %dma_start3A_515] : memref<25088x2x128xi32, #tpu.memory_space<hbm>> -> memref<4x2x128xi32, #tpu.memory_space<hbm>>
        %dma_start3A_517 = arith.constant 0 : i32
        %dma_start3A_518 = arith.constant 0 : i32
        %dma_start3A_519 = arith.constant 0 : i32
        %dma_start3A_520 = tpu.memref_slice %arg6[%run_scoped3A_88, %dma_start3A_517, %dma_start3A_518, %dma_start3A_519] : memref<2x4x2x128xi32, #tpu.memory_space<vmem>> -> memref<1x4x2x128xi32, #tpu.memory_space<vmem>>
        %dma_start3A_521 = tpu.memref_squeeze %dma_start3A_520 : memref<1x4x2x128xi32, #tpu.memory_space<vmem>> -> memref<4x2x128xi32, #tpu.memory_space<vmem>>
        %dma_start3A_522 = arith.constant 0 : i32
        %dma_start3A_523 = arith.constant 0 : i32
        %dma_start3A_524 = tpu.memref_slice %arg2[%add3A_87, %dma_start3A_522, %dma_start3A_523] : memref<25088x2x128xi32, #tpu.memory_space<hbm>> -> memref<4x2x128xi32, #tpu.memory_space<hbm>>
        tpu.enqueue_dma source(%dma_start3A_524 : memref<4x2x128xi32, #tpu.memory_space<hbm>>) target(%dma_start3A_521 : memref<4x2x128xi32, #tpu.memory_space<vmem>>) target_semaphore(%run_scoped3A_508 : memref<!tpu.dma_semaphore, #tpu.memory_space<semaphore_mem>>)
        %dma_wait3A_525 = arith.constant 0 : i32
        %dma_wait3A_526 = arith.constant 0 : i32
        %dma_wait3A_527 = arith.constant 0 : i32
        %dma_wait3A_528 = tpu.memref_slice %arg6[%run_scoped3A_88, %dma_wait3A_525, %dma_wait3A_526, %dma_wait3A_527] : memref<2x4x2x128xi32, #tpu.memory_space<vmem>> -> memref<1x4x2x128xi32, #tpu.memory_space<vmem>>
        %dma_wait3A_529 = tpu.memref_squeeze %dma_wait3A_528 : memref<1x4x2x128xi32, #tpu.memory_space<vmem>> -> memref<4x2x128xi32, #tpu.memory_space<vmem>>
        %dma_wait3A_530 = arith.constant 0 : i32
        %dma_wait3A_531 = arith.constant 0 : i32
        %dma_wait3A_532 = tpu.memref_slice %arg2[%add3A_87, %dma_wait3A_530, %dma_wait3A_531] : memref<25088x2x128xi32, #tpu.memory_space<hbm>> -> memref<4x2x128xi32, #tpu.memory_space<hbm>>
        %dma_wait3A_533 = arith.constant 0 : i32
        %dma_wait3A_534 = arith.constant 0 : i32
        %dma_wait3A_535 = arith.constant 0 : i32
        %dma_wait3A_536 = tpu.memref_slice %arg6[%run_scoped3A_88, %dma_wait3A_533, %dma_wait3A_534, %dma_wait3A_535] : memref<2x4x2x128xi32, #tpu.memory_space<vmem>> -> memref<1x4x2x128xi32, #tpu.memory_space<vmem>>
        %dma_wait3A_537 = tpu.memref_squeeze %dma_wait3A_536 : memref<1x4x2x128xi32, #tpu.memory_space<vmem>> -> memref<4x2x128xi32, #tpu.memory_space<vmem>>
        %dma_wait3A_538 = arith.constant 0 : i32
        %dma_wait3A_539 = arith.constant 0 : i32
        %dma_wait3A_540 = tpu.memref_slice %arg2[%add3A_87, %dma_wait3A_538, %dma_wait3A_539] : memref<25088x2x128xi32, #tpu.memory_space<hbm>> -> memref<4x2x128xi32, #tpu.memory_space<hbm>>
        tpu.wait_dma2 semaphore(%run_scoped3A_508 : memref<!tpu.dma_semaphore, #tpu.memory_space<semaphore_mem>>) src(%dma_wait3A_540 : memref<4x2x128xi32, #tpu.memory_space<hbm>>) dst(%dma_wait3A_537 : memref<4x2x128xi32, #tpu.memory_space<vmem>>)
        tpu.yield
      }) : () -> ()
      %dma_start3A_89 = arith.constant 1 : i32
      %dma_start3A_90 = arith.constant 0 : i32
      %dma_start3A_91 = arith.constant 0 : i32
      %dma_start3A_92 = arith.constant 1 : i32
      %dma_start3A_93 = arith.constant 0 : i32
      %dma_start3A_94 = arith.constant 0 : i32
      %dma_start3A_95 = arith.constant 0 : i32
      %dma_start3A_96 = tpu.memref_slice %arg7[%dma_start3A_92, %dma_start3A_93, %dma_start3A_94, %dma_start3A_95] : memref<2x4x128x16xf32, #tpu.memory_space<vmem>> -> memref<1x1x128x16xf32, #tpu.memory_space<vmem>>
      %dma_start3A_97 = tpu.memref_squeeze %dma_start3A_96 : memref<1x1x128x16xf32, #tpu.memory_space<vmem>> -> memref<128x16xf32, #tpu.memory_space<vmem>>
      %dma_start3A_98 = arith.constant 0 : i32
      %dma_start3A_99 = tpu.memref_slice %arg6[%dma_start3A_89, %dma_start3A_90, %dma_start3A_91, %dma_start3A_98] : memref<2x4x2x128xi32, #tpu.memory_space<vmem>> -> memref<1x1x1x128xi32, #tpu.memory_space<vmem>>
      %dma_start3A_100 = tpu.memref_squeeze %dma_start3A_99 : memref<1x1x1x128xi32, #tpu.memory_space<vmem>> -> memref<128xi32, #tpu.memory_space<vmem>>
      %dma_start3A_101 = arith.constant 0 : i32
      %dma_start3A_102 = arith.constant 0 : i32
      %dma_start3A_103 = tpu.memref_slice %arg3[%dma_start3A_101, %dma_start3A_102] : memref<100352x16xf32, #tpu.memory_space<hbm>> -> memref<100352x16xf32, #tpu.memory_space<hbm>>
      tpu.enqueue_indirect_dma source(%dma_start3A_103 : memref<100352x16xf32, #tpu.memory_space<hbm>>) target(%dma_start3A_97 : memref<128x16xf32, #tpu.memory_space<vmem>>) offsets(%dma_start3A_100 : memref<128xi32, #tpu.memory_space<vmem>>) semaphore(%arg10 : memref<!tpu.dma_semaphore, #tpu.memory_space<semaphore_mem>>)
      %dma_start3A_104 = arith.constant 1 : i32
      %dma_start3A_105 = arith.constant 1 : i32
      %dma_start3A_106 = arith.constant 0 : i32
      %dma_start3A_107 = arith.constant 1 : i32
      %dma_start3A_108 = arith.constant 1 : i32
      %dma_start3A_109 = arith.constant 0 : i32
      %dma_start3A_110 = arith.constant 0 : i32
      %dma_start3A_111 = tpu.memref_slice %arg7[%dma_start3A_107, %dma_start3A_108, %dma_start3A_109, %dma_start3A_110] : memref<2x4x128x16xf32, #tpu.memory_space<vmem>> -> memref<1x1x128x16xf32, #tpu.memory_space<vmem>>
      %dma_start3A_112 = tpu.memref_squeeze %dma_start3A_111 : memref<1x1x128x16xf32, #tpu.memory_space<vmem>> -> memref<128x16xf32, #tpu.memory_space<vmem>>
      %dma_start3A_113 = arith.constant 0 : i32
      %dma_start3A_114 = tpu.memref_slice %arg6[%dma_start3A_104, %dma_start3A_105, %dma_start3A_106, %dma_start3A_113] : memref<2x4x2x128xi32, #tpu.memory_space<vmem>> -> memref<1x1x1x128xi32, #tpu.memory_space<vmem>>
      %dma_start3A_115 = tpu.memref_squeeze %dma_start3A_114 : memref<1x1x1x128xi32, #tpu.memory_space<vmem>> -> memref<128xi32, #tpu.memory_space<vmem>>
      %dma_start3A_116 = arith.constant 0 : i32
      %dma_start3A_117 = arith.constant 0 : i32
      %dma_start3A_118 = tpu.memref_slice %arg3[%dma_start3A_116, %dma_start3A_117] : memref<100352x16xf32, #tpu.memory_space<hbm>> -> memref<100352x16xf32, #tpu.memory_space<hbm>>
      tpu.enqueue_indirect_dma source(%dma_start3A_118 : memref<100352x16xf32, #tpu.memory_space<hbm>>) target(%dma_start3A_112 : memref<128x16xf32, #tpu.memory_space<vmem>>) offsets(%dma_start3A_115 : memref<128xi32, #tpu.memory_space<vmem>>) semaphore(%arg10 : memref<!tpu.dma_semaphore, #tpu.memory_space<semaphore_mem>>)
      %dma_start3A_119 = arith.constant 1 : i32
      %dma_start3A_120 = arith.constant 2 : i32
      %dma_start3A_121 = arith.constant 0 : i32
      %dma_start3A_122 = arith.constant 1 : i32
      %dma_start3A_123 = arith.constant 2 : i32
      %dma_start3A_124 = arith.constant 0 : i32
      %dma_start3A_125 = arith.constant 0 : i32
      %dma_start3A_126 = tpu.memref_slice %arg7[%dma_start3A_122, %dma_start3A_123, %dma_start3A_124, %dma_start3A_125] : memref<2x4x128x16xf32, #tpu.memory_space<vmem>> -> memref<1x1x128x16xf32, #tpu.memory_space<vmem>>
      %dma_start3A_127 = tpu.memref_squeeze %dma_start3A_126 : memref<1x1x128x16xf32, #tpu.memory_space<vmem>> -> memref<128x16xf32, #tpu.memory_space<vmem>>
      %dma_start3A_128 = arith.constant 0 : i32
      %dma_start3A_129 = tpu.memref_slice %arg6[%dma_start3A_119, %dma_start3A_120, %dma_start3A_121, %dma_start3A_128] : memref<2x4x2x128xi32, #tpu.memory_space<vmem>> -> memref<1x1x1x128xi32, #tpu.memory_space<vmem>>
      %dma_start3A_130 = tpu.memref_squeeze %dma_start3A_129 : memref<1x1x1x128xi32, #tpu.memory_space<vmem>> -> memref<128xi32, #tpu.memory_space<vmem>>
      %dma_start3A_131 = arith.constant 0 : i32
      %dma_start3A_132 = arith.constant 0 : i32
      %dma_start3A_133 = tpu.memref_slice %arg3[%dma_start3A_131, %dma_start3A_132] : memref<100352x16xf32, #tpu.memory_space<hbm>> -> memref<100352x16xf32, #tpu.memory_space<hbm>>
      tpu.enqueue_indirect_dma source(%dma_start3A_133 : memref<100352x16xf32, #tpu.memory_space<hbm>>) target(%dma_start3A_127 : memref<128x16xf32, #tpu.memory_space<vmem>>) offsets(%dma_start3A_130 : memref<128xi32, #tpu.memory_space<vmem>>) semaphore(%arg10 : memref<!tpu.dma_semaphore, #tpu.memory_space<semaphore_mem>>)
      %dma_start3A_134 = arith.constant 1 : i32
      %dma_start3A_135 = arith.constant 3 : i32
      %dma_start3A_136 = arith.constant 0 : i32
      %dma_start3A_137 = arith.constant 1 : i32
      %dma_start3A_138 = arith.constant 3 : i32
      %dma_start3A_139 = arith.constant 0 : i32
      %dma_start3A_140 = arith.constant 0 : i32
      %dma_start3A_141 = tpu.memref_slice %arg7[%dma_start3A_137, %dma_start3A_138, %dma_start3A_139, %dma_start3A_140] : memref<2x4x128x16xf32, #tpu.memory_space<vmem>> -> memref<1x1x128x16xf32, #tpu.memory_space<vmem>>
      %dma_start3A_142 = tpu.memref_squeeze %dma_start3A_141 : memref<1x1x128x16xf32, #tpu.memory_space<vmem>> -> memref<128x16xf32, #tpu.memory_space<vmem>>
      %dma_start3A_143 = arith.constant 0 : i32
      %dma_start3A_144 = tpu.memref_slice %arg6[%dma_start3A_134, %dma_start3A_135, %dma_start3A_136, %dma_start3A_143] : memref<2x4x2x128xi32, #tpu.memory_space<vmem>> -> memref<1x1x1x128xi32, #tpu.memory_space<vmem>>
      %dma_start3A_145 = tpu.memref_squeeze %dma_start3A_144 : memref<1x1x1x128xi32, #tpu.memory_space<vmem>> -> memref<128xi32, #tpu.memory_space<vmem>>
      %dma_start3A_146 = arith.constant 0 : i32
      %dma_start3A_147 = arith.constant 0 : i32
      %dma_start3A_148 = tpu.memref_slice %arg3[%dma_start3A_146, %dma_start3A_147] : memref<100352x16xf32, #tpu.memory_space<hbm>> -> memref<100352x16xf32, #tpu.memory_space<hbm>>
      tpu.enqueue_indirect_dma source(%dma_start3A_148 : memref<100352x16xf32, #tpu.memory_space<hbm>>) target(%dma_start3A_142 : memref<128x16xf32, #tpu.memory_space<vmem>>) offsets(%dma_start3A_145 : memref<128xi32, #tpu.memory_space<vmem>>) semaphore(%arg10 : memref<!tpu.dma_semaphore, #tpu.memory_space<semaphore_mem>>)
      %dma_wait3A = arith.constant 0 : i32
      %dma_wait3A_149 = arith.constant 0 : i32
      %dma_wait3A_150 = arith.constant 0 : i32
      %dma_wait3A_151 = arith.constant 0 : i32
      %dma_wait3A_152 = arith.constant 0 : i32
      %dma_wait3A_153 = arith.constant 0 : i32
      %dma_wait3A_154 = arith.constant 0 : i32
      %dma_wait3A_155 = tpu.memref_slice %arg7[%dma_wait3A_151, %dma_wait3A_152, %dma_wait3A_153, %dma_wait3A_154] : memref<2x4x128x16xf32, #tpu.memory_space<vmem>> -> memref<1x1x128x16xf32, #tpu.memory_space<vmem>>
      %dma_wait3A_156 = tpu.memref_squeeze %dma_wait3A_155 : memref<1x1x128x16xf32, #tpu.memory_space<vmem>> -> memref<128x16xf32, #tpu.memory_space<vmem>>
      %dma_wait3A_157 = arith.constant 0 : i32
      %dma_wait3A_158 = tpu.memref_slice %arg6[%dma_wait3A, %dma_wait3A_149, %dma_wait3A_150, %dma_wait3A_157] : memref<2x4x2x128xi32, #tpu.memory_space<vmem>> -> memref<1x1x1x128xi32, #tpu.memory_space<vmem>>
      %dma_wait3A_159 = tpu.memref_squeeze %dma_wait3A_158 : memref<1x1x1x128xi32, #tpu.memory_space<vmem>> -> memref<128xi32, #tpu.memory_space<vmem>>
      %dma_wait3A_160 = arith.constant 0 : i32
      %dma_wait3A_161 = arith.constant 0 : i32
      %dma_wait3A_162 = tpu.memref_slice %arg3[%dma_wait3A_160, %dma_wait3A_161] : memref<100352x16xf32, #tpu.memory_space<hbm>> -> memref<100352x16xf32, #tpu.memory_space<hbm>>
      tpu.wait_indirect_dma semaphore(%arg9 : memref<!tpu.dma_semaphore, #tpu.memory_space<semaphore_mem>>) src(%dma_wait3A_162 : memref<100352x16xf32, #tpu.memory_space<hbm>>) dst(%dma_wait3A_156 : memref<128x16xf32, #tpu.memory_space<vmem>>)
      %dma_wait3A_163 = arith.constant 0 : i32
      %dma_wait3A_164 = arith.constant 1 : i32
      %dma_wait3A_165 = arith.constant 0 : i32
      %dma_wait3A_166 = arith.constant 0 : i32
      %dma_wait3A_167 = arith.constant 1 : i32
      %dma_wait3A_168 = arith.constant 0 : i32
      %dma_wait3A_169 = arith.constant 0 : i32
      %dma_wait3A_170 = tpu.memref_slice %arg7[%dma_wait3A_166, %dma_wait3A_167, %dma_wait3A_168, %dma_wait3A_169] : memref<2x4x128x16xf32, #tpu.memory_space<vmem>> -> memref<1x1x128x16xf32, #tpu.memory_space<vmem>>
      %dma_wait3A_171 = tpu.memref_squeeze %dma_wait3A_170 : memref<1x1x128x16xf32, #tpu.memory_space<vmem>> -> memref<128x16xf32, #tpu.memory_space<vmem>>
      %dma_wait3A_172 = arith.constant 0 : i32
      %dma_wait3A_173 = tpu.memref_slice %arg6[%dma_wait3A_163, %dma_wait3A_164, %dma_wait3A_165, %dma_wait3A_172] : memref<2x4x2x128xi32, #tpu.memory_space<vmem>> -> memref<1x1x1x128xi32, #tpu.memory_space<vmem>>
      %dma_wait3A_174 = tpu.memref_squeeze %dma_wait3A_173 : memref<1x1x1x128xi32, #tpu.memory_space<vmem>> -> memref<128xi32, #tpu.memory_space<vmem>>
      %dma_wait3A_175 = arith.constant 0 : i32
      %dma_wait3A_176 = arith.constant 0 : i32
      %dma_wait3A_177 = tpu.memref_slice %arg3[%dma_wait3A_175, %dma_wait3A_176] : memref<100352x16xf32, #tpu.memory_space<hbm>> -> memref<100352x16xf32, #tpu.memory_space<hbm>>
      tpu.wait_indirect_dma semaphore(%arg9 : memref<!tpu.dma_semaphore, #tpu.memory_space<semaphore_mem>>) src(%dma_wait3A_177 : memref<100352x16xf32, #tpu.memory_space<hbm>>) dst(%dma_wait3A_171 : memref<128x16xf32, #tpu.memory_space<vmem>>)
      %dma_wait3A_178 = arith.constant 0 : i32
      %dma_wait3A_179 = arith.constant 2 : i32
      %dma_wait3A_180 = arith.constant 0 : i32
      %dma_wait3A_181 = arith.constant 0 : i32
      %dma_wait3A_182 = arith.constant 2 : i32
      %dma_wait3A_183 = arith.constant 0 : i32
      %dma_wait3A_184 = arith.constant 0 : i32
      %dma_wait3A_185 = tpu.memref_slice %arg7[%dma_wait3A_181, %dma_wait3A_182, %dma_wait3A_183, %dma_wait3A_184] : memref<2x4x128x16xf32, #tpu.memory_space<vmem>> -> memref<1x1x128x16xf32, #tpu.memory_space<vmem>>
      %dma_wait3A_186 = tpu.memref_squeeze %dma_wait3A_185 : memref<1x1x128x16xf32, #tpu.memory_space<vmem>> -> memref<128x16xf32, #tpu.memory_space<vmem>>
      %dma_wait3A_187 = arith.constant 0 : i32
      %dma_wait3A_188 = tpu.memref_slice %arg6[%dma_wait3A_178, %dma_wait3A_179, %dma_wait3A_180, %dma_wait3A_187] : memref<2x4x2x128xi32, #tpu.memory_space<vmem>> -> memref<1x1x1x128xi32, #tpu.memory_space<vmem>>
      %dma_wait3A_189 = tpu.memref_squeeze %dma_wait3A_188 : memref<1x1x1x128xi32, #tpu.memory_space<vmem>> -> memref<128xi32, #tpu.memory_space<vmem>>
      %dma_wait3A_190 = arith.constant 0 : i32
      %dma_wait3A_191 = arith.constant 0 : i32
      %dma_wait3A_192 = tpu.memref_slice %arg3[%dma_wait3A_190, %dma_wait3A_191] : memref<100352x16xf32, #tpu.memory_space<hbm>> -> memref<100352x16xf32, #tpu.memory_space<hbm>>
      tpu.wait_indirect_dma semaphore(%arg9 : memref<!tpu.dma_semaphore, #tpu.memory_space<semaphore_mem>>) src(%dma_wait3A_192 : memref<100352x16xf32, #tpu.memory_space<hbm>>) dst(%dma_wait3A_186 : memref<128x16xf32, #tpu.memory_space<vmem>>)
      %dma_wait3A_193 = arith.constant 0 : i32
      %dma_wait3A_194 = arith.constant 3 : i32
      %dma_wait3A_195 = arith.constant 0 : i32
      %dma_wait3A_196 = arith.constant 0 : i32
      %dma_wait3A_197 = arith.constant 3 : i32
      %dma_wait3A_198 = arith.constant 0 : i32
      %dma_wait3A_199 = arith.constant 0 : i32
      %dma_wait3A_200 = tpu.memref_slice %arg7[%dma_wait3A_196, %dma_wait3A_197, %dma_wait3A_198, %dma_wait3A_199] : memref<2x4x128x16xf32, #tpu.memory_space<vmem>> -> memref<1x1x128x16xf32, #tpu.memory_space<vmem>>
      %dma_wait3A_201 = tpu.memref_squeeze %dma_wait3A_200 : memref<1x1x128x16xf32, #tpu.memory_space<vmem>> -> memref<128x16xf32, #tpu.memory_space<vmem>>
      %dma_wait3A_202 = arith.constant 0 : i32
      %dma_wait3A_203 = tpu.memref_slice %arg6[%dma_wait3A_193, %dma_wait3A_194, %dma_wait3A_195, %dma_wait3A_202] : memref<2x4x2x128xi32, #tpu.memory_space<vmem>> -> memref<1x1x1x128xi32, #tpu.memory_space<vmem>>
      %dma_wait3A_204 = tpu.memref_squeeze %dma_wait3A_203 : memref<1x1x1x128xi32, #tpu.memory_space<vmem>> -> memref<128xi32, #tpu.memory_space<vmem>>
      %dma_wait3A_205 = arith.constant 0 : i32
      %dma_wait3A_206 = arith.constant 0 : i32
      %dma_wait3A_207 = tpu.memref_slice %arg3[%dma_wait3A_205, %dma_wait3A_206] : memref<100352x16xf32, #tpu.memory_space<hbm>> -> memref<100352x16xf32, #tpu.memory_space<hbm>>
      tpu.wait_indirect_dma semaphore(%arg9 : memref<!tpu.dma_semaphore, #tpu.memory_space<semaphore_mem>>) src(%dma_wait3A_207 : memref<100352x16xf32, #tpu.memory_space<hbm>>) dst(%dma_wait3A_201 : memref<128x16xf32, #tpu.memory_space<vmem>>)
      %dma_start3A_208 = arith.constant 0 : i32
      %dma_start3A_209 = arith.constant 0 : i32
      %dma_start3A_210 = arith.constant 0 : i32
      %dma_start3A_211 = arith.constant 0 : i32
      %dma_start3A_212 = arith.constant 1 : i32
      %dma_start3A_213 = arith.constant 0 : i32
      %dma_start3A_214 = arith.constant 0 : i32
      %dma_start3A_215 = tpu.memref_slice %arg7[%dma_start3A_208, %dma_start3A_209, %dma_start3A_213, %dma_start3A_214] : memref<2x4x128x16xf32, #tpu.memory_space<vmem>> -> memref<1x1x128x16xf32, #tpu.memory_space<vmem>>
      %dma_start3A_216 = tpu.memref_squeeze %dma_start3A_215 : memref<1x1x128x16xf32, #tpu.memory_space<vmem>> -> memref<128x16xf32, #tpu.memory_space<vmem>>
      %dma_start3A_217 = arith.constant 0 : i32
      %dma_start3A_218 = tpu.memref_slice %arg6[%dma_start3A_210, %dma_start3A_211, %dma_start3A_212, %dma_start3A_217] : memref<2x4x2x128xi32, #tpu.memory_space<vmem>> -> memref<1x1x1x128xi32, #tpu.memory_space<vmem>>
      %dma_start3A_219 = tpu.memref_squeeze %dma_start3A_218 : memref<1x1x1x128xi32, #tpu.memory_space<vmem>> -> memref<128xi32, #tpu.memory_space<vmem>>
      %dma_start3A_220 = arith.constant 0 : i32
      %dma_start3A_221 = arith.constant 0 : i32
      %dma_start3A_222 = tpu.memref_slice %arg8[%dma_start3A_220, %dma_start3A_221] : memref<100352x16xf32, #tpu.memory_space<vmem_shared>> -> memref<100352x16xf32, #tpu.memory_space<vmem_shared>>
      tpu.enqueue_indirect_dma source(%dma_start3A_216 : memref<128x16xf32, #tpu.memory_space<vmem>>) target(%dma_start3A_222 : memref<100352x16xf32, #tpu.memory_space<vmem_shared>>) offsets(%dma_start3A_219 : memref<128xi32, #tpu.memory_space<vmem>>) semaphore(%arg11 : memref<!tpu.dma_semaphore, #tpu.memory_space<semaphore_mem>>) {add = true}
      %dma_start3A_223 = arith.constant 0 : i32
      %dma_start3A_224 = arith.constant 1 : i32
      %dma_start3A_225 = arith.constant 0 : i32
      %dma_start3A_226 = arith.constant 1 : i32
      %dma_start3A_227 = arith.constant 1 : i32
      %dma_start3A_228 = arith.constant 0 : i32
      %dma_start3A_229 = arith.constant 0 : i32
      %dma_start3A_230 = tpu.memref_slice %arg7[%dma_start3A_223, %dma_start3A_224, %dma_start3A_228, %dma_start3A_229] : memref<2x4x128x16xf32, #tpu.memory_space<vmem>> -> memref<1x1x128x16xf32, #tpu.memory_space<vmem>>
      %dma_start3A_231 = tpu.memref_squeeze %dma_start3A_230 : memref<1x1x128x16xf32, #tpu.memory_space<vmem>> -> memref<128x16xf32, #tpu.memory_space<vmem>>
      %dma_start3A_232 = arith.constant 0 : i32
      %dma_start3A_233 = tpu.memref_slice %arg6[%dma_start3A_225, %dma_start3A_226, %dma_start3A_227, %dma_start3A_232] : memref<2x4x2x128xi32, #tpu.memory_space<vmem>> -> memref<1x1x1x128xi32, #tpu.memory_space<vmem>>
      %dma_start3A_234 = tpu.memref_squeeze %dma_start3A_233 : memref<1x1x1x128xi32, #tpu.memory_space<vmem>> -> memref<128xi32, #tpu.memory_space<vmem>>
      %dma_start3A_235 = arith.constant 0 : i32
      %dma_start3A_236 = arith.constant 0 : i32
      %dma_start3A_237 = tpu.memref_slice %arg8[%dma_start3A_235, %dma_start3A_236] : memref<100352x16xf32, #tpu.memory_space<vmem_shared>> -> memref<100352x16xf32, #tpu.memory_space<vmem_shared>>
      tpu.enqueue_indirect_dma source(%dma_start3A_231 : memref<128x16xf32, #tpu.memory_space<vmem>>) target(%dma_start3A_237 : memref<100352x16xf32, #tpu.memory_space<vmem_shared>>) offsets(%dma_start3A_234 : memref<128xi32, #tpu.memory_space<vmem>>) semaphore(%arg11 : memref<!tpu.dma_semaphore, #tpu.memory_space<semaphore_mem>>) {add = true}
      %dma_start3A_238 = arith.constant 0 : i32
      %dma_start3A_239 = arith.constant 2 : i32
      %dma_start3A_240 = arith.constant 0 : i32
      %dma_start3A_241 = arith.constant 2 : i32
      %dma_start3A_242 = arith.constant 1 : i32
      %dma_start3A_243 = arith.constant 0 : i32
      %dma_start3A_244 = arith.constant 0 : i32
      %dma_start3A_245 = tpu.memref_slice %arg7[%dma_start3A_238, %dma_start3A_239, %dma_start3A_243, %dma_start3A_244] : memref<2x4x128x16xf32, #tpu.memory_space<vmem>> -> memref<1x1x128x16xf32, #tpu.memory_space<vmem>>
      %dma_start3A_246 = tpu.memref_squeeze %dma_start3A_245 : memref<1x1x128x16xf32, #tpu.memory_space<vmem>> -> memref<128x16xf32, #tpu.memory_space<vmem>>
      %dma_start3A_247 = arith.constant 0 : i32
      %dma_start3A_248 = tpu.memref_slice %arg6[%dma_start3A_240, %dma_start3A_241, %dma_start3A_242, %dma_start3A_247] : memref<2x4x2x128xi32, #tpu.memory_space<vmem>> -> memref<1x1x1x128xi32, #tpu.memory_space<vmem>>
      %dma_start3A_249 = tpu.memref_squeeze %dma_start3A_248 : memref<1x1x1x128xi32, #tpu.memory_space<vmem>> -> memref<128xi32, #tpu.memory_space<vmem>>
      %dma_start3A_250 = arith.constant 0 : i32
      %dma_start3A_251 = arith.constant 0 : i32
      %dma_start3A_252 = tpu.memref_slice %arg8[%dma_start3A_250, %dma_start3A_251] : memref<100352x16xf32, #tpu.memory_space<vmem_shared>> -> memref<100352x16xf32, #tpu.memory_space<vmem_shared>>
      tpu.enqueue_indirect_dma source(%dma_start3A_246 : memref<128x16xf32, #tpu.memory_space<vmem>>) target(%dma_start3A_252 : memref<100352x16xf32, #tpu.memory_space<vmem_shared>>) offsets(%dma_start3A_249 : memref<128xi32, #tpu.memory_space<vmem>>) semaphore(%arg11 : memref<!tpu.dma_semaphore, #tpu.memory_space<semaphore_mem>>) {add = true}
      %dma_start3A_253 = arith.constant 0 : i32
      %dma_start3A_254 = arith.constant 3 : i32
      %dma_start3A_255 = arith.constant 0 : i32
      %dma_start3A_256 = arith.constant 3 : i32
      %dma_start3A_257 = arith.constant 1 : i32
      %dma_start3A_258 = arith.constant 0 : i32
      %dma_start3A_259 = arith.constant 0 : i32
      %dma_start3A_260 = tpu.memref_slice %arg7[%dma_start3A_253, %dma_start3A_254, %dma_start3A_258, %dma_start3A_259] : memref<2x4x128x16xf32, #tpu.memory_space<vmem>> -> memref<1x1x128x16xf32, #tpu.memory_space<vmem>>
      %dma_start3A_261 = tpu.memref_squeeze %dma_start3A_260 : memref<1x1x128x16xf32, #tpu.memory_space<vmem>> -> memref<128x16xf32, #tpu.memory_space<vmem>>
      %dma_start3A_262 = arith.constant 0 : i32
      %dma_start3A_263 = tpu.memref_slice %arg6[%dma_start3A_255, %dma_start3A_256, %dma_start3A_257, %dma_start3A_262] : memref<2x4x2x128xi32, #tpu.memory_space<vmem>> -> memref<1x1x1x128xi32, #tpu.memory_space<vmem>>
      %dma_start3A_264 = tpu.memref_squeeze %dma_start3A_263 : memref<1x1x1x128xi32, #tpu.memory_space<vmem>> -> memref<128xi32, #tpu.memory_space<vmem>>
      %dma_start3A_265 = arith.constant 0 : i32
      %dma_start3A_266 = arith.constant 0 : i32
      %dma_start3A_267 = tpu.memref_slice %arg8[%dma_start3A_265, %dma_start3A_266] : memref<100352x16xf32, #tpu.memory_space<vmem_shared>> -> memref<100352x16xf32, #tpu.memory_space<vmem_shared>>
      tpu.enqueue_indirect_dma source(%dma_start3A_261 : memref<128x16xf32, #tpu.memory_space<vmem>>) target(%dma_start3A_267 : memref<100352x16xf32, #tpu.memory_space<vmem_shared>>) offsets(%dma_start3A_264 : memref<128xi32, #tpu.memory_space<vmem>>) semaphore(%arg11 : memref<!tpu.dma_semaphore, #tpu.memory_space<semaphore_mem>>) {add = true}
      %dma_wait3A_268 = arith.constant 1 : i32
      %dma_wait3A_269 = arith.constant 0 : i32
      %dma_wait3A_270 = arith.constant 0 : i32
      %dma_wait3A_271 = arith.constant 1 : i32
      %dma_wait3A_272 = arith.constant 0 : i32
      %dma_wait3A_273 = arith.constant 0 : i32
      %dma_wait3A_274 = arith.constant 0 : i32
      %dma_wait3A_275 = tpu.memref_slice %arg7[%dma_wait3A_271, %dma_wait3A_272, %dma_wait3A_273, %dma_wait3A_274] : memref<2x4x128x16xf32, #tpu.memory_space<vmem>> -> memref<1x1x128x16xf32, #tpu.memory_space<vmem>>
      %dma_wait3A_276 = tpu.memref_squeeze %dma_wait3A_275 : memref<1x1x128x16xf32, #tpu.memory_space<vmem>> -> memref<128x16xf32, #tpu.memory_space<vmem>>
      %dma_wait3A_277 = arith.constant 0 : i32
      %dma_wait3A_278 = tpu.memref_slice %arg6[%dma_wait3A_268, %dma_wait3A_269, %dma_wait3A_270, %dma_wait3A_277] : memref<2x4x2x128xi32, #tpu.memory_space<vmem>> -> memref<1x1x1x128xi32, #tpu.memory_space<vmem>>
      %dma_wait3A_279 = tpu.memref_squeeze %dma_wait3A_278 : memref<1x1x1x128xi32, #tpu.memory_space<vmem>> -> memref<128xi32, #tpu.memory_space<vmem>>
      %dma_wait3A_280 = arith.constant 0 : i32
      %dma_wait3A_281 = arith.constant 0 : i32
      %dma_wait3A_282 = tpu.memref_slice %arg3[%dma_wait3A_280, %dma_wait3A_281] : memref<100352x16xf32, #tpu.memory_space<hbm>> -> memref<100352x16xf32, #tpu.memory_space<hbm>>
      tpu.wait_indirect_dma semaphore(%arg10 : memref<!tpu.dma_semaphore, #tpu.memory_space<semaphore_mem>>) src(%dma_wait3A_282 : memref<100352x16xf32, #tpu.memory_space<hbm>>) dst(%dma_wait3A_276 : memref<128x16xf32, #tpu.memory_space<vmem>>)
      %dma_wait3A_283 = arith.constant 1 : i32
      %dma_wait3A_284 = arith.constant 1 : i32
      %dma_wait3A_285 = arith.constant 0 : i32
      %dma_wait3A_286 = arith.constant 1 : i32
      %dma_wait3A_287 = arith.constant 1 : i32
      %dma_wait3A_288 = arith.constant 0 : i32
      %dma_wait3A_289 = arith.constant 0 : i32
      %dma_wait3A_290 = tpu.memref_slice %arg7[%dma_wait3A_286, %dma_wait3A_287, %dma_wait3A_288, %dma_wait3A_289] : memref<2x4x128x16xf32, #tpu.memory_space<vmem>> -> memref<1x1x128x16xf32, #tpu.memory_space<vmem>>
      %dma_wait3A_291 = tpu.memref_squeeze %dma_wait3A_290 : memref<1x1x128x16xf32, #tpu.memory_space<vmem>> -> memref<128x16xf32, #tpu.memory_space<vmem>>
      %dma_wait3A_292 = arith.constant 0 : i32
      %dma_wait3A_293 = tpu.memref_slice %arg6[%dma_wait3A_283, %dma_wait3A_284, %dma_wait3A_285, %dma_wait3A_292] : memref<2x4x2x128xi32, #tpu.memory_space<vmem>> -> memref<1x1x1x128xi32, #tpu.memory_space<vmem>>
      %dma_wait3A_294 = tpu.memref_squeeze %dma_wait3A_293 : memref<1x1x1x128xi32, #tpu.memory_space<vmem>> -> memref<128xi32, #tpu.memory_space<vmem>>
      %dma_wait3A_295 = arith.constant 0 : i32
      %dma_wait3A_296 = arith.constant 0 : i32
      %dma_wait3A_297 = tpu.memref_slice %arg3[%dma_wait3A_295, %dma_wait3A_296] : memref<100352x16xf32, #tpu.memory_space<hbm>> -> memref<100352x16xf32, #tpu.memory_space<hbm>>
      tpu.wait_indirect_dma semaphore(%arg10 : memref<!tpu.dma_semaphore, #tpu.memory_space<semaphore_mem>>) src(%dma_wait3A_297 : memref<100352x16xf32, #tpu.memory_space<hbm>>) dst(%dma_wait3A_291 : memref<128x16xf32, #tpu.memory_space<vmem>>)
      %dma_wait3A_298 = arith.constant 1 : i32
      %dma_wait3A_299 = arith.constant 2 : i32
      %dma_wait3A_300 = arith.constant 0 : i32
      %dma_wait3A_301 = arith.constant 1 : i32
      %dma_wait3A_302 = arith.constant 2 : i32
      %dma_wait3A_303 = arith.constant 0 : i32
      %dma_wait3A_304 = arith.constant 0 : i32
      %dma_wait3A_305 = tpu.memref_slice %arg7[%dma_wait3A_301, %dma_wait3A_302, %dma_wait3A_303, %dma_wait3A_304] : memref<2x4x128x16xf32, #tpu.memory_space<vmem>> -> memref<1x1x128x16xf32, #tpu.memory_space<vmem>>
      %dma_wait3A_306 = tpu.memref_squeeze %dma_wait3A_305 : memref<1x1x128x16xf32, #tpu.memory_space<vmem>> -> memref<128x16xf32, #tpu.memory_space<vmem>>
      %dma_wait3A_307 = arith.constant 0 : i32
      %dma_wait3A_308 = tpu.memref_slice %arg6[%dma_wait3A_298, %dma_wait3A_299, %dma_wait3A_300, %dma_wait3A_307] : memref<2x4x2x128xi32, #tpu.memory_space<vmem>> -> memref<1x1x1x128xi32, #tpu.memory_space<vmem>>
      %dma_wait3A_309 = tpu.memref_squeeze %dma_wait3A_308 : memref<1x1x1x128xi32, #tpu.memory_space<vmem>> -> memref<128xi32, #tpu.memory_space<vmem>>
      %dma_wait3A_310 = arith.constant 0 : i32
      %dma_wait3A_311 = arith.constant 0 : i32
      %dma_wait3A_312 = tpu.memref_slice %arg3[%dma_wait3A_310, %dma_wait3A_311] : memref<100352x16xf32, #tpu.memory_space<hbm>> -> memref<100352x16xf32, #tpu.memory_space<hbm>>
      tpu.wait_indirect_dma semaphore(%arg10 : memref<!tpu.dma_semaphore, #tpu.memory_space<semaphore_mem>>) src(%dma_wait3A_312 : memref<100352x16xf32, #tpu.memory_space<hbm>>) dst(%dma_wait3A_306 : memref<128x16xf32, #tpu.memory_space<vmem>>)
      %dma_wait3A_313 = arith.constant 1 : i32
      %dma_wait3A_314 = arith.constant 3 : i32
      %dma_wait3A_315 = arith.constant 0 : i32
      %dma_wait3A_316 = arith.constant 1 : i32
      %dma_wait3A_317 = arith.constant 3 : i32
      %dma_wait3A_318 = arith.constant 0 : i32
      %dma_wait3A_319 = arith.constant 0 : i32
      %dma_wait3A_320 = tpu.memref_slice %arg7[%dma_wait3A_316, %dma_wait3A_317, %dma_wait3A_318, %dma_wait3A_319] : memref<2x4x128x16xf32, #tpu.memory_space<vmem>> -> memref<1x1x128x16xf32, #tpu.memory_space<vmem>>
      %dma_wait3A_321 = tpu.memref_squeeze %dma_wait3A_320 : memref<1x1x128x16xf32, #tpu.memory_space<vmem>> -> memref<128x16xf32, #tpu.memory_space<vmem>>
      %dma_wait3A_322 = arith.constant 0 : i32
      %dma_wait3A_323 = tpu.memref_slice %arg6[%dma_wait3A_313, %dma_wait3A_314, %dma_wait3A_315, %dma_wait3A_322] : memref<2x4x2x128xi32, #tpu.memory_space<vmem>> -> memref<1x1x1x128xi32, #tpu.memory_space<vmem>>
      %dma_wait3A_324 = tpu.memref_squeeze %dma_wait3A_323 : memref<1x1x1x128xi32, #tpu.memory_space<vmem>> -> memref<128xi32, #tpu.memory_space<vmem>>
      %dma_wait3A_325 = arith.constant 0 : i32
      %dma_wait3A_326 = arith.constant 0 : i32
      %dma_wait3A_327 = tpu.memref_slice %arg3[%dma_wait3A_325, %dma_wait3A_326] : memref<100352x16xf32, #tpu.memory_space<hbm>> -> memref<100352x16xf32, #tpu.memory_space<hbm>>
      tpu.wait_indirect_dma semaphore(%arg10 : memref<!tpu.dma_semaphore, #tpu.memory_space<semaphore_mem>>) src(%dma_wait3A_327 : memref<100352x16xf32, #tpu.memory_space<hbm>>) dst(%dma_wait3A_321 : memref<128x16xf32, #tpu.memory_space<vmem>>)
      %dma_start3A_328 = arith.constant 1 : i32
      %dma_start3A_329 = arith.constant 0 : i32
      %dma_start3A_330 = arith.constant 1 : i32
      %dma_start3A_331 = arith.constant 0 : i32
      %dma_start3A_332 = arith.constant 1 : i32
      %dma_start3A_333 = arith.constant 0 : i32
      %dma_start3A_334 = arith.constant 0 : i32
      %dma_start3A_335 = tpu.memref_slice %arg7[%dma_start3A_328, %dma_start3A_329, %dma_start3A_333, %dma_start3A_334] : memref<2x4x128x16xf32, #tpu.memory_space<vmem>> -> memref<1x1x128x16xf32, #tpu.memory_space<vmem>>
      %dma_start3A_336 = tpu.memref_squeeze %dma_start3A_335 : memref<1x1x128x16xf32, #tpu.memory_space<vmem>> -> memref<128x16xf32, #tpu.memory_space<vmem>>
      %dma_start3A_337 = arith.constant 0 : i32
      %dma_start3A_338 = tpu.memref_slice %arg6[%dma_start3A_330, %dma_start3A_331, %dma_start3A_332, %dma_start3A_337] : memref<2x4x2x128xi32, #tpu.memory_space<vmem>> -> memref<1x1x1x128xi32, #tpu.memory_space<vmem>>
      %dma_start3A_339 = tpu.memref_squeeze %dma_start3A_338 : memref<1x1x1x128xi32, #tpu.memory_space<vmem>> -> memref<128xi32, #tpu.memory_space<vmem>>
      %dma_start3A_340 = arith.constant 0 : i32
      %dma_start3A_341 = arith.constant 0 : i32
      %dma_start3A_342 = tpu.memref_slice %arg8[%dma_start3A_340, %dma_start3A_341] : memref<100352x16xf32, #tpu.memory_space<vmem_shared>> -> memref<100352x16xf32, #tpu.memory_space<vmem_shared>>
      tpu.enqueue_indirect_dma source(%dma_start3A_336 : memref<128x16xf32, #tpu.memory_space<vmem>>) target(%dma_start3A_342 : memref<100352x16xf32, #tpu.memory_space<vmem_shared>>) offsets(%dma_start3A_339 : memref<128xi32, #tpu.memory_space<vmem>>) semaphore(%arg11 : memref<!tpu.dma_semaphore, #tpu.memory_space<semaphore_mem>>) {add = true}
      %dma_start3A_343 = arith.constant 1 : i32
      %dma_start3A_344 = arith.constant 1 : i32
      %dma_start3A_345 = arith.constant 1 : i32
      %dma_start3A_346 = arith.constant 1 : i32
      %dma_start3A_347 = arith.constant 1 : i32
      %dma_start3A_348 = arith.constant 0 : i32
      %dma_start3A_349 = arith.constant 0 : i32
      %dma_start3A_350 = tpu.memref_slice %arg7[%dma_start3A_343, %dma_start3A_344, %dma_start3A_348, %dma_start3A_349] : memref<2x4x128x16xf32, #tpu.memory_space<vmem>> -> memref<1x1x128x16xf32, #tpu.memory_space<vmem>>
      %dma_start3A_351 = tpu.memref_squeeze %dma_start3A_350 : memref<1x1x128x16xf32, #tpu.memory_space<vmem>> -> memref<128x16xf32, #tpu.memory_space<vmem>>
      %dma_start3A_352 = arith.constant 0 : i32
      %dma_start3A_353 = tpu.memref_slice %arg6[%dma_start3A_345, %dma_start3A_346, %dma_start3A_347, %dma_start3A_352] : memref<2x4x2x128xi32, #tpu.memory_space<vmem>> -> memref<1x1x1x128xi32, #tpu.memory_space<vmem>>
      %dma_start3A_354 = tpu.memref_squeeze %dma_start3A_353 : memref<1x1x1x128xi32, #tpu.memory_space<vmem>> -> memref<128xi32, #tpu.memory_space<vmem>>
      %dma_start3A_355 = arith.constant 0 : i32
      %dma_start3A_356 = arith.constant 0 : i32
      %dma_start3A_357 = tpu.memref_slice %arg8[%dma_start3A_355, %dma_start3A_356] : memref<100352x16xf32, #tpu.memory_space<vmem_shared>> -> memref<100352x16xf32, #tpu.memory_space<vmem_shared>>
      tpu.enqueue_indirect_dma source(%dma_start3A_351 : memref<128x16xf32, #tpu.memory_space<vmem>>) target(%dma_start3A_357 : memref<100352x16xf32, #tpu.memory_space<vmem_shared>>) offsets(%dma_start3A_354 : memref<128xi32, #tpu.memory_space<vmem>>) semaphore(%arg11 : memref<!tpu.dma_semaphore, #tpu.memory_space<semaphore_mem>>) {add = true}
      %dma_start3A_358 = arith.constant 1 : i32
      %dma_start3A_359 = arith.constant 2 : i32
      %dma_start3A_360 = arith.constant 1 : i32
      %dma_start3A_361 = arith.constant 2 : i32
      %dma_start3A_362 = arith.constant 1 : i32
      %dma_start3A_363 = arith.constant 0 : i32
      %dma_start3A_364 = arith.constant 0 : i32
      %dma_start3A_365 = tpu.memref_slice %arg7[%dma_start3A_358, %dma_start3A_359, %dma_start3A_363, %dma_start3A_364] : memref<2x4x128x16xf32, #tpu.memory_space<vmem>> -> memref<1x1x128x16xf32, #tpu.memory_space<vmem>>
      %dma_start3A_366 = tpu.memref_squeeze %dma_start3A_365 : memref<1x1x128x16xf32, #tpu.memory_space<vmem>> -> memref<128x16xf32, #tpu.memory_space<vmem>>
      %dma_start3A_367 = arith.constant 0 : i32
      %dma_start3A_368 = tpu.memref_slice %arg6[%dma_start3A_360, %dma_start3A_361, %dma_start3A_362, %dma_start3A_367] : memref<2x4x2x128xi32, #tpu.memory_space<vmem>> -> memref<1x1x1x128xi32, #tpu.memory_space<vmem>>
      %dma_start3A_369 = tpu.memref_squeeze %dma_start3A_368 : memref<1x1x1x128xi32, #tpu.memory_space<vmem>> -> memref<128xi32, #tpu.memory_space<vmem>>
      %dma_start3A_370 = arith.constant 0 : i32
      %dma_start3A_371 = arith.constant 0 : i32
      %dma_start3A_372 = tpu.memref_slice %arg8[%dma_start3A_370, %dma_start3A_371] : memref<100352x16xf32, #tpu.memory_space<vmem_shared>> -> memref<100352x16xf32, #tpu.memory_space<vmem_shared>>
      tpu.enqueue_indirect_dma source(%dma_start3A_366 : memref<128x16xf32, #tpu.memory_space<vmem>>) target(%dma_start3A_372 : memref<100352x16xf32, #tpu.memory_space<vmem_shared>>) offsets(%dma_start3A_369 : memref<128xi32, #tpu.memory_space<vmem>>) semaphore(%arg11 : memref<!tpu.dma_semaphore, #tpu.memory_space<semaphore_mem>>) {add = true}
      %dma_start3A_373 = arith.constant 1 : i32
      %dma_start3A_374 = arith.constant 3 : i32
      %dma_start3A_375 = arith.constant 1 : i32
      %dma_start3A_376 = arith.constant 3 : i32
      %dma_start3A_377 = arith.constant 1 : i32
      %dma_start3A_378 = arith.constant 0 : i32
      %dma_start3A_379 = arith.constant 0 : i32
      %dma_start3A_380 = tpu.memref_slice %arg7[%dma_start3A_373, %dma_start3A_374, %dma_start3A_378, %dma_start3A_379] : memref<2x4x128x16xf32, #tpu.memory_space<vmem>> -> memref<1x1x128x16xf32, #tpu.memory_space<vmem>>
      %dma_start3A_381 = tpu.memref_squeeze %dma_start3A_380 : memref<1x1x128x16xf32, #tpu.memory_space<vmem>> -> memref<128x16xf32, #tpu.memory_space<vmem>>
      %dma_start3A_382 = arith.constant 0 : i32
      %dma_start3A_383 = tpu.memref_slice %arg6[%dma_start3A_375, %dma_start3A_376, %dma_start3A_377, %dma_start3A_382] : memref<2x4x2x128xi32, #tpu.memory_space<vmem>> -> memref<1x1x1x128xi32, #tpu.memory_space<vmem>>
      %dma_start3A_384 = tpu.memref_squeeze %dma_start3A_383 : memref<1x1x1x128xi32, #tpu.memory_space<vmem>> -> memref<128xi32, #tpu.memory_space<vmem>>
      %dma_start3A_385 = arith.constant 0 : i32
      %dma_start3A_386 = arith.constant 0 : i32
      %dma_start3A_387 = tpu.memref_slice %arg8[%dma_start3A_385, %dma_start3A_386] : memref<100352x16xf32, #tpu.memory_space<vmem_shared>> -> memref<100352x16xf32, #tpu.memory_space<vmem_shared>>
      tpu.enqueue_indirect_dma source(%dma_start3A_381 : memref<128x16xf32, #tpu.memory_space<vmem>>) target(%dma_start3A_387 : memref<100352x16xf32, #tpu.memory_space<vmem_shared>>) offsets(%dma_start3A_384 : memref<128xi32, #tpu.memory_space<vmem>>) semaphore(%arg11 : memref<!tpu.dma_semaphore, #tpu.memory_space<semaphore_mem>>) {add = true}
      %dma_wait3A_388 = arith.constant 0 : i32
      %dma_wait3A_389 = arith.constant 0 : i32
      %dma_wait3A_390 = arith.constant 0 : i32
      %dma_wait3A_391 = arith.constant 0 : i32
      %dma_wait3A_392 = arith.constant 1 : i32
      %dma_wait3A_393 = arith.constant 0 : i32
      %dma_wait3A_394 = arith.constant 0 : i32
      %dma_wait3A_395 = tpu.memref_slice %arg7[%dma_wait3A_388, %dma_wait3A_389, %dma_wait3A_393, %dma_wait3A_394] : memref<2x4x128x16xf32, #tpu.memory_space<vmem>> -> memref<1x1x128x16xf32, #tpu.memory_space<vmem>>
      %dma_wait3A_396 = tpu.memref_squeeze %dma_wait3A_395 : memref<1x1x128x16xf32, #tpu.memory_space<vmem>> -> memref<128x16xf32, #tpu.memory_space<vmem>>
      %dma_wait3A_397 = arith.constant 0 : i32
      %dma_wait3A_398 = tpu.memref_slice %arg6[%dma_wait3A_390, %dma_wait3A_391, %dma_wait3A_392, %dma_wait3A_397] : memref<2x4x2x128xi32, #tpu.memory_space<vmem>> -> memref<1x1x1x128xi32, #tpu.memory_space<vmem>>
      %dma_wait3A_399 = tpu.memref_squeeze %dma_wait3A_398 : memref<1x1x1x128xi32, #tpu.memory_space<vmem>> -> memref<128xi32, #tpu.memory_space<vmem>>
      %dma_wait3A_400 = arith.constant 0 : i32
      %dma_wait3A_401 = arith.constant 0 : i32
      %dma_wait3A_402 = tpu.memref_slice %arg8[%dma_wait3A_400, %dma_wait3A_401] : memref<100352x16xf32, #tpu.memory_space<vmem_shared>> -> memref<100352x16xf32, #tpu.memory_space<vmem_shared>>
      tpu.wait_indirect_dma semaphore(%arg11 : memref<!tpu.dma_semaphore, #tpu.memory_space<semaphore_mem>>) src(%dma_wait3A_396 : memref<128x16xf32, #tpu.memory_space<vmem>>) dst(%dma_wait3A_402 : memref<100352x16xf32, #tpu.memory_space<vmem_shared>>)
      %dma_wait3A_403 = arith.constant 0 : i32
      %dma_wait3A_404 = arith.constant 1 : i32
      %dma_wait3A_405 = arith.constant 0 : i32
      %dma_wait3A_406 = arith.constant 1 : i32
      %dma_wait3A_407 = arith.constant 1 : i32
      %dma_wait3A_408 = arith.constant 0 : i32
      %dma_wait3A_409 = arith.constant 0 : i32
      %dma_wait3A_410 = tpu.memref_slice %arg7[%dma_wait3A_403, %dma_wait3A_404, %dma_wait3A_408, %dma_wait3A_409] : memref<2x4x128x16xf32, #tpu.memory_space<vmem>> -> memref<1x1x128x16xf32, #tpu.memory_space<vmem>>
      %dma_wait3A_411 = tpu.memref_squeeze %dma_wait3A_410 : memref<1x1x128x16xf32, #tpu.memory_space<vmem>> -> memref<128x16xf32, #tpu.memory_space<vmem>>
      %dma_wait3A_412 = arith.constant 0 : i32
      %dma_wait3A_413 = tpu.memref_slice %arg6[%dma_wait3A_405, %dma_wait3A_406, %dma_wait3A_407, %dma_wait3A_412] : memref<2x4x2x128xi32, #tpu.memory_space<vmem>> -> memref<1x1x1x128xi32, #tpu.memory_space<vmem>>
      %dma_wait3A_414 = tpu.memref_squeeze %dma_wait3A_413 : memref<1x1x1x128xi32, #tpu.memory_space<vmem>> -> memref<128xi32, #tpu.memory_space<vmem>>
      %dma_wait3A_415 = arith.constant 0 : i32
      %dma_wait3A_416 = arith.constant 0 : i32
      %dma_wait3A_417 = tpu.memref_slice %arg8[%dma_wait3A_415, %dma_wait3A_416] : memref<100352x16xf32, #tpu.memory_space<vmem_shared>> -> memref<100352x16xf32, #tpu.memory_space<vmem_shared>>
      tpu.wait_indirect_dma semaphore(%arg11 : memref<!tpu.dma_semaphore, #tpu.memory_space<semaphore_mem>>) src(%dma_wait3A_411 : memref<128x16xf32, #tpu.memory_space<vmem>>) dst(%dma_wait3A_417 : memref<100352x16xf32, #tpu.memory_space<vmem_shared>>)
      %dma_wait3A_418 = arith.constant 0 : i32
      %dma_wait3A_419 = arith.constant 2 : i32
      %dma_wait3A_420 = arith.constant 0 : i32
      %dma_wait3A_421 = arith.constant 2 : i32
      %dma_wait3A_422 = arith.constant 1 : i32
      %dma_wait3A_423 = arith.constant 0 : i32
      %dma_wait3A_424 = arith.constant 0 : i32
      %dma_wait3A_425 = tpu.memref_slice %arg7[%dma_wait3A_418, %dma_wait3A_419, %dma_wait3A_423, %dma_wait3A_424] : memref<2x4x128x16xf32, #tpu.memory_space<vmem>> -> memref<1x1x128x16xf32, #tpu.memory_space<vmem>>
      %dma_wait3A_426 = tpu.memref_squeeze %dma_wait3A_425 : memref<1x1x128x16xf32, #tpu.memory_space<vmem>> -> memref<128x16xf32, #tpu.memory_space<vmem>>
      %dma_wait3A_427 = arith.constant 0 : i32
      %dma_wait3A_428 = tpu.memref_slice %arg6[%dma_wait3A_420, %dma_wait3A_421, %dma_wait3A_422, %dma_wait3A_427] : memref<2x4x2x128xi32, #tpu.memory_space<vmem>> -> memref<1x1x1x128xi32, #tpu.memory_space<vmem>>
      %dma_wait3A_429 = tpu.memref_squeeze %dma_wait3A_428 : memref<1x1x1x128xi32, #tpu.memory_space<vmem>> -> memref<128xi32, #tpu.memory_space<vmem>>
      %dma_wait3A_430 = arith.constant 0 : i32
      %dma_wait3A_431 = arith.constant 0 : i32
      %dma_wait3A_432 = tpu.memref_slice %arg8[%dma_wait3A_430, %dma_wait3A_431] : memref<100352x16xf32, #tpu.memory_space<vmem_shared>> -> memref<100352x16xf32, #tpu.memory_space<vmem_shared>>
      tpu.wait_indirect_dma semaphore(%arg11 : memref<!tpu.dma_semaphore, #tpu.memory_space<semaphore_mem>>) src(%dma_wait3A_426 : memref<128x16xf32, #tpu.memory_space<vmem>>) dst(%dma_wait3A_432 : memref<100352x16xf32, #tpu.memory_space<vmem_shared>>)
      %dma_wait3A_433 = arith.constant 0 : i32
      %dma_wait3A_434 = arith.constant 3 : i32
      %dma_wait3A_435 = arith.constant 0 : i32
      %dma_wait3A_436 = arith.constant 3 : i32
      %dma_wait3A_437 = arith.constant 1 : i32
      %dma_wait3A_438 = arith.constant 0 : i32
      %dma_wait3A_439 = arith.constant 0 : i32
      %dma_wait3A_440 = tpu.memref_slice %arg7[%dma_wait3A_433, %dma_wait3A_434, %dma_wait3A_438, %dma_wait3A_439] : memref<2x4x128x16xf32, #tpu.memory_space<vmem>> -> memref<1x1x128x16xf32, #tpu.memory_space<vmem>>
      %dma_wait3A_441 = tpu.memref_squeeze %dma_wait3A_440 : memref<1x1x128x16xf32, #tpu.memory_space<vmem>> -> memref<128x16xf32, #tpu.memory_space<vmem>>
      %dma_wait3A_442 = arith.constant 0 : i32
      %dma_wait3A_443 = tpu.memref_slice %arg6[%dma_wait3A_435, %dma_wait3A_436, %dma_wait3A_437, %dma_wait3A_442] : memref<2x4x2x128xi32, #tpu.memory_space<vmem>> -> memref<1x1x1x128xi32, #tpu.memory_space<vmem>>
      %dma_wait3A_444 = tpu.memref_squeeze %dma_wait3A_443 : memref<1x1x1x128xi32, #tpu.memory_space<vmem>> -> memref<128xi32, #tpu.memory_space<vmem>>
      %dma_wait3A_445 = arith.constant 0 : i32
      %dma_wait3A_446 = arith.constant 0 : i32
      %dma_wait3A_447 = tpu.memref_slice %arg8[%dma_wait3A_445, %dma_wait3A_446] : memref<100352x16xf32, #tpu.memory_space<vmem_shared>> -> memref<100352x16xf32, #tpu.memory_space<vmem_shared>>
      tpu.wait_indirect_dma semaphore(%arg11 : memref<!tpu.dma_semaphore, #tpu.memory_space<semaphore_mem>>) src(%dma_wait3A_441 : memref<128x16xf32, #tpu.memory_space<vmem>>) dst(%dma_wait3A_447 : memref<100352x16xf32, #tpu.memory_space<vmem_shared>>)
      %dma_wait3A_448 = arith.constant 1 : i32
      %dma_wait3A_449 = arith.constant 0 : i32
      %dma_wait3A_450 = arith.constant 1 : i32
      %dma_wait3A_451 = arith.constant 0 : i32
      %dma_wait3A_452 = arith.constant 1 : i32
      %dma_wait3A_453 = arith.constant 0 : i32
      %dma_wait3A_454 = arith.constant 0 : i32
      %dma_wait3A_455 = tpu.memref_slice %arg7[%dma_wait3A_448, %dma_wait3A_449, %dma_wait3A_453, %dma_wait3A_454] : memref<2x4x128x16xf32, #tpu.memory_space<vmem>> -> memref<1x1x128x16xf32, #tpu.memory_space<vmem>>
      %dma_wait3A_456 = tpu.memref_squeeze %dma_wait3A_455 : memref<1x1x128x16xf32, #tpu.memory_space<vmem>> -> memref<128x16xf32, #tpu.memory_space<vmem>>
      %dma_wait3A_457 = arith.constant 0 : i32
      %dma_wait3A_458 = tpu.memref_slice %arg6[%dma_wait3A_450, %dma_wait3A_451, %dma_wait3A_452, %dma_wait3A_457] : memref<2x4x2x128xi32, #tpu.memory_space<vmem>> -> memref<1x1x1x128xi32, #tpu.memory_space<vmem>>
      %dma_wait3A_459 = tpu.memref_squeeze %dma_wait3A_458 : memref<1x1x1x128xi32, #tpu.memory_space<vmem>> -> memref<128xi32, #tpu.memory_space<vmem>>
      %dma_wait3A_460 = arith.constant 0 : i32
      %dma_wait3A_461 = arith.constant 0 : i32
      %dma_wait3A_462 = tpu.memref_slice %arg8[%dma_wait3A_460, %dma_wait3A_461] : memref<100352x16xf32, #tpu.memory_space<vmem_shared>> -> memref<100352x16xf32, #tpu.memory_space<vmem_shared>>
      tpu.wait_indirect_dma semaphore(%arg11 : memref<!tpu.dma_semaphore, #tpu.memory_space<semaphore_mem>>) src(%dma_wait3A_456 : memref<128x16xf32, #tpu.memory_space<vmem>>) dst(%dma_wait3A_462 : memref<100352x16xf32, #tpu.memory_space<vmem_shared>>)
      %dma_wait3A_463 = arith.constant 1 : i32
      %dma_wait3A_464 = arith.constant 1 : i32
      %dma_wait3A_465 = arith.constant 1 : i32
      %dma_wait3A_466 = arith.constant 1 : i32
      %dma_wait3A_467 = arith.constant 1 : i32
      %dma_wait3A_468 = arith.constant 0 : i32
      %dma_wait3A_469 = arith.constant 0 : i32
      %dma_wait3A_470 = tpu.memref_slice %arg7[%dma_wait3A_463, %dma_wait3A_464, %dma_wait3A_468, %dma_wait3A_469] : memref<2x4x128x16xf32, #tpu.memory_space<vmem>> -> memref<1x1x128x16xf32, #tpu.memory_space<vmem>>
      %dma_wait3A_471 = tpu.memref_squeeze %dma_wait3A_470 : memref<1x1x128x16xf32, #tpu.memory_space<vmem>> -> memref<128x16xf32, #tpu.memory_space<vmem>>
      %dma_wait3A_472 = arith.constant 0 : i32
      %dma_wait3A_473 = tpu.memref_slice %arg6[%dma_wait3A_465, %dma_wait3A_466, %dma_wait3A_467, %dma_wait3A_472] : memref<2x4x2x128xi32, #tpu.memory_space<vmem>> -> memref<1x1x1x128xi32, #tpu.memory_space<vmem>>
      %dma_wait3A_474 = tpu.memref_squeeze %dma_wait3A_473 : memref<1x1x1x128xi32, #tpu.memory_space<vmem>> -> memref<128xi32, #tpu.memory_space<vmem>>
      %dma_wait3A_475 = arith.constant 0 : i32
      %dma_wait3A_476 = arith.constant 0 : i32
      %dma_wait3A_477 = tpu.memref_slice %arg8[%dma_wait3A_475, %dma_wait3A_476] : memref<100352x16xf32, #tpu.memory_space<vmem_shared>> -> memref<100352x16xf32, #tpu.memory_space<vmem_shared>>
      tpu.wait_indirect_dma semaphore(%arg11 : memref<!tpu.dma_semaphore, #tpu.memory_space<semaphore_mem>>) src(%dma_wait3A_471 : memref<128x16xf32, #tpu.memory_space<vmem>>) dst(%dma_wait3A_477 : memref<100352x16xf32, #tpu.memory_space<vmem_shared>>)
      %dma_wait3A_478 = arith.constant 1 : i32
      %dma_wait3A_479 = arith.constant 2 : i32
      %dma_wait3A_480 = arith.constant 1 : i32
      %dma_wait3A_481 = arith.constant 2 : i32
      %dma_wait3A_482 = arith.constant 1 : i32
      %dma_wait3A_483 = arith.constant 0 : i32
      %dma_wait3A_484 = arith.constant 0 : i32
      %dma_wait3A_485 = tpu.memref_slice %arg7[%dma_wait3A_478, %dma_wait3A_479, %dma_wait3A_483, %dma_wait3A_484] : memref<2x4x128x16xf32, #tpu.memory_space<vmem>> -> memref<1x1x128x16xf32, #tpu.memory_space<vmem>>
      %dma_wait3A_486 = tpu.memref_squeeze %dma_wait3A_485 : memref<1x1x128x16xf32, #tpu.memory_space<vmem>> -> memref<128x16xf32, #tpu.memory_space<vmem>>
      %dma_wait3A_487 = arith.constant 0 : i32
      %dma_wait3A_488 = tpu.memref_slice %arg6[%dma_wait3A_480, %dma_wait3A_481, %dma_wait3A_482, %dma_wait3A_487] : memref<2x4x2x128xi32, #tpu.memory_space<vmem>> -> memref<1x1x1x128xi32, #tpu.memory_space<vmem>>
      %dma_wait3A_489 = tpu.memref_squeeze %dma_wait3A_488 : memref<1x1x1x128xi32, #tpu.memory_space<vmem>> -> memref<128xi32, #tpu.memory_space<vmem>>
      %dma_wait3A_490 = arith.constant 0 : i32
      %dma_wait3A_491 = arith.constant 0 : i32
      %dma_wait3A_492 = tpu.memref_slice %arg8[%dma_wait3A_490, %dma_wait3A_491] : memref<100352x16xf32, #tpu.memory_space<vmem_shared>> -> memref<100352x16xf32, #tpu.memory_space<vmem_shared>>
      tpu.wait_indirect_dma semaphore(%arg11 : memref<!tpu.dma_semaphore, #tpu.memory_space<semaphore_mem>>) src(%dma_wait3A_486 : memref<128x16xf32, #tpu.memory_space<vmem>>) dst(%dma_wait3A_492 : memref<100352x16xf32, #tpu.memory_space<vmem_shared>>)
      %dma_wait3A_493 = arith.constant 1 : i32
      %dma_wait3A_494 = arith.constant 3 : i32
      %dma_wait3A_495 = arith.constant 1 : i32
      %dma_wait3A_496 = arith.constant 3 : i32
      %dma_wait3A_497 = arith.constant 1 : i32
      %dma_wait3A_498 = arith.constant 0 : i32
      %dma_wait3A_499 = arith.constant 0 : i32
      %dma_wait3A_500 = tpu.memref_slice %arg7[%dma_wait3A_493, %dma_wait3A_494, %dma_wait3A_498, %dma_wait3A_499] : memref<2x4x128x16xf32, #tpu.memory_space<vmem>> -> memref<1x1x128x16xf32, #tpu.memory_space<vmem>>
      %dma_wait3A_501 = tpu.memref_squeeze %dma_wait3A_500 : memref<1x1x128x16xf32, #tpu.memory_space<vmem>> -> memref<128x16xf32, #tpu.memory_space<vmem>>
      %dma_wait3A_502 = arith.constant 0 : i32
      %dma_wait3A_503 = tpu.memref_slice %arg6[%dma_wait3A_495, %dma_wait3A_496, %dma_wait3A_497, %dma_wait3A_502] : memref<2x4x2x128xi32, #tpu.memory_space<vmem>> -> memref<1x1x1x128xi32, #tpu.memory_space<vmem>>
      %dma_wait3A_504 = tpu.memref_squeeze %dma_wait3A_503 : memref<1x1x1x128xi32, #tpu.memory_space<vmem>> -> memref<128xi32, #tpu.memory_space<vmem>>
      %dma_wait3A_505 = arith.constant 0 : i32
      %dma_wait3A_506 = arith.constant 0 : i32
      %dma_wait3A_507 = tpu.memref_slice %arg8[%dma_wait3A_505, %dma_wait3A_506] : memref<100352x16xf32, #tpu.memory_space<vmem_shared>> -> memref<100352x16xf32, #tpu.memory_space<vmem_shared>>
      tpu.wait_indirect_dma semaphore(%arg11 : memref<!tpu.dma_semaphore, #tpu.memory_space<semaphore_mem>>) src(%dma_wait3A_501 : memref<128x16xf32, #tpu.memory_space<vmem>>) dst(%dma_wait3A_507 : memref<100352x16xf32, #tpu.memory_space<vmem_shared>>)
    }
    %while3A_19 = arith.constant 1 : i32
    scf.for %while3A_21 = %while3A_17 to %while3A_13 step %while3A_19  : i32 {
      %mul3A_22 = arith.constant 8 : i32
      %mul3A_23 = arith.muli %while3A_21, %mul3A_22 : i32
      %add3A_24 = arith.addi %select_n3A, %mul3A_23 : i32
      %add3A_25 = arith.constant 0 : i32
      %add3A_26 = arith.addi %add3A_24, %add3A_25 : i32
      %run_scoped3A = arith.constant 0 : i32
      "tpu.region"() ({
        %run_scoped3A_508 = tpu.sem_alloc : memref<!tpu.dma_semaphore, #tpu.memory_space<semaphore_mem>>
        %dma_start3A_509 = arith.constant 0 : i32
        %dma_start3A_510 = arith.constant 0 : i32
        %dma_start3A_511 = arith.constant 0 : i32
        %dma_start3A_512 = tpu.memref_slice %arg6[%run_scoped3A, %dma_start3A_509, %dma_start3A_510, %dma_start3A_511] : memref<2x4x2x128xi32, #tpu.memory_space<vmem>> -> memref<1x4x2x128xi32, #tpu.memory_space<vmem>>
        %dma_start3A_513 = tpu.memref_squeeze %dma_start3A_512 : memref<1x4x2x128xi32, #tpu.memory_space<vmem>> -> memref<4x2x128xi32, #tpu.memory_space<vmem>>
        %dma_start3A_514 = arith.constant 0 : i32
        %dma_start3A_515 = arith.constant 0 : i32
        %dma_start3A_516 = tpu.memref_slice %arg2[%add3A_26, %dma_start3A_514, %dma_start3A_515] : memref<25088x2x128xi32, #tpu.memory_space<hbm>> -> memref<4x2x128xi32, #tpu.memory_space<hbm>>
        %dma_start3A_517 = arith.constant 0 : i32
        %dma_start3A_518 = arith.constant 0 : i32
        %dma_start3A_519 = arith.constant 0 : i32
        %dma_start3A_520 = tpu.memref_slice %arg6[%run_scoped3A, %dma_start3A_517, %dma_start3A_518, %dma_start3A_519] : memref<2x4x2x128xi32, #tpu.memory_space<vmem>> -> memref<1x4x2x128xi32, #tpu.memory_space<vmem>>
        %dma_start3A_521 = tpu.memref_squeeze %dma_start3A_520 : memref<1x4x2x128xi32, #tpu.memory_space<vmem>> -> memref<4x2x128xi32, #tpu.memory_space<vmem>>
        %dma_start3A_522 = arith.constant 0 : i32
        %dma_start3A_523 = arith.constant 0 : i32
        %dma_start3A_524 = tpu.memref_slice %arg2[%add3A_26, %dma_start3A_522, %dma_start3A_523] : memref<25088x2x128xi32, #tpu.memory_space<hbm>> -> memref<4x2x128xi32, #tpu.memory_space<hbm>>
        tpu.enqueue_dma source(%dma_start3A_524 : memref<4x2x128xi32, #tpu.memory_space<hbm>>) target(%dma_start3A_521 : memref<4x2x128xi32, #tpu.memory_space<vmem>>) target_semaphore(%run_scoped3A_508 : memref<!tpu.dma_semaphore, #tpu.memory_space<semaphore_mem>>)
        %dma_wait3A_525 = arith.constant 0 : i32
        %dma_wait3A_526 = arith.constant 0 : i32
        %dma_wait3A_527 = arith.constant 0 : i32
        %dma_wait3A_528 = tpu.memref_slice %arg6[%run_scoped3A, %dma_wait3A_525, %dma_wait3A_526, %dma_wait3A_527] : memref<2x4x2x128xi32, #tpu.memory_space<vmem>> -> memref<1x4x2x128xi32, #tpu.memory_space<vmem>>
        %dma_wait3A_529 = tpu.memref_squeeze %dma_wait3A_528 : memref<1x4x2x128xi32, #tpu.memory_space<vmem>> -> memref<4x2x128xi32, #tpu.memory_space<vmem>>
        %dma_wait3A_530 = arith.constant 0 : i32
        %dma_wait3A_531 = arith.constant 0 : i32
        %dma_wait3A_532 = tpu.memref_slice %arg2[%add3A_26, %dma_wait3A_530, %dma_wait3A_531] : memref<25088x2x128xi32, #tpu.memory_space<hbm>> -> memref<4x2x128xi32, #tpu.memory_space<hbm>>
        %dma_wait3A_533 = arith.constant 0 : i32
        %dma_wait3A_534 = arith.constant 0 : i32
        %dma_wait3A_535 = arith.constant 0 : i32
        %dma_wait3A_536 = tpu.memref_slice %arg6[%run_scoped3A, %dma_wait3A_533, %dma_wait3A_534, %dma_wait3A_535] : memref<2x4x2x128xi32, #tpu.memory_space<vmem>> -> memref<1x4x2x128xi32, #tpu.memory_space<vmem>>
        %dma_wait3A_537 = tpu.memref_squeeze %dma_wait3A_536 : memref<1x4x2x128xi32, #tpu.memory_space<vmem>> -> memref<4x2x128xi32, #tpu.memory_space<vmem>>
        %dma_wait3A_538 = arith.constant 0 : i32
        %dma_wait3A_539 = arith.constant 0 : i32
        %dma_wait3A_540 = tpu.memref_slice %arg2[%add3A_26, %dma_wait3A_538, %dma_wait3A_539] : memref<25088x2x128xi32, #tpu.memory_space<hbm>> -> memref<4x2x128xi32, #tpu.memory_space<hbm>>
        tpu.wait_dma2 semaphore(%run_scoped3A_508 : memref<!tpu.dma_semaphore, #tpu.memory_space<semaphore_mem>>) src(%dma_wait3A_540 : memref<4x2x128xi32, #tpu.memory_space<hbm>>) dst(%dma_wait3A_537 : memref<4x2x128xi32, #tpu.memory_space<vmem>>)
        tpu.yield
      }) : () -> ()
      %dma_start3A = arith.constant 0 : i32
      %dma_start3A_27 = arith.constant 0 : i32
      %dma_start3A_28 = arith.constant 0 : i32
      %dma_start3A_29 = arith.constant 0 : i32
      %dma_start3A_30 = arith.constant 0 : i32
      %dma_start3A_31 = arith.constant 0 : i32
      %dma_start3A_32 = arith.constant 0 : i32
      %dma_start3A_33 = tpu.memref_slice %arg7[%dma_start3A_29, %dma_start3A_30, %dma_start3A_31, %dma_start3A_32] : memref<2x4x128x16xf32, #tpu.memory_space<vmem>> -> memref<1x1x128x16xf32, #tpu.memory_space<vmem>>
      %dma_start3A_34 = tpu.memref_squeeze %dma_start3A_33 : memref<1x1x128x16xf32, #tpu.memory_space<vmem>> -> memref<128x16xf32, #tpu.memory_space<vmem>>
      %dma_start3A_35 = arith.constant 0 : i32
      %dma_start3A_36 = tpu.memref_slice %arg6[%dma_start3A, %dma_start3A_27, %dma_start3A_28, %dma_start3A_35] : memref<2x4x2x128xi32, #tpu.memory_space<vmem>> -> memref<1x1x1x128xi32, #tpu.memory_space<vmem>>
      %dma_start3A_37 = tpu.memref_squeeze %dma_start3A_36 : memref<1x1x1x128xi32, #tpu.memory_space<vmem>> -> memref<128xi32, #tpu.memory_space<vmem>>
      %dma_start3A_38 = arith.constant 0 : i32
      %dma_start3A_39 = arith.constant 0 : i32
      %dma_start3A_40 = tpu.memref_slice %arg3[%dma_start3A_38, %dma_start3A_39] : memref<100352x16xf32, #tpu.memory_space<hbm>> -> memref<100352x16xf32, #tpu.memory_space<hbm>>
      tpu.enqueue_indirect_dma source(%dma_start3A_40 : memref<100352x16xf32, #tpu.memory_space<hbm>>) target(%dma_start3A_34 : memref<128x16xf32, #tpu.memory_space<vmem>>) offsets(%dma_start3A_37 : memref<128xi32, #tpu.memory_space<vmem>>) semaphore(%arg9 : memref<!tpu.dma_semaphore, #tpu.memory_space<semaphore_mem>>)
      %dma_start3A_41 = arith.constant 0 : i32
      %dma_start3A_42 = arith.constant 1 : i32
      %dma_start3A_43 = arith.constant 0 : i32
      %dma_start3A_44 = arith.constant 0 : i32
      %dma_start3A_45 = arith.constant 1 : i32
      %dma_start3A_46 = arith.constant 0 : i32
      %dma_start3A_47 = arith.constant 0 : i32
      %dma_start3A_48 = tpu.memref_slice %arg7[%dma_start3A_44, %dma_start3A_45, %dma_start3A_46, %dma_start3A_47] : memref<2x4x128x16xf32, #tpu.memory_space<vmem>> -> memref<1x1x128x16xf32, #tpu.memory_space<vmem>>
      %dma_start3A_49 = tpu.memref_squeeze %dma_start3A_48 : memref<1x1x128x16xf32, #tpu.memory_space<vmem>> -> memref<128x16xf32, #tpu.memory_space<vmem>>
      %dma_start3A_50 = arith.constant 0 : i32
      %dma_start3A_51 = tpu.memref_slice %arg6[%dma_start3A_41, %dma_start3A_42, %dma_start3A_43, %dma_start3A_50] : memref<2x4x2x128xi32, #tpu.memory_space<vmem>> -> memref<1x1x1x128xi32, #tpu.memory_space<vmem>>
      %dma_start3A_52 = tpu.memref_squeeze %dma_start3A_51 : memref<1x1x1x128xi32, #tpu.memory_space<vmem>> -> memref<128xi32, #tpu.memory_space<vmem>>
      %dma_start3A_53 = arith.constant 0 : i32
      %dma_start3A_54 = arith.constant 0 : i32
      %dma_start3A_55 = tpu.memref_slice %arg3[%dma_start3A_53, %dma_start3A_54] : memref<100352x16xf32, #tpu.memory_space<hbm>> -> memref<100352x16xf32, #tpu.memory_space<hbm>>
      tpu.enqueue_indirect_dma source(%dma_start3A_55 : memref<100352x16xf32, #tpu.memory_space<hbm>>) target(%dma_start3A_49 : memref<128x16xf32, #tpu.memory_space<vmem>>) offsets(%dma_start3A_52 : memref<128xi32, #tpu.memory_space<vmem>>) semaphore(%arg9 : memref<!tpu.dma_semaphore, #tpu.memory_space<semaphore_mem>>)
      %dma_start3A_56 = arith.constant 0 : i32
      %dma_start3A_57 = arith.constant 2 : i32
      %dma_start3A_58 = arith.constant 0 : i32
      %dma_start3A_59 = arith.constant 0 : i32
      %dma_start3A_60 = arith.constant 2 : i32
      %dma_start3A_61 = arith.constant 0 : i32
      %dma_start3A_62 = arith.constant 0 : i32
      %dma_start3A_63 = tpu.memref_slice %arg7[%dma_start3A_59, %dma_start3A_60, %dma_start3A_61, %dma_start3A_62] : memref<2x4x128x16xf32, #tpu.memory_space<vmem>> -> memref<1x1x128x16xf32, #tpu.memory_space<vmem>>
      %dma_start3A_64 = tpu.memref_squeeze %dma_start3A_63 : memref<1x1x128x16xf32, #tpu.memory_space<vmem>> -> memref<128x16xf32, #tpu.memory_space<vmem>>
      %dma_start3A_65 = arith.constant 0 : i32
      %dma_start3A_66 = tpu.memref_slice %arg6[%dma_start3A_56, %dma_start3A_57, %dma_start3A_58, %dma_start3A_65] : memref<2x4x2x128xi32, #tpu.memory_space<vmem>> -> memref<1x1x1x128xi32, #tpu.memory_space<vmem>>
      %dma_start3A_67 = tpu.memref_squeeze %dma_start3A_66 : memref<1x1x1x128xi32, #tpu.memory_space<vmem>> -> memref<128xi32, #tpu.memory_space<vmem>>
      %dma_start3A_68 = arith.constant 0 : i32
      %dma_start3A_69 = arith.constant 0 : i32
      %dma_start3A_70 = tpu.memref_slice %arg3[%dma_start3A_68, %dma_start3A_69] : memref<100352x16xf32, #tpu.memory_space<hbm>> -> memref<100352x16xf32, #tpu.memory_space<hbm>>
      tpu.enqueue_indirect_dma source(%dma_start3A_70 : memref<100352x16xf32, #tpu.memory_space<hbm>>) target(%dma_start3A_64 : memref<128x16xf32, #tpu.memory_space<vmem>>) offsets(%dma_start3A_67 : memref<128xi32, #tpu.memory_space<vmem>>) semaphore(%arg9 : memref<!tpu.dma_semaphore, #tpu.memory_space<semaphore_mem>>)
      %dma_start3A_71 = arith.constant 0 : i32
      %dma_start3A_72 = arith.constant 3 : i32
      %dma_start3A_73 = arith.constant 0 : i32
      %dma_start3A_74 = arith.constant 0 : i32
      %dma_start3A_75 = arith.constant 3 : i32
      %dma_start3A_76 = arith.constant 0 : i32
      %dma_start3A_77 = arith.constant 0 : i32
      %dma_start3A_78 = tpu.memref_slice %arg7[%dma_start3A_74, %dma_start3A_75, %dma_start3A_76, %dma_start3A_77] : memref<2x4x128x16xf32, #tpu.memory_space<vmem>> -> memref<1x1x128x16xf32, #tpu.memory_space<vmem>>
      %dma_start3A_79 = tpu.memref_squeeze %dma_start3A_78 : memref<1x1x128x16xf32, #tpu.memory_space<vmem>> -> memref<128x16xf32, #tpu.memory_space<vmem>>
      %dma_start3A_80 = arith.constant 0 : i32
      %dma_start3A_81 = tpu.memref_slice %arg6[%dma_start3A_71, %dma_start3A_72, %dma_start3A_73, %dma_start3A_80] : memref<2x4x2x128xi32, #tpu.memory_space<vmem>> -> memref<1x1x1x128xi32, #tpu.memory_space<vmem>>
      %dma_start3A_82 = tpu.memref_squeeze %dma_start3A_81 : memref<1x1x1x128xi32, #tpu.memory_space<vmem>> -> memref<128xi32, #tpu.memory_space<vmem>>
      %dma_start3A_83 = arith.constant 0 : i32
      %dma_start3A_84 = arith.constant 0 : i32
      %dma_start3A_85 = tpu.memref_slice %arg3[%dma_start3A_83, %dma_start3A_84] : memref<100352x16xf32, #tpu.memory_space<hbm>> -> memref<100352x16xf32, #tpu.memory_space<hbm>>
      tpu.enqueue_indirect_dma source(%dma_start3A_85 : memref<100352x16xf32, #tpu.memory_space<hbm>>) target(%dma_start3A_79 : memref<128x16xf32, #tpu.memory_space<vmem>>) offsets(%dma_start3A_82 : memref<128xi32, #tpu.memory_space<vmem>>) semaphore(%arg9 : memref<!tpu.dma_semaphore, #tpu.memory_space<semaphore_mem>>)
      %add3A_86 = arith.constant 4 : i32
      %add3A_87 = arith.addi %add3A_24, %add3A_86 : i32
      %run_scoped3A_88 = arith.constant 1 : i32
      "tpu.region"() ({
        %run_scoped3A_508 = tpu.sem_alloc : memref<!tpu.dma_semaphore, #tpu.memory_space<semaphore_mem>>
        %dma_start3A_509 = arith.constant 0 : i32
        %dma_start3A_510 = arith.constant 0 : i32
        %dma_start3A_511 = arith.constant 0 : i32
        %dma_start3A_512 = tpu.memref_slice %arg6[%run_scoped3A_88, %dma_start3A_509, %dma_start3A_510, %dma_start3A_511] : memref<2x4x2x128xi32, #tpu.memory_space<vmem>> -> memref<1x4x2x128xi32, #tpu.memory_space<vmem>>
        %dma_start3A_513 = tpu.memref_squeeze %dma_start3A_512 : memref<1x4x2x128xi32, #tpu.memory_space<vmem>> -> memref<4x2x128xi32, #tpu.memory_space<vmem>>
        %dma_start3A_514 = arith.constant 0 : i32
        %dma_start3A_515 = arith.constant 0 : i32
        %dma_start3A_516 = tpu.memref_slice %arg2[%add3A_87, %dma_start3A_514, %dma_start3A_515] : memref<25088x2x128xi32, #tpu.memory_space<hbm>> -> memref<4x2x128xi32, #tpu.memory_space<hbm>>
        %dma_start3A_517 = arith.constant 0 : i32
        %dma_start3A_518 = arith.constant 0 : i32
        %dma_start3A_519 = arith.constant 0 : i32
        %dma_start3A_520 = tpu.memref_slice %arg6[%run_scoped3A_88, %dma_start3A_517, %dma_start3A_518, %dma_start3A_519] : memref<2x4x2x128xi32, #tpu.memory_space<vmem>> -> memref<1x4x2x128xi32, #tpu.memory_space<vmem>>
        %dma_start3A_521 = tpu.memref_squeeze %dma_start3A_520 : memref<1x4x2x128xi32, #tpu.memory_space<vmem>> -> memref<4x2x128xi32, #tpu.memory_space<vmem>>
        %dma_start3A_522 = arith.constant 0 : i32
        %dma_start3A_523 = arith.constant 0 : i32
        %dma_start3A_524 = tpu.memref_slice %arg2[%add3A_87, %dma_start3A_522, %dma_start3A_523] : memref<25088x2x128xi32, #tpu.memory_space<hbm>> -> memref<4x2x128xi32, #tpu.memory_space<hbm>>
        tpu.enqueue_dma source(%dma_start3A_524 : memref<4x2x128xi32, #tpu.memory_space<hbm>>) target(%dma_start3A_521 : memref<4x2x128xi32, #tpu.memory_space<vmem>>) target_semaphore(%run_scoped3A_508 : memref<!tpu.dma_semaphore, #tpu.memory_space<semaphore_mem>>)
        %dma_wait3A_525 = arith.constant 0 : i32
        %dma_wait3A_526 = arith.constant 0 : i32
        %dma_wait3A_527 = arith.constant 0 : i32
        %dma_wait3A_528 = tpu.memref_slice %arg6[%run_scoped3A_88, %dma_wait3A_525, %dma_wait3A_526, %dma_wait3A_527] : memref<2x4x2x128xi32, #tpu.memory_space<vmem>> -> memref<1x4x2x128xi32, #tpu.memory_space<vmem>>
        %dma_wait3A_529 = tpu.memref_squeeze %dma_wait3A_528 : memref<1x4x2x128xi32, #tpu.memory_space<vmem>> -> memref<4x2x128xi32, #tpu.memory_space<vmem>>
        %dma_wait3A_530 = arith.constant 0 : i32
        %dma_wait3A_531 = arith.constant 0 : i32
        %dma_wait3A_532 = tpu.memref_slice %arg2[%add3A_87, %dma_wait3A_530, %dma_wait3A_531] : memref<25088x2x128xi32, #tpu.memory_space<hbm>> -> memref<4x2x128xi32, #tpu.memory_space<hbm>>
        %dma_wait3A_533 = arith.constant 0 : i32
        %dma_wait3A_534 = arith.constant 0 : i32
        %dma_wait3A_535 = arith.constant 0 : i32
        %dma_wait3A_536 = tpu.memref_slice %arg6[%run_scoped3A_88, %dma_wait3A_533, %dma_wait3A_534, %dma_wait3A_535] : memref<2x4x2x128xi32, #tpu.memory_space<vmem>> -> memref<1x4x2x128xi32, #tpu.memory_space<vmem>>
        %dma_wait3A_537 = tpu.memref_squeeze %dma_wait3A_536 : memref<1x4x2x128xi32, #tpu.memory_space<vmem>> -> memref<4x2x128xi32, #tpu.memory_space<vmem>>
        %dma_wait3A_538 = arith.constant 0 : i32
        %dma_wait3A_539 = arith.constant 0 : i32
        %dma_wait3A_540 = tpu.memref_slice %arg2[%add3A_87, %dma_wait3A_538, %dma_wait3A_539] : memref<25088x2x128xi32, #tpu.memory_space<hbm>> -> memref<4x2x128xi32, #tpu.memory_space<hbm>>
        tpu.wait_dma2 semaphore(%run_scoped3A_508 : memref<!tpu.dma_semaphore, #tpu.memory_space<semaphore_mem>>) src(%dma_wait3A_540 : memref<4x2x128xi32, #tpu.memory_space<hbm>>) dst(%dma_wait3A_537 : memref<4x2x128xi32, #tpu.memory_space<vmem>>)
        tpu.yield
      }) : () -> ()
      %dma_start3A_89 = arith.constant 1 : i32
      %dma_start3A_90 = arith.constant 0 : i32
      %dma_start3A_91 = arith.constant 0 : i32
      %dma_start3A_92 = arith.constant 1 : i32
      %dma_start3A_93 = arith.constant 0 : i32
      %dma_start3A_94 = arith.constant 0 : i32
      %dma_start3A_95 = arith.constant 0 : i32
      %dma_start3A_96 = tpu.memref_slice %arg7[%dma_start3A_92, %dma_start3A_93, %dma_start3A_94, %dma_start3A_95] : memref<2x4x128x16xf32, #tpu.memory_space<vmem>> -> memref<1x1x128x16xf32, #tpu.memory_space<vmem>>
      %dma_start3A_97 = tpu.memref_squeeze %dma_start3A_96 : memref<1x1x128x16xf32, #tpu.memory_space<vmem>> -> memref<128x16xf32, #tpu.memory_space<vmem>>
      %dma_start3A_98 = arith.constant 0 : i32
      %dma_start3A_99 = tpu.memref_slice %arg6[%dma_start3A_89, %dma_start3A_90, %dma_start3A_91, %dma_start3A_98] : memref<2x4x2x128xi32, #tpu.memory_space<vmem>> -> memref<1x1x1x128xi32, #tpu.memory_space<vmem>>
      %dma_start3A_100 = tpu.memref_squeeze %dma_start3A_99 : memref<1x1x1x128xi32, #tpu.memory_space<vmem>> -> memref<128xi32, #tpu.memory_space<vmem>>
      %dma_start3A_101 = arith.constant 0 : i32
      %dma_start3A_102 = arith.constant 0 : i32
      %dma_start3A_103 = tpu.memref_slice %arg3[%dma_start3A_101, %dma_start3A_102] : memref<100352x16xf32, #tpu.memory_space<hbm>> -> memref<100352x16xf32, #tpu.memory_space<hbm>>
      tpu.enqueue_indirect_dma source(%dma_start3A_103 : memref<100352x16xf32, #tpu.memory_space<hbm>>) target(%dma_start3A_97 : memref<128x16xf32, #tpu.memory_space<vmem>>) offsets(%dma_start3A_100 : memref<128xi32, #tpu.memory_space<vmem>>) semaphore(%arg10 : memref<!tpu.dma_semaphore, #tpu.memory_space<semaphore_mem>>)
      %dma_start3A_104 = arith.constant 1 : i32
      %dma_start3A_105 = arith.constant 1 : i32
      %dma_start3A_106 = arith.constant 0 : i32
      %dma_start3A_107 = arith.constant 1 : i32
      %dma_start3A_108 = arith.constant 1 : i32
      %dma_start3A_109 = arith.constant 0 : i32
      %dma_start3A_110 = arith.constant 0 : i32
      %dma_start3A_111 = tpu.memref_slice %arg7[%dma_start3A_107, %dma_start3A_108, %dma_start3A_109, %dma_start3A_110] : memref<2x4x128x16xf32, #tpu.memory_space<vmem>> -> memref<1x1x128x16xf32, #tpu.memory_space<vmem>>
      %dma_start3A_112 = tpu.memref_squeeze %dma_start3A_111 : memref<1x1x128x16xf32, #tpu.memory_space<vmem>> -> memref<128x16xf32, #tpu.memory_space<vmem>>
      %dma_start3A_113 = arith.constant 0 : i32
      %dma_start3A_114 = tpu.memref_slice %arg6[%dma_start3A_104, %dma_start3A_105, %dma_start3A_106, %dma_start3A_113] : memref<2x4x2x128xi32, #tpu.memory_space<vmem>> -> memref<1x1x1x128xi32, #tpu.memory_space<vmem>>
      %dma_start3A_115 = tpu.memref_squeeze %dma_start3A_114 : memref<1x1x1x128xi32, #tpu.memory_space<vmem>> -> memref<128xi32, #tpu.memory_space<vmem>>
      %dma_start3A_116 = arith.constant 0 : i32
      %dma_start3A_117 = arith.constant 0 : i32
      %dma_start3A_118 = tpu.memref_slice %arg3[%dma_start3A_116, %dma_start3A_117] : memref<100352x16xf32, #tpu.memory_space<hbm>> -> memref<100352x16xf32, #tpu.memory_space<hbm>>
      tpu.enqueue_indirect_dma source(%dma_start3A_118 : memref<100352x16xf32, #tpu.memory_space<hbm>>) target(%dma_start3A_112 : memref<128x16xf32, #tpu.memory_space<vmem>>) offsets(%dma_start3A_115 : memref<128xi32, #tpu.memory_space<vmem>>) semaphore(%arg10 : memref<!tpu.dma_semaphore, #tpu.memory_space<semaphore_mem>>)
      %dma_start3A_119 = arith.constant 1 : i32
      %dma_start3A_120 = arith.constant 2 : i32
      %dma_start3A_121 = arith.constant 0 : i32
      %dma_start3A_122 = arith.constant 1 : i32
      %dma_start3A_123 = arith.constant 2 : i32
      %dma_start3A_124 = arith.constant 0 : i32
      %dma_start3A_125 = arith.constant 0 : i32
      %dma_start3A_126 = tpu.memref_slice %arg7[%dma_start3A_122, %dma_start3A_123, %dma_start3A_124, %dma_start3A_125] : memref<2x4x128x16xf32, #tpu.memory_space<vmem>> -> memref<1x1x128x16xf32, #tpu.memory_space<vmem>>
      %dma_start3A_127 = tpu.memref_squeeze %dma_start3A_126 : memref<1x1x128x16xf32, #tpu.memory_space<vmem>> -> memref<128x16xf32, #tpu.memory_space<vmem>>
      %dma_start3A_128 = arith.constant 0 : i32
      %dma_start3A_129 = tpu.memref_slice %arg6[%dma_start3A_119, %dma_start3A_120, %dma_start3A_121, %dma_start3A_128] : memref<2x4x2x128xi32, #tpu.memory_space<vmem>> -> memref<1x1x1x128xi32, #tpu.memory_space<vmem>>
      %dma_start3A_130 = tpu.memref_squeeze %dma_start3A_129 : memref<1x1x1x128xi32, #tpu.memory_space<vmem>> -> memref<128xi32, #tpu.memory_space<vmem>>
      %dma_start3A_131 = arith.constant 0 : i32
      %dma_start3A_132 = arith.constant 0 : i32
      %dma_start3A_133 = tpu.memref_slice %arg3[%dma_start3A_131, %dma_start3A_132] : memref<100352x16xf32, #tpu.memory_space<hbm>> -> memref<100352x16xf32, #tpu.memory_space<hbm>>
      tpu.enqueue_indirect_dma source(%dma_start3A_133 : memref<100352x16xf32, #tpu.memory_space<hbm>>) target(%dma_start3A_127 : memref<128x16xf32, #tpu.memory_space<vmem>>) offsets(%dma_start3A_130 : memref<128xi32, #tpu.memory_space<vmem>>) semaphore(%arg10 : memref<!tpu.dma_semaphore, #tpu.memory_space<semaphore_mem>>)
      %dma_start3A_134 = arith.constant 1 : i32
      %dma_start3A_135 = arith.constant 3 : i32
      %dma_start3A_136 = arith.constant 0 : i32
      %dma_start3A_137 = arith.constant 1 : i32
      %dma_start3A_138 = arith.constant 3 : i32
      %dma_start3A_139 = arith.constant 0 : i32
      %dma_start3A_140 = arith.constant 0 : i32
      %dma_start3A_141 = tpu.memref_slice %arg7[%dma_start3A_137, %dma_start3A_138, %dma_start3A_139, %dma_start3A_140] : memref<2x4x128x16xf32, #tpu.memory_space<vmem>> -> memref<1x1x128x16xf32, #tpu.memory_space<vmem>>
      %dma_start3A_142 = tpu.memref_squeeze %dma_start3A_141 : memref<1x1x128x16xf32, #tpu.memory_space<vmem>> -> memref<128x16xf32, #tpu.memory_space<vmem>>
      %dma_start3A_143 = arith.constant 0 : i32
      %dma_start3A_144 = tpu.memref_slice %arg6[%dma_start3A_134, %dma_start3A_135, %dma_start3A_136, %dma_start3A_143] : memref<2x4x2x128xi32, #tpu.memory_space<vmem>> -> memref<1x1x1x128xi32, #tpu.memory_space<vmem>>
      %dma_start3A_145 = tpu.memref_squeeze %dma_start3A_144 : memref<1x1x1x128xi32, #tpu.memory_space<vmem>> -> memref<128xi32, #tpu.memory_space<vmem>>
      %dma_start3A_146 = arith.constant 0 : i32
      %dma_start3A_147 = arith.constant 0 : i32
      %dma_start3A_148 = tpu.memref_slice %arg3[%dma_start3A_146, %dma_start3A_147] : memref<100352x16xf32, #tpu.memory_space<hbm>> -> memref<100352x16xf32, #tpu.memory_space<hbm>>
      tpu.enqueue_indirect_dma source(%dma_start3A_148 : memref<100352x16xf32, #tpu.memory_space<hbm>>) target(%dma_start3A_142 : memref<128x16xf32, #tpu.memory_space<vmem>>) offsets(%dma_start3A_145 : memref<128xi32, #tpu.memory_space<vmem>>) semaphore(%arg10 : memref<!tpu.dma_semaphore, #tpu.memory_space<semaphore_mem>>)
      %dma_wait3A = arith.constant 0 : i32
      %dma_wait3A_149 = arith.constant 0 : i32
      %dma_wait3A_150 = arith.constant 0 : i32
      %dma_wait3A_151 = arith.constant 0 : i32
      %dma_wait3A_152 = arith.constant 0 : i32
      %dma_wait3A_153 = arith.constant 0 : i32
      %dma_wait3A_154 = arith.constant 0 : i32
      %dma_wait3A_155 = tpu.memref_slice %arg7[%dma_wait3A_151, %dma_wait3A_152, %dma_wait3A_153, %dma_wait3A_154] : memref<2x4x128x16xf32, #tpu.memory_space<vmem>> -> memref<1x1x128x16xf32, #tpu.memory_space<vmem>>
      %dma_wait3A_156 = tpu.memref_squeeze %dma_wait3A_155 : memref<1x1x128x16xf32, #tpu.memory_space<vmem>> -> memref<128x16xf32, #tpu.memory_space<vmem>>
      %dma_wait3A_157 = arith.constant 0 : i32
      %dma_wait3A_158 = tpu.memref_slice %arg6[%dma_wait3A, %dma_wait3A_149, %dma_wait3A_150, %dma_wait3A_157] : memref<2x4x2x128xi32, #tpu.memory_space<vmem>> -> memref<1x1x1x128xi32, #tpu.memory_space<vmem>>
      %dma_wait3A_159 = tpu.memref_squeeze %dma_wait3A_158 : memref<1x1x1x128xi32, #tpu.memory_space<vmem>> -> memref<128xi32, #tpu.memory_space<vmem>>
      %dma_wait3A_160 = arith.constant 0 : i32
      %dma_wait3A_161 = arith.constant 0 : i32
      %dma_wait3A_162 = tpu.memref_slice %arg3[%dma_wait3A_160, %dma_wait3A_161] : memref<100352x16xf32, #tpu.memory_space<hbm>> -> memref<100352x16xf32, #tpu.memory_space<hbm>>
      tpu.wait_indirect_dma semaphore(%arg9 : memref<!tpu.dma_semaphore, #tpu.memory_space<semaphore_mem>>) src(%dma_wait3A_162 : memref<100352x16xf32, #tpu.memory_space<hbm>>) dst(%dma_wait3A_156 : memref<128x16xf32, #tpu.memory_space<vmem>>)
      %dma_wait3A_163 = arith.constant 0 : i32
      %dma_wait3A_164 = arith.constant 1 : i32
      %dma_wait3A_165 = arith.constant 0 : i32
      %dma_wait3A_166 = arith.constant 0 : i32
      %dma_wait3A_167 = arith.constant 1 : i32
      %dma_wait3A_168 = arith.constant 0 : i32
      %dma_wait3A_169 = arith.constant 0 : i32
      %dma_wait3A_170 = tpu.memref_slice %arg7[%dma_wait3A_166, %dma_wait3A_167, %dma_wait3A_168, %dma_wait3A_169] : memref<2x4x128x16xf32, #tpu.memory_space<vmem>> -> memref<1x1x128x16xf32, #tpu.memory_space<vmem>>
      %dma_wait3A_171 = tpu.memref_squeeze %dma_wait3A_170 : memref<1x1x128x16xf32, #tpu.memory_space<vmem>> -> memref<128x16xf32, #tpu.memory_space<vmem>>
      %dma_wait3A_172 = arith.constant 0 : i32
      %dma_wait3A_173 = tpu.memref_slice %arg6[%dma_wait3A_163, %dma_wait3A_164, %dma_wait3A_165, %dma_wait3A_172] : memref<2x4x2x128xi32, #tpu.memory_space<vmem>> -> memref<1x1x1x128xi32, #tpu.memory_space<vmem>>
      %dma_wait3A_174 = tpu.memref_squeeze %dma_wait3A_173 : memref<1x1x1x128xi32, #tpu.memory_space<vmem>> -> memref<128xi32, #tpu.memory_space<vmem>>
      %dma_wait3A_175 = arith.constant 0 : i32
      %dma_wait3A_176 = arith.constant 0 : i32
      %dma_wait3A_177 = tpu.memref_slice %arg3[%dma_wait3A_175, %dma_wait3A_176] : memref<100352x16xf32, #tpu.memory_space<hbm>> -> memref<100352x16xf32, #tpu.memory_space<hbm>>
      tpu.wait_indirect_dma semaphore(%arg9 : memref<!tpu.dma_semaphore, #tpu.memory_space<semaphore_mem>>) src(%dma_wait3A_177 : memref<100352x16xf32, #tpu.memory_space<hbm>>) dst(%dma_wait3A_171 : memref<128x16xf32, #tpu.memory_space<vmem>>)
      %dma_wait3A_178 = arith.constant 0 : i32
      %dma_wait3A_179 = arith.constant 2 : i32
      %dma_wait3A_180 = arith.constant 0 : i32
      %dma_wait3A_181 = arith.constant 0 : i32
      %dma_wait3A_182 = arith.constant 2 : i32
      %dma_wait3A_183 = arith.constant 0 : i32
      %dma_wait3A_184 = arith.constant 0 : i32
      %dma_wait3A_185 = tpu.memref_slice %arg7[%dma_wait3A_181, %dma_wait3A_182, %dma_wait3A_183, %dma_wait3A_184] : memref<2x4x128x16xf32, #tpu.memory_space<vmem>> -> memref<1x1x128x16xf32, #tpu.memory_space<vmem>>
      %dma_wait3A_186 = tpu.memref_squeeze %dma_wait3A_185 : memref<1x1x128x16xf32, #tpu.memory_space<vmem>> -> memref<128x16xf32, #tpu.memory_space<vmem>>
      %dma_wait3A_187 = arith.constant 0 : i32
      %dma_wait3A_188 = tpu.memref_slice %arg6[%dma_wait3A_178, %dma_wait3A_179, %dma_wait3A_180, %dma_wait3A_187] : memref<2x4x2x128xi32, #tpu.memory_space<vmem>> -> memref<1x1x1x128xi32, #tpu.memory_space<vmem>>
      %dma_wait3A_189 = tpu.memref_squeeze %dma_wait3A_188 : memref<1x1x1x128xi32, #tpu.memory_space<vmem>> -> memref<128xi32, #tpu.memory_space<vmem>>
      %dma_wait3A_190 = arith.constant 0 : i32
      %dma_wait3A_191 = arith.constant 0 : i32
      %dma_wait3A_192 = tpu.memref_slice %arg3[%dma_wait3A_190, %dma_wait3A_191] : memref<100352x16xf32, #tpu.memory_space<hbm>> -> memref<100352x16xf32, #tpu.memory_space<hbm>>
      tpu.wait_indirect_dma semaphore(%arg9 : memref<!tpu.dma_semaphore, #tpu.memory_space<semaphore_mem>>) src(%dma_wait3A_192 : memref<100352x16xf32, #tpu.memory_space<hbm>>) dst(%dma_wait3A_186 : memref<128x16xf32, #tpu.memory_space<vmem>>)
      %dma_wait3A_193 = arith.constant 0 : i32
      %dma_wait3A_194 = arith.constant 3 : i32
      %dma_wait3A_195 = arith.constant 0 : i32
      %dma_wait3A_196 = arith.constant 0 : i32
      %dma_wait3A_197 = arith.constant 3 : i32
      %dma_wait3A_198 = arith.constant 0 : i32
      %dma_wait3A_199 = arith.constant 0 : i32
      %dma_wait3A_200 = tpu.memref_slice %arg7[%dma_wait3A_196, %dma_wait3A_197, %dma_wait3A_198, %dma_wait3A_199] : memref<2x4x128x16xf32, #tpu.memory_space<vmem>> -> memref<1x1x128x16xf32, #tpu.memory_space<vmem>>
      %dma_wait3A_201 = tpu.memref_squeeze %dma_wait3A_200 : memref<1x1x128x16xf32, #tpu.memory_space<vmem>> -> memref<128x16xf32, #tpu.memory_space<vmem>>
      %dma_wait3A_202 = arith.constant 0 : i32
      %dma_wait3A_203 = tpu.memref_slice %arg6[%dma_wait3A_193, %dma_wait3A_194, %dma_wait3A_195, %dma_wait3A_202] : memref<2x4x2x128xi32, #tpu.memory_space<vmem>> -> memref<1x1x1x128xi32, #tpu.memory_space<vmem>>
      %dma_wait3A_204 = tpu.memref_squeeze %dma_wait3A_203 : memref<1x1x1x128xi32, #tpu.memory_space<vmem>> -> memref<128xi32, #tpu.memory_space<vmem>>
      %dma_wait3A_205 = arith.constant 0 : i32
      %dma_wait3A_206 = arith.constant 0 : i32
      %dma_wait3A_207 = tpu.memref_slice %arg3[%dma_wait3A_205, %dma_wait3A_206] : memref<100352x16xf32, #tpu.memory_space<hbm>> -> memref<100352x16xf32, #tpu.memory_space<hbm>>
      tpu.wait_indirect_dma semaphore(%arg9 : memref<!tpu.dma_semaphore, #tpu.memory_space<semaphore_mem>>) src(%dma_wait3A_207 : memref<100352x16xf32, #tpu.memory_space<hbm>>) dst(%dma_wait3A_201 : memref<128x16xf32, #tpu.memory_space<vmem>>)
      %dma_start3A_208 = arith.constant 0 : i32
      %dma_start3A_209 = arith.constant 0 : i32
      %dma_start3A_210 = arith.constant 0 : i32
      %dma_start3A_211 = arith.constant 0 : i32
      %dma_start3A_212 = arith.constant 1 : i32
      %dma_start3A_213 = arith.constant 0 : i32
      %dma_start3A_214 = arith.constant 0 : i32
      %dma_start3A_215 = tpu.memref_slice %arg7[%dma_start3A_208, %dma_start3A_209, %dma_start3A_213, %dma_start3A_214] : memref<2x4x128x16xf32, #tpu.memory_space<vmem>> -> memref<1x1x128x16xf32, #tpu.memory_space<vmem>>
      %dma_start3A_216 = tpu.memref_squeeze %dma_start3A_215 : memref<1x1x128x16xf32, #tpu.memory_space<vmem>> -> memref<128x16xf32, #tpu.memory_space<vmem>>
      %dma_start3A_217 = arith.constant 0 : i32
      %dma_start3A_218 = tpu.memref_slice %arg6[%dma_start3A_210, %dma_start3A_211, %dma_start3A_212, %dma_start3A_217] : memref<2x4x2x128xi32, #tpu.memory_space<vmem>> -> memref<1x1x1x128xi32, #tpu.memory_space<vmem>>
      %dma_start3A_219 = tpu.memref_squeeze %dma_start3A_218 : memref<1x1x1x128xi32, #tpu.memory_space<vmem>> -> memref<128xi32, #tpu.memory_space<vmem>>
      %dma_start3A_220 = arith.constant 0 : i32
      %dma_start3A_221 = arith.constant 0 : i32
      %dma_start3A_222 = tpu.memref_slice %arg8[%dma_start3A_220, %dma_start3A_221] : memref<100352x16xf32, #tpu.memory_space<vmem_shared>> -> memref<100352x16xf32, #tpu.memory_space<vmem_shared>>
      tpu.enqueue_indirect_dma source(%dma_start3A_216 : memref<128x16xf32, #tpu.memory_space<vmem>>) target(%dma_start3A_222 : memref<100352x16xf32, #tpu.memory_space<vmem_shared>>) offsets(%dma_start3A_219 : memref<128xi32, #tpu.memory_space<vmem>>) semaphore(%arg11 : memref<!tpu.dma_semaphore, #tpu.memory_space<semaphore_mem>>) {add = true}
      %dma_start3A_223 = arith.constant 0 : i32
      %dma_start3A_224 = arith.constant 1 : i32
      %dma_start3A_225 = arith.constant 0 : i32
      %dma_start3A_226 = arith.constant 1 : i32
      %dma_start3A_227 = arith.constant 1 : i32
      %dma_start3A_228 = arith.constant 0 : i32
      %dma_start3A_229 = arith.constant 0 : i32
      %dma_start3A_230 = tpu.memref_slice %arg7[%dma_start3A_223, %dma_start3A_224, %dma_start3A_228, %dma_start3A_229] : memref<2x4x128x16xf32, #tpu.memory_space<vmem>> -> memref<1x1x128x16xf32, #tpu.memory_space<vmem>>
      %dma_start3A_231 = tpu.memref_squeeze %dma_start3A_230 : memref<1x1x128x16xf32, #tpu.memory_space<vmem>> -> memref<128x16xf32, #tpu.memory_space<vmem>>
      %dma_start3A_232 = arith.constant 0 : i32
      %dma_start3A_233 = tpu.memref_slice %arg6[%dma_start3A_225, %dma_start3A_226, %dma_start3A_227, %dma_start3A_232] : memref<2x4x2x128xi32, #tpu.memory_space<vmem>> -> memref<1x1x1x128xi32, #tpu.memory_space<vmem>>
      %dma_start3A_234 = tpu.memref_squeeze %dma_start3A_233 : memref<1x1x1x128xi32, #tpu.memory_space<vmem>> -> memref<128xi32, #tpu.memory_space<vmem>>
      %dma_start3A_235 = arith.constant 0 : i32
      %dma_start3A_236 = arith.constant 0 : i32
      %dma_start3A_237 = tpu.memref_slice %arg8[%dma_start3A_235, %dma_start3A_236] : memref<100352x16xf32, #tpu.memory_space<vmem_shared>> -> memref<100352x16xf32, #tpu.memory_space<vmem_shared>>
      tpu.enqueue_indirect_dma source(%dma_start3A_231 : memref<128x16xf32, #tpu.memory_space<vmem>>) target(%dma_start3A_237 : memref<100352x16xf32, #tpu.memory_space<vmem_shared>>) offsets(%dma_start3A_234 : memref<128xi32, #tpu.memory_space<vmem>>) semaphore(%arg11 : memref<!tpu.dma_semaphore, #tpu.memory_space<semaphore_mem>>) {add = true}
      %dma_start3A_238 = arith.constant 0 : i32
      %dma_start3A_239 = arith.constant 2 : i32
      %dma_start3A_240 = arith.constant 0 : i32
      %dma_start3A_241 = arith.constant 2 : i32
      %dma_start3A_242 = arith.constant 1 : i32
      %dma_start3A_243 = arith.constant 0 : i32
      %dma_start3A_244 = arith.constant 0 : i32
      %dma_start3A_245 = tpu.memref_slice %arg7[%dma_start3A_238, %dma_start3A_239, %dma_start3A_243, %dma_start3A_244] : memref<2x4x128x16xf32, #tpu.memory_space<vmem>> -> memref<1x1x128x16xf32, #tpu.memory_space<vmem>>
      %dma_start3A_246 = tpu.memref_squeeze %dma_start3A_245 : memref<1x1x128x16xf32, #tpu.memory_space<vmem>> -> memref<128x16xf32, #tpu.memory_space<vmem>>
      %dma_start3A_247 = arith.constant 0 : i32
      %dma_start3A_248 = tpu.memref_slice %arg6[%dma_start3A_240, %dma_start3A_241, %dma_start3A_242, %dma_start3A_247] : memref<2x4x2x128xi32, #tpu.memory_space<vmem>> -> memref<1x1x1x128xi32, #tpu.memory_space<vmem>>
      %dma_start3A_249 = tpu.memref_squeeze %dma_start3A_248 : memref<1x1x1x128xi32, #tpu.memory_space<vmem>> -> memref<128xi32, #tpu.memory_space<vmem>>
      %dma_start3A_250 = arith.constant 0 : i32
      %dma_start3A_251 = arith.constant 0 : i32
      %dma_start3A_252 = tpu.memref_slice %arg8[%dma_start3A_250, %dma_start3A_251] : memref<100352x16xf32, #tpu.memory_space<vmem_shared>> -> memref<100352x16xf32, #tpu.memory_space<vmem_shared>>
      tpu.enqueue_indirect_dma source(%dma_start3A_246 : memref<128x16xf32, #tpu.memory_space<vmem>>) target(%dma_start3A_252 : memref<100352x16xf32, #tpu.memory_space<vmem_shared>>) offsets(%dma_start3A_249 : memref<128xi32, #tpu.memory_space<vmem>>) semaphore(%arg11 : memref<!tpu.dma_semaphore, #tpu.memory_space<semaphore_mem>>) {add = true}
      %dma_start3A_253 = arith.constant 0 : i32
      %dma_start3A_254 = arith.constant 3 : i32
      %dma_start3A_255 = arith.constant 0 : i32
      %dma_start3A_256 = arith.constant 3 : i32
      %dma_start3A_257 = arith.constant 1 : i32
      %dma_start3A_258 = arith.constant 0 : i32
      %dma_start3A_259 = arith.constant 0 : i32
      %dma_start3A_260 = tpu.memref_slice %arg7[%dma_start3A_253, %dma_start3A_254, %dma_start3A_258, %dma_start3A_259] : memref<2x4x128x16xf32, #tpu.memory_space<vmem>> -> memref<1x1x128x16xf32, #tpu.memory_space<vmem>>
      %dma_start3A_261 = tpu.memref_squeeze %dma_start3A_260 : memref<1x1x128x16xf32, #tpu.memory_space<vmem>> -> memref<128x16xf32, #tpu.memory_space<vmem>>
      %dma_start3A_262 = arith.constant 0 : i32
      %dma_start3A_263 = tpu.memref_slice %arg6[%dma_start3A_255, %dma_start3A_256, %dma_start3A_257, %dma_start3A_262] : memref<2x4x2x128xi32, #tpu.memory_space<vmem>> -> memref<1x1x1x128xi32, #tpu.memory_space<vmem>>
      %dma_start3A_264 = tpu.memref_squeeze %dma_start3A_263 : memref<1x1x1x128xi32, #tpu.memory_space<vmem>> -> memref<128xi32, #tpu.memory_space<vmem>>
      %dma_start3A_265 = arith.constant 0 : i32
      %dma_start3A_266 = arith.constant 0 : i32
      %dma_start3A_267 = tpu.memref_slice %arg8[%dma_start3A_265, %dma_start3A_266] : memref<100352x16xf32, #tpu.memory_space<vmem_shared>> -> memref<100352x16xf32, #tpu.memory_space<vmem_shared>>
      tpu.enqueue_indirect_dma source(%dma_start3A_261 : memref<128x16xf32, #tpu.memory_space<vmem>>) target(%dma_start3A_267 : memref<100352x16xf32, #tpu.memory_space<vmem_shared>>) offsets(%dma_start3A_264 : memref<128xi32, #tpu.memory_space<vmem>>) semaphore(%arg11 : memref<!tpu.dma_semaphore, #tpu.memory_space<semaphore_mem>>) {add = true}
      %dma_wait3A_268 = arith.constant 1 : i32
      %dma_wait3A_269 = arith.constant 0 : i32
      %dma_wait3A_270 = arith.constant 0 : i32
      %dma_wait3A_271 = arith.constant 1 : i32
      %dma_wait3A_272 = arith.constant 0 : i32
      %dma_wait3A_273 = arith.constant 0 : i32
      %dma_wait3A_274 = arith.constant 0 : i32
      %dma_wait3A_275 = tpu.memref_slice %arg7[%dma_wait3A_271, %dma_wait3A_272, %dma_wait3A_273, %dma_wait3A_274] : memref<2x4x128x16xf32, #tpu.memory_space<vmem>> -> memref<1x1x128x16xf32, #tpu.memory_space<vmem>>
      %dma_wait3A_276 = tpu.memref_squeeze %dma_wait3A_275 : memref<1x1x128x16xf32, #tpu.memory_space<vmem>> -> memref<128x16xf32, #tpu.memory_space<vmem>>
      %dma_wait3A_277 = arith.constant 0 : i32
      %dma_wait3A_278 = tpu.memref_slice %arg6[%dma_wait3A_268, %dma_wait3A_269, %dma_wait3A_270, %dma_wait3A_277] : memref<2x4x2x128xi32, #tpu.memory_space<vmem>> -> memref<1x1x1x128xi32, #tpu.memory_space<vmem>>
      %dma_wait3A_279 = tpu.memref_squeeze %dma_wait3A_278 : memref<1x1x1x128xi32, #tpu.memory_space<vmem>> -> memref<128xi32, #tpu.memory_space<vmem>>
      %dma_wait3A_280 = arith.constant 0 : i32
      %dma_wait3A_281 = arith.constant 0 : i32
      %dma_wait3A_282 = tpu.memref_slice %arg3[%dma_wait3A_280, %dma_wait3A_281] : memref<100352x16xf32, #tpu.memory_space<hbm>> -> memref<100352x16xf32, #tpu.memory_space<hbm>>
      tpu.wait_indirect_dma semaphore(%arg10 : memref<!tpu.dma_semaphore, #tpu.memory_space<semaphore_mem>>) src(%dma_wait3A_282 : memref<100352x16xf32, #tpu.memory_space<hbm>>) dst(%dma_wait3A_276 : memref<128x16xf32, #tpu.memory_space<vmem>>)
      %dma_wait3A_283 = arith.constant 1 : i32
      %dma_wait3A_284 = arith.constant 1 : i32
      %dma_wait3A_285 = arith.constant 0 : i32
      %dma_wait3A_286 = arith.constant 1 : i32
      %dma_wait3A_287 = arith.constant 1 : i32
      %dma_wait3A_288 = arith.constant 0 : i32
      %dma_wait3A_289 = arith.constant 0 : i32
      %dma_wait3A_290 = tpu.memref_slice %arg7[%dma_wait3A_286, %dma_wait3A_287, %dma_wait3A_288, %dma_wait3A_289] : memref<2x4x128x16xf32, #tpu.memory_space<vmem>> -> memref<1x1x128x16xf32, #tpu.memory_space<vmem>>
      %dma_wait3A_291 = tpu.memref_squeeze %dma_wait3A_290 : memref<1x1x128x16xf32, #tpu.memory_space<vmem>> -> memref<128x16xf32, #tpu.memory_space<vmem>>
      %dma_wait3A_292 = arith.constant 0 : i32
      %dma_wait3A_293 = tpu.memref_slice %arg6[%dma_wait3A_283, %dma_wait3A_284, %dma_wait3A_285, %dma_wait3A_292] : memref<2x4x2x128xi32, #tpu.memory_space<vmem>> -> memref<1x1x1x128xi32, #tpu.memory_space<vmem>>
      %dma_wait3A_294 = tpu.memref_squeeze %dma_wait3A_293 : memref<1x1x1x128xi32, #tpu.memory_space<vmem>> -> memref<128xi32, #tpu.memory_space<vmem>>
      %dma_wait3A_295 = arith.constant 0 : i32
      %dma_wait3A_296 = arith.constant 0 : i32
      %dma_wait3A_297 = tpu.memref_slice %arg3[%dma_wait3A_295, %dma_wait3A_296] : memref<100352x16xf32, #tpu.memory_space<hbm>> -> memref<100352x16xf32, #tpu.memory_space<hbm>>
      tpu.wait_indirect_dma semaphore(%arg10 : memref<!tpu.dma_semaphore, #tpu.memory_space<semaphore_mem>>) src(%dma_wait3A_297 : memref<100352x16xf32, #tpu.memory_space<hbm>>) dst(%dma_wait3A_291 : memref<128x16xf32, #tpu.memory_space<vmem>>)
      %dma_wait3A_298 = arith.constant 1 : i32
      %dma_wait3A_299 = arith.constant 2 : i32
      %dma_wait3A_300 = arith.constant 0 : i32
      %dma_wait3A_301 = arith.constant 1 : i32
      %dma_wait3A_302 = arith.constant 2 : i32
      %dma_wait3A_303 = arith.constant 0 : i32
      %dma_wait3A_304 = arith.constant 0 : i32
      %dma_wait3A_305 = tpu.memref_slice %arg7[%dma_wait3A_301, %dma_wait3A_302, %dma_wait3A_303, %dma_wait3A_304] : memref<2x4x128x16xf32, #tpu.memory_space<vmem>> -> memref<1x1x128x16xf32, #tpu.memory_space<vmem>>
      %dma_wait3A_306 = tpu.memref_squeeze %dma_wait3A_305 : memref<1x1x128x16xf32, #tpu.memory_space<vmem>> -> memref<128x16xf32, #tpu.memory_space<vmem>>
      %dma_wait3A_307 = arith.constant 0 : i32
      %dma_wait3A_308 = tpu.memref_slice %arg6[%dma_wait3A_298, %dma_wait3A_299, %dma_wait3A_300, %dma_wait3A_307] : memref<2x4x2x128xi32, #tpu.memory_space<vmem>> -> memref<1x1x1x128xi32, #tpu.memory_space<vmem>>
      %dma_wait3A_309 = tpu.memref_squeeze %dma_wait3A_308 : memref<1x1x1x128xi32, #tpu.memory_space<vmem>> -> memref<128xi32, #tpu.memory_space<vmem>>
      %dma_wait3A_310 = arith.constant 0 : i32
      %dma_wait3A_311 = arith.constant 0 : i32
      %dma_wait3A_312 = tpu.memref_slice %arg3[%dma_wait3A_310, %dma_wait3A_311] : memref<100352x16xf32, #tpu.memory_space<hbm>> -> memref<100352x16xf32, #tpu.memory_space<hbm>>
      tpu.wait_indirect_dma semaphore(%arg10 : memref<!tpu.dma_semaphore, #tpu.memory_space<semaphore_mem>>) src(%dma_wait3A_312 : memref<100352x16xf32, #tpu.memory_space<hbm>>) dst(%dma_wait3A_306 : memref<128x16xf32, #tpu.memory_space<vmem>>)
      %dma_wait3A_313 = arith.constant 1 : i32
      %dma_wait3A_314 = arith.constant 3 : i32
      %dma_wait3A_315 = arith.constant 0 : i32
      %dma_wait3A_316 = arith.constant 1 : i32
      %dma_wait3A_317 = arith.constant 3 : i32
      %dma_wait3A_318 = arith.constant 0 : i32
      %dma_wait3A_319 = arith.constant 0 : i32
      %dma_wait3A_320 = tpu.memref_slice %arg7[%dma_wait3A_316, %dma_wait3A_317, %dma_wait3A_318, %dma_wait3A_319] : memref<2x4x128x16xf32, #tpu.memory_space<vmem>> -> memref<1x1x128x16xf32, #tpu.memory_space<vmem>>
      %dma_wait3A_321 = tpu.memref_squeeze %dma_wait3A_320 : memref<1x1x128x16xf32, #tpu.memory_space<vmem>> -> memref<128x16xf32, #tpu.memory_space<vmem>>
      %dma_wait3A_322 = arith.constant 0 : i32
      %dma_wait3A_323 = tpu.memref_slice %arg6[%dma_wait3A_313, %dma_wait3A_314, %dma_wait3A_315, %dma_wait3A_322] : memref<2x4x2x128xi32, #tpu.memory_space<vmem>> -> memref<1x1x1x128xi32, #tpu.memory_space<vmem>>
      %dma_wait3A_324 = tpu.memref_squeeze %dma_wait3A_323 : memref<1x1x1x128xi32, #tpu.memory_space<vmem>> -> memref<128xi32, #tpu.memory_space<vmem>>
      %dma_wait3A_325 = arith.constant 0 : i32
      %dma_wait3A_326 = arith.constant 0 : i32
      %dma_wait3A_327 = tpu.memref_slice %arg3[%dma_wait3A_325, %dma_wait3A_326] : memref<100352x16xf32, #tpu.memory_space<hbm>> -> memref<100352x16xf32, #tpu.memory_space<hbm>>
      tpu.wait_indirect_dma semaphore(%arg10 : memref<!tpu.dma_semaphore, #tpu.memory_space<semaphore_mem>>) src(%dma_wait3A_327 : memref<100352x16xf32, #tpu.memory_space<hbm>>) dst(%dma_wait3A_321 : memref<128x16xf32, #tpu.memory_space<vmem>>)
      %dma_start3A_328 = arith.constant 1 : i32
      %dma_start3A_329 = arith.constant 0 : i32
      %dma_start3A_330 = arith.constant 1 : i32
      %dma_start3A_331 = arith.constant 0 : i32
      %dma_start3A_332 = arith.constant 1 : i32
      %dma_start3A_333 = arith.constant 0 : i32
      %dma_start3A_334 = arith.constant 0 : i32
      %dma_start3A_335 = tpu.memref_slice %arg7[%dma_start3A_328, %dma_start3A_329, %dma_start3A_333, %dma_start3A_334] : memref<2x4x128x16xf32, #tpu.memory_space<vmem>> -> memref<1x1x128x16xf32, #tpu.memory_space<vmem>>
      %dma_start3A_336 = tpu.memref_squeeze %dma_start3A_335 : memref<1x1x128x16xf32, #tpu.memory_space<vmem>> -> memref<128x16xf32, #tpu.memory_space<vmem>>
      %dma_start3A_337 = arith.constant 0 : i32
      %dma_start3A_338 = tpu.memref_slice %arg6[%dma_start3A_330, %dma_start3A_331, %dma_start3A_332, %dma_start3A_337] : memref<2x4x2x128xi32, #tpu.memory_space<vmem>> -> memref<1x1x1x128xi32, #tpu.memory_space<vmem>>
      %dma_start3A_339 = tpu.memref_squeeze %dma_start3A_338 : memref<1x1x1x128xi32, #tpu.memory_space<vmem>> -> memref<128xi32, #tpu.memory_space<vmem>>
      %dma_start3A_340 = arith.constant 0 : i32
      %dma_start3A_341 = arith.constant 0 : i32
      %dma_start3A_342 = tpu.memref_slice %arg8[%dma_start3A_340, %dma_start3A_341] : memref<100352x16xf32, #tpu.memory_space<vmem_shared>> -> memref<100352x16xf32, #tpu.memory_space<vmem_shared>>
      tpu.enqueue_indirect_dma source(%dma_start3A_336 : memref<128x16xf32, #tpu.memory_space<vmem>>) target(%dma_start3A_342 : memref<100352x16xf32, #tpu.memory_space<vmem_shared>>) offsets(%dma_start3A_339 : memref<128xi32, #tpu.memory_space<vmem>>) semaphore(%arg11 : memref<!tpu.dma_semaphore, #tpu.memory_space<semaphore_mem>>) {add = true}
      %dma_start3A_343 = arith.constant 1 : i32
      %dma_start3A_344 = arith.constant 1 : i32
      %dma_start3A_345 = arith.constant 1 : i32
      %dma_start3A_346 = arith.constant 1 : i32
      %dma_start3A_347 = arith.constant 1 : i32
      %dma_start3A_348 = arith.constant 0 : i32
      %dma_start3A_349 = arith.constant 0 : i32
      %dma_start3A_350 = tpu.memref_slice %arg7[%dma_start3A_343, %dma_start3A_344, %dma_start3A_348, %dma_start3A_349] : memref<2x4x128x16xf32, #tpu.memory_space<vmem>> -> memref<1x1x128x16xf32, #tpu.memory_space<vmem>>
      %dma_start3A_351 = tpu.memref_squeeze %dma_start3A_350 : memref<1x1x128x16xf32, #tpu.memory_space<vmem>> -> memref<128x16xf32, #tpu.memory_space<vmem>>
      %dma_start3A_352 = arith.constant 0 : i32
      %dma_start3A_353 = tpu.memref_slice %arg6[%dma_start3A_345, %dma_start3A_346, %dma_start3A_347, %dma_start3A_352] : memref<2x4x2x128xi32, #tpu.memory_space<vmem>> -> memref<1x1x1x128xi32, #tpu.memory_space<vmem>>
      %dma_start3A_354 = tpu.memref_squeeze %dma_start3A_353 : memref<1x1x1x128xi32, #tpu.memory_space<vmem>> -> memref<128xi32, #tpu.memory_space<vmem>>
      %dma_start3A_355 = arith.constant 0 : i32
      %dma_start3A_356 = arith.constant 0 : i32
      %dma_start3A_357 = tpu.memref_slice %arg8[%dma_start3A_355, %dma_start3A_356] : memref<100352x16xf32, #tpu.memory_space<vmem_shared>> -> memref<100352x16xf32, #tpu.memory_space<vmem_shared>>
      tpu.enqueue_indirect_dma source(%dma_start3A_351 : memref<128x16xf32, #tpu.memory_space<vmem>>) target(%dma_start3A_357 : memref<100352x16xf32, #tpu.memory_space<vmem_shared>>) offsets(%dma_start3A_354 : memref<128xi32, #tpu.memory_space<vmem>>) semaphore(%arg11 : memref<!tpu.dma_semaphore, #tpu.memory_space<semaphore_mem>>) {add = true}
      %dma_start3A_358 = arith.constant 1 : i32
      %dma_start3A_359 = arith.constant 2 : i32
      %dma_start3A_360 = arith.constant 1 : i32
      %dma_start3A_361 = arith.constant 2 : i32
      %dma_start3A_362 = arith.constant 1 : i32
      %dma_start3A_363 = arith.constant 0 : i32
      %dma_start3A_364 = arith.constant 0 : i32
      %dma_start3A_365 = tpu.memref_slice %arg7[%dma_start3A_358, %dma_start3A_359, %dma_start3A_363, %dma_start3A_364] : memref<2x4x128x16xf32, #tpu.memory_space<vmem>> -> memref<1x1x128x16xf32, #tpu.memory_space<vmem>>
      %dma_start3A_366 = tpu.memref_squeeze %dma_start3A_365 : memref<1x1x128x16xf32, #tpu.memory_space<vmem>> -> memref<128x16xf32, #tpu.memory_space<vmem>>
      %dma_start3A_367 = arith.constant 0 : i32
      %dma_start3A_368 = tpu.memref_slice %arg6[%dma_start3A_360, %dma_start3A_361, %dma_start3A_362, %dma_start3A_367] : memref<2x4x2x128xi32, #tpu.memory_space<vmem>> -> memref<1x1x1x128xi32, #tpu.memory_space<vmem>>
      %dma_start3A_369 = tpu.memref_squeeze %dma_start3A_368 : memref<1x1x1x128xi32, #tpu.memory_space<vmem>> -> memref<128xi32, #tpu.memory_space<vmem>>
      %dma_start3A_370 = arith.constant 0 : i32
      %dma_start3A_371 = arith.constant 0 : i32
      %dma_start3A_372 = tpu.memref_slice %arg8[%dma_start3A_370, %dma_start3A_371] : memref<100352x16xf32, #tpu.memory_space<vmem_shared>> -> memref<100352x16xf32, #tpu.memory_space<vmem_shared>>
      tpu.enqueue_indirect_dma source(%dma_start3A_366 : memref<128x16xf32, #tpu.memory_space<vmem>>) target(%dma_start3A_372 : memref<100352x16xf32, #tpu.memory_space<vmem_shared>>) offsets(%dma_start3A_369 : memref<128xi32, #tpu.memory_space<vmem>>) semaphore(%arg11 : memref<!tpu.dma_semaphore, #tpu.memory_space<semaphore_mem>>) {add = true}
      %dma_start3A_373 = arith.constant 1 : i32
      %dma_start3A_374 = arith.constant 3 : i32
      %dma_start3A_375 = arith.constant 1 : i32
      %dma_start3A_376 = arith.constant 3 : i32
      %dma_start3A_377 = arith.constant 1 : i32
      %dma_start3A_378 = arith.constant 0 : i32
      %dma_start3A_379 = arith.constant 0 : i32
      %dma_start3A_380 = tpu.memref_slice %arg7[%dma_start3A_373, %dma_start3A_374, %dma_start3A_378, %dma_start3A_379] : memref<2x4x128x16xf32, #tpu.memory_space<vmem>> -> memref<1x1x128x16xf32, #tpu.memory_space<vmem>>
      %dma_start3A_381 = tpu.memref_squeeze %dma_start3A_380 : memref<1x1x128x16xf32, #tpu.memory_space<vmem>> -> memref<128x16xf32, #tpu.memory_space<vmem>>
      %dma_start3A_382 = arith.constant 0 : i32
      %dma_start3A_383 = tpu.memref_slice %arg6[%dma_start3A_375, %dma_start3A_376, %dma_start3A_377, %dma_start3A_382] : memref<2x4x2x128xi32, #tpu.memory_space<vmem>> -> memref<1x1x1x128xi32, #tpu.memory_space<vmem>>
      %dma_start3A_384 = tpu.memref_squeeze %dma_start3A_383 : memref<1x1x1x128xi32, #tpu.memory_space<vmem>> -> memref<128xi32, #tpu.memory_space<vmem>>
      %dma_start3A_385 = arith.constant 0 : i32
      %dma_start3A_386 = arith.constant 0 : i32
      %dma_start3A_387 = tpu.memref_slice %arg8[%dma_start3A_385, %dma_start3A_386] : memref<100352x16xf32, #tpu.memory_space<vmem_shared>> -> memref<100352x16xf32, #tpu.memory_space<vmem_shared>>
      tpu.enqueue_indirect_dma source(%dma_start3A_381 : memref<128x16xf32, #tpu.memory_space<vmem>>) target(%dma_start3A_387 : memref<100352x16xf32, #tpu.memory_space<vmem_shared>>) offsets(%dma_start3A_384 : memref<128xi32, #tpu.memory_space<vmem>>) semaphore(%arg11 : memref<!tpu.dma_semaphore, #tpu.memory_space<semaphore_mem>>) {add = true}
      %dma_wait3A_388 = arith.constant 0 : i32
      %dma_wait3A_389 = arith.constant 0 : i32
      %dma_wait3A_390 = arith.constant 0 : i32
      %dma_wait3A_391 = arith.constant 0 : i32
      %dma_wait3A_392 = arith.constant 1 : i32
      %dma_wait3A_393 = arith.constant 0 : i32
      %dma_wait3A_394 = arith.constant 0 : i32
      %dma_wait3A_395 = tpu.memref_slice %arg7[%dma_wait3A_388, %dma_wait3A_389, %dma_wait3A_393, %dma_wait3A_394] : memref<2x4x128x16xf32, #tpu.memory_space<vmem>> -> memref<1x1x128x16xf32, #tpu.memory_space<vmem>>
      %dma_wait3A_396 = tpu.memref_squeeze %dma_wait3A_395 : memref<1x1x128x16xf32, #tpu.memory_space<vmem>> -> memref<128x16xf32, #tpu.memory_space<vmem>>
      %dma_wait3A_397 = arith.constant 0 : i32
      %dma_wait3A_398 = tpu.memref_slice %arg6[%dma_wait3A_390, %dma_wait3A_391, %dma_wait3A_392, %dma_wait3A_397] : memref<2x4x2x128xi32, #tpu.memory_space<vmem>> -> memref<1x1x1x128xi32, #tpu.memory_space<vmem>>
      %dma_wait3A_399 = tpu.memref_squeeze %dma_wait3A_398 : memref<1x1x1x128xi32, #tpu.memory_space<vmem>> -> memref<128xi32, #tpu.memory_space<vmem>>
      %dma_wait3A_400 = arith.constant 0 : i32
      %dma_wait3A_401 = arith.constant 0 : i32
      %dma_wait3A_402 = tpu.memref_slice %arg8[%dma_wait3A_400, %dma_wait3A_401] : memref<100352x16xf32, #tpu.memory_space<vmem_shared>> -> memref<100352x16xf32, #tpu.memory_space<vmem_shared>>
      tpu.wait_indirect_dma semaphore(%arg11 : memref<!tpu.dma_semaphore, #tpu.memory_space<semaphore_mem>>) src(%dma_wait3A_396 : memref<128x16xf32, #tpu.memory_space<vmem>>) dst(%dma_wait3A_402 : memref<100352x16xf32, #tpu.memory_space<vmem_shared>>)
      %dma_wait3A_403 = arith.constant 0 : i32
      %dma_wait3A_404 = arith.constant 1 : i32
      %dma_wait3A_405 = arith.constant 0 : i32
      %dma_wait3A_406 = arith.constant 1 : i32
      %dma_wait3A_407 = arith.constant 1 : i32
      %dma_wait3A_408 = arith.constant 0 : i32
      %dma_wait3A_409 = arith.constant 0 : i32
      %dma_wait3A_410 = tpu.memref_slice %arg7[%dma_wait3A_403, %dma_wait3A_404, %dma_wait3A_408, %dma_wait3A_409] : memref<2x4x128x16xf32, #tpu.memory_space<vmem>> -> memref<1x1x128x16xf32, #tpu.memory_space<vmem>>
      %dma_wait3A_411 = tpu.memref_squeeze %dma_wait3A_410 : memref<1x1x128x16xf32, #tpu.memory_space<vmem>> -> memref<128x16xf32, #tpu.memory_space<vmem>>
      %dma_wait3A_412 = arith.constant 0 : i32
      %dma_wait3A_413 = tpu.memref_slice %arg6[%dma_wait3A_405, %dma_wait3A_406, %dma_wait3A_407, %dma_wait3A_412] : memref<2x4x2x128xi32, #tpu.memory_space<vmem>> -> memref<1x1x1x128xi32, #tpu.memory_space<vmem>>
      %dma_wait3A_414 = tpu.memref_squeeze %dma_wait3A_413 : memref<1x1x1x128xi32, #tpu.memory_space<vmem>> -> memref<128xi32, #tpu.memory_space<vmem>>
      %dma_wait3A_415 = arith.constant 0 : i32
      %dma_wait3A_416 = arith.constant 0 : i32
      %dma_wait3A_417 = tpu.memref_slice %arg8[%dma_wait3A_415, %dma_wait3A_416] : memref<100352x16xf32, #tpu.memory_space<vmem_shared>> -> memref<100352x16xf32, #tpu.memory_space<vmem_shared>>
      tpu.wait_indirect_dma semaphore(%arg11 : memref<!tpu.dma_semaphore, #tpu.memory_space<semaphore_mem>>) src(%dma_wait3A_411 : memref<128x16xf32, #tpu.memory_space<vmem>>) dst(%dma_wait3A_417 : memref<100352x16xf32, #tpu.memory_space<vmem_shared>>)
      %dma_wait3A_418 = arith.constant 0 : i32
      %dma_wait3A_419 = arith.constant 2 : i32
      %dma_wait3A_420 = arith.constant 0 : i32
      %dma_wait3A_421 = arith.constant 2 : i32
      %dma_wait3A_422 = arith.constant 1 : i32
      %dma_wait3A_423 = arith.constant 0 : i32
      %dma_wait3A_424 = arith.constant 0 : i32
      %dma_wait3A_425 = tpu.memref_slice %arg7[%dma_wait3A_418, %dma_wait3A_419, %dma_wait3A_423, %dma_wait3A_424] : memref<2x4x128x16xf32, #tpu.memory_space<vmem>> -> memref<1x1x128x16xf32, #tpu.memory_space<vmem>>
      %dma_wait3A_426 = tpu.memref_squeeze %dma_wait3A_425 : memref<1x1x128x16xf32, #tpu.memory_space<vmem>> -> memref<128x16xf32, #tpu.memory_space<vmem>>
      %dma_wait3A_427 = arith.constant 0 : i32
      %dma_wait3A_428 = tpu.memref_slice %arg6[%dma_wait3A_420, %dma_wait3A_421, %dma_wait3A_422, %dma_wait3A_427] : memref<2x4x2x128xi32, #tpu.memory_space<vmem>> -> memref<1x1x1x128xi32, #tpu.memory_space<vmem>>
      %dma_wait3A_429 = tpu.memref_squeeze %dma_wait3A_428 : memref<1x1x1x128xi32, #tpu.memory_space<vmem>> -> memref<128xi32, #tpu.memory_space<vmem>>
      %dma_wait3A_430 = arith.constant 0 : i32
      %dma_wait3A_431 = arith.constant 0 : i32
      %dma_wait3A_432 = tpu.memref_slice %arg8[%dma_wait3A_430, %dma_wait3A_431] : memref<100352x16xf32, #tpu.memory_space<vmem_shared>> -> memref<100352x16xf32, #tpu.memory_space<vmem_shared>>
      tpu.wait_indirect_dma semaphore(%arg11 : memref<!tpu.dma_semaphore, #tpu.memory_space<semaphore_mem>>) src(%dma_wait3A_426 : memref<128x16xf32, #tpu.memory_space<vmem>>) dst(%dma_wait3A_432 : memref<100352x16xf32, #tpu.memory_space<vmem_shared>>)
      %dma_wait3A_433 = arith.constant 0 : i32
      %dma_wait3A_434 = arith.constant 3 : i32
      %dma_wait3A_435 = arith.constant 0 : i32
      %dma_wait3A_436 = arith.constant 3 : i32
      %dma_wait3A_437 = arith.constant 1 : i32
      %dma_wait3A_438 = arith.constant 0 : i32
      %dma_wait3A_439 = arith.constant 0 : i32
      %dma_wait3A_440 = tpu.memref_slice %arg7[%dma_wait3A_433, %dma_wait3A_434, %dma_wait3A_438, %dma_wait3A_439] : memref<2x4x128x16xf32, #tpu.memory_space<vmem>> -> memref<1x1x128x16xf32, #tpu.memory_space<vmem>>
      %dma_wait3A_441 = tpu.memref_squeeze %dma_wait3A_440 : memref<1x1x128x16xf32, #tpu.memory_space<vmem>> -> memref<128x16xf32, #tpu.memory_space<vmem>>
      %dma_wait3A_442 = arith.constant 0 : i32
      %dma_wait3A_443 = tpu.memref_slice %arg6[%dma_wait3A_435, %dma_wait3A_436, %dma_wait3A_437, %dma_wait3A_442] : memref<2x4x2x128xi32, #tpu.memory_space<vmem>> -> memref<1x1x1x128xi32, #tpu.memory_space<vmem>>
      %dma_wait3A_444 = tpu.memref_squeeze %dma_wait3A_443 : memref<1x1x1x128xi32, #tpu.memory_space<vmem>> -> memref<128xi32, #tpu.memory_space<vmem>>
      %dma_wait3A_445 = arith.constant 0 : i32
      %dma_wait3A_446 = arith.constant 0 : i32
      %dma_wait3A_447 = tpu.memref_slice %arg8[%dma_wait3A_445, %dma_wait3A_446] : memref<100352x16xf32, #tpu.memory_space<vmem_shared>> -> memref<100352x16xf32, #tpu.memory_space<vmem_shared>>
      tpu.wait_indirect_dma semaphore(%arg11 : memref<!tpu.dma_semaphore, #tpu.memory_space<semaphore_mem>>) src(%dma_wait3A_441 : memref<128x16xf32, #tpu.memory_space<vmem>>) dst(%dma_wait3A_447 : memref<100352x16xf32, #tpu.memory_space<vmem_shared>>)
      %dma_wait3A_448 = arith.constant 1 : i32
      %dma_wait3A_449 = arith.constant 0 : i32
      %dma_wait3A_450 = arith.constant 1 : i32
      %dma_wait3A_451 = arith.constant 0 : i32
      %dma_wait3A_452 = arith.constant 1 : i32
      %dma_wait3A_453 = arith.constant 0 : i32
      %dma_wait3A_454 = arith.constant 0 : i32
      %dma_wait3A_455 = tpu.memref_slice %arg7[%dma_wait3A_448, %dma_wait3A_449, %dma_wait3A_453, %dma_wait3A_454] : memref<2x4x128x16xf32, #tpu.memory_space<vmem>> -> memref<1x1x128x16xf32, #tpu.memory_space<vmem>>
      %dma_wait3A_456 = tpu.memref_squeeze %dma_wait3A_455 : memref<1x1x128x16xf32, #tpu.memory_space<vmem>> -> memref<128x16xf32, #tpu.memory_space<vmem>>
      %dma_wait3A_457 = arith.constant 0 : i32
      %dma_wait3A_458 = tpu.memref_slice %arg6[%dma_wait3A_450, %dma_wait3A_451, %dma_wait3A_452, %dma_wait3A_457] : memref<2x4x2x128xi32, #tpu.memory_space<vmem>> -> memref<1x1x1x128xi32, #tpu.memory_space<vmem>>
      %dma_wait3A_459 = tpu.memref_squeeze %dma_wait3A_458 : memref<1x1x1x128xi32, #tpu.memory_space<vmem>> -> memref<128xi32, #tpu.memory_space<vmem>>
      %dma_wait3A_460 = arith.constant 0 : i32
      %dma_wait3A_461 = arith.constant 0 : i32
      %dma_wait3A_462 = tpu.memref_slice %arg8[%dma_wait3A_460, %dma_wait3A_461] : memref<100352x16xf32, #tpu.memory_space<vmem_shared>> -> memref<100352x16xf32, #tpu.memory_space<vmem_shared>>
      tpu.wait_indirect_dma semaphore(%arg11 : memref<!tpu.dma_semaphore, #tpu.memory_space<semaphore_mem>>) src(%dma_wait3A_456 : memref<128x16xf32, #tpu.memory_space<vmem>>) dst(%dma_wait3A_462 : memref<100352x16xf32, #tpu.memory_space<vmem_shared>>)
      %dma_wait3A_463 = arith.constant 1 : i32
      %dma_wait3A_464 = arith.constant 1 : i32
      %dma_wait3A_465 = arith.constant 1 : i32
      %dma_wait3A_466 = arith.constant 1 : i32
      %dma_wait3A_467 = arith.constant 1 : i32
      %dma_wait3A_468 = arith.constant 0 : i32
      %dma_wait3A_469 = arith.constant 0 : i32
      %dma_wait3A_470 = tpu.memref_slice %arg7[%dma_wait3A_463, %dma_wait3A_464, %dma_wait3A_468, %dma_wait3A_469] : memref<2x4x128x16xf32, #tpu.memory_space<vmem>> -> memref<1x1x128x16xf32, #tpu.memory_space<vmem>>
      %dma_wait3A_471 = tpu.memref_squeeze %dma_wait3A_470 : memref<1x1x128x16xf32, #tpu.memory_space<vmem>> -> memref<128x16xf32, #tpu.memory_space<vmem>>
      %dma_wait3A_472 = arith.constant 0 : i32
      %dma_wait3A_473 = tpu.memref_slice %arg6[%dma_wait3A_465, %dma_wait3A_466, %dma_wait3A_467, %dma_wait3A_472] : memref<2x4x2x128xi32, #tpu.memory_space<vmem>> -> memref<1x1x1x128xi32, #tpu.memory_space<vmem>>
      %dma_wait3A_474 = tpu.memref_squeeze %dma_wait3A_473 : memref<1x1x1x128xi32, #tpu.memory_space<vmem>> -> memref<128xi32, #tpu.memory_space<vmem>>
      %dma_wait3A_475 = arith.constant 0 : i32
      %dma_wait3A_476 = arith.constant 0 : i32
      %dma_wait3A_477 = tpu.memref_slice %arg8[%dma_wait3A_475, %dma_wait3A_476] : memref<100352x16xf32, #tpu.memory_space<vmem_shared>> -> memref<100352x16xf32, #tpu.memory_space<vmem_shared>>
      tpu.wait_indirect_dma semaphore(%arg11 : memref<!tpu.dma_semaphore, #tpu.memory_space<semaphore_mem>>) src(%dma_wait3A_471 : memref<128x16xf32, #tpu.memory_space<vmem>>) dst(%dma_wait3A_477 : memref<100352x16xf32, #tpu.memory_space<vmem_shared>>)
      %dma_wait3A_478 = arith.constant 1 : i32
      %dma_wait3A_479 = arith.constant 2 : i32
      %dma_wait3A_480 = arith.constant 1 : i32
      %dma_wait3A_481 = arith.constant 2 : i32
      %dma_wait3A_482 = arith.constant 1 : i32
      %dma_wait3A_483 = arith.constant 0 : i32
      %dma_wait3A_484 = arith.constant 0 : i32
      %dma_wait3A_485 = tpu.memref_slice %arg7[%dma_wait3A_478, %dma_wait3A_479, %dma_wait3A_483, %dma_wait3A_484] : memref<2x4x128x16xf32, #tpu.memory_space<vmem>> -> memref<1x1x128x16xf32, #tpu.memory_space<vmem>>
      %dma_wait3A_486 = tpu.memref_squeeze %dma_wait3A_485 : memref<1x1x128x16xf32, #tpu.memory_space<vmem>> -> memref<128x16xf32, #tpu.memory_space<vmem>>
      %dma_wait3A_487 = arith.constant 0 : i32
      %dma_wait3A_488 = tpu.memref_slice %arg6[%dma_wait3A_480, %dma_wait3A_481, %dma_wait3A_482, %dma_wait3A_487] : memref<2x4x2x128xi32, #tpu.memory_space<vmem>> -> memref<1x1x1x128xi32, #tpu.memory_space<vmem>>
      %dma_wait3A_489 = tpu.memref_squeeze %dma_wait3A_488 : memref<1x1x1x128xi32, #tpu.memory_space<vmem>> -> memref<128xi32, #tpu.memory_space<vmem>>
      %dma_wait3A_490 = arith.constant 0 : i32
      %dma_wait3A_491 = arith.constant 0 : i32
      %dma_wait3A_492 = tpu.memref_slice %arg8[%dma_wait3A_490, %dma_wait3A_491] : memref<100352x16xf32, #tpu.memory_space<vmem_shared>> -> memref<100352x16xf32, #tpu.memory_space<vmem_shared>>
      tpu.wait_indirect_dma semaphore(%arg11 : memref<!tpu.dma_semaphore, #tpu.memory_space<semaphore_mem>>) src(%dma_wait3A_486 : memref<128x16xf32, #tpu.memory_space<vmem>>) dst(%dma_wait3A_492 : memref<100352x16xf32, #tpu.memory_space<vmem_shared>>)
      %dma_wait3A_493 = arith.constant 1 : i32
      %dma_wait3A_494 = arith.constant 3 : i32
      %dma_wait3A_495 = arith.constant 1 : i32
      %dma_wait3A_496 = arith.constant 3 : i32
      %dma_wait3A_497 = arith.constant 1 : i32
      %dma_wait3A_498 = arith.constant 0 : i32
      %dma_wait3A_499 = arith.constant 0 : i32
      %dma_wait3A_500 = tpu.memref_slice %arg7[%dma_wait3A_493, %dma_wait3A_494, %dma_wait3A_498, %dma_wait3A_499] : memref<2x4x128x16xf32, #tpu.memory_space<vmem>> -> memref<1x1x128x16xf32, #tpu.memory_space<vmem>>
      %dma_wait3A_501 = tpu.memref_squeeze %dma_wait3A_500 : memref<1x1x128x16xf32, #tpu.memory_space<vmem>> -> memref<128x16xf32, #tpu.memory_space<vmem>>
      %dma_wait3A_502 = arith.constant 0 : i32
      %dma_wait3A_503 = tpu.memref_slice %arg6[%dma_wait3A_495, %dma_wait3A_496, %dma_wait3A_497, %dma_wait3A_502] : memref<2x4x2x128xi32, #tpu.memory_space<vmem>> -> memref<1x1x1x128xi32, #tpu.memory_space<vmem>>
      %dma_wait3A_504 = tpu.memref_squeeze %dma_wait3A_503 : memref<1x1x1x128xi32, #tpu.memory_space<vmem>> -> memref<128xi32, #tpu.memory_space<vmem>>
      %dma_wait3A_505 = arith.constant 0 : i32
      %dma_wait3A_506 = arith.constant 0 : i32
      %dma_wait3A_507 = tpu.memref_slice %arg8[%dma_wait3A_505, %dma_wait3A_506] : memref<100352x16xf32, #tpu.memory_space<vmem_shared>> -> memref<100352x16xf32, #tpu.memory_space<vmem_shared>>
      tpu.wait_indirect_dma semaphore(%arg11 : memref<!tpu.dma_semaphore, #tpu.memory_space<semaphore_mem>>) src(%dma_wait3A_501 : memref<128x16xf32, #tpu.memory_space<vmem>>) dst(%dma_wait3A_507 : memref<100352x16xf32, #tpu.memory_space<vmem_shared>>)
    }
    %barrier3A_20 = arith.constant 0 : index
    tpu.barrier barrier_id(%barrier3A_20)
    "tpu.region"() ({
      %run_scoped3A = tpu.sem_alloc : memref<!tpu.dma_semaphore, #tpu.memory_space<semaphore_mem>>
      %dma_start3A = arith.constant 0 : i32
      %dma_start3A_21 = tpu.memref_slice %arg5[%arg0, %mul3A_0, %dma_start3A] : memref<2x100352x16xf32, #tpu.memory_space<hbm>> -> memref<1x6272x16xf32, #tpu.memory_space<hbm>>
      %dma_start3A_22 = tpu.memref_squeeze %dma_start3A_21 : memref<1x6272x16xf32, #tpu.memory_space<hbm>> -> memref<6272x16xf32, #tpu.memory_space<hbm>>
      %dma_start3A_23 = arith.constant 0 : i32
      %dma_start3A_24 = tpu.memref_slice %arg8[%mul3A_0, %dma_start3A_23] : memref<100352x16xf32, #tpu.memory_space<vmem_shared>> -> memref<6272x16xf32, #tpu.memory_space<vmem_shared>>
      tpu.enqueue_dma source(%dma_start3A_24 : memref<6272x16xf32, #tpu.memory_space<vmem_shared>>) target(%dma_start3A_22 : memref<6272x16xf32, #tpu.memory_space<hbm>>) target_semaphore(%run_scoped3A : memref<!tpu.dma_semaphore, #tpu.memory_space<semaphore_mem>>)
      %dma_wait3A = arith.constant 0 : i32
      %dma_wait3A_25 = tpu.memref_slice %arg5[%arg0, %mul3A_0, %dma_wait3A] : memref<2x100352x16xf32, #tpu.memory_space<hbm>> -> memref<1x6272x16xf32, #tpu.memory_space<hbm>>
      %dma_wait3A_26 = tpu.memref_squeeze %dma_wait3A_25 : memref<1x6272x16xf32, #tpu.memory_space<hbm>> -> memref<6272x16xf32, #tpu.memory_space<hbm>>
      %dma_wait3A_27 = arith.constant 0 : i32
      %dma_wait3A_28 = tpu.memref_slice %arg8[%mul3A_0, %dma_wait3A_27] : memref<100352x16xf32, #tpu.memory_space<vmem_shared>> -> memref<6272x16xf32, #tpu.memory_space<vmem_shared>>
      tpu.wait_dma2 semaphore(%run_scoped3A : memref<!tpu.dma_semaphore, #tpu.memory_space<semaphore_mem>>) src(%dma_wait3A_28 : memref<6272x16xf32, #tpu.memory_space<vmem_shared>>) dst(%dma_wait3A_26 : memref<6272x16xf32, #tpu.memory_space<hbm>>)
      tpu.yield
    }) : () -> ()
    return
  }
}

#map = affine_map<(d0, d1) -> (0, 0)>
#map1 = affine_map<(d0, d1) -> (0, 0, 0)>
module attributes {stable_mosaic.version = 14 : i64} {
  func.func @_deg_body(%arg0: i32, %arg1: i32, %arg2: memref<25088x128xi32, #tpu.memory_space<hbm>>, %arg3: memref<128x8xf32, #tpu.memory_space<hbm>>, %arg4: memref<100352x8xf32, #tpu.memory_space<hbm>>, %arg5: memref<2x100352x8xf32, #tpu.memory_space<hbm>>, %arg6: memref<16x128xi32, #tpu.memory_space<vmem>>, %arg7: memref<128x8xf32, #tpu.memory_space<vmem>>, %arg8: memref<100352x8xf32, #tpu.memory_space<vmem_shared>>) attributes {dimension_semantics = [#tpu.dimension_semantics<core_parallel>, #tpu.dimension_semantics<subcore_parallel>], iteration_bounds = array<i64: 2, 16>, scalar_prefetch = 0 : i64, scratch_operands = 3 : i64, tpu.core_type = #tpu.core_type<sc_vector_subcore>, window_params = [{transform_indices = #map}, {transform_indices = #map}, {transform_indices = #map}, {transform_indices = #map1}]} {
    %mul3A = arith.constant 16 : i32
    %mul3A_0 = arith.muli %arg0, %mul3A : i32
    %add3A = arith.addi %mul3A_0, %arg1 : i32
    %mul3A_1 = arith.constant 6272 : i32
    %mul3A_2 = arith.muli %arg1, %mul3A_1 : i32
    "tpu.region"() ({
      %run_scoped3A = tpu.sem_alloc : memref<!tpu.dma_semaphore, #tpu.memory_space<semaphore_mem>>
      tpu.enqueue_dma source(%arg3 : memref<128x8xf32, #tpu.memory_space<hbm>>) target(%arg7 : memref<128x8xf32, #tpu.memory_space<vmem>>) target_semaphore(%run_scoped3A : memref<!tpu.dma_semaphore, #tpu.memory_space<semaphore_mem>>)
      tpu.wait_dma2 semaphore(%run_scoped3A : memref<!tpu.dma_semaphore, #tpu.memory_space<semaphore_mem>>) src(%arg3 : memref<128x8xf32, #tpu.memory_space<hbm>>) dst(%arg7 : memref<128x8xf32, #tpu.memory_space<vmem>>)
      tpu.yield
    }) : () -> ()
    "tpu.region"() ({
      %run_scoped3A = tpu.sem_alloc : memref<!tpu.dma_semaphore, #tpu.memory_space<semaphore_mem>>
      %dma_start3A = arith.constant 0 : i32
      %dma_start3A_11 = tpu.memref_slice %arg8[%mul3A_2, %dma_start3A] : memref<100352x8xf32, #tpu.memory_space<vmem_shared>> -> memref<6272x8xf32, #tpu.memory_space<vmem_shared>>
      %dma_start3A_12 = arith.constant 0 : i32
      %dma_start3A_13 = tpu.memref_slice %arg4[%mul3A_2, %dma_start3A_12] : memref<100352x8xf32, #tpu.memory_space<hbm>> -> memref<6272x8xf32, #tpu.memory_space<hbm>>
      tpu.enqueue_dma source(%dma_start3A_13 : memref<6272x8xf32, #tpu.memory_space<hbm>>) target(%dma_start3A_11 : memref<6272x8xf32, #tpu.memory_space<vmem_shared>>) target_semaphore(%run_scoped3A : memref<!tpu.dma_semaphore, #tpu.memory_space<semaphore_mem>>)
      %dma_wait3A = arith.constant 0 : i32
      %dma_wait3A_14 = tpu.memref_slice %arg8[%mul3A_2, %dma_wait3A] : memref<100352x8xf32, #tpu.memory_space<vmem_shared>> -> memref<6272x8xf32, #tpu.memory_space<vmem_shared>>
      %dma_wait3A_15 = arith.constant 0 : i32
      %dma_wait3A_16 = tpu.memref_slice %arg4[%mul3A_2, %dma_wait3A_15] : memref<100352x8xf32, #tpu.memory_space<hbm>> -> memref<6272x8xf32, #tpu.memory_space<hbm>>
      tpu.wait_dma2 semaphore(%run_scoped3A : memref<!tpu.dma_semaphore, #tpu.memory_space<semaphore_mem>>) src(%dma_wait3A_16 : memref<6272x8xf32, #tpu.memory_space<hbm>>) dst(%dma_wait3A_14 : memref<6272x8xf32, #tpu.memory_space<vmem_shared>>)
      tpu.yield
    }) : () -> ()
    %barrier3A = arith.constant 0 : index
    tpu.barrier barrier_id(%barrier3A)
    %mul3A_3 = arith.constant 784 : i32
    %mul3A_4 = arith.muli %add3A, %mul3A_3 : i32
    %scan3A = arith.constant 0 : i32
    %scan3A_5 = arith.constant 0 : i32
    %scan3A_6 = arith.constant 49 : i32
    %scan3A_7 = arith.addi %scan3A_5, %scan3A_6 : i32
    %scan3A_8 = arith.constant 1 : i32
    scf.for %scan3A_11 = %scan3A_5 to %scan3A_7 step %scan3A_8  : i32 {
      %mul3A_12 = arith.constant 16 : i32
      %mul3A_13 = arith.muli %scan3A_11, %mul3A_12 : i32
      %add3A_14 = arith.addi %mul3A_4, %mul3A_13 : i32
      "tpu.region"() ({
        %run_scoped3A_30 = tpu.sem_alloc : memref<!tpu.dma_semaphore, #tpu.memory_space<semaphore_mem>>
        %dma_start3A = arith.constant 0 : i32
        %dma_start3A_31 = tpu.memref_slice %arg2[%add3A_14, %dma_start3A] : memref<25088x128xi32, #tpu.memory_space<hbm>> -> memref<16x128xi32, #tpu.memory_space<hbm>>
        %dma_start3A_32 = arith.constant 0 : i32
        %dma_start3A_33 = tpu.memref_slice %arg2[%add3A_14, %dma_start3A_32] : memref<25088x128xi32, #tpu.memory_space<hbm>> -> memref<16x128xi32, #tpu.memory_space<hbm>>
        tpu.enqueue_dma source(%dma_start3A_33 : memref<16x128xi32, #tpu.memory_space<hbm>>) target(%arg6 : memref<16x128xi32, #tpu.memory_space<vmem>>) target_semaphore(%run_scoped3A_30 : memref<!tpu.dma_semaphore, #tpu.memory_space<semaphore_mem>>)
        %dma_wait3A = arith.constant 0 : i32
        %dma_wait3A_34 = tpu.memref_slice %arg2[%add3A_14, %dma_wait3A] : memref<25088x128xi32, #tpu.memory_space<hbm>> -> memref<16x128xi32, #tpu.memory_space<hbm>>
        %dma_wait3A_35 = arith.constant 0 : i32
        %dma_wait3A_36 = tpu.memref_slice %arg2[%add3A_14, %dma_wait3A_35] : memref<25088x128xi32, #tpu.memory_space<hbm>> -> memref<16x128xi32, #tpu.memory_space<hbm>>
        tpu.wait_dma2 semaphore(%run_scoped3A_30 : memref<!tpu.dma_semaphore, #tpu.memory_space<semaphore_mem>>) src(%dma_wait3A_36 : memref<16x128xi32, #tpu.memory_space<hbm>>) dst(%arg6 : memref<16x128xi32, #tpu.memory_space<vmem>>)
        tpu.yield
      }) : () -> ()
      %run_scoped3A = arith.constant 0 : i32
      "tpu.region"() ({
        %run_scoped3A_30 = tpu.sem_alloc : memref<!tpu.dma_semaphore, #tpu.memory_space<semaphore_mem>>
        %dma_start3A = arith.constant 0 : i32
        %dma_start3A_31 = tpu.memref_slice %arg6[%run_scoped3A, %dma_start3A] : memref<16x128xi32, #tpu.memory_space<vmem>> -> memref<1x128xi32, #tpu.memory_space<vmem>>
        %dma_start3A_32 = tpu.memref_squeeze %dma_start3A_31 : memref<1x128xi32, #tpu.memory_space<vmem>> -> memref<128xi32, #tpu.memory_space<vmem>>
        %dma_start3A_33 = arith.constant 0 : i32
        %dma_start3A_34 = arith.constant 0 : i32
        %dma_start3A_35 = tpu.memref_slice %arg8[%dma_start3A_33, %dma_start3A_34] : memref<100352x8xf32, #tpu.memory_space<vmem_shared>> -> memref<100352x8xf32, #tpu.memory_space<vmem_shared>>
        tpu.enqueue_indirect_dma source(%arg7 : memref<128x8xf32, #tpu.memory_space<vmem>>) target(%dma_start3A_35 : memref<100352x8xf32, #tpu.memory_space<vmem_shared>>) offsets(%dma_start3A_32 : memref<128xi32, #tpu.memory_space<vmem>>) semaphore(%run_scoped3A_30 : memref<!tpu.dma_semaphore, #tpu.memory_space<semaphore_mem>>) {add = true}
        %dma_wait3A = arith.constant 0 : i32
        %dma_wait3A_36 = tpu.memref_slice %arg6[%run_scoped3A, %dma_wait3A] : memref<16x128xi32, #tpu.memory_space<vmem>> -> memref<1x128xi32, #tpu.memory_space<vmem>>
        %dma_wait3A_37 = tpu.memref_squeeze %dma_wait3A_36 : memref<1x128xi32, #tpu.memory_space<vmem>> -> memref<128xi32, #tpu.memory_space<vmem>>
        %dma_wait3A_38 = arith.constant 0 : i32
        %dma_wait3A_39 = arith.constant 0 : i32
        %dma_wait3A_40 = tpu.memref_slice %arg8[%dma_wait3A_38, %dma_wait3A_39] : memref<100352x8xf32, #tpu.memory_space<vmem_shared>> -> memref<100352x8xf32, #tpu.memory_space<vmem_shared>>
        tpu.wait_indirect_dma semaphore(%run_scoped3A_30 : memref<!tpu.dma_semaphore, #tpu.memory_space<semaphore_mem>>) src(%arg7 : memref<128x8xf32, #tpu.memory_space<vmem>>) dst(%dma_wait3A_40 : memref<100352x8xf32, #tpu.memory_space<vmem_shared>>)
        tpu.yield
      }) : () -> ()
      %run_scoped3A_15 = arith.constant 1 : i32
      "tpu.region"() ({
        %run_scoped3A_30 = tpu.sem_alloc : memref<!tpu.dma_semaphore, #tpu.memory_space<semaphore_mem>>
        %dma_start3A = arith.constant 0 : i32
        %dma_start3A_31 = tpu.memref_slice %arg6[%run_scoped3A_15, %dma_start3A] : memref<16x128xi32, #tpu.memory_space<vmem>> -> memref<1x128xi32, #tpu.memory_space<vmem>>
        %dma_start3A_32 = tpu.memref_squeeze %dma_start3A_31 : memref<1x128xi32, #tpu.memory_space<vmem>> -> memref<128xi32, #tpu.memory_space<vmem>>
        %dma_start3A_33 = arith.constant 0 : i32
        %dma_start3A_34 = arith.constant 0 : i32
        %dma_start3A_35 = tpu.memref_slice %arg8[%dma_start3A_33, %dma_start3A_34] : memref<100352x8xf32, #tpu.memory_space<vmem_shared>> -> memref<100352x8xf32, #tpu.memory_space<vmem_shared>>
        tpu.enqueue_indirect_dma source(%arg7 : memref<128x8xf32, #tpu.memory_space<vmem>>) target(%dma_start3A_35 : memref<100352x8xf32, #tpu.memory_space<vmem_shared>>) offsets(%dma_start3A_32 : memref<128xi32, #tpu.memory_space<vmem>>) semaphore(%run_scoped3A_30 : memref<!tpu.dma_semaphore, #tpu.memory_space<semaphore_mem>>) {add = true}
        %dma_wait3A = arith.constant 0 : i32
        %dma_wait3A_36 = tpu.memref_slice %arg6[%run_scoped3A_15, %dma_wait3A] : memref<16x128xi32, #tpu.memory_space<vmem>> -> memref<1x128xi32, #tpu.memory_space<vmem>>
        %dma_wait3A_37 = tpu.memref_squeeze %dma_wait3A_36 : memref<1x128xi32, #tpu.memory_space<vmem>> -> memref<128xi32, #tpu.memory_space<vmem>>
        %dma_wait3A_38 = arith.constant 0 : i32
        %dma_wait3A_39 = arith.constant 0 : i32
        %dma_wait3A_40 = tpu.memref_slice %arg8[%dma_wait3A_38, %dma_wait3A_39] : memref<100352x8xf32, #tpu.memory_space<vmem_shared>> -> memref<100352x8xf32, #tpu.memory_space<vmem_shared>>
        tpu.wait_indirect_dma semaphore(%run_scoped3A_30 : memref<!tpu.dma_semaphore, #tpu.memory_space<semaphore_mem>>) src(%arg7 : memref<128x8xf32, #tpu.memory_space<vmem>>) dst(%dma_wait3A_40 : memref<100352x8xf32, #tpu.memory_space<vmem_shared>>)
        tpu.yield
      }) : () -> ()
      %run_scoped3A_16 = arith.constant 2 : i32
      "tpu.region"() ({
        %run_scoped3A_30 = tpu.sem_alloc : memref<!tpu.dma_semaphore, #tpu.memory_space<semaphore_mem>>
        %dma_start3A = arith.constant 0 : i32
        %dma_start3A_31 = tpu.memref_slice %arg6[%run_scoped3A_16, %dma_start3A] : memref<16x128xi32, #tpu.memory_space<vmem>> -> memref<1x128xi32, #tpu.memory_space<vmem>>
        %dma_start3A_32 = tpu.memref_squeeze %dma_start3A_31 : memref<1x128xi32, #tpu.memory_space<vmem>> -> memref<128xi32, #tpu.memory_space<vmem>>
        %dma_start3A_33 = arith.constant 0 : i32
        %dma_start3A_34 = arith.constant 0 : i32
        %dma_start3A_35 = tpu.memref_slice %arg8[%dma_start3A_33, %dma_start3A_34] : memref<100352x8xf32, #tpu.memory_space<vmem_shared>> -> memref<100352x8xf32, #tpu.memory_space<vmem_shared>>
        tpu.enqueue_indirect_dma source(%arg7 : memref<128x8xf32, #tpu.memory_space<vmem>>) target(%dma_start3A_35 : memref<100352x8xf32, #tpu.memory_space<vmem_shared>>) offsets(%dma_start3A_32 : memref<128xi32, #tpu.memory_space<vmem>>) semaphore(%run_scoped3A_30 : memref<!tpu.dma_semaphore, #tpu.memory_space<semaphore_mem>>) {add = true}
        %dma_wait3A = arith.constant 0 : i32
        %dma_wait3A_36 = tpu.memref_slice %arg6[%run_scoped3A_16, %dma_wait3A] : memref<16x128xi32, #tpu.memory_space<vmem>> -> memref<1x128xi32, #tpu.memory_space<vmem>>
        %dma_wait3A_37 = tpu.memref_squeeze %dma_wait3A_36 : memref<1x128xi32, #tpu.memory_space<vmem>> -> memref<128xi32, #tpu.memory_space<vmem>>
        %dma_wait3A_38 = arith.constant 0 : i32
        %dma_wait3A_39 = arith.constant 0 : i32
        %dma_wait3A_40 = tpu.memref_slice %arg8[%dma_wait3A_38, %dma_wait3A_39] : memref<100352x8xf32, #tpu.memory_space<vmem_shared>> -> memref<100352x8xf32, #tpu.memory_space<vmem_shared>>
        tpu.wait_indirect_dma semaphore(%run_scoped3A_30 : memref<!tpu.dma_semaphore, #tpu.memory_space<semaphore_mem>>) src(%arg7 : memref<128x8xf32, #tpu.memory_space<vmem>>) dst(%dma_wait3A_40 : memref<100352x8xf32, #tpu.memory_space<vmem_shared>>)
        tpu.yield
      }) : () -> ()
      %run_scoped3A_17 = arith.constant 3 : i32
      "tpu.region"() ({
        %run_scoped3A_30 = tpu.sem_alloc : memref<!tpu.dma_semaphore, #tpu.memory_space<semaphore_mem>>
        %dma_start3A = arith.constant 0 : i32
        %dma_start3A_31 = tpu.memref_slice %arg6[%run_scoped3A_17, %dma_start3A] : memref<16x128xi32, #tpu.memory_space<vmem>> -> memref<1x128xi32, #tpu.memory_space<vmem>>
        %dma_start3A_32 = tpu.memref_squeeze %dma_start3A_31 : memref<1x128xi32, #tpu.memory_space<vmem>> -> memref<128xi32, #tpu.memory_space<vmem>>
        %dma_start3A_33 = arith.constant 0 : i32
        %dma_start3A_34 = arith.constant 0 : i32
        %dma_start3A_35 = tpu.memref_slice %arg8[%dma_start3A_33, %dma_start3A_34] : memref<100352x8xf32, #tpu.memory_space<vmem_shared>> -> memref<100352x8xf32, #tpu.memory_space<vmem_shared>>
        tpu.enqueue_indirect_dma source(%arg7 : memref<128x8xf32, #tpu.memory_space<vmem>>) target(%dma_start3A_35 : memref<100352x8xf32, #tpu.memory_space<vmem_shared>>) offsets(%dma_start3A_32 : memref<128xi32, #tpu.memory_space<vmem>>) semaphore(%run_scoped3A_30 : memref<!tpu.dma_semaphore, #tpu.memory_space<semaphore_mem>>) {add = true}
        %dma_wait3A = arith.constant 0 : i32
        %dma_wait3A_36 = tpu.memref_slice %arg6[%run_scoped3A_17, %dma_wait3A] : memref<16x128xi32, #tpu.memory_space<vmem>> -> memref<1x128xi32, #tpu.memory_space<vmem>>
        %dma_wait3A_37 = tpu.memref_squeeze %dma_wait3A_36 : memref<1x128xi32, #tpu.memory_space<vmem>> -> memref<128xi32, #tpu.memory_space<vmem>>
        %dma_wait3A_38 = arith.constant 0 : i32
        %dma_wait3A_39 = arith.constant 0 : i32
        %dma_wait3A_40 = tpu.memref_slice %arg8[%dma_wait3A_38, %dma_wait3A_39] : memref<100352x8xf32, #tpu.memory_space<vmem_shared>> -> memref<100352x8xf32, #tpu.memory_space<vmem_shared>>
        tpu.wait_indirect_dma semaphore(%run_scoped3A_30 : memref<!tpu.dma_semaphore, #tpu.memory_space<semaphore_mem>>) src(%arg7 : memref<128x8xf32, #tpu.memory_space<vmem>>) dst(%dma_wait3A_40 : memref<100352x8xf32, #tpu.memory_space<vmem_shared>>)
        tpu.yield
      }) : () -> ()
      %run_scoped3A_18 = arith.constant 4 : i32
      "tpu.region"() ({
        %run_scoped3A_30 = tpu.sem_alloc : memref<!tpu.dma_semaphore, #tpu.memory_space<semaphore_mem>>
        %dma_start3A = arith.constant 0 : i32
        %dma_start3A_31 = tpu.memref_slice %arg6[%run_scoped3A_18, %dma_start3A] : memref<16x128xi32, #tpu.memory_space<vmem>> -> memref<1x128xi32, #tpu.memory_space<vmem>>
        %dma_start3A_32 = tpu.memref_squeeze %dma_start3A_31 : memref<1x128xi32, #tpu.memory_space<vmem>> -> memref<128xi32, #tpu.memory_space<vmem>>
        %dma_start3A_33 = arith.constant 0 : i32
        %dma_start3A_34 = arith.constant 0 : i32
        %dma_start3A_35 = tpu.memref_slice %arg8[%dma_start3A_33, %dma_start3A_34] : memref<100352x8xf32, #tpu.memory_space<vmem_shared>> -> memref<100352x8xf32, #tpu.memory_space<vmem_shared>>
        tpu.enqueue_indirect_dma source(%arg7 : memref<128x8xf32, #tpu.memory_space<vmem>>) target(%dma_start3A_35 : memref<100352x8xf32, #tpu.memory_space<vmem_shared>>) offsets(%dma_start3A_32 : memref<128xi32, #tpu.memory_space<vmem>>) semaphore(%run_scoped3A_30 : memref<!tpu.dma_semaphore, #tpu.memory_space<semaphore_mem>>) {add = true}
        %dma_wait3A = arith.constant 0 : i32
        %dma_wait3A_36 = tpu.memref_slice %arg6[%run_scoped3A_18, %dma_wait3A] : memref<16x128xi32, #tpu.memory_space<vmem>> -> memref<1x128xi32, #tpu.memory_space<vmem>>
        %dma_wait3A_37 = tpu.memref_squeeze %dma_wait3A_36 : memref<1x128xi32, #tpu.memory_space<vmem>> -> memref<128xi32, #tpu.memory_space<vmem>>
        %dma_wait3A_38 = arith.constant 0 : i32
        %dma_wait3A_39 = arith.constant 0 : i32
        %dma_wait3A_40 = tpu.memref_slice %arg8[%dma_wait3A_38, %dma_wait3A_39] : memref<100352x8xf32, #tpu.memory_space<vmem_shared>> -> memref<100352x8xf32, #tpu.memory_space<vmem_shared>>
        tpu.wait_indirect_dma semaphore(%run_scoped3A_30 : memref<!tpu.dma_semaphore, #tpu.memory_space<semaphore_mem>>) src(%arg7 : memref<128x8xf32, #tpu.memory_space<vmem>>) dst(%dma_wait3A_40 : memref<100352x8xf32, #tpu.memory_space<vmem_shared>>)
        tpu.yield
      }) : () -> ()
      %run_scoped3A_19 = arith.constant 5 : i32
      "tpu.region"() ({
        %run_scoped3A_30 = tpu.sem_alloc : memref<!tpu.dma_semaphore, #tpu.memory_space<semaphore_mem>>
        %dma_start3A = arith.constant 0 : i32
        %dma_start3A_31 = tpu.memref_slice %arg6[%run_scoped3A_19, %dma_start3A] : memref<16x128xi32, #tpu.memory_space<vmem>> -> memref<1x128xi32, #tpu.memory_space<vmem>>
        %dma_start3A_32 = tpu.memref_squeeze %dma_start3A_31 : memref<1x128xi32, #tpu.memory_space<vmem>> -> memref<128xi32, #tpu.memory_space<vmem>>
        %dma_start3A_33 = arith.constant 0 : i32
        %dma_start3A_34 = arith.constant 0 : i32
        %dma_start3A_35 = tpu.memref_slice %arg8[%dma_start3A_33, %dma_start3A_34] : memref<100352x8xf32, #tpu.memory_space<vmem_shared>> -> memref<100352x8xf32, #tpu.memory_space<vmem_shared>>
        tpu.enqueue_indirect_dma source(%arg7 : memref<128x8xf32, #tpu.memory_space<vmem>>) target(%dma_start3A_35 : memref<100352x8xf32, #tpu.memory_space<vmem_shared>>) offsets(%dma_start3A_32 : memref<128xi32, #tpu.memory_space<vmem>>) semaphore(%run_scoped3A_30 : memref<!tpu.dma_semaphore, #tpu.memory_space<semaphore_mem>>) {add = true}
        %dma_wait3A = arith.constant 0 : i32
        %dma_wait3A_36 = tpu.memref_slice %arg6[%run_scoped3A_19, %dma_wait3A] : memref<16x128xi32, #tpu.memory_space<vmem>> -> memref<1x128xi32, #tpu.memory_space<vmem>>
        %dma_wait3A_37 = tpu.memref_squeeze %dma_wait3A_36 : memref<1x128xi32, #tpu.memory_space<vmem>> -> memref<128xi32, #tpu.memory_space<vmem>>
        %dma_wait3A_38 = arith.constant 0 : i32
        %dma_wait3A_39 = arith.constant 0 : i32
        %dma_wait3A_40 = tpu.memref_slice %arg8[%dma_wait3A_38, %dma_wait3A_39] : memref<100352x8xf32, #tpu.memory_space<vmem_shared>> -> memref<100352x8xf32, #tpu.memory_space<vmem_shared>>
        tpu.wait_indirect_dma semaphore(%run_scoped3A_30 : memref<!tpu.dma_semaphore, #tpu.memory_space<semaphore_mem>>) src(%arg7 : memref<128x8xf32, #tpu.memory_space<vmem>>) dst(%dma_wait3A_40 : memref<100352x8xf32, #tpu.memory_space<vmem_shared>>)
        tpu.yield
      }) : () -> ()
      %run_scoped3A_20 = arith.constant 6 : i32
      "tpu.region"() ({
        %run_scoped3A_30 = tpu.sem_alloc : memref<!tpu.dma_semaphore, #tpu.memory_space<semaphore_mem>>
        %dma_start3A = arith.constant 0 : i32
        %dma_start3A_31 = tpu.memref_slice %arg6[%run_scoped3A_20, %dma_start3A] : memref<16x128xi32, #tpu.memory_space<vmem>> -> memref<1x128xi32, #tpu.memory_space<vmem>>
        %dma_start3A_32 = tpu.memref_squeeze %dma_start3A_31 : memref<1x128xi32, #tpu.memory_space<vmem>> -> memref<128xi32, #tpu.memory_space<vmem>>
        %dma_start3A_33 = arith.constant 0 : i32
        %dma_start3A_34 = arith.constant 0 : i32
        %dma_start3A_35 = tpu.memref_slice %arg8[%dma_start3A_33, %dma_start3A_34] : memref<100352x8xf32, #tpu.memory_space<vmem_shared>> -> memref<100352x8xf32, #tpu.memory_space<vmem_shared>>
        tpu.enqueue_indirect_dma source(%arg7 : memref<128x8xf32, #tpu.memory_space<vmem>>) target(%dma_start3A_35 : memref<100352x8xf32, #tpu.memory_space<vmem_shared>>) offsets(%dma_start3A_32 : memref<128xi32, #tpu.memory_space<vmem>>) semaphore(%run_scoped3A_30 : memref<!tpu.dma_semaphore, #tpu.memory_space<semaphore_mem>>) {add = true}
        %dma_wait3A = arith.constant 0 : i32
        %dma_wait3A_36 = tpu.memref_slice %arg6[%run_scoped3A_20, %dma_wait3A] : memref<16x128xi32, #tpu.memory_space<vmem>> -> memref<1x128xi32, #tpu.memory_space<vmem>>
        %dma_wait3A_37 = tpu.memref_squeeze %dma_wait3A_36 : memref<1x128xi32, #tpu.memory_space<vmem>> -> memref<128xi32, #tpu.memory_space<vmem>>
        %dma_wait3A_38 = arith.constant 0 : i32
        %dma_wait3A_39 = arith.constant 0 : i32
        %dma_wait3A_40 = tpu.memref_slice %arg8[%dma_wait3A_38, %dma_wait3A_39] : memref<100352x8xf32, #tpu.memory_space<vmem_shared>> -> memref<100352x8xf32, #tpu.memory_space<vmem_shared>>
        tpu.wait_indirect_dma semaphore(%run_scoped3A_30 : memref<!tpu.dma_semaphore, #tpu.memory_space<semaphore_mem>>) src(%arg7 : memref<128x8xf32, #tpu.memory_space<vmem>>) dst(%dma_wait3A_40 : memref<100352x8xf32, #tpu.memory_space<vmem_shared>>)
        tpu.yield
      }) : () -> ()
      %run_scoped3A_21 = arith.constant 7 : i32
      "tpu.region"() ({
        %run_scoped3A_30 = tpu.sem_alloc : memref<!tpu.dma_semaphore, #tpu.memory_space<semaphore_mem>>
        %dma_start3A = arith.constant 0 : i32
        %dma_start3A_31 = tpu.memref_slice %arg6[%run_scoped3A_21, %dma_start3A] : memref<16x128xi32, #tpu.memory_space<vmem>> -> memref<1x128xi32, #tpu.memory_space<vmem>>
        %dma_start3A_32 = tpu.memref_squeeze %dma_start3A_31 : memref<1x128xi32, #tpu.memory_space<vmem>> -> memref<128xi32, #tpu.memory_space<vmem>>
        %dma_start3A_33 = arith.constant 0 : i32
        %dma_start3A_34 = arith.constant 0 : i32
        %dma_start3A_35 = tpu.memref_slice %arg8[%dma_start3A_33, %dma_start3A_34] : memref<100352x8xf32, #tpu.memory_space<vmem_shared>> -> memref<100352x8xf32, #tpu.memory_space<vmem_shared>>
        tpu.enqueue_indirect_dma source(%arg7 : memref<128x8xf32, #tpu.memory_space<vmem>>) target(%dma_start3A_35 : memref<100352x8xf32, #tpu.memory_space<vmem_shared>>) offsets(%dma_start3A_32 : memref<128xi32, #tpu.memory_space<vmem>>) semaphore(%run_scoped3A_30 : memref<!tpu.dma_semaphore, #tpu.memory_space<semaphore_mem>>) {add = true}
        %dma_wait3A = arith.constant 0 : i32
        %dma_wait3A_36 = tpu.memref_slice %arg6[%run_scoped3A_21, %dma_wait3A] : memref<16x128xi32, #tpu.memory_space<vmem>> -> memref<1x128xi32, #tpu.memory_space<vmem>>
        %dma_wait3A_37 = tpu.memref_squeeze %dma_wait3A_36 : memref<1x128xi32, #tpu.memory_space<vmem>> -> memref<128xi32, #tpu.memory_space<vmem>>
        %dma_wait3A_38 = arith.constant 0 : i32
        %dma_wait3A_39 = arith.constant 0 : i32
        %dma_wait3A_40 = tpu.memref_slice %arg8[%dma_wait3A_38, %dma_wait3A_39] : memref<100352x8xf32, #tpu.memory_space<vmem_shared>> -> memref<100352x8xf32, #tpu.memory_space<vmem_shared>>
        tpu.wait_indirect_dma semaphore(%run_scoped3A_30 : memref<!tpu.dma_semaphore, #tpu.memory_space<semaphore_mem>>) src(%arg7 : memref<128x8xf32, #tpu.memory_space<vmem>>) dst(%dma_wait3A_40 : memref<100352x8xf32, #tpu.memory_space<vmem_shared>>)
        tpu.yield
      }) : () -> ()
      %run_scoped3A_22 = arith.constant 8 : i32
      "tpu.region"() ({
        %run_scoped3A_30 = tpu.sem_alloc : memref<!tpu.dma_semaphore, #tpu.memory_space<semaphore_mem>>
        %dma_start3A = arith.constant 0 : i32
        %dma_start3A_31 = tpu.memref_slice %arg6[%run_scoped3A_22, %dma_start3A] : memref<16x128xi32, #tpu.memory_space<vmem>> -> memref<1x128xi32, #tpu.memory_space<vmem>>
        %dma_start3A_32 = tpu.memref_squeeze %dma_start3A_31 : memref<1x128xi32, #tpu.memory_space<vmem>> -> memref<128xi32, #tpu.memory_space<vmem>>
        %dma_start3A_33 = arith.constant 0 : i32
        %dma_start3A_34 = arith.constant 0 : i32
        %dma_start3A_35 = tpu.memref_slice %arg8[%dma_start3A_33, %dma_start3A_34] : memref<100352x8xf32, #tpu.memory_space<vmem_shared>> -> memref<100352x8xf32, #tpu.memory_space<vmem_shared>>
        tpu.enqueue_indirect_dma source(%arg7 : memref<128x8xf32, #tpu.memory_space<vmem>>) target(%dma_start3A_35 : memref<100352x8xf32, #tpu.memory_space<vmem_shared>>) offsets(%dma_start3A_32 : memref<128xi32, #tpu.memory_space<vmem>>) semaphore(%run_scoped3A_30 : memref<!tpu.dma_semaphore, #tpu.memory_space<semaphore_mem>>) {add = true}
        %dma_wait3A = arith.constant 0 : i32
        %dma_wait3A_36 = tpu.memref_slice %arg6[%run_scoped3A_22, %dma_wait3A] : memref<16x128xi32, #tpu.memory_space<vmem>> -> memref<1x128xi32, #tpu.memory_space<vmem>>
        %dma_wait3A_37 = tpu.memref_squeeze %dma_wait3A_36 : memref<1x128xi32, #tpu.memory_space<vmem>> -> memref<128xi32, #tpu.memory_space<vmem>>
        %dma_wait3A_38 = arith.constant 0 : i32
        %dma_wait3A_39 = arith.constant 0 : i32
        %dma_wait3A_40 = tpu.memref_slice %arg8[%dma_wait3A_38, %dma_wait3A_39] : memref<100352x8xf32, #tpu.memory_space<vmem_shared>> -> memref<100352x8xf32, #tpu.memory_space<vmem_shared>>
        tpu.wait_indirect_dma semaphore(%run_scoped3A_30 : memref<!tpu.dma_semaphore, #tpu.memory_space<semaphore_mem>>) src(%arg7 : memref<128x8xf32, #tpu.memory_space<vmem>>) dst(%dma_wait3A_40 : memref<100352x8xf32, #tpu.memory_space<vmem_shared>>)
        tpu.yield
      }) : () -> ()
      %run_scoped3A_23 = arith.constant 9 : i32
      "tpu.region"() ({
        %run_scoped3A_30 = tpu.sem_alloc : memref<!tpu.dma_semaphore, #tpu.memory_space<semaphore_mem>>
        %dma_start3A = arith.constant 0 : i32
        %dma_start3A_31 = tpu.memref_slice %arg6[%run_scoped3A_23, %dma_start3A] : memref<16x128xi32, #tpu.memory_space<vmem>> -> memref<1x128xi32, #tpu.memory_space<vmem>>
        %dma_start3A_32 = tpu.memref_squeeze %dma_start3A_31 : memref<1x128xi32, #tpu.memory_space<vmem>> -> memref<128xi32, #tpu.memory_space<vmem>>
        %dma_start3A_33 = arith.constant 0 : i32
        %dma_start3A_34 = arith.constant 0 : i32
        %dma_start3A_35 = tpu.memref_slice %arg8[%dma_start3A_33, %dma_start3A_34] : memref<100352x8xf32, #tpu.memory_space<vmem_shared>> -> memref<100352x8xf32, #tpu.memory_space<vmem_shared>>
        tpu.enqueue_indirect_dma source(%arg7 : memref<128x8xf32, #tpu.memory_space<vmem>>) target(%dma_start3A_35 : memref<100352x8xf32, #tpu.memory_space<vmem_shared>>) offsets(%dma_start3A_32 : memref<128xi32, #tpu.memory_space<vmem>>) semaphore(%run_scoped3A_30 : memref<!tpu.dma_semaphore, #tpu.memory_space<semaphore_mem>>) {add = true}
        %dma_wait3A = arith.constant 0 : i32
        %dma_wait3A_36 = tpu.memref_slice %arg6[%run_scoped3A_23, %dma_wait3A] : memref<16x128xi32, #tpu.memory_space<vmem>> -> memref<1x128xi32, #tpu.memory_space<vmem>>
        %dma_wait3A_37 = tpu.memref_squeeze %dma_wait3A_36 : memref<1x128xi32, #tpu.memory_space<vmem>> -> memref<128xi32, #tpu.memory_space<vmem>>
        %dma_wait3A_38 = arith.constant 0 : i32
        %dma_wait3A_39 = arith.constant 0 : i32
        %dma_wait3A_40 = tpu.memref_slice %arg8[%dma_wait3A_38, %dma_wait3A_39] : memref<100352x8xf32, #tpu.memory_space<vmem_shared>> -> memref<100352x8xf32, #tpu.memory_space<vmem_shared>>
        tpu.wait_indirect_dma semaphore(%run_scoped3A_30 : memref<!tpu.dma_semaphore, #tpu.memory_space<semaphore_mem>>) src(%arg7 : memref<128x8xf32, #tpu.memory_space<vmem>>) dst(%dma_wait3A_40 : memref<100352x8xf32, #tpu.memory_space<vmem_shared>>)
        tpu.yield
      }) : () -> ()
      %run_scoped3A_24 = arith.constant 10 : i32
      "tpu.region"() ({
        %run_scoped3A_30 = tpu.sem_alloc : memref<!tpu.dma_semaphore, #tpu.memory_space<semaphore_mem>>
        %dma_start3A = arith.constant 0 : i32
        %dma_start3A_31 = tpu.memref_slice %arg6[%run_scoped3A_24, %dma_start3A] : memref<16x128xi32, #tpu.memory_space<vmem>> -> memref<1x128xi32, #tpu.memory_space<vmem>>
        %dma_start3A_32 = tpu.memref_squeeze %dma_start3A_31 : memref<1x128xi32, #tpu.memory_space<vmem>> -> memref<128xi32, #tpu.memory_space<vmem>>
        %dma_start3A_33 = arith.constant 0 : i32
        %dma_start3A_34 = arith.constant 0 : i32
        %dma_start3A_35 = tpu.memref_slice %arg8[%dma_start3A_33, %dma_start3A_34] : memref<100352x8xf32, #tpu.memory_space<vmem_shared>> -> memref<100352x8xf32, #tpu.memory_space<vmem_shared>>
        tpu.enqueue_indirect_dma source(%arg7 : memref<128x8xf32, #tpu.memory_space<vmem>>) target(%dma_start3A_35 : memref<100352x8xf32, #tpu.memory_space<vmem_shared>>) offsets(%dma_start3A_32 : memref<128xi32, #tpu.memory_space<vmem>>) semaphore(%run_scoped3A_30 : memref<!tpu.dma_semaphore, #tpu.memory_space<semaphore_mem>>) {add = true}
        %dma_wait3A = arith.constant 0 : i32
        %dma_wait3A_36 = tpu.memref_slice %arg6[%run_scoped3A_24, %dma_wait3A] : memref<16x128xi32, #tpu.memory_space<vmem>> -> memref<1x128xi32, #tpu.memory_space<vmem>>
        %dma_wait3A_37 = tpu.memref_squeeze %dma_wait3A_36 : memref<1x128xi32, #tpu.memory_space<vmem>> -> memref<128xi32, #tpu.memory_space<vmem>>
        %dma_wait3A_38 = arith.constant 0 : i32
        %dma_wait3A_39 = arith.constant 0 : i32
        %dma_wait3A_40 = tpu.memref_slice %arg8[%dma_wait3A_38, %dma_wait3A_39] : memref<100352x8xf32, #tpu.memory_space<vmem_shared>> -> memref<100352x8xf32, #tpu.memory_space<vmem_shared>>
        tpu.wait_indirect_dma semaphore(%run_scoped3A_30 : memref<!tpu.dma_semaphore, #tpu.memory_space<semaphore_mem>>) src(%arg7 : memref<128x8xf32, #tpu.memory_space<vmem>>) dst(%dma_wait3A_40 : memref<100352x8xf32, #tpu.memory_space<vmem_shared>>)
        tpu.yield
      }) : () -> ()
      %run_scoped3A_25 = arith.constant 11 : i32
      "tpu.region"() ({
        %run_scoped3A_30 = tpu.sem_alloc : memref<!tpu.dma_semaphore, #tpu.memory_space<semaphore_mem>>
        %dma_start3A = arith.constant 0 : i32
        %dma_start3A_31 = tpu.memref_slice %arg6[%run_scoped3A_25, %dma_start3A] : memref<16x128xi32, #tpu.memory_space<vmem>> -> memref<1x128xi32, #tpu.memory_space<vmem>>
        %dma_start3A_32 = tpu.memref_squeeze %dma_start3A_31 : memref<1x128xi32, #tpu.memory_space<vmem>> -> memref<128xi32, #tpu.memory_space<vmem>>
        %dma_start3A_33 = arith.constant 0 : i32
        %dma_start3A_34 = arith.constant 0 : i32
        %dma_start3A_35 = tpu.memref_slice %arg8[%dma_start3A_33, %dma_start3A_34] : memref<100352x8xf32, #tpu.memory_space<vmem_shared>> -> memref<100352x8xf32, #tpu.memory_space<vmem_shared>>
        tpu.enqueue_indirect_dma source(%arg7 : memref<128x8xf32, #tpu.memory_space<vmem>>) target(%dma_start3A_35 : memref<100352x8xf32, #tpu.memory_space<vmem_shared>>) offsets(%dma_start3A_32 : memref<128xi32, #tpu.memory_space<vmem>>) semaphore(%run_scoped3A_30 : memref<!tpu.dma_semaphore, #tpu.memory_space<semaphore_mem>>) {add = true}
        %dma_wait3A = arith.constant 0 : i32
        %dma_wait3A_36 = tpu.memref_slice %arg6[%run_scoped3A_25, %dma_wait3A] : memref<16x128xi32, #tpu.memory_space<vmem>> -> memref<1x128xi32, #tpu.memory_space<vmem>>
        %dma_wait3A_37 = tpu.memref_squeeze %dma_wait3A_36 : memref<1x128xi32, #tpu.memory_space<vmem>> -> memref<128xi32, #tpu.memory_space<vmem>>
        %dma_wait3A_38 = arith.constant 0 : i32
        %dma_wait3A_39 = arith.constant 0 : i32
        %dma_wait3A_40 = tpu.memref_slice %arg8[%dma_wait3A_38, %dma_wait3A_39] : memref<100352x8xf32, #tpu.memory_space<vmem_shared>> -> memref<100352x8xf32, #tpu.memory_space<vmem_shared>>
        tpu.wait_indirect_dma semaphore(%run_scoped3A_30 : memref<!tpu.dma_semaphore, #tpu.memory_space<semaphore_mem>>) src(%arg7 : memref<128x8xf32, #tpu.memory_space<vmem>>) dst(%dma_wait3A_40 : memref<100352x8xf32, #tpu.memory_space<vmem_shared>>)
        tpu.yield
      }) : () -> ()
      %run_scoped3A_26 = arith.constant 12 : i32
      "tpu.region"() ({
        %run_scoped3A_30 = tpu.sem_alloc : memref<!tpu.dma_semaphore, #tpu.memory_space<semaphore_mem>>
        %dma_start3A = arith.constant 0 : i32
        %dma_start3A_31 = tpu.memref_slice %arg6[%run_scoped3A_26, %dma_start3A] : memref<16x128xi32, #tpu.memory_space<vmem>> -> memref<1x128xi32, #tpu.memory_space<vmem>>
        %dma_start3A_32 = tpu.memref_squeeze %dma_start3A_31 : memref<1x128xi32, #tpu.memory_space<vmem>> -> memref<128xi32, #tpu.memory_space<vmem>>
        %dma_start3A_33 = arith.constant 0 : i32
        %dma_start3A_34 = arith.constant 0 : i32
        %dma_start3A_35 = tpu.memref_slice %arg8[%dma_start3A_33, %dma_start3A_34] : memref<100352x8xf32, #tpu.memory_space<vmem_shared>> -> memref<100352x8xf32, #tpu.memory_space<vmem_shared>>
        tpu.enqueue_indirect_dma source(%arg7 : memref<128x8xf32, #tpu.memory_space<vmem>>) target(%dma_start3A_35 : memref<100352x8xf32, #tpu.memory_space<vmem_shared>>) offsets(%dma_start3A_32 : memref<128xi32, #tpu.memory_space<vmem>>) semaphore(%run_scoped3A_30 : memref<!tpu.dma_semaphore, #tpu.memory_space<semaphore_mem>>) {add = true}
        %dma_wait3A = arith.constant 0 : i32
        %dma_wait3A_36 = tpu.memref_slice %arg6[%run_scoped3A_26, %dma_wait3A] : memref<16x128xi32, #tpu.memory_space<vmem>> -> memref<1x128xi32, #tpu.memory_space<vmem>>
        %dma_wait3A_37 = tpu.memref_squeeze %dma_wait3A_36 : memref<1x128xi32, #tpu.memory_space<vmem>> -> memref<128xi32, #tpu.memory_space<vmem>>
        %dma_wait3A_38 = arith.constant 0 : i32
        %dma_wait3A_39 = arith.constant 0 : i32
        %dma_wait3A_40 = tpu.memref_slice %arg8[%dma_wait3A_38, %dma_wait3A_39] : memref<100352x8xf32, #tpu.memory_space<vmem_shared>> -> memref<100352x8xf32, #tpu.memory_space<vmem_shared>>
        tpu.wait_indirect_dma semaphore(%run_scoped3A_30 : memref<!tpu.dma_semaphore, #tpu.memory_space<semaphore_mem>>) src(%arg7 : memref<128x8xf32, #tpu.memory_space<vmem>>) dst(%dma_wait3A_40 : memref<100352x8xf32, #tpu.memory_space<vmem_shared>>)
        tpu.yield
      }) : () -> ()
      %run_scoped3A_27 = arith.constant 13 : i32
      "tpu.region"() ({
        %run_scoped3A_30 = tpu.sem_alloc : memref<!tpu.dma_semaphore, #tpu.memory_space<semaphore_mem>>
        %dma_start3A = arith.constant 0 : i32
        %dma_start3A_31 = tpu.memref_slice %arg6[%run_scoped3A_27, %dma_start3A] : memref<16x128xi32, #tpu.memory_space<vmem>> -> memref<1x128xi32, #tpu.memory_space<vmem>>
        %dma_start3A_32 = tpu.memref_squeeze %dma_start3A_31 : memref<1x128xi32, #tpu.memory_space<vmem>> -> memref<128xi32, #tpu.memory_space<vmem>>
        %dma_start3A_33 = arith.constant 0 : i32
        %dma_start3A_34 = arith.constant 0 : i32
        %dma_start3A_35 = tpu.memref_slice %arg8[%dma_start3A_33, %dma_start3A_34] : memref<100352x8xf32, #tpu.memory_space<vmem_shared>> -> memref<100352x8xf32, #tpu.memory_space<vmem_shared>>
        tpu.enqueue_indirect_dma source(%arg7 : memref<128x8xf32, #tpu.memory_space<vmem>>) target(%dma_start3A_35 : memref<100352x8xf32, #tpu.memory_space<vmem_shared>>) offsets(%dma_start3A_32 : memref<128xi32, #tpu.memory_space<vmem>>) semaphore(%run_scoped3A_30 : memref<!tpu.dma_semaphore, #tpu.memory_space<semaphore_mem>>) {add = true}
        %dma_wait3A = arith.constant 0 : i32
        %dma_wait3A_36 = tpu.memref_slice %arg6[%run_scoped3A_27, %dma_wait3A] : memref<16x128xi32, #tpu.memory_space<vmem>> -> memref<1x128xi32, #tpu.memory_space<vmem>>
        %dma_wait3A_37 = tpu.memref_squeeze %dma_wait3A_36 : memref<1x128xi32, #tpu.memory_space<vmem>> -> memref<128xi32, #tpu.memory_space<vmem>>
        %dma_wait3A_38 = arith.constant 0 : i32
        %dma_wait3A_39 = arith.constant 0 : i32
        %dma_wait3A_40 = tpu.memref_slice %arg8[%dma_wait3A_38, %dma_wait3A_39] : memref<100352x8xf32, #tpu.memory_space<vmem_shared>> -> memref<100352x8xf32, #tpu.memory_space<vmem_shared>>
        tpu.wait_indirect_dma semaphore(%run_scoped3A_30 : memref<!tpu.dma_semaphore, #tpu.memory_space<semaphore_mem>>) src(%arg7 : memref<128x8xf32, #tpu.memory_space<vmem>>) dst(%dma_wait3A_40 : memref<100352x8xf32, #tpu.memory_space<vmem_shared>>)
        tpu.yield
      }) : () -> ()
      %run_scoped3A_28 = arith.constant 14 : i32
      "tpu.region"() ({
        %run_scoped3A_30 = tpu.sem_alloc : memref<!tpu.dma_semaphore, #tpu.memory_space<semaphore_mem>>
        %dma_start3A = arith.constant 0 : i32
        %dma_start3A_31 = tpu.memref_slice %arg6[%run_scoped3A_28, %dma_start3A] : memref<16x128xi32, #tpu.memory_space<vmem>> -> memref<1x128xi32, #tpu.memory_space<vmem>>
        %dma_start3A_32 = tpu.memref_squeeze %dma_start3A_31 : memref<1x128xi32, #tpu.memory_space<vmem>> -> memref<128xi32, #tpu.memory_space<vmem>>
        %dma_start3A_33 = arith.constant 0 : i32
        %dma_start3A_34 = arith.constant 0 : i32
        %dma_start3A_35 = tpu.memref_slice %arg8[%dma_start3A_33, %dma_start3A_34] : memref<100352x8xf32, #tpu.memory_space<vmem_shared>> -> memref<100352x8xf32, #tpu.memory_space<vmem_shared>>
        tpu.enqueue_indirect_dma source(%arg7 : memref<128x8xf32, #tpu.memory_space<vmem>>) target(%dma_start3A_35 : memref<100352x8xf32, #tpu.memory_space<vmem_shared>>) offsets(%dma_start3A_32 : memref<128xi32, #tpu.memory_space<vmem>>) semaphore(%run_scoped3A_30 : memref<!tpu.dma_semaphore, #tpu.memory_space<semaphore_mem>>) {add = true}
        %dma_wait3A = arith.constant 0 : i32
        %dma_wait3A_36 = tpu.memref_slice %arg6[%run_scoped3A_28, %dma_wait3A] : memref<16x128xi32, #tpu.memory_space<vmem>> -> memref<1x128xi32, #tpu.memory_space<vmem>>
        %dma_wait3A_37 = tpu.memref_squeeze %dma_wait3A_36 : memref<1x128xi32, #tpu.memory_space<vmem>> -> memref<128xi32, #tpu.memory_space<vmem>>
        %dma_wait3A_38 = arith.constant 0 : i32
        %dma_wait3A_39 = arith.constant 0 : i32
        %dma_wait3A_40 = tpu.memref_slice %arg8[%dma_wait3A_38, %dma_wait3A_39] : memref<100352x8xf32, #tpu.memory_space<vmem_shared>> -> memref<100352x8xf32, #tpu.memory_space<vmem_shared>>
        tpu.wait_indirect_dma semaphore(%run_scoped3A_30 : memref<!tpu.dma_semaphore, #tpu.memory_space<semaphore_mem>>) src(%arg7 : memref<128x8xf32, #tpu.memory_space<vmem>>) dst(%dma_wait3A_40 : memref<100352x8xf32, #tpu.memory_space<vmem_shared>>)
        tpu.yield
      }) : () -> ()
      %run_scoped3A_29 = arith.constant 15 : i32
      "tpu.region"() ({
        %run_scoped3A_30 = tpu.sem_alloc : memref<!tpu.dma_semaphore, #tpu.memory_space<semaphore_mem>>
        %dma_start3A = arith.constant 0 : i32
        %dma_start3A_31 = tpu.memref_slice %arg6[%run_scoped3A_29, %dma_start3A] : memref<16x128xi32, #tpu.memory_space<vmem>> -> memref<1x128xi32, #tpu.memory_space<vmem>>
        %dma_start3A_32 = tpu.memref_squeeze %dma_start3A_31 : memref<1x128xi32, #tpu.memory_space<vmem>> -> memref<128xi32, #tpu.memory_space<vmem>>
        %dma_start3A_33 = arith.constant 0 : i32
        %dma_start3A_34 = arith.constant 0 : i32
        %dma_start3A_35 = tpu.memref_slice %arg8[%dma_start3A_33, %dma_start3A_34] : memref<100352x8xf32, #tpu.memory_space<vmem_shared>> -> memref<100352x8xf32, #tpu.memory_space<vmem_shared>>
        tpu.enqueue_indirect_dma source(%arg7 : memref<128x8xf32, #tpu.memory_space<vmem>>) target(%dma_start3A_35 : memref<100352x8xf32, #tpu.memory_space<vmem_shared>>) offsets(%dma_start3A_32 : memref<128xi32, #tpu.memory_space<vmem>>) semaphore(%run_scoped3A_30 : memref<!tpu.dma_semaphore, #tpu.memory_space<semaphore_mem>>) {add = true}
        %dma_wait3A = arith.constant 0 : i32
        %dma_wait3A_36 = tpu.memref_slice %arg6[%run_scoped3A_29, %dma_wait3A] : memref<16x128xi32, #tpu.memory_space<vmem>> -> memref<1x128xi32, #tpu.memory_space<vmem>>
        %dma_wait3A_37 = tpu.memref_squeeze %dma_wait3A_36 : memref<1x128xi32, #tpu.memory_space<vmem>> -> memref<128xi32, #tpu.memory_space<vmem>>
        %dma_wait3A_38 = arith.constant 0 : i32
        %dma_wait3A_39 = arith.constant 0 : i32
        %dma_wait3A_40 = tpu.memref_slice %arg8[%dma_wait3A_38, %dma_wait3A_39] : memref<100352x8xf32, #tpu.memory_space<vmem_shared>> -> memref<100352x8xf32, #tpu.memory_space<vmem_shared>>
        tpu.wait_indirect_dma semaphore(%run_scoped3A_30 : memref<!tpu.dma_semaphore, #tpu.memory_space<semaphore_mem>>) src(%arg7 : memref<128x8xf32, #tpu.memory_space<vmem>>) dst(%dma_wait3A_40 : memref<100352x8xf32, #tpu.memory_space<vmem_shared>>)
        tpu.yield
      }) : () -> ()
    }
    %scan3A_9 = arith.constant 49 : i32
    %barrier3A_10 = arith.constant 0 : index
    tpu.barrier barrier_id(%barrier3A_10)
    "tpu.region"() ({
      %run_scoped3A = tpu.sem_alloc : memref<!tpu.dma_semaphore, #tpu.memory_space<semaphore_mem>>
      %dma_start3A = arith.constant 0 : i32
      %dma_start3A_11 = tpu.memref_slice %arg5[%arg0, %mul3A_2, %dma_start3A] : memref<2x100352x8xf32, #tpu.memory_space<hbm>> -> memref<1x6272x8xf32, #tpu.memory_space<hbm>>
      %dma_start3A_12 = tpu.memref_squeeze %dma_start3A_11 : memref<1x6272x8xf32, #tpu.memory_space<hbm>> -> memref<6272x8xf32, #tpu.memory_space<hbm>>
      %dma_start3A_13 = arith.constant 0 : i32
      %dma_start3A_14 = tpu.memref_slice %arg8[%mul3A_2, %dma_start3A_13] : memref<100352x8xf32, #tpu.memory_space<vmem_shared>> -> memref<6272x8xf32, #tpu.memory_space<vmem_shared>>
      tpu.enqueue_dma source(%dma_start3A_14 : memref<6272x8xf32, #tpu.memory_space<vmem_shared>>) target(%dma_start3A_12 : memref<6272x8xf32, #tpu.memory_space<hbm>>) target_semaphore(%run_scoped3A : memref<!tpu.dma_semaphore, #tpu.memory_space<semaphore_mem>>)
      %dma_wait3A = arith.constant 0 : i32
      %dma_wait3A_15 = tpu.memref_slice %arg5[%arg0, %mul3A_2, %dma_wait3A] : memref<2x100352x8xf32, #tpu.memory_space<hbm>> -> memref<1x6272x8xf32, #tpu.memory_space<hbm>>
      %dma_wait3A_16 = tpu.memref_squeeze %dma_wait3A_15 : memref<1x6272x8xf32, #tpu.memory_space<hbm>> -> memref<6272x8xf32, #tpu.memory_space<hbm>>
      %dma_wait3A_17 = arith.constant 0 : i32
      %dma_wait3A_18 = tpu.memref_slice %arg8[%mul3A_2, %dma_wait3A_17] : memref<100352x8xf32, #tpu.memory_space<vmem_shared>> -> memref<6272x8xf32, #tpu.memory_space<vmem_shared>>
      tpu.wait_dma2 semaphore(%run_scoped3A : memref<!tpu.dma_semaphore, #tpu.memory_space<semaphore_mem>>) src(%dma_wait3A_18 : memref<6272x8xf32, #tpu.memory_space<vmem_shared>>) dst(%dma_wait3A_16 : memref<6272x8xf32, #tpu.memory_space<hbm>>)
      tpu.yield
    }) : () -> ()
    return
  }
}

module attributes {stable_mosaic.version = 14 : i64} {
  func.func @_b_body(%arg0: i32, %arg1: memref<2x3584x8xf32, #tpu.memory_space<vmem>>, %arg2: memref<3584x8xf32, #tpu.memory_space<vmem>>, %arg3: memref<3584x1xf32, #tpu.memory_space<vmem>>, %arg4: memref<3584x8xf32, #tpu.memory_space<vmem>>) attributes {dimension_semantics = [#tpu.dimension_semantics<arbitrary>], iteration_bounds = array<i64: 28>, scalar_prefetch = 0 : i64, scratch_operands = 0 : i64, tpu.core_type = #tpu.core_type<tc>, window_params = [{transform_indices = @transform_0, window_bounds = array<i64: 2, 3584, 8>}, {transform_indices = @transform_1, window_bounds = array<i64: 3584, 8>}, {transform_indices = @transform_2, window_bounds = array<i64: 3584, 1>}, {transform_indices = @transform_3, window_bounds = array<i64: 3584, 8>}]} {
    %get3A = arith.constant 0 : index
    %get3A_0 = arith.constant 0 : index
    %get3A_1 = arith.constant 0 : index
    %get3A_2 = vector.load %arg1[%get3A, %get3A_0, %get3A_1] : memref<2x3584x8xf32, #tpu.memory_space<vmem>>, vector<2x3584x8xf32>
    %slice3A = vector.extract_strided_slice %get3A_2 {offsets = [0, 0, 0], sizes = [1, 3584, 1], strides = [1, 1, 1]} : vector<2x3584x8xf32> to vector<1x3584x1xf32>
    %squeeze3A = vector.shape_cast %slice3A : vector<1x3584x1xf32> to vector<3584x1xf32>
    %slice3A_3 = vector.extract_strided_slice %get3A_2 {offsets = [1, 0, 0], sizes = [1, 3584, 1], strides = [1, 1, 1]} : vector<2x3584x8xf32> to vector<1x3584x1xf32>
    %squeeze3A_4 = vector.shape_cast %slice3A_3 : vector<1x3584x1xf32> to vector<3584x1xf32>
    %add3A = arith.addf %squeeze3A, %squeeze3A_4 : vector<3584x1xf32>
    %add3A_5 = arith.constant 1.000000e+00 : f32
    %add3A_6 = vector.broadcast %add3A_5 : f32 to vector<3584x1xf32>
    %add3A_7 = arith.addf %add3A, %add3A_6 : vector<3584x1xf32>
    %rsqrt3A = math.rsqrt %add3A_7 : vector<3584x1xf32>
    %swap3A = arith.constant 0 : index
    %swap3A_8 = arith.constant 0 : index
    %swap3A_9 = vector.load %arg3[%swap3A, %swap3A_8] : memref<3584x1xf32, #tpu.memory_space<vmem>>, vector<3584x1xf32>
    tpu.vector_store %arg3[%swap3A, %swap3A_8], %rsqrt3A {strides = array<i32>} : memref<3584x1xf32, #tpu.memory_space<vmem>>, vector<3584x1xf32>,
    %get3A_10 = arith.constant 0 : index
    %get3A_11 = arith.constant 0 : index
    %get3A_12 = vector.load %arg2[%get3A_10, %get3A_11] : memref<3584x8xf32, #tpu.memory_space<vmem>>, vector<3584x8xf32>
    %mul3A = vector.broadcast %rsqrt3A : vector<3584x1xf32> to vector<3584x8xf32>
    %mul3A_13 = arith.mulf %get3A_12, %mul3A : vector<3584x8xf32>
    %swap3A_14 = arith.constant 0 : index
    %swap3A_15 = arith.constant 0 : index
    %swap3A_16 = vector.load %arg4[%swap3A_14, %swap3A_15] : memref<3584x8xf32, #tpu.memory_space<vmem>>, vector<3584x8xf32>
    tpu.vector_store %arg4[%swap3A_14, %swap3A_15], %mul3A_13 {strides = array<i32>} : memref<3584x8xf32, #tpu.memory_space<vmem>>, vector<3584x8xf32>,
    return
  }
  func.func @transform_0(%arg0: i32) -> (i32, i32, i32) {
    %c0_i32 = arith.constant 0 : i32
    %c0_i32_0 = arith.constant 0 : i32
    %c0_i32_1 = arith.constant 0 : i32
    return %c0_i32, %arg0, %c0_i32_0 : i32, i32, i32
  }
  func.func @transform_1(%arg0: i32) -> (i32, i32) {
    %c0_i32 = arith.constant 0 : i32
    %c0_i32_0 = arith.constant 0 : i32
    return %arg0, %c0_i32 : i32, i32
  }
  func.func @transform_2(%arg0: i32) -> (i32, i32) {
    %c0_i32 = arith.constant 0 : i32
    %c0_i32_0 = arith.constant 0 : i32
    return %arg0, %c0_i32 : i32, i32
  }
  func.func @transform_3(%arg0: i32) -> (i32, i32) {
    %c0_i32 = arith.constant 0 : i32
    %c0_i32_0 = arith.constant 0 : i32
    return %arg0, %c0_i32 : i32, i32
  }
}

module attributes {stable_mosaic.version = 14 : i64} {
  func.func @_d_body(%arg0: i32, %arg1: memref<2x3584x8xf32, #tpu.memory_space<vmem>>, %arg2: memref<3584x8xf32, #tpu.memory_space<vmem>>, %arg3: memref<3584x1xf32, #tpu.memory_space<vmem>>, %arg4: memref<8x16xf32, #tpu.memory_space<vmem>>, %arg5: memref<1x16xf32, #tpu.memory_space<vmem>>, %arg6: memref<16x16xf32, #tpu.memory_space<vmem>>, %arg7: memref<3584x16xf32, #tpu.memory_space<vmem>>) attributes {dimension_semantics = [#tpu.dimension_semantics<arbitrary>], iteration_bounds = array<i64: 28>, scalar_prefetch = 0 : i64, scratch_operands = 0 : i64, tpu.core_type = #tpu.core_type<tc>, window_params = [{transform_indices = @transform_0, window_bounds = array<i64: 2, 3584, 8>}, {transform_indices = @transform_1, window_bounds = array<i64: 3584, 8>}, {transform_indices = @transform_2, window_bounds = array<i64: 3584, 1>}, {pipeline_mode = #tpu.pipeline_mode<synchronous>, transform_indices = @transform_3, window_bounds = array<i64: 8, 16>}, {pipeline_mode = #tpu.pipeline_mode<synchronous>, transform_indices = @transform_4, window_bounds = array<i64: 1, 16>}, {pipeline_mode = #tpu.pipeline_mode<synchronous>, transform_indices = @transform_5, window_bounds = array<i64: 16, 16>}, {transform_indices = @transform_6, window_bounds = array<i64: 3584, 16>}]} {
    %get3A = arith.constant 0 : index
    %get3A_0 = arith.constant 0 : index
    %get3A_1 = arith.constant 0 : index
    %get3A_2 = vector.load %arg1[%get3A, %get3A_0, %get3A_1] : memref<2x3584x8xf32, #tpu.memory_space<vmem>>, vector<2x3584x8xf32>
    %slice3A = vector.extract_strided_slice %get3A_2 {offsets = [0, 0, 0], sizes = [1, 3584, 8], strides = [1, 1, 1]} : vector<2x3584x8xf32> to vector<1x3584x8xf32>
    %squeeze3A = vector.shape_cast %slice3A : vector<1x3584x8xf32> to vector<3584x8xf32>
    %slice3A_3 = vector.extract_strided_slice %get3A_2 {offsets = [1, 0, 0], sizes = [1, 3584, 8], strides = [1, 1, 1]} : vector<2x3584x8xf32> to vector<1x3584x8xf32>
    %squeeze3A_4 = vector.shape_cast %slice3A_3 : vector<1x3584x8xf32> to vector<3584x8xf32>
    %add3A = arith.addf %squeeze3A, %squeeze3A_4 : vector<3584x8xf32>
    %get3A_5 = arith.constant 0 : index
    %get3A_6 = arith.constant 0 : index
    %get3A_7 = vector.load %arg2[%get3A_5, %get3A_6] : memref<3584x8xf32, #tpu.memory_space<vmem>>, vector<3584x8xf32>
    %add3A_8 = arith.addf %add3A, %get3A_7 : vector<3584x8xf32>
    %get3A_9 = arith.constant 0 : index
    %get3A_10 = arith.constant 0 : index
    %get3A_11 = vector.load %arg3[%get3A_9, %get3A_10] : memref<3584x1xf32, #tpu.memory_space<vmem>>, vector<3584x1xf32>
    %mul3A = vector.broadcast %get3A_11 : vector<3584x1xf32> to vector<3584x8xf32>
    %mul3A_12 = arith.mulf %add3A_8, %mul3A : vector<3584x8xf32>
    %get3A_13 = arith.constant 0 : index
    %get3A_14 = arith.constant 0 : index
    %get3A_15 = vector.load %arg4[%get3A_13, %get3A_14] : memref<8x16xf32, #tpu.memory_space<vmem>>, vector<8x16xf32>
    %dot_general3A = arith.constant dense<0.000000e+00> : vector<3584x16xf32>
    %dot_general3A_16 = tpu.matmul %mul3A_12, %get3A_15, %dot_general3A {dimension_numbers = #tpu.dot_dimension_numbers<[1], [0], [0], [1], [0, 0, 1, 1], [], []>, transpose_lhs_hint = false} : vector<3584x8xf32>, vector<8x16xf32>, vector<3584x16xf32> -> vector<3584x16xf32>
    %get3A_17 = arith.constant 0 : index
    %get3A_18 = arith.constant 0 : index
    %get3A_19 = vector.load %arg5[%get3A_17, %get3A_18] : memref<1x16xf32, #tpu.memory_space<vmem>>, vector<1x16xf32>
    %add3A_20 = vector.broadcast %get3A_19 : vector<1x16xf32> to vector<3584x16xf32>
    %add3A_21 = arith.addf %dot_general3A_16, %add3A_20 : vector<3584x16xf32>
    %max3A = arith.constant 0.000000e+00 : f32
    %max3A_22 = vector.broadcast %max3A : f32 to vector<3584x16xf32>
    %max3A_23 = arith.maximumf %add3A_21, %max3A_22 : vector<3584x16xf32>
    %get3A_24 = arith.constant 0 : index
    %get3A_25 = arith.constant 0 : index
    %get3A_26 = vector.load %arg6[%get3A_24, %get3A_25] : memref<16x16xf32, #tpu.memory_space<vmem>>, vector<16x16xf32>
    %dot_general3A_27 = arith.constant dense<0.000000e+00> : vector<3584x16xf32>
    %dot_general3A_28 = tpu.matmul %max3A_23, %get3A_26, %dot_general3A_27 {dimension_numbers = #tpu.dot_dimension_numbers<[1], [0], [0], [1], [0, 0, 1, 1], [], []>, transpose_lhs_hint = false} : vector<3584x16xf32>, vector<16x16xf32>, vector<3584x16xf32> -> vector<3584x16xf32>
    %get3A_29 = arith.constant 0 : index
    %get3A_30 = arith.constant 0 : index
    %get3A_31 = vector.load %arg3[%get3A_29, %get3A_30] : memref<3584x1xf32, #tpu.memory_space<vmem>>, vector<3584x1xf32>
    %mul3A_32 = vector.broadcast %get3A_31 : vector<3584x1xf32> to vector<3584x16xf32>
    %mul3A_33 = arith.mulf %dot_general3A_28, %mul3A_32 : vector<3584x16xf32>
    %swap3A = arith.constant 0 : index
    %swap3A_34 = arith.constant 0 : index
    %swap3A_35 = vector.load %arg7[%swap3A, %swap3A_34] : memref<3584x16xf32, #tpu.memory_space<vmem>>, vector<3584x16xf32>
    tpu.vector_store %arg7[%swap3A, %swap3A_34], %mul3A_33 {strides = array<i32>} : memref<3584x16xf32, #tpu.memory_space<vmem>>, vector<3584x16xf32>,
    return
  }
  func.func @transform_0(%arg0: i32) -> (i32, i32, i32) {
    %c0_i32 = arith.constant 0 : i32
    %c0_i32_0 = arith.constant 0 : i32
    %c0_i32_1 = arith.constant 0 : i32
    return %c0_i32, %arg0, %c0_i32_0 : i32, i32, i32
  }
  func.func @transform_1(%arg0: i32) -> (i32, i32) {
    %c0_i32 = arith.constant 0 : i32
    %c0_i32_0 = arith.constant 0 : i32
    return %arg0, %c0_i32 : i32, i32
  }
  func.func @transform_2(%arg0: i32) -> (i32, i32) {
    %c0_i32 = arith.constant 0 : i32
    %c0_i32_0 = arith.constant 0 : i32
    return %arg0, %c0_i32 : i32, i32
  }
  func.func @transform_3(%arg0: i32) -> (i32, i32) {
    %c0_i32 = arith.constant 0 : i32
    %c0_i32_0 = arith.constant 0 : i32
    %c0_i32_1 = arith.constant 0 : i32
    return %c0_i32, %c0_i32_0 : i32, i32
  }
  func.func @transform_4(%arg0: i32) -> (i32, i32) {
    %c0_i32 = arith.constant 0 : i32
    %c0_i32_0 = arith.constant 0 : i32
    %c0_i32_1 = arith.constant 0 : i32
    return %c0_i32, %c0_i32_0 : i32, i32
  }
  func.func @transform_5(%arg0: i32) -> (i32, i32) {
    %c0_i32 = arith.constant 0 : i32
    %c0_i32_0 = arith.constant 0 : i32
    %c0_i32_1 = arith.constant 0 : i32
    return %c0_i32, %c0_i32_0 : i32, i32
  }
  func.func @transform_6(%arg0: i32) -> (i32, i32) {
    %c0_i32 = arith.constant 0 : i32
    %c0_i32_0 = arith.constant 0 : i32
    return %arg0, %c0_i32 : i32, i32
  }
}

module attributes {stable_mosaic.version = 14 : i64} {
  func.func @_f_body(%arg0: i32, %arg1: memref<2x3584x16xf32, #tpu.memory_space<vmem>>, %arg2: memref<3584x16xf32, #tpu.memory_space<vmem>>, %arg3: memref<3584x1xf32, #tpu.memory_space<vmem>>, %arg4: memref<1x16xf32, #tpu.memory_space<vmem>>, %arg5: memref<1x3584xi32, #tpu.memory_space<vmem>>, %arg6: memref<16x1xf32, #tpu.memory_space<vmem>>, %arg7: memref<1x1xf32, #tpu.memory_space<vmem>>, %arg8: memref<512x1xf32, #tpu.memory_space<vmem>>, %arg9: memref<512x16xf32, #tpu.memory_space<vmem>>, %arg10: memref<512x1xf32, #tpu.memory_space<vmem>>) attributes {dimension_semantics = [#tpu.dimension_semantics<arbitrary>], iteration_bounds = array<i64: 28>, scalar_prefetch = 0 : i64, scratch_operands = 2 : i64, tpu.core_type = #tpu.core_type<tc>, window_params = [{transform_indices = @transform_0, window_bounds = array<i64: 2, 3584, 16>}, {transform_indices = @transform_1, window_bounds = array<i64: 3584, 16>}, {transform_indices = @transform_2, window_bounds = array<i64: 3584, 1>}, {pipeline_mode = #tpu.pipeline_mode<synchronous>, transform_indices = @transform_3, window_bounds = array<i64: 1, 16>}, {transform_indices = @transform_4, window_bounds = array<i64: 1, 3584>}, {pipeline_mode = #tpu.pipeline_mode<synchronous>, transform_indices = @transform_5, window_bounds = array<i64: 16, 1>}, {pipeline_mode = #tpu.pipeline_mode<synchronous>, transform_indices = @transform_6, window_bounds = array<i64: 1, 1>}, {pipeline_mode = #tpu.pipeline_mode<synchronous>, transform_indices = @transform_7, window_bounds = array<i64: 512, 1>}]} {
    %eq3A = arith.constant 0 : i32
    %eq3A_0 = arith.cmpi eq, %arg0, %eq3A : i32
    %convert_element_type3A = arith.extui %eq3A_0 : i1 to i32
    %cond3A = arith.constant 0 : i32
    %cond3A_1 = arith.cmpi ne, %convert_element_type3A, %cond3A : i32
    scf.if %cond3A_1 {
      %broadcast_in_dim3A_49 = arith.constant 0.000000e+00 : f32
      %broadcast_in_dim3A_50 = vector.broadcast %broadcast_in_dim3A_49 : f32 to vector<512x16xf32>
      %swap3A_51 = arith.constant 0 : index
      %swap3A_52 = arith.constant 0 : index
      %swap3A_53 = vector.load %arg9[%swap3A_51, %swap3A_52] : memref<512x16xf32, #tpu.memory_space<vmem>>, vector<512x16xf32>
      tpu.vector_store %arg9[%swap3A_51, %swap3A_52], %broadcast_in_dim3A_50 {strides = array<i32>} : memref<512x16xf32, #tpu.memory_space<vmem>>, vector<512x16xf32>,
      %broadcast_in_dim3A_54 = arith.constant 0.000000e+00 : f32
      %broadcast_in_dim3A_55 = vector.broadcast %broadcast_in_dim3A_54 : f32 to vector<512x1xf32>
      %swap3A_56 = arith.constant 0 : index
      %swap3A_57 = arith.constant 0 : index
      %swap3A_58 = vector.load %arg10[%swap3A_56, %swap3A_57] : memref<512x1xf32, #tpu.memory_space<vmem>>, vector<512x1xf32>
      tpu.vector_store %arg10[%swap3A_56, %swap3A_57], %broadcast_in_dim3A_55 {strides = array<i32>} : memref<512x1xf32, #tpu.memory_space<vmem>>, vector<512x1xf32>,
    } else {
    }
    %get3A = arith.constant 0 : index
    %get3A_2 = arith.constant 0 : index
    %get3A_3 = arith.constant 0 : index
    %get3A_4 = vector.load %arg1[%get3A, %get3A_2, %get3A_3] : memref<2x3584x16xf32, #tpu.memory_space<vmem>>, vector<2x3584x16xf32>
    %slice3A = vector.extract_strided_slice %get3A_4 {offsets = [0, 0, 0], sizes = [1, 3584, 16], strides = [1, 1, 1]} : vector<2x3584x16xf32> to vector<1x3584x16xf32>
    %squeeze3A = vector.shape_cast %slice3A : vector<1x3584x16xf32> to vector<3584x16xf32>
    %slice3A_5 = vector.extract_strided_slice %get3A_4 {offsets = [1, 0, 0], sizes = [1, 3584, 16], strides = [1, 1, 1]} : vector<2x3584x16xf32> to vector<1x3584x16xf32>
    %squeeze3A_6 = vector.shape_cast %slice3A_5 : vector<1x3584x16xf32> to vector<3584x16xf32>
    %add3A = arith.addf %squeeze3A, %squeeze3A_6 : vector<3584x16xf32>
    %get3A_7 = arith.constant 0 : index
    %get3A_8 = arith.constant 0 : index
    %get3A_9 = vector.load %arg2[%get3A_7, %get3A_8] : memref<3584x16xf32, #tpu.memory_space<vmem>>, vector<3584x16xf32>
    %add3A_10 = arith.addf %add3A, %get3A_9 : vector<3584x16xf32>
    %get3A_11 = arith.constant 0 : index
    %get3A_12 = arith.constant 0 : index
    %get3A_13 = vector.load %arg3[%get3A_11, %get3A_12] : memref<3584x1xf32, #tpu.memory_space<vmem>>, vector<3584x1xf32>
    %mul3A = vector.broadcast %get3A_13 : vector<3584x1xf32> to vector<3584x16xf32>
    %mul3A_14 = arith.mulf %add3A_10, %mul3A : vector<3584x16xf32>
    %get3A_15 = arith.constant 0 : index
    %get3A_16 = arith.constant 0 : index
    %get3A_17 = vector.load %arg4[%get3A_15, %get3A_16] : memref<1x16xf32, #tpu.memory_space<vmem>>, vector<1x16xf32>
    %add3A_18 = vector.broadcast %get3A_17 : vector<1x16xf32> to vector<3584x16xf32>
    %add3A_19 = arith.addf %mul3A_14, %add3A_18 : vector<3584x16xf32>
    %max3A = arith.constant 0.000000e+00 : f32
    %max3A_20 = vector.broadcast %max3A : f32 to vector<3584x16xf32>
    %max3A_21 = arith.maximumf %add3A_19, %max3A_20 : vector<3584x16xf32>
    %iota3A = tpu.iota {dimensions = array<i32: 0>} : vector<512x3584xi32>
    %get3A_22 = arith.constant 0 : index
    %get3A_23 = arith.constant 0 : index
    %get3A_24 = vector.load %arg5[%get3A_22, %get3A_23] : memref<1x3584xi32, #tpu.memory_space<vmem>>, vector<1x3584xi32>
    %eq3A_25 = vector.broadcast %get3A_24 : vector<1x3584xi32> to vector<512x3584xi32>
    %eq3A_26 = arith.cmpi eq, %iota3A, %eq3A_25 : vector<512x3584xi32>
    %convert_element_type3A_27 = arith.extui %eq3A_26 : vector<512x3584xi1> to vector<512x3584xi32>
    %convert_element_type3A_28 = arith.sitofp %convert_element_type3A_27 : vector<512x3584xi32> to vector<512x3584xf32>
    %get3A_29 = arith.constant 0 : index
    %get3A_30 = arith.constant 0 : index
    %get3A_31 = vector.load %arg9[%get3A_29, %get3A_30] : memref<512x16xf32, #tpu.memory_space<vmem>>, vector<512x16xf32>
    %dot_general3A = arith.constant dense<0.000000e+00> : vector<512x16xf32>
    %dot_general3A_32 = tpu.matmul %convert_element_type3A_28, %max3A_21, %dot_general3A {dimension_numbers = #tpu.dot_dimension_numbers<[1], [0], [0], [1], [0, 0, 1, 1], [], []>, transpose_lhs_hint = false} : vector<512x3584xf32>, vector<3584x16xf32>, vector<512x16xf32> -> vector<512x16xf32>
    %add3A_33 = arith.addf %get3A_31, %dot_general3A_32 : vector<512x16xf32>
    %swap3A = arith.constant 0 : index
    %swap3A_34 = arith.constant 0 : index
    %swap3A_35 = vector.load %arg9[%swap3A, %swap3A_34] : memref<512x16xf32, #tpu.memory_space<vmem>>, vector<512x16xf32>
    tpu.vector_store %arg9[%swap3A, %swap3A_34], %add3A_33 {strides = array<i32>} : memref<512x16xf32, #tpu.memory_space<vmem>>, vector<512x16xf32>,
    %get3A_36 = arith.constant 0 : index
    %get3A_37 = arith.constant 0 : index
    %get3A_38 = vector.load %arg10[%get3A_36, %get3A_37] : memref<512x1xf32, #tpu.memory_space<vmem>>, vector<512x1xf32>
    %reduce_sum3A = arith.constant dense<0.000000e+00> : vector<512xf32>
    %reduce_sum3A_39 = vector.multi_reduction <add>, %convert_element_type3A_28, %reduce_sum3A [1] : vector<512x3584xf32> to vector<512xf32>
    %broadcast_in_dim3A = vector.shape_cast %reduce_sum3A_39 : vector<512xf32> to vector<512x1xf32>
    %add3A_40 = arith.addf %get3A_38, %broadcast_in_dim3A : vector<512x1xf32>
    %swap3A_41 = arith.constant 0 : index
    %swap3A_42 = arith.constant 0 : index
    %swap3A_43 = vector.load %arg10[%swap3A_41, %swap3A_42] : memref<512x1xf32, #tpu.memory_space<vmem>>, vector<512x1xf32>
    tpu.vector_store %arg10[%swap3A_41, %swap3A_42], %add3A_40 {strides = array<i32>} : memref<512x1xf32, #tpu.memory_space<vmem>>, vector<512x1xf32>,
    %eq3A_44 = arith.constant 27 : i32
    %eq3A_45 = arith.cmpi eq, %arg0, %eq3A_44 : i32
    %convert_element_type3A_46 = arith.extui %eq3A_45 : i1 to i32
    %cond3A_47 = arith.constant 0 : i32
    %cond3A_48 = arith.cmpi ne, %convert_element_type3A_46, %cond3A_47 : i32
    scf.if %cond3A_48 {
      %get3A_49 = arith.constant 0 : index
      %get3A_50 = arith.constant 0 : index
      %get3A_51 = vector.load %arg9[%get3A_49, %get3A_50] : memref<512x16xf32, #tpu.memory_space<vmem>>, vector<512x16xf32>
      %get3A_52 = arith.constant 0 : index
      %get3A_53 = arith.constant 0 : index
      %get3A_54 = vector.load %arg10[%get3A_52, %get3A_53] : memref<512x1xf32, #tpu.memory_space<vmem>>, vector<512x1xf32>
      %max3A_55 = arith.constant 1.000000e+00 : f32
      %max3A_56 = vector.broadcast %max3A_55 : f32 to vector<512x1xf32>
      %max3A_57 = arith.maximumf %get3A_54, %max3A_56 : vector<512x1xf32>
      %div3A = vector.broadcast %max3A_57 : vector<512x1xf32> to vector<512x16xf32>
      %div3A_58 = arith.divf %get3A_51, %div3A : vector<512x16xf32>
      %get3A_59 = arith.constant 0 : index
      %get3A_60 = arith.constant 0 : index
      %get3A_61 = vector.load %arg6[%get3A_59, %get3A_60] : memref<16x1xf32, #tpu.memory_space<vmem>>, vector<16x1xf32>
      %dot_general3A_62 = arith.constant dense<0.000000e+00> : vector<512x1xf32>
      %dot_general3A_63 = tpu.matmul %div3A_58, %get3A_61, %dot_general3A_62 {dimension_numbers = #tpu.dot_dimension_numbers<[1], [0], [0], [1], [0, 0, 1, 1], [], []>, transpose_lhs_hint = false} : vector<512x16xf32>, vector<16x1xf32>, vector<512x1xf32> -> vector<512x1xf32>
      %get3A_64 = arith.constant 0 : index
      %get3A_65 = arith.constant 0 : index
      %get3A_66 = vector.load %arg7[%get3A_64, %get3A_65] : memref<1x1xf32, #tpu.memory_space<vmem>>, vector<1x1xf32>
      %add3A_67 = vector.broadcast %get3A_66 : vector<1x1xf32> to vector<512x1xf32>
      %add3A_68 = arith.addf %dot_general3A_63, %add3A_67 : vector<512x1xf32>
      %swap3A_69 = arith.constant 0 : index
      %swap3A_70 = arith.constant 0 : index
      %swap3A_71 = vector.load %arg8[%swap3A_69, %swap3A_70] : memref<512x1xf32, #tpu.memory_space<vmem>>, vector<512x1xf32>
      tpu.vector_store %arg8[%swap3A_69, %swap3A_70], %add3A_68 {strides = array<i32>} : memref<512x1xf32, #tpu.memory_space<vmem>>, vector<512x1xf32>,
    } else {
    }
    return
  }
  func.func @transform_0(%arg0: i32) -> (i32, i32, i32) {
    %c0_i32 = arith.constant 0 : i32
    %c0_i32_0 = arith.constant 0 : i32
    %c0_i32_1 = arith.constant 0 : i32
    return %c0_i32, %arg0, %c0_i32_0 : i32, i32, i32
  }
  func.func @transform_1(%arg0: i32) -> (i32, i32) {
    %c0_i32 = arith.constant 0 : i32
    %c0_i32_0 = arith.constant 0 : i32
    return %arg0, %c0_i32 : i32, i32
  }
  func.func @transform_2(%arg0: i32) -> (i32, i32) {
    %c0_i32 = arith.constant 0 : i32
    %c0_i32_0 = arith.constant 0 : i32
    return %arg0, %c0_i32 : i32, i32
  }
  func.func @transform_3(%arg0: i32) -> (i32, i32) {
    %c0_i32 = arith.constant 0 : i32
    %c0_i32_0 = arith.constant 0 : i32
    %c0_i32_1 = arith.constant 0 : i32
    return %c0_i32, %c0_i32_0 : i32, i32
  }
  func.func @transform_4(%arg0: i32) -> (i32, i32) {
    %c0_i32 = arith.constant 0 : i32
    %c0_i32_0 = arith.constant 0 : i32
    return %c0_i32, %arg0 : i32, i32
  }
  func.func @transform_5(%arg0: i32) -> (i32, i32) {
    %c0_i32 = arith.constant 0 : i32
    %c0_i32_0 = arith.constant 0 : i32
    %c0_i32_1 = arith.constant 0 : i32
    return %c0_i32, %c0_i32_0 : i32, i32
  }
  func.func @transform_6(%arg0: i32) -> (i32, i32) {
    %c0_i32 = arith.constant 0 : i32
    %c0_i32_0 = arith.constant 0 : i32
    %c0_i32_1 = arith.constant 0 : i32
    return %c0_i32, %c0_i32_0 : i32, i32
  }
  func.func @transform_7(%arg0: i32) -> (i32, i32) {
    %c0_i32 = arith.constant 0 : i32
    %c0_i32_0 = arith.constant 0 : i32
    %c0_i32_1 = arith.constant 0 : i32
    return %c0_i32, %c0_i32_0 : i32, i32
  }
}

</mosaic_0001>

<sc_bundles>
// kernel: kernel.11.cloned.1.call-start
scs
__scs_entry_jumppad:
0x0: {  	(pc) =	sbr.rel $0x88, $3  }
0x1: {  	(tag) =	ssettag $0x0;
	lr =	simm.s32 $0x1  }
0x2: {  	[smem:$0x3F98] =	sst lr;
	_ =	strace $0xD0000000  }
0x3: {  	_ = 	snop  }
0x4: {  	_ = 	snop  }
0x5: {  	_ = 	snop  }
0x6: {  	_ = 	snop  }
0x7: {  	_ = 	snop  }
__scs_overlays_trampoline_lowered:
0x8: {  	[smem:$0x3FA7] =	sst s0  }
0x9: {  	[smem:$0x3FA8] =	sst s1  }
0xa: {  	[smem:$0x3FA9] =	sst s2  }
0xb: {  	[smem:$0x3FAA] =	sst s3  }
0xc: {  	[smem:$0x3FAB] =	sst s4  }
0xd: {  	[smem:$0x3FAC] =	sst s5  }
0xe: {  	[smem:$0x3FAD] =	sst s6  }
0xf: {  	[smem:$0x3FAE] =	sst s7  }
0x10: {  	[smem:$0x3FAF] =	sst s8  }
0x11: {  	[smem:$0x3FB0] =	sst s9;
	s0 =	simm.s32 @!p0 $0x0  }
0x12: {  	s1 =	sld [smem:$0x3F96];
	s0 =	simm.s32 @p0 $0x1  }
0x13: {  	[smem:$0x3FB1] =	sst s0;
	s0 =	simm.s32 @!p1 $0x0  }
0x14: {  	s2 =	sld [smem:$0x3F95];
	s0 =	simm.s32 @p1 $0x1  }
0x15: {  	[smem:$0x3FB2] =	sst s0;
	s0 =	simm.s32 @!p2 $0x0  }
0x16: {  	s3 =	sld [smem:$0x3FDB];
	s0 =	simm.s32 @p2 $0x1  }
0x17: {  	s4 =	simm.s32 $0x1BF5;
	[smem:$0x3FB4] =	sst s0  }
0x18: {  	s0 =	sld [smem:$0x3F97];
	_ =	swait.ge [sflag:s4], $0x0  }
0x19: {  	s7 =	sld [smem:$0x3F98]  }
0x1a: {  	s8 =	sadd.s32 $0xFFFFE003, lr  }
0x1b: {  	s9 =	sadd.s32 $0xFFFFFEF7, lr;
	s5 =	simm.s32 $0xFFFFFFFF;
	p2 =	slt.u32 s8, $0xFFFFF086  }
0x1c: {  	p1 =	slt.u32 s9, $0xF7A;
	s5 =	simm.s32 @!p2 $0x0  }
0x1d: {  	s5 =	simm.s32 @p1 $0x1;
	p0 =	seq.s32 s7, s2  }
0x1e: {  	s7 =	smul.u32 @!p0 $0xF7A, s2;
	p2 =	seq.s32 @!p0 s5, $0x0  }
0x1f: {  	s9 =	smul.u32 $0xF7A, s1;
	s8 =	simm.s32 @!p0 $0x1BF5;
	p2 =	por !p2, p0  }
0x20: {  	[sflag:s8] =	ssyncset.s32 @!p0 $0xFFFFF086;
	s6 =	sadd.s32 @!p0 s3, s7;
	s7 =	simm.s32 @!p0 $0x108  }
0x21: {  	s3 =	sadd.s32 s3, s9;
	s6 =	sadd.s32 @!p0 $0x88, s6;
	s7 =	simm.s32 @p2 $0x1082  }
0x22: {  	[simem:s7], [sflag:s8] =	dma.local @!p0 [hbm:s6], $0xF7A  }
0x23: {  	s9 =	sor.u32 $0xD0000000, s2;
	s6 =	simm.s32 $0x108;
	_ =	swait.ge @!p0 [sflag:s8], $0x0  }
0x24: {  	s3 =	sadd.s32 $0x88, s3;
	s6 =	simm.s32 @!p1 $0x1082;
	[sflag:s4] =	ssyncset.s32 $0xFFFFF086  }
0x25: {  	[simem:s6], [sflag:s4] =	dma.local [hbm:s3], $0xF7A  }
0x26: {  	[smem:$0x3F98] =	sst s1;
	(tag) =	ssettag s2;
	_ =	strace s9  }
0x27: {  	s1 =	sld [smem:$0x3FA8]  }
0x28: {  	s2 =	sld [smem:$0x3FA9]  }
0x29: {  	s4 =	sld [smem:$0x3FAB]  }
0x2a: {  	p0 =	seq.s32 s5, $0x0;
	s5 =	sld [smem:$0x3FAC]  }
0x2b: {  	s6 =	sld [smem:$0x3FAD]  }
0x2c: {  	s7 =	sld [smem:$0x3FAE]  }
0x2d: {  	s3 =	simm.s32 $0x108;
	s8 =	sld [smem:$0x3FAF]  }
0x2e: {  	s3 =	simm.s32 @!p0 $0x1082;
	s9 =	sld [smem:$0x3FB0]  }
0x2f: {  	lr =	sadd.s32 s0, s3;
	s0 =	sld [smem:$0x3FA7]  }
0x30: {  	s3 =	sld [smem:$0x3FAA]  }
0x31: {  	[smem:$0x3FB3] =	sst s10  }
0x32: {  	s10 =	sld [smem:$0x3FB1];
	_ =	sdelay $0x3  }
0x33: {  	p0 =	seq.s32 s10, $0x1;
	s10 =	sld [smem:$0x3FB3];
	_ =	sdelay $0x3  }
0x34: {  	[smem:$0x3FB3] =	sst s10  }
0x35: {  	s10 =	sld [smem:$0x3FB2];
	_ =	sdelay $0x3  }
0x36: {  	p1 =	seq.s32 s10, $0x1;
	s10 =	sld [smem:$0x3FB3];
	_ =	sdelay $0x3  }
0x37: {  	[smem:$0x3FB3] =	sst s10  }
0x38: {  	s10 =	sld [smem:$0x3FB4]  }
0x39: {  	_ = 	snop;
	(pc) =	sbr.ind lr, $3  }
0x3a: {  	_ = 	snop  }
0x3b: {  	_ = 	snop  }
0x3c: {  	p2 =	seq.s32 s10, $0x1;
	s10 =	sld [smem:$0x3FB3]  }
0x3d: {  	_ =	shalt  }
0x3e: {  	_ =	shalt  }
0x3f: {  	_ =	shalt  }
0x40: {  	_ =	shalt  }
0x41: {  	_ =	shalt  }
0x42: {  	_ =	shalt  }
0x43: {  	_ =	shalt  }
0x44: {  	_ =	shalt  }
0x45: {  	_ =	shalt  }
0x46: {  	_ =	shalt  }
0x47: {  	_ =	shalt  }
0x48: {  	_ =	shalt  }
0x49: {  	_ =	shalt  }
0x4a: {  	_ =	shalt  }
0x4b: {  	_ =	shalt  }
0x4c: {  	_ =	shalt  }
0x4d: {  	_ =	shalt  }
0x4e: {  	_ =	shalt  }
0x4f: {  	_ =	shalt  }
0x50: {  	_ =	shalt  }
0x51: {  	_ =	shalt  }
0x52: {  	_ =	shalt  }
0x53: {  	_ =	shalt  }
0x54: {  	_ =	shalt  }
0x55: {  	_ =	shalt  }
0x56: {  	_ =	shalt  }
0x57: {  	_ =	shalt  }
0x58: {  	_ =	shalt  }
0x59: {  	_ =	shalt  }
0x5a: {  	_ =	shalt  }
0x5b: {  	_ =	shalt  }
0x5c: {  	_ =	shalt  }
0x5d: {  	_ =	shalt  }
0x5e: {  	_ =	shalt  }
0x5f: {  	_ =	shalt  }
0x60: {  	_ =	shalt  }
0x61: {  	_ =	shalt  }
0x62: {  	_ =	shalt  }
0x63: {  	_ =	shalt  }
0x64: {  	_ =	shalt  }
0x65: {  	_ =	shalt  }
0x66: {  	_ =	shalt  }
0x67: {  	_ =	shalt  }
0x68: {  	_ =	shalt  }
0x69: {  	_ =	shalt  }
0x6a: {  	_ =	shalt  }
0x6b: {  	_ =	shalt  }
0x6c: {  	_ =	shalt  }
0x6d: {  	_ =	shalt  }
0x6e: {  	_ =	shalt  }
0x6f: {  	_ =	shalt  }
0x70: {  	_ =	shalt  }
0x71: {  	_ =	shalt  }
0x72: {  	_ =	shalt  }
0x73: {  	_ =	shalt  }
0x74: {  	_ =	shalt  }
0x75: {  	_ =	shalt  }
0x76: {  	_ =	shalt  }
0x77: {  	_ =	shalt  }
0x78: {  	_ =	shalt  }
0x79: {  	_ =	shalt  }
0x7a: {  	_ =	shalt  }
0x7b: {  	_ =	shalt  }
0x7c: {  	_ =	shalt  }
0x7d: {  	_ =	shalt  }
0x7e: {  	_ =	shalt  }
0x7f: {  	_ =	shalt  }
0x80: {  	_ =	shalt  }
0x81: {  	_ =	shalt  }
0x82: {  	_ =	shalt  }
0x83: {  	_ =	shalt  }
0x84: {  	_ =	shalt  }
0x85: {  	_ =	shalt  }
0x86: {  	_ =	shalt  }
0x87: {  	_ =	shalt  }
.Lfunc_end0:
.L_simem_size_0:
called_computation.1_lowered:
.L_overlay_start_0:
0x88: {  	s2 =	sld [smem:$0x3FD9]  }
0x89: {  	s3 =	sld [smem:$0x3FFE];
	_ =	sdelay $0x1  }
0x8a: {  	s1 =	srdreg.scid  }
0x8b: {  	s0 =	sand.u32 $0x1, s1  }
0x8c: {  	s16 =	sshll.u32 s0, $0xA;
	s2 =	sadd.s32 s3, s2  }
0x8d: {  	s2 =	sadd.s32 s2, s16  }
0x8e: {  	[smem:$0x3FBF] =	sst s2  }
0x8f: {  	_ = 	snop  }
0x90: {  	(tm) =	ssettm $0x1  }
0x91: {  	s17 =	sld [smem:$0x3FFB];
	_ =	sdelay $0x3  }
0x92: {  	_ =	strace s17  }
0x93: {  	s2 =	sld [smem:$0x3FFC];
	_ =	sdelay $0x3  }
0x94: {  	_ =	strace s2  }
0x95: {  	s2 =	sld [smem:$0x3FFD];
	_ =	sdelay $0x3  }
0x96: {  	_ =	strace s2  }
0x97: {  	_ =	strace $0x8FFFFFFF  }
0x98: {  	s18 =	sld [smem:$0x3FDB];
	_ =	sdelay $0x1  }
0x99: {  	s19 =	simm.s32 $_scs_section_size  }
0x9a: {  	s4 =	simm.s32 $_size__tile_overlayer_lowered;
	s5 =	simm.s32 $_tile_overlayer_lowered  }
0x9b: {  	s22 =	simm.s32 $0x1BFF;
	s21 =	sshll.u32 s5, $0x1;
	s2 =	sadd.s32 s19, s18  }
0x9c: {  	s6 =	simm.s32 $0x0;
	s20 =	sshll.u32 s4, $0x1;
	s4 =	sadd.s32 s21, s2  }
0x9d: {  	[timem:s6], [sflag:s22] =	dma.local [hbm:s4], s20  }
0x9e: {  	_ =	swait.ge [sflag:s22], s20  }
0x9f: {  	s3 =	ssub.s32 $0x0, s20;
	[sflag:s22] =	ssyncset.done $0x0  }
0xa0: {  	[sflag:s22] =	ssyncadd.s32 s3;
	_ =	sdelay $0x1  }
0xa1: {  	s23 =	simm.s32 $0x1B8B  }
0xa2: {  	_ =	swait.ge [sflag:s23], $0x1  }
0xa3: {  	[sflag:s23] =	ssyncset.done $0x0  }
0xa4: {  	s25 =	simm.s32 $0x1B8E;
	s24 =	sld [smem:$0x3FFE];
	[sflag:s23] =	ssyncadd.s32 $0xFFFFFFFF  }
0xa5: {  	s26 =	simm.s32 $execute0_lowered;
	[smem:$0x3FD2] =	sst s25  }
0xa6: {  	s4 =	sshll.u32 s26, $0x1;
	_ =	strace $0x80000049;
	[dreg:$0x1] =	wrdreg $0xFFFFFFFF  }
0xa7: {  	s28 =	simm.s32 $_size_execute0_lowered;
	s2 =	sadd.s32 s2, s4;
	[dreg:$0x0] =	wrdreg $0x0  }
0xa8: {  	s4 =	sshll.u32 s28, $0x1;
	[dreg:$0x2] =	wrdreg s2  }
0xa9: {  	[dreg:$0x3] =	wrdreg s4  }
0xaa: {  	[dreg:$0x4] =	wrdreg $0xC0  }
0xab: {  	_ =	task [dreg:s6], $0x5FFFF  }
0xac: {  	[dreg:$0x1] =	wrdreg $0xFFFFFFFF  }
0xad: {  	[dreg:$0x0] =	wrdreg $0x60  }
0xae: {  	[dreg:$0x2] =	wrdreg s24  }
0xaf: {  	[dreg:$0x3] =	wrdreg $0x28000  }
0xb0: {  	[dreg:$0x4] =	wrdreg $0x9  }
0xb1: {  	_ =	task.clear_ibuf [dreg:s6], $0x5FFFF;
	_ =	strace $0x90000049  }
0xb2: {  	s29 =	simm.s32 $0x9;
	_ =	strace $0x8000004B  }
0xb3: {  	_ =	swait.ge [sflag:s29], $0x1  }
0xb4: {  	[sflag:s29] =	ssyncadd.s32 $0xFFFFFFFF  }
0xb5: {  	_ =	strace $0x9000004B  }
0xb6: {  	_ =	sfence  }
0xb7: {  	s30 =	sld [smem:$0x0];
	_ =	sdelay $0x2  }
0xb8: {  	s31 =	sshll.u32 s1, $0xD;
	s1 =	sshrl.u32 s1, $0x2  }
0xb9: {  	s3 =	sand.u32 $0x4000, s31;
	s1 =	sadd.s32 s1, s30  }
0xba: {  	s0 =	sor.u32 s3, s0;
	s1 =	sshll.u32 s1, $0x11  }
0xbb: {  	s0 =	sor.u32 s1, s0  }
0xbc: {  	s0 =	sadd.s32 $0x8F2B, s0  }
0xbd: {  	[sflag:s0] =	ssyncadd.remote.s32 $0x1  }
0xbe: {  	_ =	sfence.sel $0xFFFF  }
0xbf: {  	[dreg:$0x0] =	wrdreg $0xFFFFFFFF;
	(pc) =	sbr.abs _section_cstart, $3  }
0xc0: {  	[dreg:$0x1] =	wrdreg $0xFFFFFFFF  }
0xc1: {  	_ =	task.clear_ibuf [dreg:s6], $0x2FFFF;
	_ =	strace $0x9FFFFFFF  }
0xc2: {  	(tm) =	ssettm $0x7FFFFFFF  }
0xc3: {  	_ =	shalt  }
tec
execute0_lowered:
.L_overlay_start_1:
0x0: {  	(tag) =	ssettag $0x1  }
0x1: {  	s0 =	rddreg [dreg:$0x0]  }
0x2: {  	s2 =	rddreg [dreg:$0x1]  }
0x3: {  	s10 =	stileid.u32;
	s3 =	simm.s32 $0x0;
	s1 =	srdreg.scid  }
0x4: {  	s11 =	simm.s32 $0x80;
	s12 =	simm.s32 $0x800;
	s24 =	simm.s32 $0x100  }
0x5: {  	s13 =	simm.s32 $0xC00;
	s25 =	simm.s32 $0x200;
	s14 =	simm.s32 $0x1000  }
0x6: {  	s26 =	simm.s32 $0x300;
	s15 =	simm.s32 $0x1400;
	s16 =	simm.s32 $0x400  }
0x7: {  	s17 =	simm.s32 $0x1800;
	s19 =	simm.s32 $0x1C00;
	s20 =	simm.s32 $0x600  }
0x8: {  	s28 =	simm.s32 $0x380;
	s29 =	simm.s32 $0x2;
	s30 =	simm.s32 $0x480  }
0x9: {  	s31 =	simm.s32 $0x580;
	s4 =	smul.u32 $0x6200, s10;
	[smem:$0x7FF] =	sst s3  }
0xa: {  	s1 =	sand.u32 $0x1, s1;
	s6 =	smul.u32 $0xC400, s10;
	s21 =	sshll.u32 s10, $0x6  }
0xb: {  	s10 =	simm.s32 $0x4;
	_ =	strace $0x8000004A;
	[dreg:$0x4] =	wrdreg s24  }
0xc: {  	p0 =	seq.s32 s1, $0x0;
	s7 =	smul.u32 $0xC4000, s1;
	[dreg:$0x5] =	wrdreg s25  }
0xd: {  	s1 =	ssub.s32 $0x2, s1;
	[dreg:$0x6] =	wrdreg s26;
	s24 =	simm.s32 $0x1  }
0xe: {  	s25 =	simm.s32 $0x180;
	s26 =	simm.s32 $0x280;
	s5 =	sadd.s32 $0x62000, s4  }
0xf: {  	s8 =	sshrl.u32 s6, $0x3;
	s9 =	sshrl.u32 s1, $0x1;
	s5 =	smov.u32 @p0 s4  }
0x10: {  	s4 =	sadd.s32 $0xDF200, s0;
	s7 =	sadd.s32 s6, s7;
	s8 =	sadd.s32 s8, s0  }
0x11: {  	s1 =	ssub.s32 s1, s9;
	s6 =	sadd.s32 s6, s2;
	s9 =	simm.s32 $0x0  }
0x12: {  	s5 =	sadd.s32 s5, s0;
	s7 =	sshrl.u32 s7, $0x3;
	s8 =	sadd.s32 $0xC6A00, s8  }
0x13: {  	s22 =	smax.u32 s1, $0x1;
	s1 =	simm.s32 $0x780;
	[dreg:$0x7] =	wrdreg s8  }
0x14: {  	s0 =	sadd.s32 s7, s0;
	[dreg:$0xa] =	wrdreg s22;
	s23 =	sadd.s32 $0x110400, s5  }
0x15: {  	s7 =	sor.u32 $0x1C04, s21;
	s8 =	sshrl.u32 s6, $0x3;
	[dreg:$0x3] =	wrdreg s23  }
0x16: {  	s21 =	simm.s32 $0x2000;
	s22 =	simm.s32 $0x700;
	[dreg:$0x8] =	wrdreg s7  }
0x17: {  	s5 =	simm.s32 $0x3;
	s0 =	sadd.s32 $0x2E00, s0;
	[dreg:$0xb] =	wrdreg s8  }
0x18: {  	s23 =	simm.s32 $0x2400;
	[dreg:$0x9] =	wrdreg s0;
	s0 =	simm.s32 $0x680  }
.LBB2_1:
0x19: {  	[dreg:$0xc] =	wrdreg s9  }
0x1a: {  	s6 =	rddreg [dreg:$0x7]  }
0x1b: {  	[spmem:s8], [sflag:s7] =	dma.local [hbm:s6], $0x1880  }
0x1c: {  	_ =	swait.ge [sflag:s10], $0x1880  }
0x1d: {  	[sflag:s10] =	ssyncset.done $0x0  }
0x1e: {  	[sflag:s10] =	ssyncadd.s32 $0xFFFFE780  }
0x1f: {  	[bflag:$0x0] =	sbarrier.arrive $0xFFFF  }
0x20: {  	s8 =	rddreg [dreg:$0x3]  }
0x21: {  	s6 =	sadd.s32 $0x0, s8  }
0x22: {  	[tilespmem:s3], [sflag:$0x4] =	stream.linear.gather [hbm4b:s6+s3], $0x400, $0x38;
	[tilespmem:$0xEC00] =	vst v63  }
0x23: {  	_ =	swait.ge [sflag:s10], $0x400  }
0x24: {  	[sflag:s10] =	ssyncset.done $0x0  }
0x25: {  	[sflag:s10] =	ssyncadd.s32 $0xFFFFFC00  }
0x26: {  	[tilespmem:s12], [sflag:$0x1] =	stream.indirect.gather [hbm4b:s4+s11], $0x8, s3, s11, $0xb8;
	[tilespmem:$0xEC00] =	vst v63  }
0x27: {  	s9 =	rddreg [dreg:$0x4]  }
0x28: {  	[tilespmem:s13], [sflag:$0x1] =	stream.indirect.gather [hbm4b:s4+s11], $0x8, s9, s11, $0xb8;
	[tilespmem:$0xEC00] =	vst v63  }
0x29: {  	s18 =	rddreg [dreg:$0x5]  }
0x2a: {  	[tilespmem:s14], [sflag:$0x1] =	stream.indirect.gather [hbm4b:s4+s11], $0x8, s18, s11, $0xb8;
	[tilespmem:$0xEC00] =	vst v63  }
0x2b: {  	s7 =	rddreg [dreg:$0x6]  }
0x2c: {  	[tilespmem:s15], [sflag:$0x1] =	stream.indirect.gather [hbm4b:s4+s11], $0x8, s7, s11, $0xb8;
	[tilespmem:$0xEC00] =	vst v63  }
0x2d: {  	s6 =	sadd.s32 $0x80, s6  }
0x2e: {  	[tilespmem:s16], [sflag:$0x4] =	stream.linear.gather [hbm4b:s6+s3], $0x400, $0x38;
	[tilespmem:$0xEC00] =	vst v63  }
0x2f: {  	_ =	swait.ge [sflag:s10], $0x400  }
0x30: {  	[sflag:s10] =	ssyncset.done $0x0  }
0x31: {  	[sflag:s10] =	ssyncadd.s32 $0xFFFFFC00  }
0x32: {  	[tilespmem:s17], [sflag:$0x2] =	stream.indirect.gather [hbm4b:s4+s11], $0x8, s16, s11, $0xb8;
	[tilespmem:$0xEC00] =	vst v63  }
0x33: {  	s18 =	simm.s32 $0x500  }
0x34: {  	[tilespmem:s19], [sflag:$0x2] =	stream.indirect.gather [hbm4b:s4+s11], $0x8, s18, s11, $0xb8;
	[tilespmem:$0xEC00] =	vst v63  }
0x35: {  	_ = 	snop  }
0x36: {  	[tilespmem:s21], [sflag:$0x2] =	stream.indirect.gather [hbm4b:s4+s11], $0x8, s20, s11, $0xb8;
	[tilespmem:$0xEC00] =	vst v63  }
0x37: {  	_ = 	snop  }
0x38: {  	[tilespmem:s23], [sflag:$0x2] =	stream.indirect.gather [hbm4b:s4+s11], $0x8, s22, s11, $0xb8;
	[tilespmem:$0xEC00] =	vst v63  }
0x39: {  	_ =	swait.ge [sflag:s24], $0x400  }
0x3a: {  	[sflag:s24] =	ssyncset.done $0x0  }
0x3b: {  	[sflag:s24] =	ssyncadd.s32 $0xFFFFFC00  }
0x3c: {  	_ =	swait.ge [sflag:s24], $0x400  }
0x3d: {  	[sflag:s24] =	ssyncset.done $0x0  }
0x3e: {  	[sflag:s24] =	ssyncadd.s32 $0xFFFFFC00  }
0x3f: {  	_ =	swait.ge [sflag:s24], $0x400  }
0x40: {  	[sflag:s24] =	ssyncset.done $0x0  }
0x41: {  	[sflag:s24] =	ssyncadd.s32 $0xFFFFFC00  }
0x42: {  	_ =	swait.ge [sflag:s24], $0x400  }
0x43: {  	[sflag:s24] =	ssyncset.done $0x0  }
0x44: {  	[sflag:s24] =	ssyncadd.s32 $0xFFFFFC00  }
0x45: {  	[spmem:s2] =	stream.indirect.scatter.add.f32 [tilespmem:s12], [sflag:$0x3], $0x8, s11, s11, $0xb8;
	[tilespmem:$0xEC00] =	vst v63  }
0x46: {  	_ = 	snop  }
0x47: {  	[spmem:s2] =	stream.indirect.scatter.add.f32 [tilespmem:s13], [sflag:$0x3], $0x8, s25, s11, $0xb8;
	[tilespmem:$0xEC00] =	vst v63  }
0x48: {  	_ = 	snop  }
0x49: {  	[spmem:s2] =	stream.indirect.scatter.add.f32 [tilespmem:s14], [sflag:$0x3], $0x8, s26, s11, $0xb8;
	[tilespmem:$0xEC00] =	vst v63  }
0x4a: {  	_ = 	snop  }
0x4b: {  	[spmem:s2] =	stream.indirect.scatter.add.f32 [tilespmem:s15], [sflag:$0x3], $0x8, s28, s11, $0xb8;
	[tilespmem:$0xEC00] =	vst v63  }
0x4c: {  	_ =	swait.ge [sflag:s29], $0x400  }
0x4d: {  	[sflag:s29] =	ssyncset.done $0x0  }
0x4e: {  	[sflag:s29] =	ssyncadd.s32 $0xFFFFFC00  }
0x4f: {  	_ =	swait.ge [sflag:s29], $0x400  }
0x50: {  	[sflag:s29] =	ssyncset.done $0x0  }
0x51: {  	[sflag:s29] =	ssyncadd.s32 $0xFFFFFC00  }
0x52: {  	_ =	swait.ge [sflag:s29], $0x400  }
0x53: {  	[sflag:s29] =	ssyncset.done $0x0  }
0x54: {  	[sflag:s29] =	ssyncadd.s32 $0xFFFFFC00  }
0x55: {  	_ =	swait.ge [sflag:s29], $0x400  }
0x56: {  	[sflag:s29] =	ssyncset.done $0x0  }
0x57: {  	[sflag:s29] =	ssyncadd.s32 $0xFFFFFC00  }
0x58: {  	[spmem:s2] =	stream.indirect.scatter.add.f32 [tilespmem:s17], [sflag:$0x3], $0x8, s30, s11, $0xb8;
	[tilespmem:$0xEC00] =	vst v63  }
0x59: {  	_ = 	snop  }
0x5a: {  	[spmem:s2] =	stream.indirect.scatter.add.f32 [tilespmem:s19], [sflag:$0x3], $0x8, s31, s11, $0xb8;
	[tilespmem:$0xEC00] =	vst v63  }
0x5b: {  	_ = 	snop  }
0x5c: {  	[spmem:s2] =	stream.indirect.scatter.add.f32 [tilespmem:s21], [sflag:$0x3], $0x8, s0, s11, $0xb8;
	[tilespmem:$0xEC00] =	vst v63  }
0x5d: {  	_ = 	snop  }
0x5e: {  	[spmem:s2] =	stream.indirect.scatter.add.f32 [tilespmem:s23], [sflag:$0x3], $0x8, s1, s11, $0xb8;
	[tilespmem:$0xEC00] =	vst v63  }
0x5f: {  	_ =	swait.ge [sflag:s5], $0x400  }
0x60: {  	[sflag:s5] =	ssyncset.done $0x0  }
0x61: {  	[sflag:s5] =	ssyncadd.s32 $0xFFFFFC00  }
0x62: {  	_ =	swait.ge [sflag:s5], $0x400  }
0x63: {  	[sflag:s5] =	ssyncset.done $0x0  }
0x64: {  	[sflag:s5] =	ssyncadd.s32 $0xFFFFFC00  }
0x65: {  	_ =	swait.ge [sflag:s5], $0x400  }
0x66: {  	[sflag:s5] =	ssyncset.done $0x0  }
0x67: {  	[sflag:s5] =	ssyncadd.s32 $0xFFFFFC00  }
0x68: {  	_ =	swait.ge [sflag:s5], $0x400  }
0x69: {  	[sflag:s5] =	ssyncset.done $0x0  }
0x6a: {  	[sflag:s5] =	ssyncadd.s32 $0xFFFFFC00  }
0x6b: {  	_ =	swait.ge [sflag:s5], $0x400  }
0x6c: {  	[sflag:s5] =	ssyncset.done $0x0  }
0x6d: {  	[sflag:s5] =	ssyncadd.s32 $0xFFFFFC00  }
0x6e: {  	_ =	swait.ge [sflag:s5], $0x400  }
0x6f: {  	[sflag:s5] =	ssyncset.done $0x0  }
0x70: {  	[sflag:s5] =	ssyncadd.s32 $0xFFFFFC00  }
0x71: {  	_ =	swait.ge [sflag:s5], $0x400  }
0x72: {  	[sflag:s5] =	ssyncset.done $0x0  }
0x73: {  	[sflag:s5] =	ssyncadd.s32 $0xFFFFFC00  }
0x74: {  	s8 =	simm.s32 $0x100;
	_ =	swait.ge [sflag:s5], $0x400  }
0x75: {  	s6 =	simm.s32 $0x200;
	s9 =	rddreg [dreg:$0x3];
	[sflag:s5] =	ssyncset.done $0x0  }
.LBB2_2:
0x76: {  	[sflag:s5] =	ssyncadd.s32 $0xFFFFFC00;
	s9 =	sadd.s32 s8, s9  }
0x77: {  	[tilespmem:s3], [sflag:$0x4] =	stream.linear.gather [hbm4b:s9+s3], $0x400, $0x38;
	[tilespmem:$0xEC00] =	vst v63  }
0x78: {  	_ =	swait.ge [sflag:s10], $0x400  }
0x79: {  	[sflag:s10] =	ssyncset.done $0x0  }
0x7a: {  	s7 =	smov.u32 s6;
	[sflag:s10] =	ssyncadd.s32 $0xFFFFFC00  }
0x7b: {  	[tilespmem:s12], [sflag:$0x1] =	stream.indirect.gather [hbm4b:s4+s11], $0x8, s3, s11, $0xb8;
	[tilespmem:$0xEC00] =	vst v63  }
0x7c: {  	s8 =	smov.u32 s7;
	s7 =	rddreg [dreg:$0x4]  }
0x7d: {  	[tilespmem:s13], [sflag:$0x1] =	stream.indirect.gather [hbm4b:s4+s11], $0x8, s7, s11, $0xb8;
	[tilespmem:$0xEC00] =	vst v63  }
0x7e: {  	s18 =	rddreg [dreg:$0x5]  }
0x7f: {  	[tilespmem:s14], [sflag:$0x1] =	stream.indirect.gather [hbm4b:s4+s11], $0x8, s18, s11, $0xb8;
	[tilespmem:$0xEC00] =	vst v63  }
0x80: {  	s7 =	rddreg [dreg:$0x6]  }
0x81: {  	[tilespmem:s15], [sflag:$0x1] =	stream.indirect.gather [hbm4b:s4+s11], $0x8, s7, s11, $0xb8;
	[tilespmem:$0xEC00] =	vst v63  }
0x82: {  	s9 =	sadd.s32 $0x80, s9  }
0x83: {  	[tilespmem:s16], [sflag:$0x4] =	stream.linear.gather [hbm4b:s9+s3], $0x400, $0x38;
	[tilespmem:$0xEC00] =	vst v63  }
0x84: {  	_ =	swait.ge [sflag:s10], $0x400  }
0x85: {  	[sflag:s10] =	ssyncset.done $0x0  }
0x86: {  	[sflag:s10] =	ssyncadd.s32 $0xFFFFFC00  }
0x87: {  	[tilespmem:s17], [sflag:$0x2] =	stream.indirect.gather [hbm4b:s4+s11], $0x8, s16, s11, $0xb8;
	[tilespmem:$0xEC00] =	vst v63  }
0x88: {  	s18 =	simm.s32 $0x500  }
0x89: {  	[tilespmem:s19], [sflag:$0x2] =	stream.indirect.gather [hbm4b:s4+s11], $0x8, s18, s11, $0xb8;
	[tilespmem:$0xEC00] =	vst v63  }
0x8a: {  	_ = 	snop  }
0x8b: {  	[tilespmem:s21], [sflag:$0x2] =	stream.indirect.gather [hbm4b:s4+s11], $0x8, s20, s11, $0xb8;
	[tilespmem:$0xEC00] =	vst v63  }
0x8c: {  	_ = 	snop  }
0x8d: {  	[tilespmem:s23], [sflag:$0x2] =	stream.indirect.gather [hbm4b:s4+s11], $0x8, s22, s11, $0xb8;
	[tilespmem:$0xEC00] =	vst v63  }
0x8e: {  	_ =	swait.ge [sflag:s24], $0x400  }
0x8f: {  	[sflag:s24] =	ssyncset.done $0x0  }
0x90: {  	[sflag:s24] =	ssyncadd.s32 $0xFFFFFC00  }
0x91: {  	_ =	swait.ge [sflag:s24], $0x400  }
0x92: {  	[sflag:s24] =	ssyncset.done $0x0  }
0x93: {  	[sflag:s24] =	ssyncadd.s32 $0xFFFFFC00  }
0x94: {  	_ =	swait.ge [sflag:s24], $0x400  }
0x95: {  	[sflag:s24] =	ssyncset.done $0x0  }
0x96: {  	[sflag:s24] =	ssyncadd.s32 $0xFFFFFC00  }
0x97: {  	_ =	swait.ge [sflag:s24], $0x400  }
0x98: {  	[sflag:s24] =	ssyncset.done $0x0  }
0x99: {  	[sflag:s24] =	ssyncadd.s32 $0xFFFFFC00  }
0x9a: {  	[spmem:s2] =	stream.indirect.scatter.add.f32 [tilespmem:s12], [sflag:$0x3], $0x8, s11, s11, $0xb8;
	[tilespmem:$0xEC00] =	vst v63  }
0x9b: {  	_ = 	snop  }
0x9c: {  	[spmem:s2] =	stream.indirect.scatter.add.f32 [tilespmem:s13], [sflag:$0x3], $0x8, s25, s11, $0xb8;
	[tilespmem:$0xEC00] =	vst v63  }
0x9d: {  	_ = 	snop  }
0x9e: {  	[spmem:s2] =	stream.indirect.scatter.add.f32 [tilespmem:s14], [sflag:$0x3], $0x8, s26, s11, $0xb8;
	[tilespmem:$0xEC00] =	vst v63  }
0x9f: {  	_ = 	snop  }
0xa0: {  	[spmem:s2] =	stream.indirect.scatter.add.f32 [tilespmem:s15], [sflag:$0x3], $0x8, s28, s11, $0xb8;
	[tilespmem:$0xEC00] =	vst v63  }
0xa1: {  	_ =	swait.ge [sflag:s29], $0x400  }
0xa2: {  	[sflag:s29] =	ssyncset.done $0x0  }
0xa3: {  	[sflag:s29] =	ssyncadd.s32 $0xFFFFFC00  }
0xa4: {  	_ =	swait.ge [sflag:s29], $0x400  }
0xa5: {  	[sflag:s29] =	ssyncset.done $0x0  }
0xa6: {  	[sflag:s29] =	ssyncadd.s32 $0xFFFFFC00  }
0xa7: {  	_ =	swait.ge [sflag:s29], $0x400  }
0xa8: {  	[sflag:s29] =	ssyncset.done $0x0  }
0xa9: {  	[sflag:s29] =	ssyncadd.s32 $0xFFFFFC00  }
0xaa: {  	_ =	swait.ge [sflag:s29], $0x400  }
0xab: {  	[sflag:s29] =	ssyncset.done $0x0  }
0xac: {  	[sflag:s29] =	ssyncadd.s32 $0xFFFFFC00  }
0xad: {  	[spmem:s2] =	stream.indirect.scatter.add.f32 [tilespmem:s17], [sflag:$0x3], $0x8, s30, s11, $0xb8;
	[tilespmem:$0xEC00] =	vst v63  }
0xae: {  	_ = 	snop  }
0xaf: {  	[spmem:s2] =	stream.indirect.scatter.add.f32 [tilespmem:s19], [sflag:$0x3], $0x8, s31, s11, $0xb8;
	[tilespmem:$0xEC00] =	vst v63  }
0xb0: {  	_ = 	snop  }
0xb1: {  	[spmem:s2] =	stream.indirect.scatter.add.f32 [tilespmem:s21], [sflag:$0x3], $0x8, s0, s11, $0xb8;
	[tilespmem:$0xEC00] =	vst v63  }
0xb2: {  	_ = 	snop  }
0xb3: {  	[spmem:s2] =	stream.indirect.scatter.add.f32 [tilespmem:s23], [sflag:$0x3], $0x8, s1, s11, $0xb8;
	[tilespmem:$0xEC00] =	vst v63  }
0xb4: {  	_ =	swait.ge [sflag:s5], $0x400  }
0xb5: {  	[sflag:s5] =	ssyncset.done $0x0  }
0xb6: {  	[sflag:s5] =	ssyncadd.s32 $0xFFFFFC00  }
0xb7: {  	_ =	swait.ge [sflag:s5], $0x400  }
0xb8: {  	[sflag:s5] =	ssyncset.done $0x0  }
0xb9: {  	[sflag:s5] =	ssyncadd.s32 $0xFFFFFC00  }
0xba: {  	_ =	swait.ge [sflag:s5], $0x400  }
0xbb: {  	[sflag:s5] =	ssyncset.done $0x0  }
0xbc: {  	[sflag:s5] =	ssyncadd.s32 $0xFFFFFC00  }
0xbd: {  	_ =	swait.ge [sflag:s5], $0x400  }
0xbe: {  	[sflag:s5] =	ssyncset.done $0x0  }
0xbf: {  	[sflag:s5] =	ssyncadd.s32 $0xFFFFFC00  }
0xc0: {  	_ =	swait.ge [sflag:s5], $0x400  }
0xc1: {  	[sflag:s5] =	ssyncset.done $0x0  }
0xc2: {  	[sflag:s5] =	ssyncadd.s32 $0xFFFFFC00  }
0xc3: {  	_ =	swait.ge [sflag:s5], $0x400  }
0xc4: {  	[sflag:s5] =	ssyncset.done $0x0  }
0xc5: {  	p0 =	sne.s32 s6, $0x6100;
	[sflag:s5] =	ssyncadd.s32 $0xFFFFFC00  }
.Ltmp0:
0xc6: {  	_ =	swait.ge [sflag:s5], $0x400;
	(pc) =	sbr.rel @p0 .LBB2_2-.Ltmp0, $4  }
0xc7: {  	[sflag:s5] =	ssyncset.done $0x0  }
0xc8: {  	[sflag:s5] =	ssyncadd.s32 $0xFFFFFC00  }
0xc9: {  	_ =	swait.ge [sflag:s5], $0x400  }
0xca: {  	s6 =	sadd.s32 $0x100, s6;
	s9 =	rddreg [dreg:$0x3];
	[sflag:s5] =	ssyncset.done $0x0  }
0xcb: {  	[sflag:s5] =	ssyncadd.s32 $0xFFFFFC00;
	s6 =	sadd.s32 s8, s9  }
0xcc: {  	[tilespmem:s3], [sflag:$0x4] =	stream.linear.gather [hbm4b:s6+s3], $0x400, $0x38;
	[tilespmem:$0xEC00] =	vst v63  }
0xcd: {  	_ =	swait.ge [sflag:s10], $0x400  }
0xce: {  	[sflag:s10] =	ssyncset.done $0x0  }
0xcf: {  	[sflag:s10] =	ssyncadd.s32 $0xFFFFFC00  }
0xd0: {  	[tilespmem:s12], [sflag:$0x1] =	stream.indirect.gather [hbm4b:s4+s11], $0x8, s3, s11, $0xb8;
	[tilespmem:$0xEC00] =	vst v63  }
0xd1: {  	s7 =	rddreg [dreg:$0x4]  }
0xd2: {  	[tilespmem:s13], [sflag:$0x1] =	stream.indirect.gather [hbm4b:s4+s11], $0x8, s7, s11, $0xb8;
	[tilespmem:$0xEC00] =	vst v63  }
0xd3: {  	s9 =	rddreg [dreg:$0x5]  }
0xd4: {  	[tilespmem:s14], [sflag:$0x1] =	stream.indirect.gather [hbm4b:s4+s11], $0x8, s9, s11, $0xb8;
	[tilespmem:$0xEC00] =	vst v63  }
0xd5: {  	s18 =	rddreg [dreg:$0x6]  }
0xd6: {  	[tilespmem:s15], [sflag:$0x1] =	stream.indirect.gather [hbm4b:s4+s11], $0x8, s18, s11, $0xb8;
	[tilespmem:$0xEC00] =	vst v63  }
0xd7: {  	s6 =	sadd.s32 $0x80, s6  }
0xd8: {  	[tilespmem:s16], [sflag:$0x4] =	stream.linear.gather [hbm4b:s6+s3], $0x400, $0x38;
	[tilespmem:$0xEC00] =	vst v63  }
0xd9: {  	_ =	swait.ge [sflag:s10], $0x400  }
0xda: {  	[sflag:s10] =	ssyncset.done $0x0  }
0xdb: {  	[sflag:s10] =	ssyncadd.s32 $0xFFFFFC00  }
0xdc: {  	[tilespmem:s17], [sflag:$0x2] =	stream.indirect.gather [hbm4b:s4+s11], $0x8, s16, s11, $0xb8;
	[tilespmem:$0xEC00] =	vst v63  }
0xdd: {  	s9 =	simm.s32 $0x500  }
0xde: {  	[tilespmem:s19], [sflag:$0x2] =	stream.indirect.gather [hbm4b:s4+s11], $0x8, s9, s11, $0xb8;
	[tilespmem:$0xEC00] =	vst v63  }
0xdf: {  	_ = 	snop  }
0xe0: {  	[tilespmem:s21], [sflag:$0x2] =	stream.indirect.gather [hbm4b:s4+s11], $0x8, s20, s11, $0xb8;
	[tilespmem:$0xEC00] =	vst v63  }
0xe1: {  	_ = 	snop  }
0xe2: {  	[tilespmem:s23], [sflag:$0x2] =	stream.indirect.gather [hbm4b:s4+s11], $0x8, s22, s11, $0xb8;
	[tilespmem:$0xEC00] =	vst v63  }
0xe3: {  	_ =	swait.ge [sflag:s24], $0x400  }
0xe4: {  	[sflag:s24] =	ssyncset.done $0x0  }
0xe5: {  	[sflag:s24] =	ssyncadd.s32 $0xFFFFFC00  }
0xe6: {  	_ =	swait.ge [sflag:s24], $0x400  }
0xe7: {  	[sflag:s24] =	ssyncset.done $0x0  }
0xe8: {  	[sflag:s24] =	ssyncadd.s32 $0xFFFFFC00  }
0xe9: {  	_ =	swait.ge [sflag:s24], $0x400  }
0xea: {  	[sflag:s24] =	ssyncset.done $0x0  }
0xeb: {  	[sflag:s24] =	ssyncadd.s32 $0xFFFFFC00  }
0xec: {  	_ =	swait.ge [sflag:s24], $0x400  }
0xed: {  	[sflag:s24] =	ssyncset.done $0x0  }
0xee: {  	[sflag:s24] =	ssyncadd.s32 $0xFFFFFC00  }
0xef: {  	[spmem:s2] =	stream.indirect.scatter.add.f32 [tilespmem:s12], [sflag:$0x3], $0x8, s11, s11, $0xb8;
	[tilespmem:$0xEC00] =	vst v63  }
0xf0: {  	_ = 	snop  }
0xf1: {  	[spmem:s2] =	stream.indirect.scatter.add.f32 [tilespmem:s13], [sflag:$0x3], $0x8, s25, s11, $0xb8;
	[tilespmem:$0xEC00] =	vst v63  }
0xf2: {  	_ = 	snop  }
0xf3: {  	[spmem:s2] =	stream.indirect.scatter.add.f32 [tilespmem:s14], [sflag:$0x3], $0x8, s26, s11, $0xb8;
	[tilespmem:$0xEC00] =	vst v63  }
0xf4: {  	_ = 	snop  }
0xf5: {  	[spmem:s2] =	stream.indirect.scatter.add.f32 [tilespmem:s15], [sflag:$0x3], $0x8, s28, s11, $0xb8;
	[tilespmem:$0xEC00] =	vst v63  }
0xf6: {  	_ =	swait.ge [sflag:s29], $0x400  }
0xf7: {  	[sflag:s29] =	ssyncset.done $0x0  }
0xf8: {  	[sflag:s29] =	ssyncadd.s32 $0xFFFFFC00  }
0xf9: {  	_ =	swait.ge [sflag:s29], $0x400  }
0xfa: {  	[sflag:s29] =	ssyncset.done $0x0  }
0xfb: {  	[sflag:s29] =	ssyncadd.s32 $0xFFFFFC00  }
0xfc: {  	_ =	swait.ge [sflag:s29], $0x400  }
0xfd: {  	[sflag:s29] =	ssyncset.done $0x0  }
0xfe: {  	[sflag:s29] =	ssyncadd.s32 $0xFFFFFC00  }
0xff: {  	_ =	swait.ge [sflag:s29], $0x400  }
0x100: {  	[sflag:s29] =	ssyncset.done $0x0  }
0x101: {  	[sflag:s29] =	ssyncadd.s32 $0xFFFFFC00  }
0x102: {  	[spmem:s2] =	stream.indirect.scatter.add.f32 [tilespmem:s17], [sflag:$0x3], $0x8, s30, s11, $0xb8;
	[tilespmem:$0xEC00] =	vst v63  }
0x103: {  	_ = 	snop  }
0x104: {  	[spmem:s2] =	stream.indirect.scatter.add.f32 [tilespmem:s19], [sflag:$0x3], $0x8, s31, s11, $0xb8;
	[tilespmem:$0xEC00] =	vst v63  }
0x105: {  	_ = 	snop  }
0x106: {  	[spmem:s2] =	stream.indirect.scatter.add.f32 [tilespmem:s21], [sflag:$0x3], $0x8, s0, s11, $0xb8;
	[tilespmem:$0xEC00] =	vst v63  }
0x107: {  	_ = 	snop  }
0x108: {  	[spmem:s2] =	stream.indirect.scatter.add.f32 [tilespmem:s23], [sflag:$0x3], $0x8, s1, s11, $0xb8;
	[tilespmem:$0xEC00] =	vst v63  }
0x109: {  	_ =	swait.ge [sflag:s5], $0x400  }
0x10a: {  	[sflag:s5] =	ssyncset.done $0x0  }
0x10b: {  	[sflag:s5] =	ssyncadd.s32 $0xFFFFFC00  }
0x10c: {  	_ =	swait.ge [sflag:s5], $0x400  }
0x10d: {  	[sflag:s5] =	ssyncset.done $0x0  }
0x10e: {  	[sflag:s5] =	ssyncadd.s32 $0xFFFFFC00  }
0x10f: {  	_ =	swait.ge [sflag:s5], $0x400  }
0x110: {  	[sflag:s5] =	ssyncset.done $0x0  }
0x111: {  	[sflag:s5] =	ssyncadd.s32 $0xFFFFFC00  }
0x112: {  	_ =	swait.ge [sflag:s5], $0x400  }
0x113: {  	[sflag:s5] =	ssyncset.done $0x0  }
0x114: {  	[sflag:s5] =	ssyncadd.s32 $0xFFFFFC00  }
0x115: {  	_ =	swait.ge [sflag:s5], $0x400  }
0x116: {  	[sflag:s5] =	ssyncset.done $0x0  }
0x117: {  	[sflag:s5] =	ssyncadd.s32 $0xFFFFFC00  }
0x118: {  	_ =	swait.ge [sflag:s5], $0x400  }
0x119: {  	[sflag:s5] =	ssyncset.done $0x0  }
0x11a: {  	[sflag:s5] =	ssyncadd.s32 $0xFFFFFC00  }
0x11b: {  	_ =	swait.ge [sflag:s5], $0x400  }
0x11c: {  	[sflag:s5] =	ssyncset.done $0x0  }
0x11d: {  	[sflag:s5] =	ssyncadd.s32 $0xFFFFFC00  }
0x11e: {  	_ =	swait.ge [sflag:s5], $0x400  }
0x11f: {  	[sflag:s5] =	ssyncset.done $0x0  }
0x120: {  	[sflag:s5] =	ssyncadd.s32 $0xFFFFFC00  }
0x121: {  	[bflag:$0x0] =	sbarrier.arrive $0xFFFF  }
0x122: {  	s7 =	rddreg [dreg:$0x8]  }
0x123: {  	s18 =	rddreg [dreg:$0x9]  }
0x124: {  	s8 =	rddreg [dreg:$0xb]  }
0x125: {  	[hbm:s18], [sflag:s7] =	dma.local [spmem:s8], $0x1880  }
0x126: {  	_ =	swait.ge [sflag:s10], $0x1880  }
0x127: {  	s6 =	rddreg [dreg:$0xc]  }
0x128: {  	s18 =	rddreg [dreg:$0xa];
	s9 =	sadd.s32 $0x1, s6  }
0x129: {  	p0 =	sne.s32 s9, s18  }
.Ltmp1:
0x12a: {  	_ = 	snop;
	(pc) =	sbr.rel @p0 .LBB2_1-.Ltmp1, $3  }
0x12b: {  	_ =	sdelay $0x1  }
0x12c: {  	[sflag:s10] =	ssyncset.done $0x0  }
0x12d: {  	[sflag:s10] =	ssyncadd.s32 $0xFFFFE780  }
0x12e: {  	_ =	sfence.sel $0x180000  }
0x12f: {  	[bflag:$0x0] =	sbarrier.arrive $0xFFFF  }
0x130: {  	_ =	strace $0x9000004A  }
0x131: {  	s0 =	stileid.u32;
	[bflag:$0x2] =	sbarrier.arrive $0xFFFF  }
0x132: {  	p0 =	sne.s32 s0, $0x0;
	s0 =	rddreg [dreg:$0x2]  }
0x133: {  	s0 =	sadd.s32 @!p0 $0x100000, s0  }
0x134: {  	[sflag:s0] =	ssyncadd.tile.s32 @!p0 $0x1;
	_ =	shalt  }
.Lfunc_end2:
_tile_overlayer_lowered:
.L_overlay_start_2:
0x135: {  	(tag) =	ssettag $0x2  }
0x136: {  	s0 =	rddreg [dreg:$0x0];
	s2 =	stileid.u32  }
0x137: {  	s1 =	rddreg [dreg:$0x1];
	p0 =	sne.s32 s2, $0x0  }
0x138: {  	s3 =	rddreg [dreg:$0x2];
	[bflag:$0x3] =	sbarrier.arrive $0xFFFF;
	s2 =	simm.s32 @!p0 $0x1C04  }
0x139: {  	[timem:s3], [sflag:s2] =	dma.local @!p0 [hbm:s0], s1  }
0x13a: {  	s0 =	simm.s32 @!p0 $0x4  }
0x13b: {  	_ =	swait.ge @!p0 [sflag:s0], s1  }
0x13c: {  	s1 =	ssub.s32 @!p0 $0x0, s1;
	[sflag:s0] =	ssyncset.done @!p0 $0x0  }
0x13d: {  	[sflag:s0] =	ssyncadd.s32 @!p0 s1  }
0x13e: {  	[bflag:$0x3] =	sbarrier.arrive $0xFFFF  }
0x13f: {  	_ =	shalt  }

// kernel: kernel.14.cloned.1.call-start
scs
__scs_entry_jumppad:
0x0: {  	(pc) =	sbr.rel $0x88, $3  }
0x1: {  	(tag) =	ssettag $0x0;
	lr =	simm.s32 $0x1  }
0x2: {  	[smem:$0x3F98] =	sst lr;
	_ =	strace $0xD0000000  }
0x3: {  	_ = 	snop  }
0x4: {  	_ = 	snop  }
0x5: {  	_ = 	snop  }
0x6: {  	_ = 	snop  }
0x7: {  	_ = 	snop  }
__scs_overlays_trampoline_lowered:
0x8: {  	[smem:$0x3FA7] =	sst s0  }
0x9: {  	[smem:$0x3FA8] =	sst s1  }
0xa: {  	[smem:$0x3FA9] =	sst s2  }
0xb: {  	[smem:$0x3FAA] =	sst s3  }
0xc: {  	[smem:$0x3FAB] =	sst s4  }
0xd: {  	[smem:$0x3FAC] =	sst s5  }
0xe: {  	[smem:$0x3FAD] =	sst s6  }
0xf: {  	[smem:$0x3FAE] =	sst s7  }
0x10: {  	[smem:$0x3FAF] =	sst s8  }
0x11: {  	[smem:$0x3FB0] =	sst s9;
	s0 =	simm.s32 @!p0 $0x0  }
0x12: {  	s1 =	sld [smem:$0x3F96];
	s0 =	simm.s32 @p0 $0x1  }
0x13: {  	[smem:$0x3FB1] =	sst s0;
	s0 =	simm.s32 @!p1 $0x0  }
0x14: {  	s2 =	sld [smem:$0x3F95];
	s0 =	simm.s32 @p1 $0x1  }
0x15: {  	[smem:$0x3FB2] =	sst s0;
	s0 =	simm.s32 @!p2 $0x0  }
0x16: {  	s3 =	sld [smem:$0x3FDB];
	s0 =	simm.s32 @p2 $0x1  }
0x17: {  	s4 =	simm.s32 $0x1BF5;
	[smem:$0x3FB4] =	sst s0  }
0x18: {  	s0 =	sld [smem:$0x3F97];
	_ =	swait.ge [sflag:s4], $0x0  }
0x19: {  	s7 =	sld [smem:$0x3F98]  }
0x1a: {  	s8 =	sadd.s32 $0xFFFFE003, lr  }
0x1b: {  	s9 =	sadd.s32 $0xFFFFFEF7, lr;
	s5 =	simm.s32 $0xFFFFFFFF;
	p2 =	slt.u32 s8, $0xFFFFF086  }
0x1c: {  	p1 =	slt.u32 s9, $0xF7A;
	s5 =	simm.s32 @!p2 $0x0  }
0x1d: {  	s5 =	simm.s32 @p1 $0x1;
	p0 =	seq.s32 s7, s2  }
0x1e: {  	s7 =	smul.u32 @!p0 $0xF7A, s2;
	p2 =	seq.s32 @!p0 s5, $0x0  }
0x1f: {  	s9 =	smul.u32 $0xF7A, s1;
	s8 =	simm.s32 @!p0 $0x1BF5;
	p2 =	por !p2, p0  }
0x20: {  	[sflag:s8] =	ssyncset.s32 @!p0 $0xFFFFF086;
	s6 =	sadd.s32 @!p0 s3, s7;
	s7 =	simm.s32 @!p0 $0x108  }
0x21: {  	s3 =	sadd.s32 s3, s9;
	s6 =	sadd.s32 @!p0 $0x88, s6;
	s7 =	simm.s32 @p2 $0x1082  }
0x22: {  	[simem:s7], [sflag:s8] =	dma.local @!p0 [hbm:s6], $0xF7A  }
0x23: {  	s9 =	sor.u32 $0xD0000000, s2;
	s6 =	simm.s32 $0x108;
	_ =	swait.ge @!p0 [sflag:s8], $0x0  }
0x24: {  	s3 =	sadd.s32 $0x88, s3;
	s6 =	simm.s32 @!p1 $0x1082;
	[sflag:s4] =	ssyncset.s32 $0xFFFFF086  }
0x25: {  	[simem:s6], [sflag:s4] =	dma.local [hbm:s3], $0xF7A  }
0x26: {  	[smem:$0x3F98] =	sst s1;
	(tag) =	ssettag s2;
	_ =	strace s9  }
0x27: {  	s1 =	sld [smem:$0x3FA8]  }
0x28: {  	s2 =	sld [smem:$0x3FA9]  }
0x29: {  	s4 =	sld [smem:$0x3FAB]  }
0x2a: {  	p0 =	seq.s32 s5, $0x0;
	s5 =	sld [smem:$0x3FAC]  }
0x2b: {  	s6 =	sld [smem:$0x3FAD]  }
0x2c: {  	s7 =	sld [smem:$0x3FAE]  }
0x2d: {  	s3 =	simm.s32 $0x108;
	s8 =	sld [smem:$0x3FAF]  }
0x2e: {  	s3 =	simm.s32 @!p0 $0x1082;
	s9 =	sld [smem:$0x3FB0]  }
0x2f: {  	lr =	sadd.s32 s0, s3;
	s0 =	sld [smem:$0x3FA7]  }
0x30: {  	s3 =	sld [smem:$0x3FAA]  }
0x31: {  	[smem:$0x3FB3] =	sst s10  }
0x32: {  	s10 =	sld [smem:$0x3FB1];
	_ =	sdelay $0x3  }
0x33: {  	p0 =	seq.s32 s10, $0x1;
	s10 =	sld [smem:$0x3FB3];
	_ =	sdelay $0x3  }
0x34: {  	[smem:$0x3FB3] =	sst s10  }
0x35: {  	s10 =	sld [smem:$0x3FB2];
	_ =	sdelay $0x3  }
0x36: {  	p1 =	seq.s32 s10, $0x1;
	s10 =	sld [smem:$0x3FB3];
	_ =	sdelay $0x3  }
0x37: {  	[smem:$0x3FB3] =	sst s10  }
0x38: {  	s10 =	sld [smem:$0x3FB4]  }
0x39: {  	_ = 	snop;
	(pc) =	sbr.ind lr, $3  }
0x3a: {  	_ = 	snop  }
0x3b: {  	_ = 	snop  }
0x3c: {  	p2 =	seq.s32 s10, $0x1;
	s10 =	sld [smem:$0x3FB3]  }
0x3d: {  	_ =	shalt  }
0x3e: {  	_ =	shalt  }
0x3f: {  	_ =	shalt  }
0x40: {  	_ =	shalt  }
0x41: {  	_ =	shalt  }
0x42: {  	_ =	shalt  }
0x43: {  	_ =	shalt  }
0x44: {  	_ =	shalt  }
0x45: {  	_ =	shalt  }
0x46: {  	_ =	shalt  }
0x47: {  	_ =	shalt  }
0x48: {  	_ =	shalt  }
0x49: {  	_ =	shalt  }
0x4a: {  	_ =	shalt  }
0x4b: {  	_ =	shalt  }
0x4c: {  	_ =	shalt  }
0x4d: {  	_ =	shalt  }
0x4e: {  	_ =	shalt  }
0x4f: {  	_ =	shalt  }
0x50: {  	_ =	shalt  }
0x51: {  	_ =	shalt  }
0x52: {  	_ =	shalt  }
0x53: {  	_ =	shalt  }
0x54: {  	_ =	shalt  }
0x55: {  	_ =	shalt  }
0x56: {  	_ =	shalt  }
0x57: {  	_ =	shalt  }
0x58: {  	_ =	shalt  }
0x59: {  	_ =	shalt  }
0x5a: {  	_ =	shalt  }
0x5b: {  	_ =	shalt  }
0x5c: {  	_ =	shalt  }
0x5d: {  	_ =	shalt  }
0x5e: {  	_ =	shalt  }
0x5f: {  	_ =	shalt  }
0x60: {  	_ =	shalt  }
0x61: {  	_ =	shalt  }
0x62: {  	_ =	shalt  }
0x63: {  	_ =	shalt  }
0x64: {  	_ =	shalt  }
0x65: {  	_ =	shalt  }
0x66: {  	_ =	shalt  }
0x67: {  	_ =	shalt  }
0x68: {  	_ =	shalt  }
0x69: {  	_ =	shalt  }
0x6a: {  	_ =	shalt  }
0x6b: {  	_ =	shalt  }
0x6c: {  	_ =	shalt  }
0x6d: {  	_ =	shalt  }
0x6e: {  	_ =	shalt  }
0x6f: {  	_ =	shalt  }
0x70: {  	_ =	shalt  }
0x71: {  	_ =	shalt  }
0x72: {  	_ =	shalt  }
0x73: {  	_ =	shalt  }
0x74: {  	_ =	shalt  }
0x75: {  	_ =	shalt  }
0x76: {  	_ =	shalt  }
0x77: {  	_ =	shalt  }
0x78: {  	_ =	shalt  }
0x79: {  	_ =	shalt  }
0x7a: {  	_ =	shalt  }
0x7b: {  	_ =	shalt  }
0x7c: {  	_ =	shalt  }
0x7d: {  	_ =	shalt  }
0x7e: {  	_ =	shalt  }
0x7f: {  	_ =	shalt  }
0x80: {  	_ =	shalt  }
0x81: {  	_ =	shalt  }
0x82: {  	_ =	shalt  }
0x83: {  	_ =	shalt  }
0x84: {  	_ =	shalt  }
0x85: {  	_ =	shalt  }
0x86: {  	_ =	shalt  }
0x87: {  	_ =	shalt  }
.Lfunc_end0:
.L_simem_size_0:
called_computation.2_lowered:
.L_overlay_start_0:
0x88: {  	s2 =	sld [smem:$0x3FD9]  }
0x89: {  	s3 =	sld [smem:$0x3FFE];
	_ =	sdelay $0x1  }
0x8a: {  	s1 =	srdreg.scid  }
0x8b: {  	s0 =	sand.u32 $0x1, s1  }
0x8c: {  	s16 =	sshll.u32 s0, $0xA;
	s2 =	sadd.s32 s3, s2  }
0x8d: {  	s2 =	sadd.s32 s2, s16  }
0x8e: {  	[smem:$0x3FBF] =	sst s2  }
0x8f: {  	_ = 	snop  }
0x90: {  	(tm) =	ssettm $0x1  }
0x91: {  	s17 =	sld [smem:$0x3FFB];
	_ =	sdelay $0x3  }
0x92: {  	_ =	strace s17  }
0x93: {  	s2 =	sld [smem:$0x3FFC];
	_ =	sdelay $0x3  }
0x94: {  	_ =	strace s2  }
0x95: {  	s2 =	sld [smem:$0x3FFD];
	_ =	sdelay $0x3  }
0x96: {  	_ =	strace s2  }
0x97: {  	_ =	strace $0x8FFFFFFF  }
0x98: {  	s18 =	sld [smem:$0x3FDB];
	_ =	sdelay $0x1  }
0x99: {  	s19 =	simm.s32 $_scs_section_size  }
0x9a: {  	s4 =	simm.s32 $_size__tile_overlayer_lowered;
	s5 =	simm.s32 $_tile_overlayer_lowered  }
0x9b: {  	s22 =	simm.s32 $0x1BFF;
	s21 =	sshll.u32 s5, $0x1;
	s2 =	sadd.s32 s19, s18  }
0x9c: {  	s6 =	simm.s32 $0x0;
	s20 =	sshll.u32 s4, $0x1;
	s4 =	sadd.s32 s21, s2  }
0x9d: {  	[timem:s6], [sflag:s22] =	dma.local [hbm:s4], s20  }
0x9e: {  	_ =	swait.ge [sflag:s22], s20  }
0x9f: {  	s3 =	ssub.s32 $0x0, s20;
	[sflag:s22] =	ssyncset.done $0x0  }
0xa0: {  	[sflag:s22] =	ssyncadd.s32 s3;
	_ =	sdelay $0x1  }
0xa1: {  	s23 =	simm.s32 $0x1B8B  }
0xa2: {  	_ =	swait.ge [sflag:s23], $0x1  }
0xa3: {  	[sflag:s23] =	ssyncset.done $0x0  }
0xa4: {  	s25 =	simm.s32 $0x1B8E;
	s24 =	sld [smem:$0x3FFE];
	[sflag:s23] =	ssyncadd.s32 $0xFFFFFFFF  }
0xa5: {  	s26 =	simm.s32 $execute0_lowered;
	[smem:$0x3FD2] =	sst s25  }
0xa6: {  	s4 =	sshll.u32 s26, $0x1;
	_ =	strace $0x8000004C;
	[dreg:$0x1] =	wrdreg $0xFFFFFFFF  }
0xa7: {  	s28 =	simm.s32 $_size_execute0_lowered;
	s2 =	sadd.s32 s2, s4;
	[dreg:$0x0] =	wrdreg $0x0  }
0xa8: {  	s4 =	sshll.u32 s28, $0x1;
	[dreg:$0x2] =	wrdreg s2  }
0xa9: {  	[dreg:$0x3] =	wrdreg s4  }
0xaa: {  	[dreg:$0x4] =	wrdreg $0xC0  }
0xab: {  	_ =	task [dreg:s6], $0x5FFFF  }
0xac: {  	[dreg:$0x1] =	wrdreg $0xFFFFFFFF  }
0xad: {  	[dreg:$0x0] =	wrdreg $0x60  }
0xae: {  	[dreg:$0x2] =	wrdreg s24  }
0xaf: {  	[dreg:$0x3] =	wrdreg $0x48000  }
0xb0: {  	[dreg:$0x4] =	wrdreg $0x9  }
0xb1: {  	_ =	task.clear_ibuf [dreg:s6], $0x5FFFF;
	_ =	strace $0x9000004C  }
0xb2: {  	s29 =	simm.s32 $0x9;
	_ =	strace $0x8000004E  }
0xb3: {  	_ =	swait.ge [sflag:s29], $0x1  }
0xb4: {  	[sflag:s29] =	ssyncadd.s32 $0xFFFFFFFF  }
0xb5: {  	_ =	strace $0x9000004E  }
0xb6: {  	_ =	sfence  }
0xb7: {  	s30 =	sld [smem:$0x0];
	_ =	sdelay $0x2  }
0xb8: {  	s31 =	sshll.u32 s1, $0xD;
	s1 =	sshrl.u32 s1, $0x2  }
0xb9: {  	s3 =	sand.u32 $0x4000, s31;
	s1 =	sadd.s32 s1, s30  }
0xba: {  	s0 =	sor.u32 s3, s0;
	s1 =	sshll.u32 s1, $0x11  }
0xbb: {  	s0 =	sor.u32 s1, s0  }
0xbc: {  	s0 =	sadd.s32 $0x8F2B, s0  }
0xbd: {  	[sflag:s0] =	ssyncadd.remote.s32 $0x1  }
0xbe: {  	_ =	sfence.sel $0xFFFF  }
0xbf: {  	[dreg:$0x0] =	wrdreg $0xFFFFFFFF;
	(pc) =	sbr.abs _section_cstart, $3  }
0xc0: {  	[dreg:$0x1] =	wrdreg $0xFFFFFFFF  }
0xc1: {  	_ =	task.clear_ibuf [dreg:s6], $0x2FFFF;
	_ =	strace $0x9FFFFFFF  }
0xc2: {  	(tm) =	ssettm $0x7FFFFFFF  }
0xc3: {  	_ =	shalt  }
tec
execute0_lowered:
.L_overlay_start_1:
0x0: {  	(tag) =	ssettag $0x1  }
0x1: {  	s0 =	rddreg [dreg:$0x0]  }
0x2: {  	s2 =	rddreg [dreg:$0x1]  }
0x3: {  	s10 =	stileid.u32;
	s3 =	simm.s32 $0x0;
	s1 =	srdreg.scid  }
0x4: {  	s11 =	simm.s32 $0x80;
	s12 =	simm.s32 $0x800;
	s24 =	simm.s32 $0x100  }
0x5: {  	s13 =	simm.s32 $0x1000;
	s25 =	simm.s32 $0x200;
	s14 =	simm.s32 $0x1800  }
0x6: {  	s26 =	simm.s32 $0x300;
	s15 =	simm.s32 $0x2000;
	s16 =	simm.s32 $0x400  }
0x7: {  	s17 =	simm.s32 $0x2800;
	s19 =	simm.s32 $0x3000;
	s20 =	simm.s32 $0x600  }
0x8: {  	s28 =	simm.s32 $0x380;
	s29 =	simm.s32 $0x2;
	s30 =	simm.s32 $0x480  }
0x9: {  	s31 =	simm.s32 $0x580;
	s4 =	smul.u32 $0x6200, s10;
	[smem:$0x7FF] =	sst s3  }
0xa: {  	s1 =	sand.u32 $0x1, s1;
	s6 =	smul.u32 $0x18800, s10;
	s21 =	sshll.u32 s10, $0x6  }
0xb: {  	s10 =	simm.s32 $0x4;
	_ =	strace $0x8000004D;
	[dreg:$0x4] =	wrdreg s24  }
0xc: {  	p0 =	seq.s32 s1, $0x0;
	s7 =	smul.u32 $0x188000, s1;
	[dreg:$0x5] =	wrdreg s25  }
0xd: {  	s1 =	ssub.s32 $0x2, s1;
	[dreg:$0x6] =	wrdreg s26;
	s24 =	simm.s32 $0x1  }
0xe: {  	s25 =	simm.s32 $0x180;
	s26 =	simm.s32 $0x280;
	s5 =	sadd.s32 $0x62000, s4  }
0xf: {  	s8 =	sshrl.u32 s6, $0x3;
	s9 =	sshrl.u32 s1, $0x1;
	s5 =	smov.u32 @p0 s4  }
0x10: {  	s4 =	sadd.s32 $0x2E00, s0;
	s7 =	sadd.s32 s6, s7;
	s8 =	sadd.s32 s8, s0  }
0x11: {  	s1 =	ssub.s32 s1, s9;
	s6 =	sadd.s32 s6, s2;
	s9 =	simm.s32 $0x0  }
0x12: {  	s5 =	sadd.s32 s5, s0;
	s7 =	sshrl.u32 s7, $0x3;
	s8 =	sadd.s32 $0x33E00, s8  }
0x13: {  	s22 =	smax.u32 s1, $0x1;
	s1 =	simm.s32 $0x780;
	[dreg:$0x7] =	wrdreg s8  }
0x14: {  	s0 =	sadd.s32 s7, s0;
	[dreg:$0xa] =	wrdreg s22;
	s23 =	sadd.s32 $0x110400, s5  }
0x15: {  	s7 =	sor.u32 $0x1C04, s21;
	s8 =	sshrl.u32 s6, $0x3;
	[dreg:$0x3] =	wrdreg s23  }
0x16: {  	s21 =	simm.s32 $0x3800;
	s22 =	simm.s32 $0x700;
	[dreg:$0x8] =	wrdreg s7  }
0x17: {  	s5 =	simm.s32 $0x3;
	s0 =	sadd.s32 $0x64E00, s0;
	[dreg:$0xb] =	wrdreg s8  }
0x18: {  	s23 =	simm.s32 $0x4000;
	[dreg:$0x9] =	wrdreg s0;
	s0 =	simm.s32 $0x680  }
.LBB2_1:
0x19: {  	[dreg:$0xc] =	wrdreg s9  }
0x1a: {  	s6 =	rddreg [dreg:$0x7]  }
0x1b: {  	[spmem:s8], [sflag:s7] =	dma.local [hbm:s6], $0x3100  }
0x1c: {  	_ =	swait.ge [sflag:s10], $0x3100  }
0x1d: {  	[sflag:s10] =	ssyncset.done $0x0  }
0x1e: {  	[sflag:s10] =	ssyncadd.s32 $0xFFFFCF00  }
0x1f: {  	[bflag:$0x0] =	sbarrier.arrive $0xFFFF  }
0x20: {  	s8 =	rddreg [dreg:$0x3]  }
0x21: {  	s6 =	sadd.s32 $0x0, s8  }
0x22: {  	[tilespmem:s3], [sflag:$0x4] =	stream.linear.gather [hbm4b:s6+s3], $0x400, $0x38;
	[tilespmem:$0x1D000] =	vst v63  }
0x23: {  	_ =	swait.ge [sflag:s10], $0x400  }
0x24: {  	[sflag:s10] =	ssyncset.done $0x0  }
0x25: {  	[sflag:s10] =	ssyncadd.s32 $0xFFFFFC00  }
0x26: {  	[tilespmem:s12], [sflag:$0x1] =	stream.indirect.gather [hbm4b:s4+s11], $0x10, s3, s11, $0xb8;
	[tilespmem:$0x1D000] =	vst v63  }
0x27: {  	s9 =	rddreg [dreg:$0x4]  }
0x28: {  	[tilespmem:s13], [sflag:$0x1] =	stream.indirect.gather [hbm4b:s4+s11], $0x10, s9, s11, $0xb8;
	[tilespmem:$0x1D000] =	vst v63  }
0x29: {  	s18 =	rddreg [dreg:$0x5]  }
0x2a: {  	[tilespmem:s14], [sflag:$0x1] =	stream.indirect.gather [hbm4b:s4+s11], $0x10, s18, s11, $0xb8;
	[tilespmem:$0x1D000] =	vst v63  }
0x2b: {  	s7 =	rddreg [dreg:$0x6]  }
0x2c: {  	[tilespmem:s15], [sflag:$0x1] =	stream.indirect.gather [hbm4b:s4+s11], $0x10, s7, s11, $0xb8;
	[tilespmem:$0x1D000] =	vst v63  }
0x2d: {  	s6 =	sadd.s32 $0x80, s6  }
0x2e: {  	[tilespmem:s16], [sflag:$0x4] =	stream.linear.gather [hbm4b:s6+s3], $0x400, $0x38;
	[tilespmem:$0x1D000] =	vst v63  }
0x2f: {  	_ =	swait.ge [sflag:s10], $0x400  }
0x30: {  	[sflag:s10] =	ssyncset.done $0x0  }
0x31: {  	[sflag:s10] =	ssyncadd.s32 $0xFFFFFC00  }
0x32: {  	[tilespmem:s17], [sflag:$0x2] =	stream.indirect.gather [hbm4b:s4+s11], $0x10, s16, s11, $0xb8;
	[tilespmem:$0x1D000] =	vst v63  }
0x33: {  	s18 =	simm.s32 $0x500  }
0x34: {  	[tilespmem:s19], [sflag:$0x2] =	stream.indirect.gather [hbm4b:s4+s11], $0x10, s18, s11, $0xb8;
	[tilespmem:$0x1D000] =	vst v63  }
0x35: {  	_ = 	snop  }
0x36: {  	[tilespmem:s21], [sflag:$0x2] =	stream.indirect.gather [hbm4b:s4+s11], $0x10, s20, s11, $0xb8;
	[tilespmem:$0x1D000] =	vst v63  }
0x37: {  	_ = 	snop  }
0x38: {  	[tilespmem:s23], [sflag:$0x2] =	stream.indirect.gather [hbm4b:s4+s11], $0x10, s22, s11, $0xb8;
	[tilespmem:$0x1D000] =	vst v63  }
0x39: {  	_ =	swait.ge [sflag:s24], $0x800  }
0x3a: {  	[sflag:s24] =	ssyncset.done $0x0  }
0x3b: {  	[sflag:s24] =	ssyncadd.s32 $0xFFFFF800  }
0x3c: {  	_ =	swait.ge [sflag:s24], $0x800  }
0x3d: {  	[sflag:s24] =	ssyncset.done $0x0  }
0x3e: {  	[sflag:s24] =	ssyncadd.s32 $0xFFFFF800  }
0x3f: {  	_ =	swait.ge [sflag:s24], $0x800  }
0x40: {  	[sflag:s24] =	ssyncset.done $0x0  }
0x41: {  	[sflag:s24] =	ssyncadd.s32 $0xFFFFF800  }
0x42: {  	_ =	swait.ge [sflag:s24], $0x800  }
0x43: {  	[sflag:s24] =	ssyncset.done $0x0  }
0x44: {  	[sflag:s24] =	ssyncadd.s32 $0xFFFFF800  }
0x45: {  	[spmem:s2] =	stream.indirect.scatter.add.f32 [tilespmem:s12], [sflag:$0x3], $0x10, s11, s11, $0xb8;
	[tilespmem:$0x1D000] =	vst v63  }
0x46: {  	_ = 	snop  }
0x47: {  	[spmem:s2] =	stream.indirect.scatter.add.f32 [tilespmem:s13], [sflag:$0x3], $0x10, s25, s11, $0xb8;
	[tilespmem:$0x1D000] =	vst v63  }
0x48: {  	_ = 	snop  }
0x49: {  	[spmem:s2] =	stream.indirect.scatter.add.f32 [tilespmem:s14], [sflag:$0x3], $0x10, s26, s11, $0xb8;
	[tilespmem:$0x1D000] =	vst v63  }
0x4a: {  	_ = 	snop  }
0x4b: {  	[spmem:s2] =	stream.indirect.scatter.add.f32 [tilespmem:s15], [sflag:$0x3], $0x10, s28, s11, $0xb8;
	[tilespmem:$0x1D000] =	vst v63  }
0x4c: {  	_ =	swait.ge [sflag:s29], $0x800  }
0x4d: {  	[sflag:s29] =	ssyncset.done $0x0  }
0x4e: {  	[sflag:s29] =	ssyncadd.s32 $0xFFFFF800  }
0x4f: {  	_ =	swait.ge [sflag:s29], $0x800  }
0x50: {  	[sflag:s29] =	ssyncset.done $0x0  }
0x51: {  	[sflag:s29] =	ssyncadd.s32 $0xFFFFF800  }
0x52: {  	_ =	swait.ge [sflag:s29], $0x800  }
0x53: {  	[sflag:s29] =	ssyncset.done $0x0  }
0x54: {  	[sflag:s29] =	ssyncadd.s32 $0xFFFFF800  }
0x55: {  	_ =	swait.ge [sflag:s29], $0x800  }
0x56: {  	[sflag:s29] =	ssyncset.done $0x0  }
0x57: {  	[sflag:s29] =	ssyncadd.s32 $0xFFFFF800  }
0x58: {  	[spmem:s2] =	stream.indirect.scatter.add.f32 [tilespmem:s17], [sflag:$0x3], $0x10, s30, s11, $0xb8;
	[tilespmem:$0x1D000] =	vst v63  }
0x59: {  	_ = 	snop  }
0x5a: {  	[spmem:s2] =	stream.indirect.scatter.add.f32 [tilespmem:s19], [sflag:$0x3], $0x10, s31, s11, $0xb8;
	[tilespmem:$0x1D000] =	vst v63  }
0x5b: {  	_ = 	snop  }
0x5c: {  	[spmem:s2] =	stream.indirect.scatter.add.f32 [tilespmem:s21], [sflag:$0x3], $0x10, s0, s11, $0xb8;
	[tilespmem:$0x1D000] =	vst v63  }
0x5d: {  	_ = 	snop  }
0x5e: {  	[spmem:s2] =	stream.indirect.scatter.add.f32 [tilespmem:s23], [sflag:$0x3], $0x10, s1, s11, $0xb8;
	[tilespmem:$0x1D000] =	vst v63  }
0x5f: {  	_ =	swait.ge [sflag:s5], $0x800  }
0x60: {  	[sflag:s5] =	ssyncset.done $0x0  }
0x61: {  	[sflag:s5] =	ssyncadd.s32 $0xFFFFF800  }
0x62: {  	_ =	swait.ge [sflag:s5], $0x800  }
0x63: {  	[sflag:s5] =	ssyncset.done $0x0  }
0x64: {  	[sflag:s5] =	ssyncadd.s32 $0xFFFFF800  }
0x65: {  	_ =	swait.ge [sflag:s5], $0x800  }
0x66: {  	[sflag:s5] =	ssyncset.done $0x0  }
0x67: {  	[sflag:s5] =	ssyncadd.s32 $0xFFFFF800  }
0x68: {  	_ =	swait.ge [sflag:s5], $0x800  }
0x69: {  	[sflag:s5] =	ssyncset.done $0x0  }
0x6a: {  	[sflag:s5] =	ssyncadd.s32 $0xFFFFF800  }
0x6b: {  	_ =	swait.ge [sflag:s5], $0x800  }
0x6c: {  	[sflag:s5] =	ssyncset.done $0x0  }
0x6d: {  	[sflag:s5] =	ssyncadd.s32 $0xFFFFF800  }
0x6e: {  	_ =	swait.ge [sflag:s5], $0x800  }
0x6f: {  	[sflag:s5] =	ssyncset.done $0x0  }
0x70: {  	[sflag:s5] =	ssyncadd.s32 $0xFFFFF800  }
0x71: {  	_ =	swait.ge [sflag:s5], $0x800  }
0x72: {  	[sflag:s5] =	ssyncset.done $0x0  }
0x73: {  	[sflag:s5] =	ssyncadd.s32 $0xFFFFF800  }
0x74: {  	s8 =	simm.s32 $0x100;
	_ =	swait.ge [sflag:s5], $0x800  }
0x75: {  	s6 =	simm.s32 $0x200;
	s9 =	rddreg [dreg:$0x3];
	[sflag:s5] =	ssyncset.done $0x0  }
.LBB2_2:
0x76: {  	[sflag:s5] =	ssyncadd.s32 $0xFFFFF800;
	s9 =	sadd.s32 s8, s9  }
0x77: {  	[tilespmem:s3], [sflag:$0x4] =	stream.linear.gather [hbm4b:s9+s3], $0x400, $0x38;
	[tilespmem:$0x1D000] =	vst v63  }
0x78: {  	_ =	swait.ge [sflag:s10], $0x400  }
0x79: {  	[sflag:s10] =	ssyncset.done $0x0  }
0x7a: {  	s7 =	smov.u32 s6;
	[sflag:s10] =	ssyncadd.s32 $0xFFFFFC00  }
0x7b: {  	[tilespmem:s12], [sflag:$0x1] =	stream.indirect.gather [hbm4b:s4+s11], $0x10, s3, s11, $0xb8;
	[tilespmem:$0x1D000] =	vst v63  }
0x7c: {  	s8 =	smov.u32 s7;
	s7 =	rddreg [dreg:$0x4]  }
0x7d: {  	[tilespmem:s13], [sflag:$0x1] =	stream.indirect.gather [hbm4b:s4+s11], $0x10, s7, s11, $0xb8;
	[tilespmem:$0x1D000] =	vst v63  }
0x7e: {  	s18 =	rddreg [dreg:$0x5]  }
0x7f: {  	[tilespmem:s14], [sflag:$0x1] =	stream.indirect.gather [hbm4b:s4+s11], $0x10, s18, s11, $0xb8;
	[tilespmem:$0x1D000] =	vst v63  }
0x80: {  	s7 =	rddreg [dreg:$0x6]  }
0x81: {  	[tilespmem:s15], [sflag:$0x1] =	stream.indirect.gather [hbm4b:s4+s11], $0x10, s7, s11, $0xb8;
	[tilespmem:$0x1D000] =	vst v63  }
0x82: {  	s9 =	sadd.s32 $0x80, s9  }
0x83: {  	[tilespmem:s16], [sflag:$0x4] =	stream.linear.gather [hbm4b:s9+s3], $0x400, $0x38;
	[tilespmem:$0x1D000] =	vst v63  }
0x84: {  	_ =	swait.ge [sflag:s10], $0x400  }
0x85: {  	[sflag:s10] =	ssyncset.done $0x0  }
0x86: {  	[sflag:s10] =	ssyncadd.s32 $0xFFFFFC00  }
0x87: {  	[tilespmem:s17], [sflag:$0x2] =	stream.indirect.gather [hbm4b:s4+s11], $0x10, s16, s11, $0xb8;
	[tilespmem:$0x1D000] =	vst v63  }
0x88: {  	s18 =	simm.s32 $0x500  }
0x89: {  	[tilespmem:s19], [sflag:$0x2] =	stream.indirect.gather [hbm4b:s4+s11], $0x10, s18, s11, $0xb8;
	[tilespmem:$0x1D000] =	vst v63  }
0x8a: {  	_ = 	snop  }
0x8b: {  	[tilespmem:s21], [sflag:$0x2] =	stream.indirect.gather [hbm4b:s4+s11], $0x10, s20, s11, $0xb8;
	[tilespmem:$0x1D000] =	vst v63  }
0x8c: {  	_ = 	snop  }
0x8d: {  	[tilespmem:s23], [sflag:$0x2] =	stream.indirect.gather [hbm4b:s4+s11], $0x10, s22, s11, $0xb8;
	[tilespmem:$0x1D000] =	vst v63  }
0x8e: {  	_ =	swait.ge [sflag:s24], $0x800  }
0x8f: {  	[sflag:s24] =	ssyncset.done $0x0  }
0x90: {  	[sflag:s24] =	ssyncadd.s32 $0xFFFFF800  }
0x91: {  	_ =	swait.ge [sflag:s24], $0x800  }
0x92: {  	[sflag:s24] =	ssyncset.done $0x0  }
0x93: {  	[sflag:s24] =	ssyncadd.s32 $0xFFFFF800  }
0x94: {  	_ =	swait.ge [sflag:s24], $0x800  }
0x95: {  	[sflag:s24] =	ssyncset.done $0x0  }
0x96: {  	[sflag:s24] =	ssyncadd.s32 $0xFFFFF800  }
0x97: {  	_ =	swait.ge [sflag:s24], $0x800  }
0x98: {  	[sflag:s24] =	ssyncset.done $0x0  }
0x99: {  	[sflag:s24] =	ssyncadd.s32 $0xFFFFF800  }
0x9a: {  	[spmem:s2] =	stream.indirect.scatter.add.f32 [tilespmem:s12], [sflag:$0x3], $0x10, s11, s11, $0xb8;
	[tilespmem:$0x1D000] =	vst v63  }
0x9b: {  	_ = 	snop  }
0x9c: {  	[spmem:s2] =	stream.indirect.scatter.add.f32 [tilespmem:s13], [sflag:$0x3], $0x10, s25, s11, $0xb8;
	[tilespmem:$0x1D000] =	vst v63  }
0x9d: {  	_ = 	snop  }
0x9e: {  	[spmem:s2] =	stream.indirect.scatter.add.f32 [tilespmem:s14], [sflag:$0x3], $0x10, s26, s11, $0xb8;
	[tilespmem:$0x1D000] =	vst v63  }
0x9f: {  	_ = 	snop  }
0xa0: {  	[spmem:s2] =	stream.indirect.scatter.add.f32 [tilespmem:s15], [sflag:$0x3], $0x10, s28, s11, $0xb8;
	[tilespmem:$0x1D000] =	vst v63  }
0xa1: {  	_ =	swait.ge [sflag:s29], $0x800  }
0xa2: {  	[sflag:s29] =	ssyncset.done $0x0  }
0xa3: {  	[sflag:s29] =	ssyncadd.s32 $0xFFFFF800  }
0xa4: {  	_ =	swait.ge [sflag:s29], $0x800  }
0xa5: {  	[sflag:s29] =	ssyncset.done $0x0  }
0xa6: {  	[sflag:s29] =	ssyncadd.s32 $0xFFFFF800  }
0xa7: {  	_ =	swait.ge [sflag:s29], $0x800  }
0xa8: {  	[sflag:s29] =	ssyncset.done $0x0  }
0xa9: {  	[sflag:s29] =	ssyncadd.s32 $0xFFFFF800  }
0xaa: {  	_ =	swait.ge [sflag:s29], $0x800  }
0xab: {  	[sflag:s29] =	ssyncset.done $0x0  }
0xac: {  	[sflag:s29] =	ssyncadd.s32 $0xFFFFF800  }
0xad: {  	[spmem:s2] =	stream.indirect.scatter.add.f32 [tilespmem:s17], [sflag:$0x3], $0x10, s30, s11, $0xb8;
	[tilespmem:$0x1D000] =	vst v63  }
0xae: {  	_ = 	snop  }
0xaf: {  	[spmem:s2] =	stream.indirect.scatter.add.f32 [tilespmem:s19], [sflag:$0x3], $0x10, s31, s11, $0xb8;
	[tilespmem:$0x1D000] =	vst v63  }
0xb0: {  	_ = 	snop  }
0xb1: {  	[spmem:s2] =	stream.indirect.scatter.add.f32 [tilespmem:s21], [sflag:$0x3], $0x10, s0, s11, $0xb8;
	[tilespmem:$0x1D000] =	vst v63  }
0xb2: {  	_ = 	snop  }
0xb3: {  	[spmem:s2] =	stream.indirect.scatter.add.f32 [tilespmem:s23], [sflag:$0x3], $0x10, s1, s11, $0xb8;
	[tilespmem:$0x1D000] =	vst v63  }
0xb4: {  	_ =	swait.ge [sflag:s5], $0x800  }
0xb5: {  	[sflag:s5] =	ssyncset.done $0x0  }
0xb6: {  	[sflag:s5] =	ssyncadd.s32 $0xFFFFF800  }
0xb7: {  	_ =	swait.ge [sflag:s5], $0x800  }
0xb8: {  	[sflag:s5] =	ssyncset.done $0x0  }
0xb9: {  	[sflag:s5] =	ssyncadd.s32 $0xFFFFF800  }
0xba: {  	_ =	swait.ge [sflag:s5], $0x800  }
0xbb: {  	[sflag:s5] =	ssyncset.done $0x0  }
0xbc: {  	[sflag:s5] =	ssyncadd.s32 $0xFFFFF800  }
0xbd: {  	_ =	swait.ge [sflag:s5], $0x800  }
0xbe: {  	[sflag:s5] =	ssyncset.done $0x0  }
0xbf: {  	[sflag:s5] =	ssyncadd.s32 $0xFFFFF800  }
0xc0: {  	_ =	swait.ge [sflag:s5], $0x800  }
0xc1: {  	[sflag:s5] =	ssyncset.done $0x0  }
0xc2: {  	[sflag:s5] =	ssyncadd.s32 $0xFFFFF800  }
0xc3: {  	_ =	swait.ge [sflag:s5], $0x800  }
0xc4: {  	[sflag:s5] =	ssyncset.done $0x0  }
0xc5: {  	p0 =	sne.s32 s6, $0x6100;
	[sflag:s5] =	ssyncadd.s32 $0xFFFFF800  }
.Ltmp0:
0xc6: {  	_ =	swait.ge [sflag:s5], $0x800;
	(pc) =	sbr.rel @p0 .LBB2_2-.Ltmp0, $4  }
0xc7: {  	[sflag:s5] =	ssyncset.done $0x0  }
0xc8: {  	[sflag:s5] =	ssyncadd.s32 $0xFFFFF800  }
0xc9: {  	_ =	swait.ge [sflag:s5], $0x800  }
0xca: {  	s6 =	sadd.s32 $0x100, s6;
	s9 =	rddreg [dreg:$0x3];
	[sflag:s5] =	ssyncset.done $0x0  }
0xcb: {  	[sflag:s5] =	ssyncadd.s32 $0xFFFFF800;
	s6 =	sadd.s32 s8, s9  }
0xcc: {  	[tilespmem:s3], [sflag:$0x4] =	stream.linear.gather [hbm4b:s6+s3], $0x400, $0x38;
	[tilespmem:$0x1D000] =	vst v63  }
0xcd: {  	_ =	swait.ge [sflag:s10], $0x400  }
0xce: {  	[sflag:s10] =	ssyncset.done $0x0  }
0xcf: {  	[sflag:s10] =	ssyncadd.s32 $0xFFFFFC00  }
0xd0: {  	[tilespmem:s12], [sflag:$0x1] =	stream.indirect.gather [hbm4b:s4+s11], $0x10, s3, s11, $0xb8;
	[tilespmem:$0x1D000] =	vst v63  }
0xd1: {  	s7 =	rddreg [dreg:$0x4]  }
0xd2: {  	[tilespmem:s13], [sflag:$0x1] =	stream.indirect.gather [hbm4b:s4+s11], $0x10, s7, s11, $0xb8;
	[tilespmem:$0x1D000] =	vst v63  }
0xd3: {  	s9 =	rddreg [dreg:$0x5]  }
0xd4: {  	[tilespmem:s14], [sflag:$0x1] =	stream.indirect.gather [hbm4b:s4+s11], $0x10, s9, s11, $0xb8;
	[tilespmem:$0x1D000] =	vst v63  }
0xd5: {  	s18 =	rddreg [dreg:$0x6]  }
0xd6: {  	[tilespmem:s15], [sflag:$0x1] =	stream.indirect.gather [hbm4b:s4+s11], $0x10, s18, s11, $0xb8;
	[tilespmem:$0x1D000] =	vst v63  }
0xd7: {  	s6 =	sadd.s32 $0x80, s6  }
0xd8: {  	[tilespmem:s16], [sflag:$0x4] =	stream.linear.gather [hbm4b:s6+s3], $0x400, $0x38;
	[tilespmem:$0x1D000] =	vst v63  }
0xd9: {  	_ =	swait.ge [sflag:s10], $0x400  }
0xda: {  	[sflag:s10] =	ssyncset.done $0x0  }
0xdb: {  	[sflag:s10] =	ssyncadd.s32 $0xFFFFFC00  }
0xdc: {  	[tilespmem:s17], [sflag:$0x2] =	stream.indirect.gather [hbm4b:s4+s11], $0x10, s16, s11, $0xb8;
	[tilespmem:$0x1D000] =	vst v63  }
0xdd: {  	s9 =	simm.s32 $0x500  }
0xde: {  	[tilespmem:s19], [sflag:$0x2] =	stream.indirect.gather [hbm4b:s4+s11], $0x10, s9, s11, $0xb8;
	[tilespmem:$0x1D000] =	vst v63  }
0xdf: {  	_ = 	snop  }
0xe0: {  	[tilespmem:s21], [sflag:$0x2] =	stream.indirect.gather [hbm4b:s4+s11], $0x10, s20, s11, $0xb8;
	[tilespmem:$0x1D000] =	vst v63  }
0xe1: {  	_ = 	snop  }
0xe2: {  	[tilespmem:s23], [sflag:$0x2] =	stream.indirect.gather [hbm4b:s4+s11], $0x10, s22, s11, $0xb8;
	[tilespmem:$0x1D000] =	vst v63  }
0xe3: {  	_ =	swait.ge [sflag:s24], $0x800  }
0xe4: {  	[sflag:s24] =	ssyncset.done $0x0  }
0xe5: {  	[sflag:s24] =	ssyncadd.s32 $0xFFFFF800  }
0xe6: {  	_ =	swait.ge [sflag:s24], $0x800  }
0xe7: {  	[sflag:s24] =	ssyncset.done $0x0  }
0xe8: {  	[sflag:s24] =	ssyncadd.s32 $0xFFFFF800  }
0xe9: {  	_ =	swait.ge [sflag:s24], $0x800  }
0xea: {  	[sflag:s24] =	ssyncset.done $0x0  }
0xeb: {  	[sflag:s24] =	ssyncadd.s32 $0xFFFFF800  }
0xec: {  	_ =	swait.ge [sflag:s24], $0x800  }
0xed: {  	[sflag:s24] =	ssyncset.done $0x0  }
0xee: {  	[sflag:s24] =	ssyncadd.s32 $0xFFFFF800  }
0xef: {  	[spmem:s2] =	stream.indirect.scatter.add.f32 [tilespmem:s12], [sflag:$0x3], $0x10, s11, s11, $0xb8;
	[tilespmem:$0x1D000] =	vst v63  }
0xf0: {  	_ = 	snop  }
0xf1: {  	[spmem:s2] =	stream.indirect.scatter.add.f32 [tilespmem:s13], [sflag:$0x3], $0x10, s25, s11, $0xb8;
	[tilespmem:$0x1D000] =	vst v63  }
0xf2: {  	_ = 	snop  }
0xf3: {  	[spmem:s2] =	stream.indirect.scatter.add.f32 [tilespmem:s14], [sflag:$0x3], $0x10, s26, s11, $0xb8;
	[tilespmem:$0x1D000] =	vst v63  }
0xf4: {  	_ = 	snop  }
0xf5: {  	[spmem:s2] =	stream.indirect.scatter.add.f32 [tilespmem:s15], [sflag:$0x3], $0x10, s28, s11, $0xb8;
	[tilespmem:$0x1D000] =	vst v63  }
0xf6: {  	_ =	swait.ge [sflag:s29], $0x800  }
0xf7: {  	[sflag:s29] =	ssyncset.done $0x0  }
0xf8: {  	[sflag:s29] =	ssyncadd.s32 $0xFFFFF800  }
0xf9: {  	_ =	swait.ge [sflag:s29], $0x800  }
0xfa: {  	[sflag:s29] =	ssyncset.done $0x0  }
0xfb: {  	[sflag:s29] =	ssyncadd.s32 $0xFFFFF800  }
0xfc: {  	_ =	swait.ge [sflag:s29], $0x800  }
0xfd: {  	[sflag:s29] =	ssyncset.done $0x0  }
0xfe: {  	[sflag:s29] =	ssyncadd.s32 $0xFFFFF800  }
0xff: {  	_ =	swait.ge [sflag:s29], $0x800  }
0x100: {  	[sflag:s29] =	ssyncset.done $0x0  }
0x101: {  	[sflag:s29] =	ssyncadd.s32 $0xFFFFF800  }
0x102: {  	[spmem:s2] =	stream.indirect.scatter.add.f32 [tilespmem:s17], [sflag:$0x3], $0x10, s30, s11, $0xb8;
	[tilespmem:$0x1D000] =	vst v63  }
0x103: {  	_ = 	snop  }
0x104: {  	[spmem:s2] =	stream.indirect.scatter.add.f32 [tilespmem:s19], [sflag:$0x3], $0x10, s31, s11, $0xb8;
	[tilespmem:$0x1D000] =	vst v63  }
0x105: {  	_ = 	snop  }
0x106: {  	[spmem:s2] =	stream.indirect.scatter.add.f32 [tilespmem:s21], [sflag:$0x3], $0x10, s0, s11, $0xb8;
	[tilespmem:$0x1D000] =	vst v63  }
0x107: {  	_ = 	snop  }
0x108: {  	[spmem:s2] =	stream.indirect.scatter.add.f32 [tilespmem:s23], [sflag:$0x3], $0x10, s1, s11, $0xb8;
	[tilespmem:$0x1D000] =	vst v63  }
0x109: {  	_ =	swait.ge [sflag:s5], $0x800  }
0x10a: {  	[sflag:s5] =	ssyncset.done $0x0  }
0x10b: {  	[sflag:s5] =	ssyncadd.s32 $0xFFFFF800  }
0x10c: {  	_ =	swait.ge [sflag:s5], $0x800  }
0x10d: {  	[sflag:s5] =	ssyncset.done $0x0  }
0x10e: {  	[sflag:s5] =	ssyncadd.s32 $0xFFFFF800  }
0x10f: {  	_ =	swait.ge [sflag:s5], $0x800  }
0x110: {  	[sflag:s5] =	ssyncset.done $0x0  }
0x111: {  	[sflag:s5] =	ssyncadd.s32 $0xFFFFF800  }
0x112: {  	_ =	swait.ge [sflag:s5], $0x800  }
0x113: {  	[sflag:s5] =	ssyncset.done $0x0  }
0x114: {  	[sflag:s5] =	ssyncadd.s32 $0xFFFFF800  }
0x115: {  	_ =	swait.ge [sflag:s5], $0x800  }
0x116: {  	[sflag:s5] =	ssyncset.done $0x0  }
0x117: {  	[sflag:s5] =	ssyncadd.s32 $0xFFFFF800  }
0x118: {  	_ =	swait.ge [sflag:s5], $0x800  }
0x119: {  	[sflag:s5] =	ssyncset.done $0x0  }
0x11a: {  	[sflag:s5] =	ssyncadd.s32 $0xFFFFF800  }
0x11b: {  	_ =	swait.ge [sflag:s5], $0x800  }
0x11c: {  	[sflag:s5] =	ssyncset.done $0x0  }
0x11d: {  	[sflag:s5] =	ssyncadd.s32 $0xFFFFF800  }
0x11e: {  	_ =	swait.ge [sflag:s5], $0x800  }
0x11f: {  	[sflag:s5] =	ssyncset.done $0x0  }
0x120: {  	[sflag:s5] =	ssyncadd.s32 $0xFFFFF800  }
0x121: {  	[bflag:$0x0] =	sbarrier.arrive $0xFFFF  }
0x122: {  	s7 =	rddreg [dreg:$0x8]  }
0x123: {  	s18 =	rddreg [dreg:$0x9]  }
0x124: {  	s8 =	rddreg [dreg:$0xb]  }
0x125: {  	[hbm:s18], [sflag:s7] =	dma.local [spmem:s8], $0x3100  }
0x126: {  	_ =	swait.ge [sflag:s10], $0x3100  }
0x127: {  	s6 =	rddreg [dreg:$0xc]  }
0x128: {  	s18 =	rddreg [dreg:$0xa];
	s9 =	sadd.s32 $0x1, s6  }
0x129: {  	p0 =	sne.s32 s9, s18  }
.Ltmp1:
0x12a: {  	_ = 	snop;
	(pc) =	sbr.rel @p0 .LBB2_1-.Ltmp1, $3  }
0x12b: {  	_ =	sdelay $0x1  }
0x12c: {  	[sflag:s10] =	ssyncset.done $0x0  }
0x12d: {  	[sflag:s10] =	ssyncadd.s32 $0xFFFFCF00  }
0x12e: {  	_ =	sfence.sel $0x180000  }
0x12f: {  	[bflag:$0x0] =	sbarrier.arrive $0xFFFF  }
0x130: {  	_ =	strace $0x9000004D  }
0x131: {  	s0 =	stileid.u32;
	[bflag:$0x2] =	sbarrier.arrive $0xFFFF  }
0x132: {  	p0 =	sne.s32 s0, $0x0;
	s0 =	rddreg [dreg:$0x2]  }
0x133: {  	s0 =	sadd.s32 @!p0 $0x100000, s0  }
0x134: {  	[sflag:s0] =	ssyncadd.tile.s32 @!p0 $0x1;
	_ =	shalt  }
.Lfunc_end2:
_tile_overlayer_lowered:
.L_overlay_start_2:
0x135: {  	(tag) =	ssettag $0x2  }
0x136: {  	s0 =	rddreg [dreg:$0x0];
	s2 =	stileid.u32  }
0x137: {  	s1 =	rddreg [dreg:$0x1];
	p0 =	sne.s32 s2, $0x0  }
0x138: {  	s3 =	rddreg [dreg:$0x2];
	[bflag:$0x3] =	sbarrier.arrive $0xFFFF;
	s2 =	simm.s32 @!p0 $0x1C04  }
0x139: {  	[timem:s3], [sflag:s2] =	dma.local @!p0 [hbm:s0], s1  }
0x13a: {  	s0 =	simm.s32 @!p0 $0x4  }
0x13b: {  	_ =	swait.ge @!p0 [sflag:s0], s1  }
0x13c: {  	s1 =	ssub.s32 @!p0 $0x0, s1;
	[sflag:s0] =	ssyncset.done @!p0 $0x0  }
0x13d: {  	[sflag:s0] =	ssyncadd.s32 @!p0 s1  }
0x13e: {  	[bflag:$0x3] =	sbarrier.arrive $0xFFFF  }
0x13f: {  	_ =	shalt  }

// kernel: kernel.8.cloned.1.call-start
scs
__scs_entry_jumppad:
0x0: {  	(pc) =	sbr.rel $0x88, $3  }
0x1: {  	(tag) =	ssettag $0x0;
	lr =	simm.s32 $0x1  }
0x2: {  	[smem:$0x3F98] =	sst lr;
	_ =	strace $0xD0000000  }
0x3: {  	_ = 	snop  }
0x4: {  	_ = 	snop  }
0x5: {  	_ = 	snop  }
0x6: {  	_ = 	snop  }
0x7: {  	_ = 	snop  }
__scs_overlays_trampoline_lowered:
0x8: {  	[smem:$0x3FA7] =	sst s0  }
0x9: {  	[smem:$0x3FA8] =	sst s1  }
0xa: {  	[smem:$0x3FA9] =	sst s2  }
0xb: {  	[smem:$0x3FAA] =	sst s3  }
0xc: {  	[smem:$0x3FAB] =	sst s4  }
0xd: {  	[smem:$0x3FAC] =	sst s5  }
0xe: {  	[smem:$0x3FAD] =	sst s6  }
0xf: {  	[smem:$0x3FAE] =	sst s7  }
0x10: {  	[smem:$0x3FAF] =	sst s8  }
0x11: {  	[smem:$0x3FB0] =	sst s9;
	s0 =	simm.s32 @!p0 $0x0  }
0x12: {  	s1 =	sld [smem:$0x3F96];
	s0 =	simm.s32 @p0 $0x1  }
0x13: {  	[smem:$0x3FB1] =	sst s0;
	s0 =	simm.s32 @!p1 $0x0  }
0x14: {  	s2 =	sld [smem:$0x3F95];
	s0 =	simm.s32 @p1 $0x1  }
0x15: {  	[smem:$0x3FB2] =	sst s0;
	s0 =	simm.s32 @!p2 $0x0  }
0x16: {  	s3 =	sld [smem:$0x3FDB];
	s0 =	simm.s32 @p2 $0x1  }
0x17: {  	s4 =	simm.s32 $0x1BF5;
	[smem:$0x3FB4] =	sst s0  }
0x18: {  	s0 =	sld [smem:$0x3F97];
	_ =	swait.ge [sflag:s4], $0x0  }
0x19: {  	s7 =	sld [smem:$0x3F98]  }
0x1a: {  	s8 =	sadd.s32 $0xFFFFE003, lr  }
0x1b: {  	s9 =	sadd.s32 $0xFFFFFEF7, lr;
	s5 =	simm.s32 $0xFFFFFFFF;
	p2 =	slt.u32 s8, $0xFFFFF086  }
0x1c: {  	p1 =	slt.u32 s9, $0xF7A;
	s5 =	simm.s32 @!p2 $0x0  }
0x1d: {  	s5 =	simm.s32 @p1 $0x1;
	p0 =	seq.s32 s7, s2  }
0x1e: {  	s7 =	smul.u32 @!p0 $0xF7A, s2;
	p2 =	seq.s32 @!p0 s5, $0x0  }
0x1f: {  	s9 =	smul.u32 $0xF7A, s1;
	s8 =	simm.s32 @!p0 $0x1BF5;
	p2 =	por !p2, p0  }
0x20: {  	[sflag:s8] =	ssyncset.s32 @!p0 $0xFFFFF086;
	s6 =	sadd.s32 @!p0 s3, s7;
	s7 =	simm.s32 @!p0 $0x108  }
0x21: {  	s3 =	sadd.s32 s3, s9;
	s6 =	sadd.s32 @!p0 $0x88, s6;
	s7 =	simm.s32 @p2 $0x1082  }
0x22: {  	[simem:s7], [sflag:s8] =	dma.local @!p0 [hbm:s6], $0xF7A  }
0x23: {  	s9 =	sor.u32 $0xD0000000, s2;
	s6 =	simm.s32 $0x108;
	_ =	swait.ge @!p0 [sflag:s8], $0x0  }
0x24: {  	s3 =	sadd.s32 $0x88, s3;
	s6 =	simm.s32 @!p1 $0x1082;
	[sflag:s4] =	ssyncset.s32 $0xFFFFF086  }
0x25: {  	[simem:s6], [sflag:s4] =	dma.local [hbm:s3], $0xF7A  }
0x26: {  	[smem:$0x3F98] =	sst s1;
	(tag) =	ssettag s2;
	_ =	strace s9  }
0x27: {  	s1 =	sld [smem:$0x3FA8]  }
0x28: {  	s2 =	sld [smem:$0x3FA9]  }
0x29: {  	s4 =	sld [smem:$0x3FAB]  }
0x2a: {  	p0 =	seq.s32 s5, $0x0;
	s5 =	sld [smem:$0x3FAC]  }
0x2b: {  	s6 =	sld [smem:$0x3FAD]  }
0x2c: {  	s7 =	sld [smem:$0x3FAE]  }
0x2d: {  	s3 =	simm.s32 $0x108;
	s8 =	sld [smem:$0x3FAF]  }
0x2e: {  	s3 =	simm.s32 @!p0 $0x1082;
	s9 =	sld [smem:$0x3FB0]  }
0x2f: {  	lr =	sadd.s32 s0, s3;
	s0 =	sld [smem:$0x3FA7]  }
0x30: {  	s3 =	sld [smem:$0x3FAA]  }
0x31: {  	[smem:$0x3FB3] =	sst s10  }
0x32: {  	s10 =	sld [smem:$0x3FB1];
	_ =	sdelay $0x3  }
0x33: {  	p0 =	seq.s32 s10, $0x1;
	s10 =	sld [smem:$0x3FB3];
	_ =	sdelay $0x3  }
0x34: {  	[smem:$0x3FB3] =	sst s10  }
0x35: {  	s10 =	sld [smem:$0x3FB2];
	_ =	sdelay $0x3  }
0x36: {  	p1 =	seq.s32 s10, $0x1;
	s10 =	sld [smem:$0x3FB3];
	_ =	sdelay $0x3  }
0x37: {  	[smem:$0x3FB3] =	sst s10  }
0x38: {  	s10 =	sld [smem:$0x3FB4]  }
0x39: {  	_ = 	snop;
	(pc) =	sbr.ind lr, $3  }
0x3a: {  	_ = 	snop  }
0x3b: {  	_ = 	snop  }
0x3c: {  	p2 =	seq.s32 s10, $0x1;
	s10 =	sld [smem:$0x3FB3]  }
0x3d: {  	_ =	shalt  }
0x3e: {  	_ =	shalt  }
0x3f: {  	_ =	shalt  }
0x40: {  	_ =	shalt  }
0x41: {  	_ =	shalt  }
0x42: {  	_ =	shalt  }
0x43: {  	_ =	shalt  }
0x44: {  	_ =	shalt  }
0x45: {  	_ =	shalt  }
0x46: {  	_ =	shalt  }
0x47: {  	_ =	shalt  }
0x48: {  	_ =	shalt  }
0x49: {  	_ =	shalt  }
0x4a: {  	_ =	shalt  }
0x4b: {  	_ =	shalt  }
0x4c: {  	_ =	shalt  }
0x4d: {  	_ =	shalt  }
0x4e: {  	_ =	shalt  }
0x4f: {  	_ =	shalt  }
0x50: {  	_ =	shalt  }
0x51: {  	_ =	shalt  }
0x52: {  	_ =	shalt  }
0x53: {  	_ =	shalt  }
0x54: {  	_ =	shalt  }
0x55: {  	_ =	shalt  }
0x56: {  	_ =	shalt  }
0x57: {  	_ =	shalt  }
0x58: {  	_ =	shalt  }
0x59: {  	_ =	shalt  }
0x5a: {  	_ =	shalt  }
0x5b: {  	_ =	shalt  }
0x5c: {  	_ =	shalt  }
0x5d: {  	_ =	shalt  }
0x5e: {  	_ =	shalt  }
0x5f: {  	_ =	shalt  }
0x60: {  	_ =	shalt  }
0x61: {  	_ =	shalt  }
0x62: {  	_ =	shalt  }
0x63: {  	_ =	shalt  }
0x64: {  	_ =	shalt  }
0x65: {  	_ =	shalt  }
0x66: {  	_ =	shalt  }
0x67: {  	_ =	shalt  }
0x68: {  	_ =	shalt  }
0x69: {  	_ =	shalt  }
0x6a: {  	_ =	shalt  }
0x6b: {  	_ =	shalt  }
0x6c: {  	_ =	shalt  }
0x6d: {  	_ =	shalt  }
0x6e: {  	_ =	shalt  }
0x6f: {  	_ =	shalt  }
0x70: {  	_ =	shalt  }
0x71: {  	_ =	shalt  }
0x72: {  	_ =	shalt  }
0x73: {  	_ =	shalt  }
0x74: {  	_ =	shalt  }
0x75: {  	_ =	shalt  }
0x76: {  	_ =	shalt  }
0x77: {  	_ =	shalt  }
0x78: {  	_ =	shalt  }
0x79: {  	_ =	shalt  }
0x7a: {  	_ =	shalt  }
0x7b: {  	_ =	shalt  }
0x7c: {  	_ =	shalt  }
0x7d: {  	_ =	shalt  }
0x7e: {  	_ =	shalt  }
0x7f: {  	_ =	shalt  }
0x80: {  	_ =	shalt  }
0x81: {  	_ =	shalt  }
0x82: {  	_ =	shalt  }
0x83: {  	_ =	shalt  }
0x84: {  	_ =	shalt  }
0x85: {  	_ =	shalt  }
0x86: {  	_ =	shalt  }
0x87: {  	_ =	shalt  }
.Lfunc_end0:
.L_simem_size_0:
called_computation_lowered:
.L_overlay_start_0:
0x88: {  	s2 =	sld [smem:$0x3FD9]  }
0x89: {  	s3 =	sld [smem:$0x3FFE];
	_ =	sdelay $0x1  }
0x8a: {  	s1 =	srdreg.scid  }
0x8b: {  	s0 =	sand.u32 $0x1, s1  }
0x8c: {  	s16 =	sshll.u32 s0, $0xA;
	s2 =	sadd.s32 s3, s2  }
0x8d: {  	s2 =	sadd.s32 s2, s16  }
0x8e: {  	[smem:$0x3FBF] =	sst s2  }
0x8f: {  	_ = 	snop  }
0x90: {  	(tm) =	ssettm $0x1  }
0x91: {  	s17 =	sld [smem:$0x3FFB];
	_ =	sdelay $0x3  }
0x92: {  	_ =	strace s17  }
0x93: {  	s2 =	sld [smem:$0x3FFC];
	_ =	sdelay $0x3  }
0x94: {  	_ =	strace s2  }
0x95: {  	s2 =	sld [smem:$0x3FFD];
	_ =	sdelay $0x3  }
0x96: {  	_ =	strace s2  }
0x97: {  	_ =	strace $0x8FFFFFFF  }
0x98: {  	s18 =	sld [smem:$0x3FDB];
	_ =	sdelay $0x1  }
0x99: {  	s19 =	simm.s32 $_scs_section_size  }
0x9a: {  	s4 =	simm.s32 $_size__tile_overlayer_lowered;
	s5 =	simm.s32 $_tile_overlayer_lowered  }
0x9b: {  	s22 =	simm.s32 $0x1BFF;
	s21 =	sshll.u32 s5, $0x1;
	s2 =	sadd.s32 s19, s18  }
0x9c: {  	s6 =	simm.s32 $0x0;
	s20 =	sshll.u32 s4, $0x1;
	s4 =	sadd.s32 s21, s2  }
0x9d: {  	[timem:s6], [sflag:s22] =	dma.local [hbm:s4], s20  }
0x9e: {  	_ =	swait.ge [sflag:s22], s20  }
0x9f: {  	s3 =	ssub.s32 $0x0, s20;
	[sflag:s22] =	ssyncset.done $0x0  }
0xa0: {  	[sflag:s22] =	ssyncadd.s32 s3;
	_ =	sdelay $0x1  }
0xa1: {  	s23 =	simm.s32 $0x1B8B  }
0xa2: {  	_ =	swait.ge [sflag:s23], $0x1  }
0xa3: {  	[sflag:s23] =	ssyncset.done $0x0  }
0xa4: {  	s25 =	simm.s32 $0x1B8E;
	s24 =	sld [smem:$0x3FFE];
	[sflag:s23] =	ssyncadd.s32 $0xFFFFFFFF  }
0xa5: {  	s26 =	simm.s32 $execute0_lowered;
	[smem:$0x3FD2] =	sst s25  }
0xa6: {  	s4 =	sshll.u32 s26, $0x1;
	_ =	strace $0x80000046;
	[dreg:$0x1] =	wrdreg $0xFFFFFFFF  }
0xa7: {  	s28 =	simm.s32 $_size_execute0_lowered;
	s2 =	sadd.s32 s2, s4;
	[dreg:$0x0] =	wrdreg $0x0  }
0xa8: {  	s4 =	sshll.u32 s28, $0x1;
	[dreg:$0x2] =	wrdreg s2  }
0xa9: {  	[dreg:$0x3] =	wrdreg s4  }
0xaa: {  	[dreg:$0x4] =	wrdreg $0xC0  }
0xab: {  	_ =	task [dreg:s6], $0x5FFFF  }
0xac: {  	[dreg:$0x1] =	wrdreg $0xFFFFFFFF  }
0xad: {  	[dreg:$0x0] =	wrdreg $0x60  }
0xae: {  	[dreg:$0x2] =	wrdreg s24  }
0xaf: {  	[dreg:$0x3] =	wrdreg $0xC000  }
0xb0: {  	[dreg:$0x4] =	wrdreg $0x9  }
0xb1: {  	_ =	task.clear_ibuf [dreg:s6], $0x5FFFF;
	_ =	strace $0x90000046  }
0xb2: {  	s29 =	simm.s32 $0x9;
	_ =	strace $0x80000048  }
0xb3: {  	_ =	swait.ge [sflag:s29], $0x1  }
0xb4: {  	[sflag:s29] =	ssyncadd.s32 $0xFFFFFFFF  }
0xb5: {  	_ =	strace $0x90000048  }
0xb6: {  	_ =	sfence  }
0xb7: {  	s30 =	sld [smem:$0x0];
	_ =	sdelay $0x2  }
0xb8: {  	s31 =	sshll.u32 s1, $0xD;
	s1 =	sshrl.u32 s1, $0x2  }
0xb9: {  	s3 =	sand.u32 $0x4000, s31;
	s1 =	sadd.s32 s1, s30  }
0xba: {  	s0 =	sor.u32 s3, s0;
	s1 =	sshll.u32 s1, $0x11  }
0xbb: {  	s0 =	sor.u32 s1, s0  }
0xbc: {  	s0 =	sadd.s32 $0x8F2B, s0  }
0xbd: {  	[sflag:s0] =	ssyncadd.remote.s32 $0x1  }
0xbe: {  	_ =	sfence.sel $0xFFFF  }
0xbf: {  	[dreg:$0x0] =	wrdreg $0xFFFFFFFF;
	(pc) =	sbr.abs _section_cstart, $3  }
0xc0: {  	[dreg:$0x1] =	wrdreg $0xFFFFFFFF  }
0xc1: {  	_ =	task.clear_ibuf [dreg:s6], $0x2FFFF;
	_ =	strace $0x9FFFFFFF  }
0xc2: {  	(tm) =	ssettm $0x7FFFFFFF  }
0xc3: {  	_ =	shalt  }
tec
execute0_lowered:
.L_overlay_start_1:
0x0: {  	(tag) =	ssettag $0x1  }
0x1: {  	s0 =	srdreg.scid;
	s1 =	rddreg [dreg:$0x0]  }
0x2: {  	s25 =	stileid.u32;
	s2 =	rddreg [dreg:$0x1];
	s3 =	simm.s32 $0x0  }
0x3: {  	s13 =	simm.s32 $0x80;
	s14 =	simm.s32 $0x100;
	s15 =	simm.s32 $0x180  }
0x4: {  	s16 =	simm.s32 $0x200;
	s17 =	simm.s32 $0x280;
	s18 =	simm.s32 $0x300  }
0x5: {  	s19 =	simm.s32 $0x380;
	s20 =	simm.s32 $0x400;
	s21 =	simm.s32 $0x480  }
0x6: {  	s22 =	simm.s32 $0x500;
	s23 =	simm.s32 $0x580;
	s24 =	simm.s32 $0x600  }
0x7: {  	s28 =	simm.s32 $0x780;
	s29 =	simm.s32 $0x0;
	s6 =	smul.u32 $0x18800, s25  }
0x8: {  	s5 =	sand.u32 $0x1, s0;
	s7 =	smul.u32 $0xC400, s25;
	[smem:$0x7FF] =	sst s3  }
0x9: {  	s31 =	sshll.u32 s25, $0x6;
	s25 =	simm.s32 $0x680;
	s4 =	smul.u32 $0x188000, s5  }
0xa: {  	s26 =	smul.u32 $0xC4000, s5;
	_ =	strace $0x80000047;
	s5 =	ssub.s32 $0x2, s5  }
0xb: {  	s11 =	sor.u32 $0x1C01, s31;
	s9 =	sshrl.u32 s7, $0x3;
	s30 =	sshrl.u32 s5, $0x1  }
0xc: {  	s12 =	sadd.s32 s7, s2;
	s4 =	sadd.s32 s6, s4;
	s6 =	sadd.s32 s7, s26  }
0xd: {  	s9 =	sadd.s32 s9, s1;
	s10 =	ssub.s32 s5, s30;
	s12 =	sshrl.u32 s12, $0x3  }
0xe: {  	s26 =	simm.s32 $0x700;
	s4 =	sshrl.u32 s4, $0x3;
	s6 =	sshrl.u32 s6, $0x3  }
0xf: {  	s5 =	sadd.s32 $0xC6A00, s9;
	s7 =	smax.u32 s10, $0x1;
	s9 =	simm.s32 $0x800  }
0x10: {  	s8 =	sadd.s32 s4, s1;
	s4 =	sadd.s32 $0xDF200, s1;
	s1 =	sadd.s32 s6, s1  }
0x11: {  	s10 =	simm.s32 $0x1;
	s6 =	sadd.s32 $0xDF400, s1;
	s8 =	sadd.s32 $0x64A00, s8  }
.LBB2_1:
0x12: {  	[tilespmem:s9], [sflag:$0x1] =	stream.linear.gather [hbm4b:s4+s3], $0x400, $0x38;
	[tilespmem:$0xD000] =	vst v63  }
0x13: {  	_ =	swait.ge [sflag:s10], $0x400  }
0x14: {  	[sflag:s10] =	ssyncset.done $0x0  }
0x15: {  	[sflag:s10] =	ssyncadd.s32 $0xFFFFFC00  }
0x16: {  	[spmem:s12], [sflag:s11] =	dma.local [hbm:s5], $0x1880  }
0x17: {  	_ =	swait.ge [sflag:s10], $0x1880  }
0x18: {  	[sflag:s10] =	ssyncset.done $0x0  }
0x19: {  	[sflag:s10] =	ssyncadd.s32 $0xFFFFE780  }
0x1a: {  	s1 =	sadd.s32 $0x0, s8;
	[bflag:$0x0] =	sbarrier.arrive $0xFFFF  }
0x1b: {  	[tilespmem:s3], [sflag:$0x1] =	stream.linear.gather [hbm4b:s1+s3], $0x800, $0x38;
	[tilespmem:$0xD000] =	vst v63  }
0x1c: {  	_ =	swait.ge [sflag:s10], $0x800  }
0x1d: {  	[sflag:s10] =	ssyncset.done $0x0  }
0x1e: {  	[sflag:s10] =	ssyncadd.s32 $0xFFFFF800  }
0x1f: {  	[spmem:s2] =	stream.indirect.scatter.add.f32 [tilespmem:s9], [sflag:$0x1], $0x8, s3, s13, $0xb8;
	[tilespmem:$0xD000] =	vst v63  }
0x20: {  	_ =	swait.ge [sflag:s10], $0x400  }
0x21: {  	[sflag:s10] =	ssyncset.done $0x0  }
0x22: {  	[sflag:s10] =	ssyncadd.s32 $0xFFFFFC00  }
0x23: {  	[spmem:s2] =	stream.indirect.scatter.add.f32 [tilespmem:s9], [sflag:$0x1], $0x8, s13, s13, $0xb8;
	[tilespmem:$0xD000] =	vst v63  }
0x24: {  	_ =	swait.ge [sflag:s10], $0x400  }
0x25: {  	[sflag:s10] =	ssyncset.done $0x0  }
0x26: {  	[sflag:s10] =	ssyncadd.s32 $0xFFFFFC00  }
0x27: {  	[spmem:s2] =	stream.indirect.scatter.add.f32 [tilespmem:s9], [sflag:$0x1], $0x8, s14, s13, $0xb8;
	[tilespmem:$0xD000] =	vst v63  }
0x28: {  	_ =	swait.ge [sflag:s10], $0x400  }
0x29: {  	[sflag:s10] =	ssyncset.done $0x0  }
0x2a: {  	[sflag:s10] =	ssyncadd.s32 $0xFFFFFC00  }
0x2b: {  	[spmem:s2] =	stream.indirect.scatter.add.f32 [tilespmem:s9], [sflag:$0x1], $0x8, s15, s13, $0xb8;
	[tilespmem:$0xD000] =	vst v63  }
0x2c: {  	_ =	swait.ge [sflag:s10], $0x400  }
0x2d: {  	[sflag:s10] =	ssyncset.done $0x0  }
0x2e: {  	[sflag:s10] =	ssyncadd.s32 $0xFFFFFC00  }
0x2f: {  	[spmem:s2] =	stream.indirect.scatter.add.f32 [tilespmem:s9], [sflag:$0x1], $0x8, s16, s13, $0xb8;
	[tilespmem:$0xD000] =	vst v63  }
0x30: {  	_ =	swait.ge [sflag:s10], $0x400  }
0x31: {  	[sflag:s10] =	ssyncset.done $0x0  }
0x32: {  	[sflag:s10] =	ssyncadd.s32 $0xFFFFFC00  }
0x33: {  	[spmem:s2] =	stream.indirect.scatter.add.f32 [tilespmem:s9], [sflag:$0x1], $0x8, s17, s13, $0xb8;
	[tilespmem:$0xD000] =	vst v63  }
0x34: {  	_ =	swait.ge [sflag:s10], $0x400  }
0x35: {  	[sflag:s10] =	ssyncset.done $0x0  }
0x36: {  	[sflag:s10] =	ssyncadd.s32 $0xFFFFFC00  }
0x37: {  	[spmem:s2] =	stream.indirect.scatter.add.f32 [tilespmem:s9], [sflag:$0x1], $0x8, s18, s13, $0xb8;
	[tilespmem:$0xD000] =	vst v63  }
0x38: {  	_ =	swait.ge [sflag:s10], $0x400  }
0x39: {  	[sflag:s10] =	ssyncset.done $0x0  }
0x3a: {  	[sflag:s10] =	ssyncadd.s32 $0xFFFFFC00  }
0x3b: {  	[spmem:s2] =	stream.indirect.scatter.add.f32 [tilespmem:s9], [sflag:$0x1], $0x8, s19, s13, $0xb8;
	[tilespmem:$0xD000] =	vst v63  }
0x3c: {  	_ =	swait.ge [sflag:s10], $0x400  }
0x3d: {  	[sflag:s10] =	ssyncset.done $0x0  }
0x3e: {  	[sflag:s10] =	ssyncadd.s32 $0xFFFFFC00  }
0x3f: {  	[spmem:s2] =	stream.indirect.scatter.add.f32 [tilespmem:s9], [sflag:$0x1], $0x8, s20, s13, $0xb8;
	[tilespmem:$0xD000] =	vst v63  }
0x40: {  	_ =	swait.ge [sflag:s10], $0x400  }
0x41: {  	[sflag:s10] =	ssyncset.done $0x0  }
0x42: {  	[sflag:s10] =	ssyncadd.s32 $0xFFFFFC00  }
0x43: {  	[spmem:s2] =	stream.indirect.scatter.add.f32 [tilespmem:s9], [sflag:$0x1], $0x8, s21, s13, $0xb8;
	[tilespmem:$0xD000] =	vst v63  }
0x44: {  	_ =	swait.ge [sflag:s10], $0x400  }
0x45: {  	[sflag:s10] =	ssyncset.done $0x0  }
0x46: {  	[sflag:s10] =	ssyncadd.s32 $0xFFFFFC00  }
0x47: {  	[spmem:s2] =	stream.indirect.scatter.add.f32 [tilespmem:s9], [sflag:$0x1], $0x8, s22, s13, $0xb8;
	[tilespmem:$0xD000] =	vst v63  }
0x48: {  	_ =	swait.ge [sflag:s10], $0x400  }
0x49: {  	[sflag:s10] =	ssyncset.done $0x0  }
0x4a: {  	[sflag:s10] =	ssyncadd.s32 $0xFFFFFC00  }
0x4b: {  	[spmem:s2] =	stream.indirect.scatter.add.f32 [tilespmem:s9], [sflag:$0x1], $0x8, s23, s13, $0xb8;
	[tilespmem:$0xD000] =	vst v63  }
0x4c: {  	_ =	swait.ge [sflag:s10], $0x400  }
0x4d: {  	[sflag:s10] =	ssyncset.done $0x0  }
0x4e: {  	[sflag:s10] =	ssyncadd.s32 $0xFFFFFC00  }
0x4f: {  	[spmem:s2] =	stream.indirect.scatter.add.f32 [tilespmem:s9], [sflag:$0x1], $0x8, s24, s13, $0xb8;
	[tilespmem:$0xD000] =	vst v63  }
0x50: {  	_ =	swait.ge [sflag:s10], $0x400  }
0x51: {  	[sflag:s10] =	ssyncset.done $0x0  }
0x52: {  	[sflag:s10] =	ssyncadd.s32 $0xFFFFFC00  }
0x53: {  	[spmem:s2] =	stream.indirect.scatter.add.f32 [tilespmem:s9], [sflag:$0x1], $0x8, s25, s13, $0xb8;
	[tilespmem:$0xD000] =	vst v63  }
0x54: {  	_ =	swait.ge [sflag:s10], $0x400  }
0x55: {  	[sflag:s10] =	ssyncset.done $0x0  }
0x56: {  	[sflag:s10] =	ssyncadd.s32 $0xFFFFFC00  }
0x57: {  	[spmem:s2] =	stream.indirect.scatter.add.f32 [tilespmem:s9], [sflag:$0x1], $0x8, s26, s13, $0xb8;
	[tilespmem:$0xD000] =	vst v63  }
0x58: {  	_ =	swait.ge [sflag:s10], $0x400  }
0x59: {  	[sflag:s10] =	ssyncset.done $0x0  }
0x5a: {  	[sflag:s10] =	ssyncadd.s32 $0xFFFFFC00  }
0x5b: {  	[spmem:s2] =	stream.indirect.scatter.add.f32 [tilespmem:s9], [sflag:$0x1], $0x8, s28, s13, $0xb8;
	[tilespmem:$0xD000] =	vst v63  }
0x5c: {  	_ =	swait.ge [sflag:s10], $0x400  }
0x5d: {  	s30 =	simm.s32 $0x100;
	s31 =	simm.s32 $0x200;
	[sflag:s10] =	ssyncset.done $0x0  }
.LBB2_2:
0x5e: {  	s0 =	sadd.s32 s30, s8  }
0x5f: {  	[sflag:s10] =	ssyncadd.s32 $0xFFFFFC00;
	s30 =	smov.u32 s31;
	s1 =	sadd.s32 $0x100, s31  }
0x60: {  	[tilespmem:s3], [sflag:$0x1] =	stream.linear.gather [hbm4b:s0+s3], $0x800, $0x38;
	[tilespmem:$0xD000] =	vst v63  }
0x61: {  	p0 =	sne.s32 s31, $0x3000;
	_ =	swait.ge [sflag:s10], $0x800  }
0x62: {  	[sflag:s10] =	ssyncset.done $0x0  }
0x63: {  	[sflag:s10] =	ssyncadd.s32 $0xFFFFF800  }
0x64: {  	[spmem:s2] =	stream.indirect.scatter.add.f32 [tilespmem:s9], [sflag:$0x1], $0x8, s3, s13, $0xb8;
	[tilespmem:$0xD000] =	vst v63  }
0x65: {  	_ =	swait.ge [sflag:s10], $0x400  }
0x66: {  	[sflag:s10] =	ssyncset.done $0x0  }
0x67: {  	[sflag:s10] =	ssyncadd.s32 $0xFFFFFC00  }
0x68: {  	[spmem:s2] =	stream.indirect.scatter.add.f32 [tilespmem:s9], [sflag:$0x1], $0x8, s13, s13, $0xb8;
	[tilespmem:$0xD000] =	vst v63  }
0x69: {  	_ =	swait.ge [sflag:s10], $0x400  }
0x6a: {  	[sflag:s10] =	ssyncset.done $0x0  }
0x6b: {  	[sflag:s10] =	ssyncadd.s32 $0xFFFFFC00  }
0x6c: {  	[spmem:s2] =	stream.indirect.scatter.add.f32 [tilespmem:s9], [sflag:$0x1], $0x8, s14, s13, $0xb8;
	[tilespmem:$0xD000] =	vst v63  }
0x6d: {  	_ =	swait.ge [sflag:s10], $0x400  }
0x6e: {  	[sflag:s10] =	ssyncset.done $0x0  }
0x6f: {  	[sflag:s10] =	ssyncadd.s32 $0xFFFFFC00  }
0x70: {  	[spmem:s2] =	stream.indirect.scatter.add.f32 [tilespmem:s9], [sflag:$0x1], $0x8, s15, s13, $0xb8;
	[tilespmem:$0xD000] =	vst v63  }
0x71: {  	_ =	swait.ge [sflag:s10], $0x400  }
0x72: {  	[sflag:s10] =	ssyncset.done $0x0  }
0x73: {  	[sflag:s10] =	ssyncadd.s32 $0xFFFFFC00  }
0x74: {  	[spmem:s2] =	stream.indirect.scatter.add.f32 [tilespmem:s9], [sflag:$0x1], $0x8, s16, s13, $0xb8;
	[tilespmem:$0xD000] =	vst v63  }
0x75: {  	_ =	swait.ge [sflag:s10], $0x400  }
0x76: {  	[sflag:s10] =	ssyncset.done $0x0  }
0x77: {  	[sflag:s10] =	ssyncadd.s32 $0xFFFFFC00  }
0x78: {  	[spmem:s2] =	stream.indirect.scatter.add.f32 [tilespmem:s9], [sflag:$0x1], $0x8, s17, s13, $0xb8;
	[tilespmem:$0xD000] =	vst v63  }
0x79: {  	_ =	swait.ge [sflag:s10], $0x400  }
0x7a: {  	[sflag:s10] =	ssyncset.done $0x0  }
0x7b: {  	[sflag:s10] =	ssyncadd.s32 $0xFFFFFC00  }
0x7c: {  	[spmem:s2] =	stream.indirect.scatter.add.f32 [tilespmem:s9], [sflag:$0x1], $0x8, s18, s13, $0xb8;
	[tilespmem:$0xD000] =	vst v63  }
0x7d: {  	_ =	swait.ge [sflag:s10], $0x400  }
0x7e: {  	[sflag:s10] =	ssyncset.done $0x0  }
0x7f: {  	[sflag:s10] =	ssyncadd.s32 $0xFFFFFC00  }
0x80: {  	[spmem:s2] =	stream.indirect.scatter.add.f32 [tilespmem:s9], [sflag:$0x1], $0x8, s19, s13, $0xb8;
	[tilespmem:$0xD000] =	vst v63  }
0x81: {  	_ =	swait.ge [sflag:s10], $0x400  }
0x82: {  	[sflag:s10] =	ssyncset.done $0x0  }
0x83: {  	[sflag:s10] =	ssyncadd.s32 $0xFFFFFC00  }
0x84: {  	[spmem:s2] =	stream.indirect.scatter.add.f32 [tilespmem:s9], [sflag:$0x1], $0x8, s20, s13, $0xb8;
	[tilespmem:$0xD000] =	vst v63  }
0x85: {  	_ =	swait.ge [sflag:s10], $0x400  }
0x86: {  	[sflag:s10] =	ssyncset.done $0x0  }
0x87: {  	[sflag:s10] =	ssyncadd.s32 $0xFFFFFC00  }
0x88: {  	[spmem:s2] =	stream.indirect.scatter.add.f32 [tilespmem:s9], [sflag:$0x1], $0x8, s21, s13, $0xb8;
	[tilespmem:$0xD000] =	vst v63  }
0x89: {  	_ =	swait.ge [sflag:s10], $0x400  }
0x8a: {  	[sflag:s10] =	ssyncset.done $0x0  }
0x8b: {  	[sflag:s10] =	ssyncadd.s32 $0xFFFFFC00  }
0x8c: {  	[spmem:s2] =	stream.indirect.scatter.add.f32 [tilespmem:s9], [sflag:$0x1], $0x8, s22, s13, $0xb8;
	[tilespmem:$0xD000] =	vst v63  }
0x8d: {  	_ =	swait.ge [sflag:s10], $0x400  }
0x8e: {  	[sflag:s10] =	ssyncset.done $0x0  }
0x8f: {  	[sflag:s10] =	ssyncadd.s32 $0xFFFFFC00  }
0x90: {  	[spmem:s2] =	stream.indirect.scatter.add.f32 [tilespmem:s9], [sflag:$0x1], $0x8, s23, s13, $0xb8;
	[tilespmem:$0xD000] =	vst v63  }
0x91: {  	_ =	swait.ge [sflag:s10], $0x400  }
0x92: {  	[sflag:s10] =	ssyncset.done $0x0  }
0x93: {  	[sflag:s10] =	ssyncadd.s32 $0xFFFFFC00  }
0x94: {  	[spmem:s2] =	stream.indirect.scatter.add.f32 [tilespmem:s9], [sflag:$0x1], $0x8, s24, s13, $0xb8;
	[tilespmem:$0xD000] =	vst v63  }
0x95: {  	_ =	swait.ge [sflag:s10], $0x400  }
0x96: {  	[sflag:s10] =	ssyncset.done $0x0  }
0x97: {  	[sflag:s10] =	ssyncadd.s32 $0xFFFFFC00  }
0x98: {  	[spmem:s2] =	stream.indirect.scatter.add.f32 [tilespmem:s9], [sflag:$0x1], $0x8, s25, s13, $0xb8;
	[tilespmem:$0xD000] =	vst v63  }
0x99: {  	_ =	swait.ge [sflag:s10], $0x400  }
0x9a: {  	[sflag:s10] =	ssyncset.done $0x0  }
0x9b: {  	[sflag:s10] =	ssyncadd.s32 $0xFFFFFC00  }
0x9c: {  	[spmem:s2] =	stream.indirect.scatter.add.f32 [tilespmem:s9], [sflag:$0x1], $0x8, s26, s13, $0xb8;
	[tilespmem:$0xD000] =	vst v63  }
0x9d: {  	_ =	swait.ge [sflag:s10], $0x400  }
.Ltmp0:
0x9e: {  	[sflag:s10] =	ssyncset.done $0x0;
	(pc) =	sbr.rel @p0 .LBB2_2-.Ltmp0, $4  }
0x9f: {  	[sflag:s10] =	ssyncadd.s32 $0xFFFFFC00  }
0xa0: {  	[spmem:s2] =	stream.indirect.scatter.add.f32 [tilespmem:s9], [sflag:$0x1], $0x8, s28, s13, $0xb8;
	[tilespmem:$0xD000] =	vst v63  }
0xa1: {  	_ =	swait.ge [sflag:s10], $0x400  }
0xa2: {  	s31 =	smov.u32 s1;
	[sflag:s10] =	ssyncset.done $0x0  }
0xa3: {  	s0 =	sadd.s32 s30, s8;
	[sflag:s10] =	ssyncadd.s32 $0xFFFFFC00  }
0xa4: {  	[tilespmem:s3], [sflag:$0x1] =	stream.linear.gather [hbm4b:s0+s3], $0x800, $0x38;
	[tilespmem:$0xD000] =	vst v63  }
0xa5: {  	_ =	swait.ge [sflag:s10], $0x800  }
0xa6: {  	[sflag:s10] =	ssyncset.done $0x0  }
0xa7: {  	[sflag:s10] =	ssyncadd.s32 $0xFFFFF800  }
0xa8: {  	[spmem:s2] =	stream.indirect.scatter.add.f32 [tilespmem:s9], [sflag:$0x1], $0x8, s3, s13, $0xb8;
	[tilespmem:$0xD000] =	vst v63  }
0xa9: {  	_ =	swait.ge [sflag:s10], $0x400  }
0xaa: {  	[sflag:s10] =	ssyncset.done $0x0  }
0xab: {  	[sflag:s10] =	ssyncadd.s32 $0xFFFFFC00  }
0xac: {  	[spmem:s2] =	stream.indirect.scatter.add.f32 [tilespmem:s9], [sflag:$0x1], $0x8, s13, s13, $0xb8;
	[tilespmem:$0xD000] =	vst v63  }
0xad: {  	_ =	swait.ge [sflag:s10], $0x400  }
0xae: {  	[sflag:s10] =	ssyncset.done $0x0  }
0xaf: {  	[sflag:s10] =	ssyncadd.s32 $0xFFFFFC00  }
0xb0: {  	[spmem:s2] =	stream.indirect.scatter.add.f32 [tilespmem:s9], [sflag:$0x1], $0x8, s14, s13, $0xb8;
	[tilespmem:$0xD000] =	vst v63  }
0xb1: {  	_ =	swait.ge [sflag:s10], $0x400  }
0xb2: {  	[sflag:s10] =	ssyncset.done $0x0  }
0xb3: {  	[sflag:s10] =	ssyncadd.s32 $0xFFFFFC00  }
0xb4: {  	[spmem:s2] =	stream.indirect.scatter.add.f32 [tilespmem:s9], [sflag:$0x1], $0x8, s15, s13, $0xb8;
	[tilespmem:$0xD000] =	vst v63  }
0xb5: {  	_ =	swait.ge [sflag:s10], $0x400  }
0xb6: {  	[sflag:s10] =	ssyncset.done $0x0  }
0xb7: {  	[sflag:s10] =	ssyncadd.s32 $0xFFFFFC00  }
0xb8: {  	[spmem:s2] =	stream.indirect.scatter.add.f32 [tilespmem:s9], [sflag:$0x1], $0x8, s16, s13, $0xb8;
	[tilespmem:$0xD000] =	vst v63  }
0xb9: {  	_ =	swait.ge [sflag:s10], $0x400  }
0xba: {  	[sflag:s10] =	ssyncset.done $0x0  }
0xbb: {  	[sflag:s10] =	ssyncadd.s32 $0xFFFFFC00  }
0xbc: {  	[spmem:s2] =	stream.indirect.scatter.add.f32 [tilespmem:s9], [sflag:$0x1], $0x8, s17, s13, $0xb8;
	[tilespmem:$0xD000] =	vst v63  }
0xbd: {  	_ =	swait.ge [sflag:s10], $0x400  }
0xbe: {  	[sflag:s10] =	ssyncset.done $0x0  }
0xbf: {  	[sflag:s10] =	ssyncadd.s32 $0xFFFFFC00  }
0xc0: {  	[spmem:s2] =	stream.indirect.scatter.add.f32 [tilespmem:s9], [sflag:$0x1], $0x8, s18, s13, $0xb8;
	[tilespmem:$0xD000] =	vst v63  }
0xc1: {  	_ =	swait.ge [sflag:s10], $0x400  }
0xc2: {  	[sflag:s10] =	ssyncset.done $0x0  }
0xc3: {  	[sflag:s10] =	ssyncadd.s32 $0xFFFFFC00  }
0xc4: {  	[spmem:s2] =	stream.indirect.scatter.add.f32 [tilespmem:s9], [sflag:$0x1], $0x8, s19, s13, $0xb8;
	[tilespmem:$0xD000] =	vst v63  }
0xc5: {  	_ =	swait.ge [sflag:s10], $0x400  }
0xc6: {  	[sflag:s10] =	ssyncset.done $0x0  }
0xc7: {  	[sflag:s10] =	ssyncadd.s32 $0xFFFFFC00  }
0xc8: {  	[spmem:s2] =	stream.indirect.scatter.add.f32 [tilespmem:s9], [sflag:$0x1], $0x8, s20, s13, $0xb8;
	[tilespmem:$0xD000] =	vst v63  }
0xc9: {  	_ =	swait.ge [sflag:s10], $0x400  }
0xca: {  	[sflag:s10] =	ssyncset.done $0x0  }
0xcb: {  	[sflag:s10] =	ssyncadd.s32 $0xFFFFFC00  }
0xcc: {  	[spmem:s2] =	stream.indirect.scatter.add.f32 [tilespmem:s9], [sflag:$0x1], $0x8, s21, s13, $0xb8;
	[tilespmem:$0xD000] =	vst v63  }
0xcd: {  	_ =	swait.ge [sflag:s10], $0x400  }
0xce: {  	[sflag:s10] =	ssyncset.done $0x0  }
0xcf: {  	[sflag:s10] =	ssyncadd.s32 $0xFFFFFC00  }
0xd0: {  	[spmem:s2] =	stream.indirect.scatter.add.f32 [tilespmem:s9], [sflag:$0x1], $0x8, s22, s13, $0xb8;
	[tilespmem:$0xD000] =	vst v63  }
0xd1: {  	_ =	swait.ge [sflag:s10], $0x400  }
0xd2: {  	[sflag:s10] =	ssyncset.done $0x0  }
0xd3: {  	[sflag:s10] =	ssyncadd.s32 $0xFFFFFC00  }
0xd4: {  	[spmem:s2] =	stream.indirect.scatter.add.f32 [tilespmem:s9], [sflag:$0x1], $0x8, s23, s13, $0xb8;
	[tilespmem:$0xD000] =	vst v63  }
0xd5: {  	_ =	swait.ge [sflag:s10], $0x400  }
0xd6: {  	[sflag:s10] =	ssyncset.done $0x0  }
0xd7: {  	[sflag:s10] =	ssyncadd.s32 $0xFFFFFC00  }
0xd8: {  	[spmem:s2] =	stream.indirect.scatter.add.f32 [tilespmem:s9], [sflag:$0x1], $0x8, s24, s13, $0xb8;
	[tilespmem:$0xD000] =	vst v63  }
0xd9: {  	_ =	swait.ge [sflag:s10], $0x400  }
0xda: {  	[sflag:s10] =	ssyncset.done $0x0  }
0xdb: {  	[sflag:s10] =	ssyncadd.s32 $0xFFFFFC00  }
0xdc: {  	[spmem:s2] =	stream.indirect.scatter.add.f32 [tilespmem:s9], [sflag:$0x1], $0x8, s25, s13, $0xb8;
	[tilespmem:$0xD000] =	vst v63  }
0xdd: {  	_ =	swait.ge [sflag:s10], $0x400  }
0xde: {  	[sflag:s10] =	ssyncset.done $0x0  }
0xdf: {  	[sflag:s10] =	ssyncadd.s32 $0xFFFFFC00  }
0xe0: {  	[spmem:s2] =	stream.indirect.scatter.add.f32 [tilespmem:s9], [sflag:$0x1], $0x8, s26, s13, $0xb8;
	[tilespmem:$0xD000] =	vst v63  }
0xe1: {  	_ =	swait.ge [sflag:s10], $0x400  }
0xe2: {  	[sflag:s10] =	ssyncset.done $0x0  }
0xe3: {  	[sflag:s10] =	ssyncadd.s32 $0xFFFFFC00  }
0xe4: {  	[spmem:s2] =	stream.indirect.scatter.add.f32 [tilespmem:s9], [sflag:$0x1], $0x8, s28, s13, $0xb8;
	[tilespmem:$0xD000] =	vst v63  }
0xe5: {  	_ =	swait.ge [sflag:s10], $0x400  }
0xe6: {  	s29 =	sadd.s32 $0x1, s29;
	[sflag:s10] =	ssyncset.done $0x0  }
0xe7: {  	p0 =	sne.s32 s29, s7;
	[sflag:s10] =	ssyncadd.s32 $0xFFFFFC00  }
.Ltmp1:
0xe8: {  	[bflag:$0x0] =	sbarrier.arrive $0xFFFF;
	(pc) =	sbr.rel @p0 .LBB2_1-.Ltmp1, $4  }
0xe9: {  	[hbm:s6], [sflag:s11] =	dma.local [spmem:s12], $0x1880  }
0xea: {  	_ =	swait.ge [sflag:s10], $0x1880  }
0xeb: {  	[sflag:s10] =	ssyncset.done $0x0  }
0xec: {  	[sflag:s10] =	ssyncadd.s32 $0xFFFFE780  }
0xed: {  	_ =	sfence.sel $0x180000  }
0xee: {  	[bflag:$0x0] =	sbarrier.arrive $0xFFFF  }
0xef: {  	_ =	strace $0x90000047  }
0xf0: {  	s0 =	stileid.u32;
	[bflag:$0x2] =	sbarrier.arrive $0xFFFF  }
0xf1: {  	p0 =	sne.s32 s0, $0x0;
	s0 =	rddreg [dreg:$0x2]  }
0xf2: {  	s0 =	sadd.s32 @!p0 $0x100000, s0  }
0xf3: {  	[sflag:s0] =	ssyncadd.tile.s32 @!p0 $0x1;
	_ =	shalt  }
.Lfunc_end2:
_tile_overlayer_lowered:
.L_overlay_start_2:
0xf4: {  	(tag) =	ssettag $0x2  }
0xf5: {  	s0 =	rddreg [dreg:$0x0];
	s2 =	stileid.u32  }
0xf6: {  	s1 =	rddreg [dreg:$0x1];
	p0 =	sne.s32 s2, $0x0  }
0xf7: {  	s3 =	rddreg [dreg:$0x2];
	[bflag:$0x3] =	sbarrier.arrive $0xFFFF;
	s2 =	simm.s32 @!p0 $0x1C01  }
0xf8: {  	[timem:s3], [sflag:s2] =	dma.local @!p0 [hbm:s0], s1  }
0xf9: {  	s0 =	simm.s32 @!p0 $0x1  }
0xfa: {  	_ =	swait.ge @!p0 [sflag:s0], s1  }
0xfb: {  	s1 =	ssub.s32 @!p0 $0x0, s1;
	[sflag:s0] =	ssyncset.done @!p0 $0x0  }
0xfc: {  	[sflag:s0] =	ssyncadd.s32 @!p0 s1  }
0xfd: {  	[bflag:$0x3] =	sbarrier.arrive $0xFFFF  }
0xfe: {  	_ =	shalt  }

</sc_bundles>
